<compile_context>
chip_gen: v7x
topology: tpu7x:2x2x1
jax: 0.10.2.dev20260603
libtpu: 0.0.44.dev20260713+nightly
codegen_flags: <defaults>
</compile_context>

<pallas_src>
import functools

import jax
import jax.numpy as jnp
from jax import lax
from jax.experimental import pallas as pl
from jax.experimental.pallas import tpu as pltpu
from jax.experimental.pallas import tpu_sc as plsc

N = 10000
E = 160000
VOCAB = 100000
EMB = 256
H = 128
NG = 64

NC, NS = 2, 16
NW = NC * NS

NPAD = 10240
NJUNK = N
NPA = 10112
RWA = NPA // NS

EPAD = 163840
CH = 128
CHUNKS = EPAD // CH
CHAL = 1344
NBUF = 2
N0C = 64
N1C = 16
PH = 32
assert 16 * (N0C + N1C) == CHUNKS
T = CHUNKS // NW

BPW = NPAD // NW
BCH = 40
BT = BPW // BCH
EBUF = 2

BLK = 1000
GRID = N // BLK

_mesh = plsc.VectorSubcoreMesh(
    core_axis_name="c", subcore_axis_name="s", num_cores=NC, num_subcores=NS)


@functools.partial(
    pl.kernel,
    out_type=jax.ShapeDtypeStruct((NPAD, EMB), jnp.float32),
    mesh=_mesh,
    scratch_types=[
        pltpu.VMEM((BT, BCH), jnp.int32),
        [pltpu.VMEM((BCH, EMB), jnp.float32)] * EBUF,
        [pltpu.SemaphoreType.DMA] * EBUF,
        [pltpu.SemaphoreType.DMA] * EBUF,
    ],
)
def _emb_gather(table_hbm, idx_hbm, out_hbm, idx_v, bufs, gsems, wsems):
    wid = lax.axis_index("s") * NC + lax.axis_index("c")
    base = wid * BPW
    pltpu.sync_copy(idx_hbm.at[wid], idx_v)

    def start_g(b, p):
        pltpu.async_copy(table_hbm.at[idx_v.at[b]], bufs[p], gsems[p])

    def out_at(b):
        return out_hbm.at[pl.ds(base + b * BCH, BCH)]

    for p in range(EBUF):
        start_g(p, p)
    for b in range(BT):
        p = b % EBUF
        pltpu.make_async_copy(table_hbm.at[idx_v.at[b]], bufs[p],
                              gsems[p]).wait()
        pltpu.async_copy(bufs[p], out_at(b), wsems[p])
        if b + EBUF < BT:
            pltpu.make_async_copy(bufs[p], out_at(b), wsems[p]).wait()
            start_g(b + EBUF, p)
    for b in range(BT - EBUF, BT):
        p = b % EBUF
        pltpu.make_async_copy(bufs[p], out_at(b), wsems[p]).wait()


@functools.partial(
    pl.kernel,
    out_type=jax.ShapeDtypeStruct((NC, NPA, 16), jnp.float32),
    mesh=_mesh,
    scratch_types=[
        pltpu.VMEM((T, CH), jnp.int32),
        pltpu.VMEM((CH, 16), jnp.float32),
        pltpu.VMEM_SHARED((NPA, 16), jnp.float32),
        pltpu.SemaphoreType.DMA,
    ],
)
def _degree(dst_hbm, zeros_hbm, ones_hbm, out_hbm, dst_v, ones_v, acc_sh, sem):
    cid = lax.axis_index("c")
    sid = lax.axis_index("s")
    wid = sid * NC + cid
    pltpu.sync_copy(zeros_hbm, acc_sh.at[pl.ds(sid * RWA, RWA)])
    pltpu.sync_copy(ones_hbm, ones_v)
    pltpu.sync_copy(dst_hbm.at[pl.ds(wid * T, T)], dst_v)
    plsc.subcore_barrier()

    @pl.loop(0, T)
    def _(t):
        pltpu.async_copy(ones_v, acc_sh.at[dst_v.at[t]], sem, add=True)

    @pl.loop(0, T)
    def _(t):
        pltpu.make_async_copy(ones_v, acc_sh.at[dst_v.at[t]], sem).wait()

    plsc.subcore_barrier()
    pltpu.sync_copy(acc_sh.at[pl.ds(sid * RWA, RWA)],
                    out_hbm.at[cid, pl.ds(sid * RWA, RWA), :])


@functools.partial(
    pl.kernel,
    out_type=jax.ShapeDtypeStruct((NC, NPA, H), jnp.float32),
    mesh=_mesh,
    scratch_types=[
        pltpu.VMEM((PH, CH), jnp.int32),
        pltpu.VMEM((PH, CH), jnp.int32),
        [pltpu.VMEM((CH, H), jnp.float32)] * NBUF,
        pltpu.VMEM_SHARED((NPA, H), jnp.float32),
        [pltpu.SemaphoreType.DMA] * NBUF,
        [pltpu.SemaphoreType.DMA] * NBUF,
    ],
)
def _edge_pass(g_hbm, src_hbm, dst_hbm, zeros_hbm, out_hbm,
               src_v, dst_v, bufs, acc_sh, gsems, ssems):
    cid = lax.axis_index("c")
    sid = lax.axis_index("s")
    pltpu.sync_copy(zeros_hbm, acc_sh.at[pl.ds(sid * RWA, RWA)])

    def wait_gather(t, b):
        pltpu.make_async_copy(g_hbm.at[src_v.at[t]], bufs[b], gsems[b]).wait()

    def start_scatter(t, b):
        pltpu.async_copy(bufs[b], acc_sh.at[dst_v.at[t]], ssems[b], add=True)

    def wait_scatter(t, b):
        pltpu.make_async_copy(bufs[b], acc_sh.at[dst_v.at[t]],
                              ssems[b]).wait()

    def prefetch(wstart):
        pltpu.sync_copy(src_hbm.at[pl.ds(wstart, PH)], src_v)
        pltpu.sync_copy(dst_hbm.at[pl.ds(wstart, PH)], dst_v)
        for b in range(NBUF):
            pltpu.async_copy(g_hbm.at[src_v.at[b]], bufs[b], gsems[b])

    def run(nchunks):
        @pl.loop(0, nchunks // NBUF - 1)
        def _(i):
            t0 = i * NBUF
            for b in range(NBUF):
                wait_gather(t0 + b, b)
                start_scatter(t0 + b, b)
            for b in range(NBUF):
                wait_scatter(t0 + b, b)
                pltpu.async_copy(g_hbm.at[src_v.at[t0 + NBUF + b]], bufs[b],
                                 gsems[b])

        t0 = nchunks - NBUF
        for b in range(NBUF):
            wait_gather(t0 + b, b)
            start_scatter(t0 + b, b)
        for b in range(NBUF):
            wait_scatter(t0 + b, b)

    @pl.when(cid == 1)
    def _():
        prefetch(sid * N0C)

    @pl.when(cid == 0)
    def _():
        prefetch(16 * N0C + sid * N1C)

    plsc.subcore_barrier()

    @pl.when(cid == 1)
    def _():
        run(PH)
        prefetch(sid * N0C + PH)
        run(PH)

    @pl.when(cid == 0)
    def _():
        run(N1C)

    plsc.subcore_barrier()
    pltpu.sync_copy(acc_sh.at[pl.ds(sid * RWA, RWA)],
                    out_hbm.at[cid, pl.ds(sid * RWA, RWA), :])


def _tc_a_body(h0_ref, w1_ref, d0_ref, d1_ref, dinv_ref, g1_ref):
    deg = d0_ref[...] + d1_ref[...] + 1.0
    dinv = lax.rsqrt(deg)
    h1 = jnp.dot(h0_ref[...], w1_ref[...], preferred_element_type=jnp.float32)
    dinv_ref[...] = dinv
    g1_ref[...] = h1 * dinv


def _tc_b_body(s0_ref, s1_ref, g1_ref, dinv_ref,
               w2_ref, b1_ref, g2_ref):
    dinv = dinv_ref[...]
    s = s0_ref[...] + s1_ref[...]
    x = jnp.maximum((s + g1_ref[...]) * dinv + b1_ref[...], 0.0)
    g2_ref[...] = jnp.dot(
        x, w2_ref[...], preferred_element_type=jnp.float32) * dinv


def _tc_c_body(s0_ref, s1_ref, g2_ref, dinv_ref, b2_ref,
               batch_ref, wc_ref, bc_ref, out_ref, pool_acc, cnt_acc):
    i = pl.program_id(0)

    @pl.when(i == 0)
    def _():
        pool_acc[...] = jnp.zeros_like(pool_acc)
        cnt_acc[...] = jnp.zeros_like(cnt_acc)

    s = s0_ref[...] + s1_ref[...]
    x = jnp.maximum(
        (s + g2_ref[...]) * dinv_ref[...] + b2_ref[...], 0.0)
    gids = lax.broadcasted_iota(jnp.int32, (NG, BLK), 0)
    ind = (batch_ref[...].reshape(1, BLK) == gids).astype(jnp.float32)
    pool_acc[...] += jnp.dot(ind, x, preferred_element_type=jnp.float32)
    cnt_acc[...] += jnp.sum(ind, axis=1, keepdims=True)

    @pl.when(i == GRID - 1)
    def _():
        pooled = pool_acc[...] / jnp.maximum(cnt_acc[...], 1.0)
        out_ref[...] = jnp.dot(
            pooled, wc_ref[...], preferred_element_type=jnp.float32) \
            + bc_ref[...]


def _row_spec(width):
    return pl.BlockSpec((BLK, width), lambda i: (i, 0))


def _full_spec(shape):
    return pl.BlockSpec(shape, lambda i: tuple(0 for _ in shape))


def kernel(x, edge_index, batch, emb_table, W1, b1, W2, b2, Wc, bc):
    x = x.astype(jnp.int32)
    src = edge_index[0].astype(jnp.int32)
    dst = edge_index[1].astype(jnp.int32)
    batch = batch.astype(jnp.int32)

    xpad = jnp.concatenate([x, jnp.zeros((NPAD - N,), jnp.int32)])
    xpad = xpad.reshape(NW, BT, BCH)
    srcp = jnp.concatenate(
        [src, jnp.zeros((CHAL * CH - E,), jnp.int32)]).reshape(CHAL, CH)
    dstp = jnp.concatenate(
        [dst, jnp.full((CHAL * CH - E,), NJUNK, jnp.int32)]).reshape(CHAL, CH)

    zrow = jnp.zeros((RWA, H), jnp.float32)
    zdeg = jnp.zeros((RWA, 16), jnp.float32)
    ones16 = jnp.ones((CH, 16), jnp.float32)

    h0 = _emb_gather(emb_table, xpad)[:N]
    degp = _degree(dstp, zdeg, ones16)
    d0 = degp[0, :N, 0:1]
    d1 = degp[1, :N, 0:1]

    dinv, g1 = pl.pallas_call(
        _tc_a_body,
        grid=(GRID,),
        in_specs=[_row_spec(EMB), _full_spec((EMB, H)),
                  _row_spec(1), _row_spec(1)],
        out_specs=[_row_spec(1), _row_spec(H)],
        out_shape=[jax.ShapeDtypeStruct((N, 1), jnp.float32),
                   jax.ShapeDtypeStruct((N, H), jnp.float32)],
        compiler_params=pltpu.CompilerParams(
            dimension_semantics=("parallel",)),
    )(h0, W1, d0, d1)

    s1p = _edge_pass(g1, srcp, dstp, zrow)

    g2 = pl.pallas_call(
        _tc_b_body,
        grid=(GRID,),
        in_specs=[_row_spec(H), _row_spec(H), _row_spec(H), _row_spec(1),
                  _full_spec((H, H)), _full_spec((1, H))],
        out_specs=_row_spec(H),
        out_shape=jax.ShapeDtypeStruct((N, H), jnp.float32),
        compiler_params=pltpu.CompilerParams(
            dimension_semantics=("parallel",)),
    )(s1p[0, :N], s1p[1, :N], g1, dinv, W2, b1.reshape(1, H))

    s2p = _edge_pass(g2, srcp, dstp, zrow)

    out = pl.pallas_call(
        _tc_c_body,
        grid=(GRID,),
        in_specs=[_row_spec(H), _row_spec(H), _row_spec(H), _row_spec(1),
                  _full_spec((1, H)),
                  pl.BlockSpec((1, 1, BLK), lambda i: (i, 0, 0)),
                  _full_spec((H, 1)), _full_spec((1, 1))],
        out_specs=_full_spec((NG, 1)),
        out_shape=jax.ShapeDtypeStruct((NG, 1), jnp.float32),
        scratch_shapes=[pltpu.VMEM((NG, H), jnp.float32),
                        pltpu.VMEM((NG, 1), jnp.float32)],
        compiler_params=pltpu.CompilerParams(
            dimension_semantics=("arbitrary",)),
    )(s2p[0, :N], s2p[1, :N], g2, dinv, b2.reshape(1, H),
      batch.reshape(GRID, 1, BLK), Wc, bc.reshape(1, 1))

    return out

# --- scband reference (transcript-rebuilt; emitter-appended) ---
"""Pipeline reference for scband-gcn-5909874999432 (READ-ONLY COPY).

The authoritative reference and input builder live on the scoring server;
editing this copy changes nothing except your own understanding.
"""

import jax, jax.numpy as jnp
import numpy as np

N_NODES = 10000
N_EDGES = 160000
VOCAB = 100000
EMB = 256
H1 = 128
H2 = 128
N_GRAPHS = 64


def setup_inputs(seed: int = 0) -> dict:
    key = jax.random.key(seed)
    ks = jax.random.split(key, 10)
    x = jax.random.randint(ks[0], (N_NODES,), 0, VOCAB)
    edge_index = jax.random.randint(ks[1], (2, N_EDGES), 0, N_NODES)
    batch = jnp.sort(jax.random.randint(ks[2], (N_NODES,), 0, N_GRAPHS))
    emb_table = jax.random.normal(ks[3], (VOCAB, EMB), jnp.float32) * 0.05
    W1 = jax.random.normal(ks[4], (EMB, H1), jnp.float32) * (1.0 / np.sqrt(EMB))
    b1 = jnp.zeros((H1,), jnp.float32)
    W2 = jax.random.normal(ks[5], (H1, H2), jnp.float32) * (1.0 / np.sqrt(H1))
    b2 = jnp.zeros((H2,), jnp.float32)
    Wc = jax.random.normal(ks[6], (H2, 1), jnp.float32) * (1.0 / np.sqrt(H2))
    bc = jnp.zeros((1,), jnp.float32)
    return {"x": x, "edge_index": edge_index, "batch": batch,
            "emb_table": emb_table, "W1": W1, "b1": b1,
            "W2": W2, "b2": b2, "Wc": Wc, "bc": bc}


def _gcn_conv(h, W, b, src, dst, n):
    # PyG GCNConv: h' = D^{-1/2} (A + I) D^{-1/2} (h W) + b  (self loops already in src/dst)
    h = h @ W
    ones = jnp.ones(src.shape[0], h.dtype)
    deg = jax.ops.segment_sum(ones, dst, num_segments=n)
    dinv = jnp.where(deg > 0, jax.lax.rsqrt(jnp.maximum(deg, 1e-12)), 0.0)
    norm = dinv[src] * dinv[dst]
    msg = h[src] * norm[:, None]
    out = jax.ops.segment_sum(msg, dst, num_segments=n)
    return out + b


def reference(x, edge_index, batch, emb_table, W1, b1, W2, b2, Wc, bc):
    n = x.shape[0]
    loop = jnp.arange(n, dtype=edge_index.dtype)
    src = jnp.concatenate([edge_index[0], loop])
    dst = jnp.concatenate([edge_index[1], loop])
    h = emb_table[x]
    h = jax.nn.relu(_gcn_conv(h, W1, b1, src, dst, n))
    # dropout is identity in eval mode
    h = jax.nn.relu(_gcn_conv(h, W2, b2, src, dst, n))
    seg = jax.ops.segment_sum(h, batch, num_segments=N_GRAPHS)
    cnt = jax.ops.segment_sum(jnp.ones(n, h.dtype), batch, num_segments=N_GRAPHS)
    pooled = seg / jnp.maximum(cnt, 1.0)[:, None]
    return pooled @ Wc + bc

if __name__ == "__main__":
    import jax
    _d = setup_inputs()
    print(jax.jit(kernel)(*tuple(_d.values())))

</pallas_src>

<mosaic_0001>
#map = affine_map<(d0, d1) -> (0, 0)>
#map1 = affine_map<(d0, d1) -> (0, 0, 0)>
module attributes {stable_mosaic.version = 14 : i64} {
  func.func @_emb_gather(%arg0: i32, %arg1: i32, %arg2: memref<100000x256xf32, #tpu.memory_space<hbm>>, %arg3: memref<32x8x40xi32, #tpu.memory_space<hbm>>, %arg4: memref<10240x256xf32, #tpu.memory_space<hbm>>, %arg5: memref<8x40xi32, #tpu.memory_space<vmem>>, %arg6: memref<40x256xf32, #tpu.memory_space<vmem>>, %arg7: memref<40x256xf32, #tpu.memory_space<vmem>>, %arg8: memref<!tpu.dma_semaphore, #tpu.memory_space<semaphore_mem>>, %arg9: memref<!tpu.dma_semaphore, #tpu.memory_space<semaphore_mem>>, %arg10: memref<!tpu.dma_semaphore, #tpu.memory_space<semaphore_mem>>, %arg11: memref<!tpu.dma_semaphore, #tpu.memory_space<semaphore_mem>>) attributes {dimension_semantics = [#tpu.dimension_semantics<core_parallel>, #tpu.dimension_semantics<subcore_parallel>], iteration_bounds = array<i64: 2, 16>, scalar_prefetch = 0 : i64, scratch_operands = 7 : i64, tpu.core_type = #tpu.core_type<sc_vector_subcore>, window_params = [{transform_indices = #map}, {transform_indices = #map1}, {transform_indices = #map}]} {
    %mul3A = arith.constant 2 : i32
    %mul3A_0 = arith.muli %arg1, %mul3A : i32
    %add3A = arith.addi %mul3A_0, %arg0 : i32
    %mul3A_1 = arith.constant 320 : i32
    %mul3A_2 = arith.muli %add3A, %mul3A_1 : i32
    "tpu.region"() ({
      %run_scoped3A = tpu.sem_alloc : memref<!tpu.dma_semaphore, #tpu.memory_space<semaphore_mem>>
      %dma_start3A_209 = arith.constant 0 : i32
      %dma_start3A_210 = arith.constant 0 : i32
      %dma_start3A_211 = tpu.memref_slice %arg3[%add3A, %dma_start3A_209, %dma_start3A_210] : memref<32x8x40xi32, #tpu.memory_space<hbm>> -> memref<1x8x40xi32, #tpu.memory_space<hbm>>
      %dma_start3A_212 = tpu.memref_squeeze %dma_start3A_211 : memref<1x8x40xi32, #tpu.memory_space<hbm>> -> memref<8x40xi32, #tpu.memory_space<hbm>>
      %dma_start3A_213 = arith.constant 0 : i32
      %dma_start3A_214 = arith.constant 0 : i32
      %dma_start3A_215 = tpu.memref_slice %arg3[%add3A, %dma_start3A_213, %dma_start3A_214] : memref<32x8x40xi32, #tpu.memory_space<hbm>> -> memref<1x8x40xi32, #tpu.memory_space<hbm>>
      %dma_start3A_216 = tpu.memref_squeeze %dma_start3A_215 : memref<1x8x40xi32, #tpu.memory_space<hbm>> -> memref<8x40xi32, #tpu.memory_space<hbm>>
      tpu.enqueue_dma source(%dma_start3A_216 : memref<8x40xi32, #tpu.memory_space<hbm>>) target(%arg5 : memref<8x40xi32, #tpu.memory_space<vmem>>) target_semaphore(%run_scoped3A : memref<!tpu.dma_semaphore, #tpu.memory_space<semaphore_mem>>)
      %dma_wait3A_217 = arith.constant 0 : i32
      %dma_wait3A_218 = arith.constant 0 : i32
      %dma_wait3A_219 = tpu.memref_slice %arg3[%add3A, %dma_wait3A_217, %dma_wait3A_218] : memref<32x8x40xi32, #tpu.memory_space<hbm>> -> memref<1x8x40xi32, #tpu.memory_space<hbm>>
      %dma_wait3A_220 = tpu.memref_squeeze %dma_wait3A_219 : memref<1x8x40xi32, #tpu.memory_space<hbm>> -> memref<8x40xi32, #tpu.memory_space<hbm>>
      %dma_wait3A_221 = arith.constant 0 : i32
      %dma_wait3A_222 = arith.constant 0 : i32
      %dma_wait3A_223 = tpu.memref_slice %arg3[%add3A, %dma_wait3A_221, %dma_wait3A_222] : memref<32x8x40xi32, #tpu.memory_space<hbm>> -> memref<1x8x40xi32, #tpu.memory_space<hbm>>
      %dma_wait3A_224 = tpu.memref_squeeze %dma_wait3A_223 : memref<1x8x40xi32, #tpu.memory_space<hbm>> -> memref<8x40xi32, #tpu.memory_space<hbm>>
      tpu.wait_dma2 semaphore(%run_scoped3A : memref<!tpu.dma_semaphore, #tpu.memory_space<semaphore_mem>>) src(%dma_wait3A_224 : memref<8x40xi32, #tpu.memory_space<hbm>>) dst(%arg5 : memref<8x40xi32, #tpu.memory_space<vmem>>)
      tpu.yield
    }) : () -> ()
    %dma_start3A = arith.constant 0 : i32
    %dma_start3A_3 = arith.constant 0 : i32
    %dma_start3A_4 = tpu.memref_slice %arg5[%dma_start3A, %dma_start3A_3] : memref<8x40xi32, #tpu.memory_space<vmem>> -> memref<1x40xi32, #tpu.memory_space<vmem>>
    %dma_start3A_5 = tpu.memref_squeeze %dma_start3A_4 : memref<1x40xi32, #tpu.memory_space<vmem>> -> memref<40xi32, #tpu.memory_space<vmem>>
    %dma_start3A_6 = arith.constant 0 : i32
    %dma_start3A_7 = arith.constant 0 : i32
    %dma_start3A_8 = tpu.memref_slice %arg2[%dma_start3A_6, %dma_start3A_7] : memref<100000x256xf32, #tpu.memory_space<hbm>> -> memref<100000x256xf32, #tpu.memory_space<hbm>>
    tpu.enqueue_indirect_dma source(%dma_start3A_8 : memref<100000x256xf32, #tpu.memory_space<hbm>>) target(%arg6 : memref<40x256xf32, #tpu.memory_space<vmem>>) offsets(%dma_start3A_5 : memref<40xi32, #tpu.memory_space<vmem>>) semaphore(%arg8 : memref<!tpu.dma_semaphore, #tpu.memory_space<semaphore_mem>>)
    %dma_start3A_9 = arith.constant 1 : i32
    %dma_start3A_10 = arith.constant 0 : i32
    %dma_start3A_11 = tpu.memref_slice %arg5[%dma_start3A_9, %dma_start3A_10] : memref<8x40xi32, #tpu.memory_space<vmem>> -> memref<1x40xi32, #tpu.memory_space<vmem>>
    %dma_start3A_12 = tpu.memref_squeeze %dma_start3A_11 : memref<1x40xi32, #tpu.memory_space<vmem>> -> memref<40xi32, #tpu.memory_space<vmem>>
    %dma_start3A_13 = arith.constant 0 : i32
    %dma_start3A_14 = arith.constant 0 : i32
    %dma_start3A_15 = tpu.memref_slice %arg2[%dma_start3A_13, %dma_start3A_14] : memref<100000x256xf32, #tpu.memory_space<hbm>> -> memref<100000x256xf32, #tpu.memory_space<hbm>>
    tpu.enqueue_indirect_dma source(%dma_start3A_15 : memref<100000x256xf32, #tpu.memory_space<hbm>>) target(%arg7 : memref<40x256xf32, #tpu.memory_space<vmem>>) offsets(%dma_start3A_12 : memref<40xi32, #tpu.memory_space<vmem>>) semaphore(%arg9 : memref<!tpu.dma_semaphore, #tpu.memory_space<semaphore_mem>>)
    %dma_wait3A = arith.constant 0 : i32
    %dma_wait3A_16 = arith.constant 0 : i32
    %dma_wait3A_17 = tpu.memref_slice %arg5[%dma_wait3A, %dma_wait3A_16] : memref<8x40xi32, #tpu.memory_space<vmem>> -> memref<1x40xi32, #tpu.memory_space<vmem>>
    %dma_wait3A_18 = tpu.memref_squeeze %dma_wait3A_17 : memref<1x40xi32, #tpu.memory_space<vmem>> -> memref<40xi32, #tpu.memory_space<vmem>>
    %dma_wait3A_19 = arith.constant 0 : i32
    %dma_wait3A_20 = arith.constant 0 : i32
    %dma_wait3A_21 = tpu.memref_slice %arg2[%dma_wait3A_19, %dma_wait3A_20] : memref<100000x256xf32, #tpu.memory_space<hbm>> -> memref<100000x256xf32, #tpu.memory_space<hbm>>
    tpu.wait_indirect_dma semaphore(%arg8 : memref<!tpu.dma_semaphore, #tpu.memory_space<semaphore_mem>>) src(%dma_wait3A_21 : memref<100000x256xf32, #tpu.memory_space<hbm>>) dst(%arg6 : memref<40x256xf32, #tpu.memory_space<vmem>>)
    %add3A_22 = arith.constant 0 : i32
    %add3A_23 = arith.addi %mul3A_2, %add3A_22 : i32
    %dma_start3A_24 = arith.constant 0 : i32
    %dma_start3A_25 = tpu.memref_slice %arg4[%add3A_23, %dma_start3A_24] : memref<10240x256xf32, #tpu.memory_space<hbm>> -> memref<40x256xf32, #tpu.memory_space<hbm>>
    %dma_start3A_26 = arith.constant 0 : i32
    %dma_start3A_27 = tpu.memref_slice %arg4[%add3A_23, %dma_start3A_26] : memref<10240x256xf32, #tpu.memory_space<hbm>> -> memref<40x256xf32, #tpu.memory_space<hbm>>
    tpu.enqueue_dma source(%arg6 : memref<40x256xf32, #tpu.memory_space<vmem>>) target(%dma_start3A_27 : memref<40x256xf32, #tpu.memory_space<hbm>>) target_semaphore(%arg10 : memref<!tpu.dma_semaphore, #tpu.memory_space<semaphore_mem>>)
    %add3A_28 = arith.constant 0 : i32
    %add3A_29 = arith.addi %mul3A_2, %add3A_28 : i32
    %dma_wait3A_30 = arith.constant 0 : i32
    %dma_wait3A_31 = tpu.memref_slice %arg4[%add3A_29, %dma_wait3A_30] : memref<10240x256xf32, #tpu.memory_space<hbm>> -> memref<40x256xf32, #tpu.memory_space<hbm>>
    %dma_wait3A_32 = arith.constant 0 : i32
    %dma_wait3A_33 = tpu.memref_slice %arg4[%add3A_29, %dma_wait3A_32] : memref<10240x256xf32, #tpu.memory_space<hbm>> -> memref<40x256xf32, #tpu.memory_space<hbm>>
    tpu.wait_dma2 semaphore(%arg10 : memref<!tpu.dma_semaphore, #tpu.memory_space<semaphore_mem>>) src(%arg6 : memref<40x256xf32, #tpu.memory_space<vmem>>) dst(%dma_wait3A_33 : memref<40x256xf32, #tpu.memory_space<hbm>>)
    %dma_start3A_34 = arith.constant 2 : i32
    %dma_start3A_35 = arith.constant 0 : i32
    %dma_start3A_36 = tpu.memref_slice %arg5[%dma_start3A_34, %dma_start3A_35] : memref<8x40xi32, #tpu.memory_space<vmem>> -> memref<1x40xi32, #tpu.memory_space<vmem>>
    %dma_start3A_37 = tpu.memref_squeeze %dma_start3A_36 : memref<1x40xi32, #tpu.memory_space<vmem>> -> memref<40xi32, #tpu.memory_space<vmem>>
    %dma_start3A_38 = arith.constant 0 : i32
    %dma_start3A_39 = arith.constant 0 : i32
    %dma_start3A_40 = tpu.memref_slice %arg2[%dma_start3A_38, %dma_start3A_39] : memref<100000x256xf32, #tpu.memory_space<hbm>> -> memref<100000x256xf32, #tpu.memory_space<hbm>>
    tpu.enqueue_indirect_dma source(%dma_start3A_40 : memref<100000x256xf32, #tpu.memory_space<hbm>>) target(%arg6 : memref<40x256xf32, #tpu.memory_space<vmem>>) offsets(%dma_start3A_37 : memref<40xi32, #tpu.memory_space<vmem>>) semaphore(%arg8 : memref<!tpu.dma_semaphore, #tpu.memory_space<semaphore_mem>>)
    %dma_wait3A_41 = arith.constant 1 : i32
    %dma_wait3A_42 = arith.constant 0 : i32
    %dma_wait3A_43 = tpu.memref_slice %arg5[%dma_wait3A_41, %dma_wait3A_42] : memref<8x40xi32, #tpu.memory_space<vmem>> -> memref<1x40xi32, #tpu.memory_space<vmem>>
    %dma_wait3A_44 = tpu.memref_squeeze %dma_wait3A_43 : memref<1x40xi32, #tpu.memory_space<vmem>> -> memref<40xi32, #tpu.memory_space<vmem>>
    %dma_wait3A_45 = arith.constant 0 : i32
    %dma_wait3A_46 = arith.constant 0 : i32
    %dma_wait3A_47 = tpu.memref_slice %arg2[%dma_wait3A_45, %dma_wait3A_46] : memref<100000x256xf32, #tpu.memory_space<hbm>> -> memref<100000x256xf32, #tpu.memory_space<hbm>>
    tpu.wait_indirect_dma semaphore(%arg9 : memref<!tpu.dma_semaphore, #tpu.memory_space<semaphore_mem>>) src(%dma_wait3A_47 : memref<100000x256xf32, #tpu.memory_space<hbm>>) dst(%arg7 : memref<40x256xf32, #tpu.memory_space<vmem>>)
    %add3A_48 = arith.constant 40 : i32
    %add3A_49 = arith.addi %mul3A_2, %add3A_48 : i32
    %dma_start3A_50 = arith.constant 0 : i32
    %dma_start3A_51 = tpu.memref_slice %arg4[%add3A_49, %dma_start3A_50] : memref<10240x256xf32, #tpu.memory_space<hbm>> -> memref<40x256xf32, #tpu.memory_space<hbm>>
    %dma_start3A_52 = arith.constant 0 : i32
    %dma_start3A_53 = tpu.memref_slice %arg4[%add3A_49, %dma_start3A_52] : memref<10240x256xf32, #tpu.memory_space<hbm>> -> memref<40x256xf32, #tpu.memory_space<hbm>>
    tpu.enqueue_dma source(%arg7 : memref<40x256xf32, #tpu.memory_space<vmem>>) target(%dma_start3A_53 : memref<40x256xf32, #tpu.memory_space<hbm>>) target_semaphore(%arg11 : memref<!tpu.dma_semaphore, #tpu.memory_space<semaphore_mem>>)
    %add3A_54 = arith.constant 40 : i32
    %add3A_55 = arith.addi %mul3A_2, %add3A_54 : i32
    %dma_wait3A_56 = arith.constant 0 : i32
    %dma_wait3A_57 = tpu.memref_slice %arg4[%add3A_55, %dma_wait3A_56] : memref<10240x256xf32, #tpu.memory_space<hbm>> -> memref<40x256xf32, #tpu.memory_space<hbm>>
    %dma_wait3A_58 = arith.constant 0 : i32
    %dma_wait3A_59 = tpu.memref_slice %arg4[%add3A_55, %dma_wait3A_58] : memref<10240x256xf32, #tpu.memory_space<hbm>> -> memref<40x256xf32, #tpu.memory_space<hbm>>
    tpu.wait_dma2 semaphore(%arg11 : memref<!tpu.dma_semaphore, #tpu.memory_space<semaphore_mem>>) src(%arg7 : memref<40x256xf32, #tpu.memory_space<vmem>>) dst(%dma_wait3A_59 : memref<40x256xf32, #tpu.memory_space<hbm>>)
    %dma_start3A_60 = arith.constant 3 : i32
    %dma_start3A_61 = arith.constant 0 : i32
    %dma_start3A_62 = tpu.memref_slice %arg5[%dma_start3A_60, %dma_start3A_61] : memref<8x40xi32, #tpu.memory_space<vmem>> -> memref<1x40xi32, #tpu.memory_space<vmem>>
    %dma_start3A_63 = tpu.memref_squeeze %dma_start3A_62 : memref<1x40xi32, #tpu.memory_space<vmem>> -> memref<40xi32, #tpu.memory_space<vmem>>
    %dma_start3A_64 = arith.constant 0 : i32
    %dma_start3A_65 = arith.constant 0 : i32
    %dma_start3A_66 = tpu.memref_slice %arg2[%dma_start3A_64, %dma_start3A_65] : memref<100000x256xf32, #tpu.memory_space<hbm>> -> memref<100000x256xf32, #tpu.memory_space<hbm>>
    tpu.enqueue_indirect_dma source(%dma_start3A_66 : memref<100000x256xf32, #tpu.memory_space<hbm>>) target(%arg7 : memref<40x256xf32, #tpu.memory_space<vmem>>) offsets(%dma_start3A_63 : memref<40xi32, #tpu.memory_space<vmem>>) semaphore(%arg9 : memref<!tpu.dma_semaphore, #tpu.memory_space<semaphore_mem>>)
    %dma_wait3A_67 = arith.constant 2 : i32
    %dma_wait3A_68 = arith.constant 0 : i32
    %dma_wait3A_69 = tpu.memref_slice %arg5[%dma_wait3A_67, %dma_wait3A_68] : memref<8x40xi32, #tpu.memory_space<vmem>> -> memref<1x40xi32, #tpu.memory_space<vmem>>
    %dma_wait3A_70 = tpu.memref_squeeze %dma_wait3A_69 : memref<1x40xi32, #tpu.memory_space<vmem>> -> memref<40xi32, #tpu.memory_space<vmem>>
    %dma_wait3A_71 = arith.constant 0 : i32
    %dma_wait3A_72 = arith.constant 0 : i32
    %dma_wait3A_73 = tpu.memref_slice %arg2[%dma_wait3A_71, %dma_wait3A_72] : memref<100000x256xf32, #tpu.memory_space<hbm>> -> memref<100000x256xf32, #tpu.memory_space<hbm>>
    tpu.wait_indirect_dma semaphore(%arg8 : memref<!tpu.dma_semaphore, #tpu.memory_space<semaphore_mem>>) src(%dma_wait3A_73 : memref<100000x256xf32, #tpu.memory_space<hbm>>) dst(%arg6 : memref<40x256xf32, #tpu.memory_space<vmem>>)
    %add3A_74 = arith.constant 80 : i32
    %add3A_75 = arith.addi %mul3A_2, %add3A_74 : i32
    %dma_start3A_76 = arith.constant 0 : i32
    %dma_start3A_77 = tpu.memref_slice %arg4[%add3A_75, %dma_start3A_76] : memref<10240x256xf32, #tpu.memory_space<hbm>> -> memref<40x256xf32, #tpu.memory_space<hbm>>
    %dma_start3A_78 = arith.constant 0 : i32
    %dma_start3A_79 = tpu.memref_slice %arg4[%add3A_75, %dma_start3A_78] : memref<10240x256xf32, #tpu.memory_space<hbm>> -> memref<40x256xf32, #tpu.memory_space<hbm>>
    tpu.enqueue_dma source(%arg6 : memref<40x256xf32, #tpu.memory_space<vmem>>) target(%dma_start3A_79 : memref<40x256xf32, #tpu.memory_space<hbm>>) target_semaphore(%arg10 : memref<!tpu.dma_semaphore, #tpu.memory_space<semaphore_mem>>)
    %add3A_80 = arith.constant 80 : i32
    %add3A_81 = arith.addi %mul3A_2, %add3A_80 : i32
    %dma_wait3A_82 = arith.constant 0 : i32
    %dma_wait3A_83 = tpu.memref_slice %arg4[%add3A_81, %dma_wait3A_82] : memref<10240x256xf32, #tpu.memory_space<hbm>> -> memref<40x256xf32, #tpu.memory_space<hbm>>
    %dma_wait3A_84 = arith.constant 0 : i32
    %dma_wait3A_85 = tpu.memref_slice %arg4[%add3A_81, %dma_wait3A_84] : memref<10240x256xf32, #tpu.memory_space<hbm>> -> memref<40x256xf32, #tpu.memory_space<hbm>>
    tpu.wait_dma2 semaphore(%arg10 : memref<!tpu.dma_semaphore, #tpu.memory_space<semaphore_mem>>) src(%arg6 : memref<40x256xf32, #tpu.memory_space<vmem>>) dst(%dma_wait3A_85 : memref<40x256xf32, #tpu.memory_space<hbm>>)
    %dma_start3A_86 = arith.constant 4 : i32
    %dma_start3A_87 = arith.constant 0 : i32
    %dma_start3A_88 = tpu.memref_slice %arg5[%dma_start3A_86, %dma_start3A_87] : memref<8x40xi32, #tpu.memory_space<vmem>> -> memref<1x40xi32, #tpu.memory_space<vmem>>
    %dma_start3A_89 = tpu.memref_squeeze %dma_start3A_88 : memref<1x40xi32, #tpu.memory_space<vmem>> -> memref<40xi32, #tpu.memory_space<vmem>>
    %dma_start3A_90 = arith.constant 0 : i32
    %dma_start3A_91 = arith.constant 0 : i32
    %dma_start3A_92 = tpu.memref_slice %arg2[%dma_start3A_90, %dma_start3A_91] : memref<100000x256xf32, #tpu.memory_space<hbm>> -> memref<100000x256xf32, #tpu.memory_space<hbm>>
    tpu.enqueue_indirect_dma source(%dma_start3A_92 : memref<100000x256xf32, #tpu.memory_space<hbm>>) target(%arg6 : memref<40x256xf32, #tpu.memory_space<vmem>>) offsets(%dma_start3A_89 : memref<40xi32, #tpu.memory_space<vmem>>) semaphore(%arg8 : memref<!tpu.dma_semaphore, #tpu.memory_space<semaphore_mem>>)
    %dma_wait3A_93 = arith.constant 3 : i32
    %dma_wait3A_94 = arith.constant 0 : i32
    %dma_wait3A_95 = tpu.memref_slice %arg5[%dma_wait3A_93, %dma_wait3A_94] : memref<8x40xi32, #tpu.memory_space<vmem>> -> memref<1x40xi32, #tpu.memory_space<vmem>>
    %dma_wait3A_96 = tpu.memref_squeeze %dma_wait3A_95 : memref<1x40xi32, #tpu.memory_space<vmem>> -> memref<40xi32, #tpu.memory_space<vmem>>
    %dma_wait3A_97 = arith.constant 0 : i32
    %dma_wait3A_98 = arith.constant 0 : i32
    %dma_wait3A_99 = tpu.memref_slice %arg2[%dma_wait3A_97, %dma_wait3A_98] : memref<100000x256xf32, #tpu.memory_space<hbm>> -> memref<100000x256xf32, #tpu.memory_space<hbm>>
    tpu.wait_indirect_dma semaphore(%arg9 : memref<!tpu.dma_semaphore, #tpu.memory_space<semaphore_mem>>) src(%dma_wait3A_99 : memref<100000x256xf32, #tpu.memory_space<hbm>>) dst(%arg7 : memref<40x256xf32, #tpu.memory_space<vmem>>)
    %add3A_100 = arith.constant 120 : i32
    %add3A_101 = arith.addi %mul3A_2, %add3A_100 : i32
    %dma_start3A_102 = arith.constant 0 : i32
    %dma_start3A_103 = tpu.memref_slice %arg4[%add3A_101, %dma_start3A_102] : memref<10240x256xf32, #tpu.memory_space<hbm>> -> memref<40x256xf32, #tpu.memory_space<hbm>>
    %dma_start3A_104 = arith.constant 0 : i32
    %dma_start3A_105 = tpu.memref_slice %arg4[%add3A_101, %dma_start3A_104] : memref<10240x256xf32, #tpu.memory_space<hbm>> -> memref<40x256xf32, #tpu.memory_space<hbm>>
    tpu.enqueue_dma source(%arg7 : memref<40x256xf32, #tpu.memory_space<vmem>>) target(%dma_start3A_105 : memref<40x256xf32, #tpu.memory_space<hbm>>) target_semaphore(%arg11 : memref<!tpu.dma_semaphore, #tpu.memory_space<semaphore_mem>>)
    %add3A_106 = arith.constant 120 : i32
    %add3A_107 = arith.addi %mul3A_2, %add3A_106 : i32
    %dma_wait3A_108 = arith.constant 0 : i32
    %dma_wait3A_109 = tpu.memref_slice %arg4[%add3A_107, %dma_wait3A_108] : memref<10240x256xf32, #tpu.memory_space<hbm>> -> memref<40x256xf32, #tpu.memory_space<hbm>>
    %dma_wait3A_110 = arith.constant 0 : i32
    %dma_wait3A_111 = tpu.memref_slice %arg4[%add3A_107, %dma_wait3A_110] : memref<10240x256xf32, #tpu.memory_space<hbm>> -> memref<40x256xf32, #tpu.memory_space<hbm>>
    tpu.wait_dma2 semaphore(%arg11 : memref<!tpu.dma_semaphore, #tpu.memory_space<semaphore_mem>>) src(%arg7 : memref<40x256xf32, #tpu.memory_space<vmem>>) dst(%dma_wait3A_111 : memref<40x256xf32, #tpu.memory_space<hbm>>)
    %dma_start3A_112 = arith.constant 5 : i32
    %dma_start3A_113 = arith.constant 0 : i32
    %dma_start3A_114 = tpu.memref_slice %arg5[%dma_start3A_112, %dma_start3A_113] : memref<8x40xi32, #tpu.memory_space<vmem>> -> memref<1x40xi32, #tpu.memory_space<vmem>>
    %dma_start3A_115 = tpu.memref_squeeze %dma_start3A_114 : memref<1x40xi32, #tpu.memory_space<vmem>> -> memref<40xi32, #tpu.memory_space<vmem>>
    %dma_start3A_116 = arith.constant 0 : i32
    %dma_start3A_117 = arith.constant 0 : i32
    %dma_start3A_118 = tpu.memref_slice %arg2[%dma_start3A_116, %dma_start3A_117] : memref<100000x256xf32, #tpu.memory_space<hbm>> -> memref<100000x256xf32, #tpu.memory_space<hbm>>
    tpu.enqueue_indirect_dma source(%dma_start3A_118 : memref<100000x256xf32, #tpu.memory_space<hbm>>) target(%arg7 : memref<40x256xf32, #tpu.memory_space<vmem>>) offsets(%dma_start3A_115 : memref<40xi32, #tpu.memory_space<vmem>>) semaphore(%arg9 : memref<!tpu.dma_semaphore, #tpu.memory_space<semaphore_mem>>)
    %dma_wait3A_119 = arith.constant 4 : i32
    %dma_wait3A_120 = arith.constant 0 : i32
    %dma_wait3A_121 = tpu.memref_slice %arg5[%dma_wait3A_119, %dma_wait3A_120] : memref<8x40xi32, #tpu.memory_space<vmem>> -> memref<1x40xi32, #tpu.memory_space<vmem>>
    %dma_wait3A_122 = tpu.memref_squeeze %dma_wait3A_121 : memref<1x40xi32, #tpu.memory_space<vmem>> -> memref<40xi32, #tpu.memory_space<vmem>>
    %dma_wait3A_123 = arith.constant 0 : i32
    %dma_wait3A_124 = arith.constant 0 : i32
    %dma_wait3A_125 = tpu.memref_slice %arg2[%dma_wait3A_123, %dma_wait3A_124] : memref<100000x256xf32, #tpu.memory_space<hbm>> -> memref<100000x256xf32, #tpu.memory_space<hbm>>
    tpu.wait_indirect_dma semaphore(%arg8 : memref<!tpu.dma_semaphore, #tpu.memory_space<semaphore_mem>>) src(%dma_wait3A_125 : memref<100000x256xf32, #tpu.memory_space<hbm>>) dst(%arg6 : memref<40x256xf32, #tpu.memory_space<vmem>>)
    %add3A_126 = arith.constant 160 : i32
    %add3A_127 = arith.addi %mul3A_2, %add3A_126 : i32
    %dma_start3A_128 = arith.constant 0 : i32
    %dma_start3A_129 = tpu.memref_slice %arg4[%add3A_127, %dma_start3A_128] : memref<10240x256xf32, #tpu.memory_space<hbm>> -> memref<40x256xf32, #tpu.memory_space<hbm>>
    %dma_start3A_130 = arith.constant 0 : i32
    %dma_start3A_131 = tpu.memref_slice %arg4[%add3A_127, %dma_start3A_130] : memref<10240x256xf32, #tpu.memory_space<hbm>> -> memref<40x256xf32, #tpu.memory_space<hbm>>
    tpu.enqueue_dma source(%arg6 : memref<40x256xf32, #tpu.memory_space<vmem>>) target(%dma_start3A_131 : memref<40x256xf32, #tpu.memory_space<hbm>>) target_semaphore(%arg10 : memref<!tpu.dma_semaphore, #tpu.memory_space<semaphore_mem>>)
    %add3A_132 = arith.constant 160 : i32
    %add3A_133 = arith.addi %mul3A_2, %add3A_132 : i32
    %dma_wait3A_134 = arith.constant 0 : i32
    %dma_wait3A_135 = tpu.memref_slice %arg4[%add3A_133, %dma_wait3A_134] : memref<10240x256xf32, #tpu.memory_space<hbm>> -> memref<40x256xf32, #tpu.memory_space<hbm>>
    %dma_wait3A_136 = arith.constant 0 : i32
    %dma_wait3A_137 = tpu.memref_slice %arg4[%add3A_133, %dma_wait3A_136] : memref<10240x256xf32, #tpu.memory_space<hbm>> -> memref<40x256xf32, #tpu.memory_space<hbm>>
    tpu.wait_dma2 semaphore(%arg10 : memref<!tpu.dma_semaphore, #tpu.memory_space<semaphore_mem>>) src(%arg6 : memref<40x256xf32, #tpu.memory_space<vmem>>) dst(%dma_wait3A_137 : memref<40x256xf32, #tpu.memory_space<hbm>>)
    %dma_start3A_138 = arith.constant 6 : i32
    %dma_start3A_139 = arith.constant 0 : i32
    %dma_start3A_140 = tpu.memref_slice %arg5[%dma_start3A_138, %dma_start3A_139] : memref<8x40xi32, #tpu.memory_space<vmem>> -> memref<1x40xi32, #tpu.memory_space<vmem>>
    %dma_start3A_141 = tpu.memref_squeeze %dma_start3A_140 : memref<1x40xi32, #tpu.memory_space<vmem>> -> memref<40xi32, #tpu.memory_space<vmem>>
    %dma_start3A_142 = arith.constant 0 : i32
    %dma_start3A_143 = arith.constant 0 : i32
    %dma_start3A_144 = tpu.memref_slice %arg2[%dma_start3A_142, %dma_start3A_143] : memref<100000x256xf32, #tpu.memory_space<hbm>> -> memref<100000x256xf32, #tpu.memory_space<hbm>>
    tpu.enqueue_indirect_dma source(%dma_start3A_144 : memref<100000x256xf32, #tpu.memory_space<hbm>>) target(%arg6 : memref<40x256xf32, #tpu.memory_space<vmem>>) offsets(%dma_start3A_141 : memref<40xi32, #tpu.memory_space<vmem>>) semaphore(%arg8 : memref<!tpu.dma_semaphore, #tpu.memory_space<semaphore_mem>>)
    %dma_wait3A_145 = arith.constant 5 : i32
    %dma_wait3A_146 = arith.constant 0 : i32
    %dma_wait3A_147 = tpu.memref_slice %arg5[%dma_wait3A_145, %dma_wait3A_146] : memref<8x40xi32, #tpu.memory_space<vmem>> -> memref<1x40xi32, #tpu.memory_space<vmem>>
    %dma_wait3A_148 = tpu.memref_squeeze %dma_wait3A_147 : memref<1x40xi32, #tpu.memory_space<vmem>> -> memref<40xi32, #tpu.memory_space<vmem>>
    %dma_wait3A_149 = arith.constant 0 : i32
    %dma_wait3A_150 = arith.constant 0 : i32
    %dma_wait3A_151 = tpu.memref_slice %arg2[%dma_wait3A_149, %dma_wait3A_150] : memref<100000x256xf32, #tpu.memory_space<hbm>> -> memref<100000x256xf32, #tpu.memory_space<hbm>>
    tpu.wait_indirect_dma semaphore(%arg9 : memref<!tpu.dma_semaphore, #tpu.memory_space<semaphore_mem>>) src(%dma_wait3A_151 : memref<100000x256xf32, #tpu.memory_space<hbm>>) dst(%arg7 : memref<40x256xf32, #tpu.memory_space<vmem>>)
    %add3A_152 = arith.constant 200 : i32
    %add3A_153 = arith.addi %mul3A_2, %add3A_152 : i32
    %dma_start3A_154 = arith.constant 0 : i32
    %dma_start3A_155 = tpu.memref_slice %arg4[%add3A_153, %dma_start3A_154] : memref<10240x256xf32, #tpu.memory_space<hbm>> -> memref<40x256xf32, #tpu.memory_space<hbm>>
    %dma_start3A_156 = arith.constant 0 : i32
    %dma_start3A_157 = tpu.memref_slice %arg4[%add3A_153, %dma_start3A_156] : memref<10240x256xf32, #tpu.memory_space<hbm>> -> memref<40x256xf32, #tpu.memory_space<hbm>>
    tpu.enqueue_dma source(%arg7 : memref<40x256xf32, #tpu.memory_space<vmem>>) target(%dma_start3A_157 : memref<40x256xf32, #tpu.memory_space<hbm>>) target_semaphore(%arg11 : memref<!tpu.dma_semaphore, #tpu.memory_space<semaphore_mem>>)
    %add3A_158 = arith.constant 200 : i32
    %add3A_159 = arith.addi %mul3A_2, %add3A_158 : i32
    %dma_wait3A_160 = arith.constant 0 : i32
    %dma_wait3A_161 = tpu.memref_slice %arg4[%add3A_159, %dma_wait3A_160] : memref<10240x256xf32, #tpu.memory_space<hbm>> -> memref<40x256xf32, #tpu.memory_space<hbm>>
    %dma_wait3A_162 = arith.constant 0 : i32
    %dma_wait3A_163 = tpu.memref_slice %arg4[%add3A_159, %dma_wait3A_162] : memref<10240x256xf32, #tpu.memory_space<hbm>> -> memref<40x256xf32, #tpu.memory_space<hbm>>
    tpu.wait_dma2 semaphore(%arg11 : memref<!tpu.dma_semaphore, #tpu.memory_space<semaphore_mem>>) src(%arg7 : memref<40x256xf32, #tpu.memory_space<vmem>>) dst(%dma_wait3A_163 : memref<40x256xf32, #tpu.memory_space<hbm>>)
    %dma_start3A_164 = arith.constant 7 : i32
    %dma_start3A_165 = arith.constant 0 : i32
    %dma_start3A_166 = tpu.memref_slice %arg5[%dma_start3A_164, %dma_start3A_165] : memref<8x40xi32, #tpu.memory_space<vmem>> -> memref<1x40xi32, #tpu.memory_space<vmem>>
    %dma_start3A_167 = tpu.memref_squeeze %dma_start3A_166 : memref<1x40xi32, #tpu.memory_space<vmem>> -> memref<40xi32, #tpu.memory_space<vmem>>
    %dma_start3A_168 = arith.constant 0 : i32
    %dma_start3A_169 = arith.constant 0 : i32
    %dma_start3A_170 = tpu.memref_slice %arg2[%dma_start3A_168, %dma_start3A_169] : memref<100000x256xf32, #tpu.memory_space<hbm>> -> memref<100000x256xf32, #tpu.memory_space<hbm>>
    tpu.enqueue_indirect_dma source(%dma_start3A_170 : memref<100000x256xf32, #tpu.memory_space<hbm>>) target(%arg7 : memref<40x256xf32, #tpu.memory_space<vmem>>) offsets(%dma_start3A_167 : memref<40xi32, #tpu.memory_space<vmem>>) semaphore(%arg9 : memref<!tpu.dma_semaphore, #tpu.memory_space<semaphore_mem>>)
    %dma_wait3A_171 = arith.constant 6 : i32
    %dma_wait3A_172 = arith.constant 0 : i32
    %dma_wait3A_173 = tpu.memref_slice %arg5[%dma_wait3A_171, %dma_wait3A_172] : memref<8x40xi32, #tpu.memory_space<vmem>> -> memref<1x40xi32, #tpu.memory_space<vmem>>
    %dma_wait3A_174 = tpu.memref_squeeze %dma_wait3A_173 : memref<1x40xi32, #tpu.memory_space<vmem>> -> memref<40xi32, #tpu.memory_space<vmem>>
    %dma_wait3A_175 = arith.constant 0 : i32
    %dma_wait3A_176 = arith.constant 0 : i32
    %dma_wait3A_177 = tpu.memref_slice %arg2[%dma_wait3A_175, %dma_wait3A_176] : memref<100000x256xf32, #tpu.memory_space<hbm>> -> memref<100000x256xf32, #tpu.memory_space<hbm>>
    tpu.wait_indirect_dma semaphore(%arg8 : memref<!tpu.dma_semaphore, #tpu.memory_space<semaphore_mem>>) src(%dma_wait3A_177 : memref<100000x256xf32, #tpu.memory_space<hbm>>) dst(%arg6 : memref<40x256xf32, #tpu.memory_space<vmem>>)
    %add3A_178 = arith.constant 240 : i32
    %add3A_179 = arith.addi %mul3A_2, %add3A_178 : i32
    %dma_start3A_180 = arith.constant 0 : i32
    %dma_start3A_181 = tpu.memref_slice %arg4[%add3A_179, %dma_start3A_180] : memref<10240x256xf32, #tpu.memory_space<hbm>> -> memref<40x256xf32, #tpu.memory_space<hbm>>
    %dma_start3A_182 = arith.constant 0 : i32
    %dma_start3A_183 = tpu.memref_slice %arg4[%add3A_179, %dma_start3A_182] : memref<10240x256xf32, #tpu.memory_space<hbm>> -> memref<40x256xf32, #tpu.memory_space<hbm>>
    tpu.enqueue_dma source(%arg6 : memref<40x256xf32, #tpu.memory_space<vmem>>) target(%dma_start3A_183 : memref<40x256xf32, #tpu.memory_space<hbm>>) target_semaphore(%arg10 : memref<!tpu.dma_semaphore, #tpu.memory_space<semaphore_mem>>)
    %dma_wait3A_184 = arith.constant 7 : i32
    %dma_wait3A_185 = arith.constant 0 : i32
    %dma_wait3A_186 = tpu.memref_slice %arg5[%dma_wait3A_184, %dma_wait3A_185] : memref<8x40xi32, #tpu.memory_space<vmem>> -> memref<1x40xi32, #tpu.memory_space<vmem>>
    %dma_wait3A_187 = tpu.memref_squeeze %dma_wait3A_186 : memref<1x40xi32, #tpu.memory_space<vmem>> -> memref<40xi32, #tpu.memory_space<vmem>>
    %dma_wait3A_188 = arith.constant 0 : i32
    %dma_wait3A_189 = arith.constant 0 : i32
    %dma_wait3A_190 = tpu.memref_slice %arg2[%dma_wait3A_188, %dma_wait3A_189] : memref<100000x256xf32, #tpu.memory_space<hbm>> -> memref<100000x256xf32, #tpu.memory_space<hbm>>
    tpu.wait_indirect_dma semaphore(%arg9 : memref<!tpu.dma_semaphore, #tpu.memory_space<semaphore_mem>>) src(%dma_wait3A_190 : memref<100000x256xf32, #tpu.memory_space<hbm>>) dst(%arg7 : memref<40x256xf32, #tpu.memory_space<vmem>>)
    %add3A_191 = arith.constant 280 : i32
    %add3A_192 = arith.addi %mul3A_2, %add3A_191 : i32
    %dma_start3A_193 = arith.constant 0 : i32
    %dma_start3A_194 = tpu.memref_slice %arg4[%add3A_192, %dma_start3A_193] : memref<10240x256xf32, #tpu.memory_space<hbm>> -> memref<40x256xf32, #tpu.memory_space<hbm>>
    %dma_start3A_195 = arith.constant 0 : i32
    %dma_start3A_196 = tpu.memref_slice %arg4[%add3A_192, %dma_start3A_195] : memref<10240x256xf32, #tpu.memory_space<hbm>> -> memref<40x256xf32, #tpu.memory_space<hbm>>
    tpu.enqueue_dma source(%arg7 : memref<40x256xf32, #tpu.memory_space<vmem>>) target(%dma_start3A_196 : memref<40x256xf32, #tpu.memory_space<hbm>>) target_semaphore(%arg11 : memref<!tpu.dma_semaphore, #tpu.memory_space<semaphore_mem>>)
    %add3A_197 = arith.constant 240 : i32
    %add3A_198 = arith.addi %mul3A_2, %add3A_197 : i32
    %dma_wait3A_199 = arith.constant 0 : i32
    %dma_wait3A_200 = tpu.memref_slice %arg4[%add3A_198, %dma_wait3A_199] : memref<10240x256xf32, #tpu.memory_space<hbm>> -> memref<40x256xf32, #tpu.memory_space<hbm>>
    %dma_wait3A_201 = arith.constant 0 : i32
    %dma_wait3A_202 = tpu.memref_slice %arg4[%add3A_198, %dma_wait3A_201] : memref<10240x256xf32, #tpu.memory_space<hbm>> -> memref<40x256xf32, #tpu.memory_space<hbm>>
    tpu.wait_dma2 semaphore(%arg10 : memref<!tpu.dma_semaphore, #tpu.memory_space<semaphore_mem>>) src(%arg6 : memref<40x256xf32, #tpu.memory_space<vmem>>) dst(%dma_wait3A_202 : memref<40x256xf32, #tpu.memory_space<hbm>>)
    %add3A_203 = arith.constant 280 : i32
    %add3A_204 = arith.addi %mul3A_2, %add3A_203 : i32
    %dma_wait3A_205 = arith.constant 0 : i32
    %dma_wait3A_206 = tpu.memref_slice %arg4[%add3A_204, %dma_wait3A_205] : memref<10240x256xf32, #tpu.memory_space<hbm>> -> memref<40x256xf32, #tpu.memory_space<hbm>>
    %dma_wait3A_207 = arith.constant 0 : i32
    %dma_wait3A_208 = tpu.memref_slice %arg4[%add3A_204, %dma_wait3A_207] : memref<10240x256xf32, #tpu.memory_space<hbm>> -> memref<40x256xf32, #tpu.memory_space<hbm>>
    tpu.wait_dma2 semaphore(%arg11 : memref<!tpu.dma_semaphore, #tpu.memory_space<semaphore_mem>>) src(%arg7 : memref<40x256xf32, #tpu.memory_space<vmem>>) dst(%dma_wait3A_208 : memref<40x256xf32, #tpu.memory_space<hbm>>)
    return
  }
}

#map = affine_map<(d0, d1) -> (0, 0)>
#map1 = affine_map<(d0, d1) -> (0, 0, 0)>
module attributes {stable_mosaic.version = 14 : i64} {
  func.func @_edge_pass(%arg0: i32, %arg1: i32, %arg2: memref<10000x128xf32, #tpu.memory_space<hbm>>, %arg3: memref<1344x128xi32, #tpu.memory_space<hbm>>, %arg4: memref<1344x128xi32, #tpu.memory_space<hbm>>, %arg5: memref<632x128xf32, #tpu.memory_space<hbm>>, %arg6: memref<2x10112x128xf32, #tpu.memory_space<hbm>>, %arg7: memref<32x128xi32, #tpu.memory_space<vmem>>, %arg8: memref<32x128xi32, #tpu.memory_space<vmem>>, %arg9: memref<128x128xf32, #tpu.memory_space<vmem>>, %arg10: memref<128x128xf32, #tpu.memory_space<vmem>>, %arg11: memref<10112x128xf32, #tpu.memory_space<vmem_shared>>, %arg12: memref<!tpu.dma_semaphore, #tpu.memory_space<semaphore_mem>>, %arg13: memref<!tpu.dma_semaphore, #tpu.memory_space<semaphore_mem>>, %arg14: memref<!tpu.dma_semaphore, #tpu.memory_space<semaphore_mem>>, %arg15: memref<!tpu.dma_semaphore, #tpu.memory_space<semaphore_mem>>) attributes {dimension_semantics = [#tpu.dimension_semantics<core_parallel>, #tpu.dimension_semantics<subcore_parallel>], iteration_bounds = array<i64: 2, 16>, scalar_prefetch = 0 : i64, scratch_operands = 9 : i64, tpu.core_type = #tpu.core_type<sc_vector_subcore>, window_params = [{transform_indices = #map}, {transform_indices = #map}, {transform_indices = #map}, {transform_indices = #map}, {transform_indices = #map1}]} {
    %mul3A = arith.constant 632 : i32
    %mul3A_0 = arith.muli %arg1, %mul3A : i32
    "tpu.region"() ({
      %run_scoped3A = tpu.sem_alloc : memref<!tpu.dma_semaphore, #tpu.memory_space<semaphore_mem>>
      %dma_start3A = arith.constant 0 : i32
      %dma_start3A_23 = tpu.memref_slice %arg11[%mul3A_0, %dma_start3A] : memref<10112x128xf32, #tpu.memory_space<vmem_shared>> -> memref<632x128xf32, #tpu.memory_space<vmem_shared>>
      tpu.enqueue_dma source(%arg5 : memref<632x128xf32, #tpu.memory_space<hbm>>) target(%dma_start3A_23 : memref<632x128xf32, #tpu.memory_space<vmem_shared>>) target_semaphore(%run_scoped3A : memref<!tpu.dma_semaphore, #tpu.memory_space<semaphore_mem>>)
      %dma_wait3A = arith.constant 0 : i32
      %dma_wait3A_24 = tpu.memref_slice %arg11[%mul3A_0, %dma_wait3A] : memref<10112x128xf32, #tpu.memory_space<vmem_shared>> -> memref<632x128xf32, #tpu.memory_space<vmem_shared>>
      tpu.wait_dma2 semaphore(%run_scoped3A : memref<!tpu.dma_semaphore, #tpu.memory_space<semaphore_mem>>) src(%arg5 : memref<632x128xf32, #tpu.memory_space<hbm>>) dst(%dma_wait3A_24 : memref<632x128xf32, #tpu.memory_space<vmem_shared>>)
      tpu.yield
    }) : () -> ()
    %eq3A = arith.constant 1 : i32
    %eq3A_1 = arith.cmpi eq, %arg0, %eq3A : i32
    %convert_element_type3A = arith.extui %eq3A_1 : i1 to i32
    %cond3A = arith.constant 0 : i32
    %cond3A_2 = arith.cmpi ne, %convert_element_type3A, %cond3A : i32
    scf.if %cond3A_2 {
      %mul3A_23 = arith.constant 64 : i32
      %mul3A_24 = arith.muli %arg1, %mul3A_23 : i32
      "tpu.region"() ({
        %run_scoped3A = tpu.sem_alloc : memref<!tpu.dma_semaphore, #tpu.memory_space<semaphore_mem>>
        %dma_start3A_38 = arith.constant 0 : i32
        %dma_start3A_39 = tpu.memref_slice %arg3[%mul3A_24, %dma_start3A_38] : memref<1344x128xi32, #tpu.memory_space<hbm>> -> memref<32x128xi32, #tpu.memory_space<hbm>>
        %dma_start3A_40 = arith.constant 0 : i32
        %dma_start3A_41 = tpu.memref_slice %arg3[%mul3A_24, %dma_start3A_40] : memref<1344x128xi32, #tpu.memory_space<hbm>> -> memref<32x128xi32, #tpu.memory_space<hbm>>
        tpu.enqueue_dma source(%dma_start3A_41 : memref<32x128xi32, #tpu.memory_space<hbm>>) target(%arg7 : memref<32x128xi32, #tpu.memory_space<vmem>>) target_semaphore(%run_scoped3A : memref<!tpu.dma_semaphore, #tpu.memory_space<semaphore_mem>>)
        %dma_wait3A = arith.constant 0 : i32
        %dma_wait3A_42 = tpu.memref_slice %arg3[%mul3A_24, %dma_wait3A] : memref<1344x128xi32, #tpu.memory_space<hbm>> -> memref<32x128xi32, #tpu.memory_space<hbm>>
        %dma_wait3A_43 = arith.constant 0 : i32
        %dma_wait3A_44 = tpu.memref_slice %arg3[%mul3A_24, %dma_wait3A_43] : memref<1344x128xi32, #tpu.memory_space<hbm>> -> memref<32x128xi32, #tpu.memory_space<hbm>>
        tpu.wait_dma2 semaphore(%run_scoped3A : memref<!tpu.dma_semaphore, #tpu.memory_space<semaphore_mem>>) src(%dma_wait3A_44 : memref<32x128xi32, #tpu.memory_space<hbm>>) dst(%arg7 : memref<32x128xi32, #tpu.memory_space<vmem>>)
        tpu.yield
      }) : () -> ()
      "tpu.region"() ({
        %run_scoped3A = tpu.sem_alloc : memref<!tpu.dma_semaphore, #tpu.memory_space<semaphore_mem>>
        %dma_start3A_38 = arith.constant 0 : i32
        %dma_start3A_39 = tpu.memref_slice %arg4[%mul3A_24, %dma_start3A_38] : memref<1344x128xi32, #tpu.memory_space<hbm>> -> memref<32x128xi32, #tpu.memory_space<hbm>>
        %dma_start3A_40 = arith.constant 0 : i32
        %dma_start3A_41 = tpu.memref_slice %arg4[%mul3A_24, %dma_start3A_40] : memref<1344x128xi32, #tpu.memory_space<hbm>> -> memref<32x128xi32, #tpu.memory_space<hbm>>
        tpu.enqueue_dma source(%dma_start3A_41 : memref<32x128xi32, #tpu.memory_space<hbm>>) target(%arg8 : memref<32x128xi32, #tpu.memory_space<vmem>>) target_semaphore(%run_scoped3A : memref<!tpu.dma_semaphore, #tpu.memory_space<semaphore_mem>>)
        %dma_wait3A = arith.constant 0 : i32
        %dma_wait3A_42 = tpu.memref_slice %arg4[%mul3A_24, %dma_wait3A] : memref<1344x128xi32, #tpu.memory_space<hbm>> -> memref<32x128xi32, #tpu.memory_space<hbm>>
        %dma_wait3A_43 = arith.constant 0 : i32
        %dma_wait3A_44 = tpu.memref_slice %arg4[%mul3A_24, %dma_wait3A_43] : memref<1344x128xi32, #tpu.memory_space<hbm>> -> memref<32x128xi32, #tpu.memory_space<hbm>>
        tpu.wait_dma2 semaphore(%run_scoped3A : memref<!tpu.dma_semaphore, #tpu.memory_space<semaphore_mem>>) src(%dma_wait3A_44 : memref<32x128xi32, #tpu.memory_space<hbm>>) dst(%arg8 : memref<32x128xi32, #tpu.memory_space<vmem>>)
        tpu.yield
      }) : () -> ()
      %dma_start3A = arith.constant 0 : i32
      %dma_start3A_25 = arith.constant 0 : i32
      %dma_start3A_26 = tpu.memref_slice %arg7[%dma_start3A, %dma_start3A_25] : memref<32x128xi32, #tpu.memory_space<vmem>> -> memref<1x128xi32, #tpu.memory_space<vmem>>
      %dma_start3A_27 = tpu.memref_squeeze %dma_start3A_26 : memref<1x128xi32, #tpu.memory_space<vmem>> -> memref<128xi32, #tpu.memory_space<vmem>>
      %dma_start3A_28 = arith.constant 0 : i32
      %dma_start3A_29 = arith.constant 0 : i32
      %dma_start3A_30 = tpu.memref_slice %arg2[%dma_start3A_28, %dma_start3A_29] : memref<10000x128xf32, #tpu.memory_space<hbm>> -> memref<10000x128xf32, #tpu.memory_space<hbm>>
      tpu.enqueue_indirect_dma source(%dma_start3A_30 : memref<10000x128xf32, #tpu.memory_space<hbm>>) target(%arg9 : memref<128x128xf32, #tpu.memory_space<vmem>>) offsets(%dma_start3A_27 : memref<128xi32, #tpu.memory_space<vmem>>) semaphore(%arg12 : memref<!tpu.dma_semaphore, #tpu.memory_space<semaphore_mem>>)
      %dma_start3A_31 = arith.constant 1 : i32
      %dma_start3A_32 = arith.constant 0 : i32
      %dma_start3A_33 = tpu.memref_slice %arg7[%dma_start3A_31, %dma_start3A_32] : memref<32x128xi32, #tpu.memory_space<vmem>> -> memref<1x128xi32, #tpu.memory_space<vmem>>
      %dma_start3A_34 = tpu.memref_squeeze %dma_start3A_33 : memref<1x128xi32, #tpu.memory_space<vmem>> -> memref<128xi32, #tpu.memory_space<vmem>>
      %dma_start3A_35 = arith.constant 0 : i32
      %dma_start3A_36 = arith.constant 0 : i32
      %dma_start3A_37 = tpu.memref_slice %arg2[%dma_start3A_35, %dma_start3A_36] : memref<10000x128xf32, #tpu.memory_space<hbm>> -> memref<10000x128xf32, #tpu.memory_space<hbm>>
      tpu.enqueue_indirect_dma source(%dma_start3A_37 : memref<10000x128xf32, #tpu.memory_space<hbm>>) target(%arg10 : memref<128x128xf32, #tpu.memory_space<vmem>>) offsets(%dma_start3A_34 : memref<128xi32, #tpu.memory_space<vmem>>) semaphore(%arg13 : memref<!tpu.dma_semaphore, #tpu.memory_space<semaphore_mem>>)
    } else {
    }
    %eq3A_3 = arith.constant 0 : i32
    %eq3A_4 = arith.cmpi eq, %arg0, %eq3A_3 : i32
    %convert_element_type3A_5 = arith.extui %eq3A_4 : i1 to i32
    %cond3A_6 = arith.constant 0 : i32
    %cond3A_7 = arith.cmpi ne, %convert_element_type3A_5, %cond3A_6 : i32
    scf.if %cond3A_7 {
      %mul3A_23 = arith.constant 16 : i32
      %mul3A_24 = arith.muli %arg1, %mul3A_23 : i32
      %add3A = arith.constant 1024 : i32
      %add3A_25 = arith.addi %add3A, %mul3A_24 : i32
      "tpu.region"() ({
        %run_scoped3A = tpu.sem_alloc : memref<!tpu.dma_semaphore, #tpu.memory_space<semaphore_mem>>
        %dma_start3A_39 = arith.constant 0 : i32
        %dma_start3A_40 = tpu.memref_slice %arg3[%add3A_25, %dma_start3A_39] : memref<1344x128xi32, #tpu.memory_space<hbm>> -> memref<32x128xi32, #tpu.memory_space<hbm>>
        %dma_start3A_41 = arith.constant 0 : i32
        %dma_start3A_42 = tpu.memref_slice %arg3[%add3A_25, %dma_start3A_41] : memref<1344x128xi32, #tpu.memory_space<hbm>> -> memref<32x128xi32, #tpu.memory_space<hbm>>
        tpu.enqueue_dma source(%dma_start3A_42 : memref<32x128xi32, #tpu.memory_space<hbm>>) target(%arg7 : memref<32x128xi32, #tpu.memory_space<vmem>>) target_semaphore(%run_scoped3A : memref<!tpu.dma_semaphore, #tpu.memory_space<semaphore_mem>>)
        %dma_wait3A = arith.constant 0 : i32
        %dma_wait3A_43 = tpu.memref_slice %arg3[%add3A_25, %dma_wait3A] : memref<1344x128xi32, #tpu.memory_space<hbm>> -> memref<32x128xi32, #tpu.memory_space<hbm>>
        %dma_wait3A_44 = arith.constant 0 : i32
        %dma_wait3A_45 = tpu.memref_slice %arg3[%add3A_25, %dma_wait3A_44] : memref<1344x128xi32, #tpu.memory_space<hbm>> -> memref<32x128xi32, #tpu.memory_space<hbm>>
        tpu.wait_dma2 semaphore(%run_scoped3A : memref<!tpu.dma_semaphore, #tpu.memory_space<semaphore_mem>>) src(%dma_wait3A_45 : memref<32x128xi32, #tpu.memory_space<hbm>>) dst(%arg7 : memref<32x128xi32, #tpu.memory_space<vmem>>)
        tpu.yield
      }) : () -> ()
      "tpu.region"() ({
        %run_scoped3A = tpu.sem_alloc : memref<!tpu.dma_semaphore, #tpu.memory_space<semaphore_mem>>
        %dma_start3A_39 = arith.constant 0 : i32
        %dma_start3A_40 = tpu.memref_slice %arg4[%add3A_25, %dma_start3A_39] : memref<1344x128xi32, #tpu.memory_space<hbm>> -> memref<32x128xi32, #tpu.memory_space<hbm>>
        %dma_start3A_41 = arith.constant 0 : i32
        %dma_start3A_42 = tpu.memref_slice %arg4[%add3A_25, %dma_start3A_41] : memref<1344x128xi32, #tpu.memory_space<hbm>> -> memref<32x128xi32, #tpu.memory_space<hbm>>
        tpu.enqueue_dma source(%dma_start3A_42 : memref<32x128xi32, #tpu.memory_space<hbm>>) target(%arg8 : memref<32x128xi32, #tpu.memory_space<vmem>>) target_semaphore(%run_scoped3A : memref<!tpu.dma_semaphore, #tpu.memory_space<semaphore_mem>>)
        %dma_wait3A = arith.constant 0 : i32
        %dma_wait3A_43 = tpu.memref_slice %arg4[%add3A_25, %dma_wait3A] : memref<1344x128xi32, #tpu.memory_space<hbm>> -> memref<32x128xi32, #tpu.memory_space<hbm>>
        %dma_wait3A_44 = arith.constant 0 : i32
        %dma_wait3A_45 = tpu.memref_slice %arg4[%add3A_25, %dma_wait3A_44] : memref<1344x128xi32, #tpu.memory_space<hbm>> -> memref<32x128xi32, #tpu.memory_space<hbm>>
        tpu.wait_dma2 semaphore(%run_scoped3A : memref<!tpu.dma_semaphore, #tpu.memory_space<semaphore_mem>>) src(%dma_wait3A_45 : memref<32x128xi32, #tpu.memory_space<hbm>>) dst(%arg8 : memref<32x128xi32, #tpu.memory_space<vmem>>)
        tpu.yield
      }) : () -> ()
      %dma_start3A = arith.constant 0 : i32
      %dma_start3A_26 = arith.constant 0 : i32
      %dma_start3A_27 = tpu.memref_slice %arg7[%dma_start3A, %dma_start3A_26] : memref<32x128xi32, #tpu.memory_space<vmem>> -> memref<1x128xi32, #tpu.memory_space<vmem>>
      %dma_start3A_28 = tpu.memref_squeeze %dma_start3A_27 : memref<1x128xi32, #tpu.memory_space<vmem>> -> memref<128xi32, #tpu.memory_space<vmem>>
      %dma_start3A_29 = arith.constant 0 : i32
      %dma_start3A_30 = arith.constant 0 : i32
      %dma_start3A_31 = tpu.memref_slice %arg2[%dma_start3A_29, %dma_start3A_30] : memref<10000x128xf32, #tpu.memory_space<hbm>> -> memref<10000x128xf32, #tpu.memory_space<hbm>>
      tpu.enqueue_indirect_dma source(%dma_start3A_31 : memref<10000x128xf32, #tpu.memory_space<hbm>>) target(%arg9 : memref<128x128xf32, #tpu.memory_space<vmem>>) offsets(%dma_start3A_28 : memref<128xi32, #tpu.memory_space<vmem>>) semaphore(%arg12 : memref<!tpu.dma_semaphore, #tpu.memory_space<semaphore_mem>>)
      %dma_start3A_32 = arith.constant 1 : i32
      %dma_start3A_33 = arith.constant 0 : i32
      %dma_start3A_34 = tpu.memref_slice %arg7[%dma_start3A_32, %dma_start3A_33] : memref<32x128xi32, #tpu.memory_space<vmem>> -> memref<1x128xi32, #tpu.memory_space<vmem>>
      %dma_start3A_35 = tpu.memref_squeeze %dma_start3A_34 : memref<1x128xi32, #tpu.memory_space<vmem>> -> memref<128xi32, #tpu.memory_space<vmem>>
      %dma_start3A_36 = arith.constant 0 : i32
      %dma_start3A_37 = arith.constant 0 : i32
      %dma_start3A_38 = tpu.memref_slice %arg2[%dma_start3A_36, %dma_start3A_37] : memref<10000x128xf32, #tpu.memory_space<hbm>> -> memref<10000x128xf32, #tpu.memory_space<hbm>>
      tpu.enqueue_indirect_dma source(%dma_start3A_38 : memref<10000x128xf32, #tpu.memory_space<hbm>>) target(%arg10 : memref<128x128xf32, #tpu.memory_space<vmem>>) offsets(%dma_start3A_35 : memref<128xi32, #tpu.memory_space<vmem>>) semaphore(%arg13 : memref<!tpu.dma_semaphore, #tpu.memory_space<semaphore_mem>>)
    } else {
    }
    %barrier3A = arith.constant 0 : index
    tpu.barrier barrier_id(%barrier3A)
    %eq3A_8 = arith.constant 1 : i32
    %eq3A_9 = arith.cmpi eq, %arg0, %eq3A_8 : i32
    %convert_element_type3A_10 = arith.extui %eq3A_9 : i1 to i32
    %cond3A_11 = arith.constant 0 : i32
    %cond3A_12 = arith.cmpi ne, %convert_element_type3A_10, %cond3A_11 : i32
    scf.if %cond3A_12 {
      %scan3A = arith.constant 0 : i32
      %scan3A_23 = arith.constant 15 : i32
      %scan3A_24 = arith.addi %scan3A, %scan3A_23 : i32
      %scan3A_25 = arith.constant 1 : i32
      scf.for %scan3A_131 = %scan3A to %scan3A_24 step %scan3A_25  : i32 {
        %mul3A_132 = arith.constant 1 : i32
        %mul3A_133 = arith.muli %scan3A_131, %mul3A_132 : i32
        %add3A_134 = arith.constant 0 : i32
        %add3A_135 = arith.addi %add3A_134, %mul3A_133 : i32
        %mul3A_136 = arith.constant 2 : i32
        %mul3A_137 = arith.muli %add3A_135, %mul3A_136 : i32
        %add3A_138 = arith.constant 0 : i32
        %add3A_139 = arith.addi %mul3A_137, %add3A_138 : i32
        %dma_wait3A_140 = arith.constant 0 : i32
        %dma_wait3A_141 = tpu.memref_slice %arg7[%add3A_139, %dma_wait3A_140] : memref<32x128xi32, #tpu.memory_space<vmem>> -> memref<1x128xi32, #tpu.memory_space<vmem>>
        %dma_wait3A_142 = tpu.memref_squeeze %dma_wait3A_141 : memref<1x128xi32, #tpu.memory_space<vmem>> -> memref<128xi32, #tpu.memory_space<vmem>>
        %dma_wait3A_143 = arith.constant 0 : i32
        %dma_wait3A_144 = arith.constant 0 : i32
        %dma_wait3A_145 = tpu.memref_slice %arg2[%dma_wait3A_143, %dma_wait3A_144] : memref<10000x128xf32, #tpu.memory_space<hbm>> -> memref<10000x128xf32, #tpu.memory_space<hbm>>
        tpu.wait_indirect_dma semaphore(%arg12 : memref<!tpu.dma_semaphore, #tpu.memory_space<semaphore_mem>>) src(%dma_wait3A_145 : memref<10000x128xf32, #tpu.memory_space<hbm>>) dst(%arg9 : memref<128x128xf32, #tpu.memory_space<vmem>>)
        %add3A_146 = arith.constant 0 : i32
        %add3A_147 = arith.addi %mul3A_137, %add3A_146 : i32
        %dma_start3A_148 = arith.constant 0 : i32
        %dma_start3A_149 = tpu.memref_slice %arg8[%add3A_147, %dma_start3A_148] : memref<32x128xi32, #tpu.memory_space<vmem>> -> memref<1x128xi32, #tpu.memory_space<vmem>>
        %dma_start3A_150 = tpu.memref_squeeze %dma_start3A_149 : memref<1x128xi32, #tpu.memory_space<vmem>> -> memref<128xi32, #tpu.memory_space<vmem>>
        %dma_start3A_151 = arith.constant 0 : i32
        %dma_start3A_152 = arith.constant 0 : i32
        %dma_start3A_153 = tpu.memref_slice %arg11[%dma_start3A_151, %dma_start3A_152] : memref<10112x128xf32, #tpu.memory_space<vmem_shared>> -> memref<10112x128xf32, #tpu.memory_space<vmem_shared>>
        tpu.enqueue_indirect_dma source(%arg9 : memref<128x128xf32, #tpu.memory_space<vmem>>) target(%dma_start3A_153 : memref<10112x128xf32, #tpu.memory_space<vmem_shared>>) offsets(%dma_start3A_150 : memref<128xi32, #tpu.memory_space<vmem>>) semaphore(%arg14 : memref<!tpu.dma_semaphore, #tpu.memory_space<semaphore_mem>>) {add = true}
        %add3A_154 = arith.constant 1 : i32
        %add3A_155 = arith.addi %mul3A_137, %add3A_154 : i32
        %dma_wait3A_156 = arith.constant 0 : i32
        %dma_wait3A_157 = tpu.memref_slice %arg7[%add3A_155, %dma_wait3A_156] : memref<32x128xi32, #tpu.memory_space<vmem>> -> memref<1x128xi32, #tpu.memory_space<vmem>>
        %dma_wait3A_158 = tpu.memref_squeeze %dma_wait3A_157 : memref<1x128xi32, #tpu.memory_space<vmem>> -> memref<128xi32, #tpu.memory_space<vmem>>
        %dma_wait3A_159 = arith.constant 0 : i32
        %dma_wait3A_160 = arith.constant 0 : i32
        %dma_wait3A_161 = tpu.memref_slice %arg2[%dma_wait3A_159, %dma_wait3A_160] : memref<10000x128xf32, #tpu.memory_space<hbm>> -> memref<10000x128xf32, #tpu.memory_space<hbm>>
        tpu.wait_indirect_dma semaphore(%arg13 : memref<!tpu.dma_semaphore, #tpu.memory_space<semaphore_mem>>) src(%dma_wait3A_161 : memref<10000x128xf32, #tpu.memory_space<hbm>>) dst(%arg10 : memref<128x128xf32, #tpu.memory_space<vmem>>)
        %add3A_162 = arith.constant 1 : i32
        %add3A_163 = arith.addi %mul3A_137, %add3A_162 : i32
        %dma_start3A_164 = arith.constant 0 : i32
        %dma_start3A_165 = tpu.memref_slice %arg8[%add3A_163, %dma_start3A_164] : memref<32x128xi32, #tpu.memory_space<vmem>> -> memref<1x128xi32, #tpu.memory_space<vmem>>
        %dma_start3A_166 = tpu.memref_squeeze %dma_start3A_165 : memref<1x128xi32, #tpu.memory_space<vmem>> -> memref<128xi32, #tpu.memory_space<vmem>>
        %dma_start3A_167 = arith.constant 0 : i32
        %dma_start3A_168 = arith.constant 0 : i32
        %dma_start3A_169 = tpu.memref_slice %arg11[%dma_start3A_167, %dma_start3A_168] : memref<10112x128xf32, #tpu.memory_space<vmem_shared>> -> memref<10112x128xf32, #tpu.memory_space<vmem_shared>>
        tpu.enqueue_indirect_dma source(%arg10 : memref<128x128xf32, #tpu.memory_space<vmem>>) target(%dma_start3A_169 : memref<10112x128xf32, #tpu.memory_space<vmem_shared>>) offsets(%dma_start3A_166 : memref<128xi32, #tpu.memory_space<vmem>>) semaphore(%arg15 : memref<!tpu.dma_semaphore, #tpu.memory_space<semaphore_mem>>) {add = true}
        %add3A_170 = arith.constant 0 : i32
        %add3A_171 = arith.addi %mul3A_137, %add3A_170 : i32
        %dma_wait3A_172 = arith.constant 0 : i32
        %dma_wait3A_173 = tpu.memref_slice %arg8[%add3A_171, %dma_wait3A_172] : memref<32x128xi32, #tpu.memory_space<vmem>> -> memref<1x128xi32, #tpu.memory_space<vmem>>
        %dma_wait3A_174 = tpu.memref_squeeze %dma_wait3A_173 : memref<1x128xi32, #tpu.memory_space<vmem>> -> memref<128xi32, #tpu.memory_space<vmem>>
        %dma_wait3A_175 = arith.constant 0 : i32
        %dma_wait3A_176 = arith.constant 0 : i32
        %dma_wait3A_177 = tpu.memref_slice %arg11[%dma_wait3A_175, %dma_wait3A_176] : memref<10112x128xf32, #tpu.memory_space<vmem_shared>> -> memref<10112x128xf32, #tpu.memory_space<vmem_shared>>
        tpu.wait_indirect_dma semaphore(%arg14 : memref<!tpu.dma_semaphore, #tpu.memory_space<semaphore_mem>>) src(%arg9 : memref<128x128xf32, #tpu.memory_space<vmem>>) dst(%dma_wait3A_177 : memref<10112x128xf32, #tpu.memory_space<vmem_shared>>)
        %add3A_178 = arith.constant 2 : i32
        %add3A_179 = arith.addi %mul3A_137, %add3A_178 : i32
        %add3A_180 = arith.constant 0 : i32
        %add3A_181 = arith.addi %add3A_179, %add3A_180 : i32
        %dma_start3A_182 = arith.constant 0 : i32
        %dma_start3A_183 = tpu.memref_slice %arg7[%add3A_181, %dma_start3A_182] : memref<32x128xi32, #tpu.memory_space<vmem>> -> memref<1x128xi32, #tpu.memory_space<vmem>>
        %dma_start3A_184 = tpu.memref_squeeze %dma_start3A_183 : memref<1x128xi32, #tpu.memory_space<vmem>> -> memref<128xi32, #tpu.memory_space<vmem>>
        %dma_start3A_185 = arith.constant 0 : i32
        %dma_start3A_186 = arith.constant 0 : i32
        %dma_start3A_187 = tpu.memref_slice %arg2[%dma_start3A_185, %dma_start3A_186] : memref<10000x128xf32, #tpu.memory_space<hbm>> -> memref<10000x128xf32, #tpu.memory_space<hbm>>
        tpu.enqueue_indirect_dma source(%dma_start3A_187 : memref<10000x128xf32, #tpu.memory_space<hbm>>) target(%arg9 : memref<128x128xf32, #tpu.memory_space<vmem>>) offsets(%dma_start3A_184 : memref<128xi32, #tpu.memory_space<vmem>>) semaphore(%arg12 : memref<!tpu.dma_semaphore, #tpu.memory_space<semaphore_mem>>)
        %add3A_188 = arith.constant 1 : i32
        %add3A_189 = arith.addi %mul3A_137, %add3A_188 : i32
        %dma_wait3A_190 = arith.constant 0 : i32
        %dma_wait3A_191 = tpu.memref_slice %arg8[%add3A_189, %dma_wait3A_190] : memref<32x128xi32, #tpu.memory_space<vmem>> -> memref<1x128xi32, #tpu.memory_space<vmem>>
        %dma_wait3A_192 = tpu.memref_squeeze %dma_wait3A_191 : memref<1x128xi32, #tpu.memory_space<vmem>> -> memref<128xi32, #tpu.memory_space<vmem>>
        %dma_wait3A_193 = arith.constant 0 : i32
        %dma_wait3A_194 = arith.constant 0 : i32
        %dma_wait3A_195 = tpu.memref_slice %arg11[%dma_wait3A_193, %dma_wait3A_194] : memref<10112x128xf32, #tpu.memory_space<vmem_shared>> -> memref<10112x128xf32, #tpu.memory_space<vmem_shared>>
        tpu.wait_indirect_dma semaphore(%arg15 : memref<!tpu.dma_semaphore, #tpu.memory_space<semaphore_mem>>) src(%arg10 : memref<128x128xf32, #tpu.memory_space<vmem>>) dst(%dma_wait3A_195 : memref<10112x128xf32, #tpu.memory_space<vmem_shared>>)
        %add3A_196 = arith.constant 2 : i32
        %add3A_197 = arith.addi %mul3A_137, %add3A_196 : i32
        %add3A_198 = arith.constant 1 : i32
        %add3A_199 = arith.addi %add3A_197, %add3A_198 : i32
        %dma_start3A_200 = arith.constant 0 : i32
        %dma_start3A_201 = tpu.memref_slice %arg7[%add3A_199, %dma_start3A_200] : memref<32x128xi32, #tpu.memory_space<vmem>> -> memref<1x128xi32, #tpu.memory_space<vmem>>
        %dma_start3A_202 = tpu.memref_squeeze %dma_start3A_201 : memref<1x128xi32, #tpu.memory_space<vmem>> -> memref<128xi32, #tpu.memory_space<vmem>>
        %dma_start3A_203 = arith.constant 0 : i32
        %dma_start3A_204 = arith.constant 0 : i32
        %dma_start3A_205 = tpu.memref_slice %arg2[%dma_start3A_203, %dma_start3A_204] : memref<10000x128xf32, #tpu.memory_space<hbm>> -> memref<10000x128xf32, #tpu.memory_space<hbm>>
        tpu.enqueue_indirect_dma source(%dma_start3A_205 : memref<10000x128xf32, #tpu.memory_space<hbm>>) target(%arg10 : memref<128x128xf32, #tpu.memory_space<vmem>>) offsets(%dma_start3A_202 : memref<128xi32, #tpu.memory_space<vmem>>) semaphore(%arg13 : memref<!tpu.dma_semaphore, #tpu.memory_space<semaphore_mem>>)
      }
      %scan3A_26 = arith.constant 15 : i32
      %dma_wait3A = arith.constant 30 : i32
      %dma_wait3A_27 = arith.constant 0 : i32
      %dma_wait3A_28 = tpu.memref_slice %arg7[%dma_wait3A, %dma_wait3A_27] : memref<32x128xi32, #tpu.memory_space<vmem>> -> memref<1x128xi32, #tpu.memory_space<vmem>>
      %dma_wait3A_29 = tpu.memref_squeeze %dma_wait3A_28 : memref<1x128xi32, #tpu.memory_space<vmem>> -> memref<128xi32, #tpu.memory_space<vmem>>
      %dma_wait3A_30 = arith.constant 0 : i32
      %dma_wait3A_31 = arith.constant 0 : i32
      %dma_wait3A_32 = tpu.memref_slice %arg2[%dma_wait3A_30, %dma_wait3A_31] : memref<10000x128xf32, #tpu.memory_space<hbm>> -> memref<10000x128xf32, #tpu.memory_space<hbm>>
      tpu.wait_indirect_dma semaphore(%arg12 : memref<!tpu.dma_semaphore, #tpu.memory_space<semaphore_mem>>) src(%dma_wait3A_32 : memref<10000x128xf32, #tpu.memory_space<hbm>>) dst(%arg9 : memref<128x128xf32, #tpu.memory_space<vmem>>)
      %dma_start3A = arith.constant 30 : i32
      %dma_start3A_33 = arith.constant 0 : i32
      %dma_start3A_34 = tpu.memref_slice %arg8[%dma_start3A, %dma_start3A_33] : memref<32x128xi32, #tpu.memory_space<vmem>> -> memref<1x128xi32, #tpu.memory_space<vmem>>
      %dma_start3A_35 = tpu.memref_squeeze %dma_start3A_34 : memref<1x128xi32, #tpu.memory_space<vmem>> -> memref<128xi32, #tpu.memory_space<vmem>>
      %dma_start3A_36 = arith.constant 0 : i32
      %dma_start3A_37 = arith.constant 0 : i32
      %dma_start3A_38 = tpu.memref_slice %arg11[%dma_start3A_36, %dma_start3A_37] : memref<10112x128xf32, #tpu.memory_space<vmem_shared>> -> memref<10112x128xf32, #tpu.memory_space<vmem_shared>>
      tpu.enqueue_indirect_dma source(%arg9 : memref<128x128xf32, #tpu.memory_space<vmem>>) target(%dma_start3A_38 : memref<10112x128xf32, #tpu.memory_space<vmem_shared>>) offsets(%dma_start3A_35 : memref<128xi32, #tpu.memory_space<vmem>>) semaphore(%arg14 : memref<!tpu.dma_semaphore, #tpu.memory_space<semaphore_mem>>) {add = true}
      %dma_wait3A_39 = arith.constant 31 : i32
      %dma_wait3A_40 = arith.constant 0 : i32
      %dma_wait3A_41 = tpu.memref_slice %arg7[%dma_wait3A_39, %dma_wait3A_40] : memref<32x128xi32, #tpu.memory_space<vmem>> -> memref<1x128xi32, #tpu.memory_space<vmem>>
      %dma_wait3A_42 = tpu.memref_squeeze %dma_wait3A_41 : memref<1x128xi32, #tpu.memory_space<vmem>> -> memref<128xi32, #tpu.memory_space<vmem>>
      %dma_wait3A_43 = arith.constant 0 : i32
      %dma_wait3A_44 = arith.constant 0 : i32
      %dma_wait3A_45 = tpu.memref_slice %arg2[%dma_wait3A_43, %dma_wait3A_44] : memref<10000x128xf32, #tpu.memory_space<hbm>> -> memref<10000x128xf32, #tpu.memory_space<hbm>>
      tpu.wait_indirect_dma semaphore(%arg13 : memref<!tpu.dma_semaphore, #tpu.memory_space<semaphore_mem>>) src(%dma_wait3A_45 : memref<10000x128xf32, #tpu.memory_space<hbm>>) dst(%arg10 : memref<128x128xf32, #tpu.memory_space<vmem>>)
      %dma_start3A_46 = arith.constant 31 : i32
      %dma_start3A_47 = arith.constant 0 : i32
      %dma_start3A_48 = tpu.memref_slice %arg8[%dma_start3A_46, %dma_start3A_47] : memref<32x128xi32, #tpu.memory_space<vmem>> -> memref<1x128xi32, #tpu.memory_space<vmem>>
      %dma_start3A_49 = tpu.memref_squeeze %dma_start3A_48 : memref<1x128xi32, #tpu.memory_space<vmem>> -> memref<128xi32, #tpu.memory_space<vmem>>
      %dma_start3A_50 = arith.constant 0 : i32
      %dma_start3A_51 = arith.constant 0 : i32
      %dma_start3A_52 = tpu.memref_slice %arg11[%dma_start3A_50, %dma_start3A_51] : memref<10112x128xf32, #tpu.memory_space<vmem_shared>> -> memref<10112x128xf32, #tpu.memory_space<vmem_shared>>
      tpu.enqueue_indirect_dma source(%arg10 : memref<128x128xf32, #tpu.memory_space<vmem>>) target(%dma_start3A_52 : memref<10112x128xf32, #tpu.memory_space<vmem_shared>>) offsets(%dma_start3A_49 : memref<128xi32, #tpu.memory_space<vmem>>) semaphore(%arg15 : memref<!tpu.dma_semaphore, #tpu.memory_space<semaphore_mem>>) {add = true}
      %dma_wait3A_53 = arith.constant 30 : i32
      %dma_wait3A_54 = arith.constant 0 : i32
      %dma_wait3A_55 = tpu.memref_slice %arg8[%dma_wait3A_53, %dma_wait3A_54] : memref<32x128xi32, #tpu.memory_space<vmem>> -> memref<1x128xi32, #tpu.memory_space<vmem>>
      %dma_wait3A_56 = tpu.memref_squeeze %dma_wait3A_55 : memref<1x128xi32, #tpu.memory_space<vmem>> -> memref<128xi32, #tpu.memory_space<vmem>>
      %dma_wait3A_57 = arith.constant 0 : i32
      %dma_wait3A_58 = arith.constant 0 : i32
      %dma_wait3A_59 = tpu.memref_slice %arg11[%dma_wait3A_57, %dma_wait3A_58] : memref<10112x128xf32, #tpu.memory_space<vmem_shared>> -> memref<10112x128xf32, #tpu.memory_space<vmem_shared>>
      tpu.wait_indirect_dma semaphore(%arg14 : memref<!tpu.dma_semaphore, #tpu.memory_space<semaphore_mem>>) src(%arg9 : memref<128x128xf32, #tpu.memory_space<vmem>>) dst(%dma_wait3A_59 : memref<10112x128xf32, #tpu.memory_space<vmem_shared>>)
      %dma_wait3A_60 = arith.constant 31 : i32
      %dma_wait3A_61 = arith.constant 0 : i32
      %dma_wait3A_62 = tpu.memref_slice %arg8[%dma_wait3A_60, %dma_wait3A_61] : memref<32x128xi32, #tpu.memory_space<vmem>> -> memref<1x128xi32, #tpu.memory_space<vmem>>
      %dma_wait3A_63 = tpu.memref_squeeze %dma_wait3A_62 : memref<1x128xi32, #tpu.memory_space<vmem>> -> memref<128xi32, #tpu.memory_space<vmem>>
      %dma_wait3A_64 = arith.constant 0 : i32
      %dma_wait3A_65 = arith.constant 0 : i32
      %dma_wait3A_66 = tpu.memref_slice %arg11[%dma_wait3A_64, %dma_wait3A_65] : memref<10112x128xf32, #tpu.memory_space<vmem_shared>> -> memref<10112x128xf32, #tpu.memory_space<vmem_shared>>
      tpu.wait_indirect_dma semaphore(%arg15 : memref<!tpu.dma_semaphore, #tpu.memory_space<semaphore_mem>>) src(%arg10 : memref<128x128xf32, #tpu.memory_space<vmem>>) dst(%dma_wait3A_66 : memref<10112x128xf32, #tpu.memory_space<vmem_shared>>)
      %mul3A_67 = arith.constant 64 : i32
      %mul3A_68 = arith.muli %arg1, %mul3A_67 : i32
      %add3A = arith.constant 32 : i32
      %add3A_69 = arith.addi %mul3A_68, %add3A : i32
      "tpu.region"() ({
        %run_scoped3A = tpu.sem_alloc : memref<!tpu.dma_semaphore, #tpu.memory_space<semaphore_mem>>
        %dma_start3A_131 = arith.constant 0 : i32
        %dma_start3A_132 = tpu.memref_slice %arg3[%add3A_69, %dma_start3A_131] : memref<1344x128xi32, #tpu.memory_space<hbm>> -> memref<32x128xi32, #tpu.memory_space<hbm>>
        %dma_start3A_133 = arith.constant 0 : i32
        %dma_start3A_134 = tpu.memref_slice %arg3[%add3A_69, %dma_start3A_133] : memref<1344x128xi32, #tpu.memory_space<hbm>> -> memref<32x128xi32, #tpu.memory_space<hbm>>
        tpu.enqueue_dma source(%dma_start3A_134 : memref<32x128xi32, #tpu.memory_space<hbm>>) target(%arg7 : memref<32x128xi32, #tpu.memory_space<vmem>>) target_semaphore(%run_scoped3A : memref<!tpu.dma_semaphore, #tpu.memory_space<semaphore_mem>>)
        %dma_wait3A_135 = arith.constant 0 : i32
        %dma_wait3A_136 = tpu.memref_slice %arg3[%add3A_69, %dma_wait3A_135] : memref<1344x128xi32, #tpu.memory_space<hbm>> -> memref<32x128xi32, #tpu.memory_space<hbm>>
        %dma_wait3A_137 = arith.constant 0 : i32
        %dma_wait3A_138 = tpu.memref_slice %arg3[%add3A_69, %dma_wait3A_137] : memref<1344x128xi32, #tpu.memory_space<hbm>> -> memref<32x128xi32, #tpu.memory_space<hbm>>
        tpu.wait_dma2 semaphore(%run_scoped3A : memref<!tpu.dma_semaphore, #tpu.memory_space<semaphore_mem>>) src(%dma_wait3A_138 : memref<32x128xi32, #tpu.memory_space<hbm>>) dst(%arg7 : memref<32x128xi32, #tpu.memory_space<vmem>>)
        tpu.yield
      }) : () -> ()
      "tpu.region"() ({
        %run_scoped3A = tpu.sem_alloc : memref<!tpu.dma_semaphore, #tpu.memory_space<semaphore_mem>>
        %dma_start3A_131 = arith.constant 0 : i32
        %dma_start3A_132 = tpu.memref_slice %arg4[%add3A_69, %dma_start3A_131] : memref<1344x128xi32, #tpu.memory_space<hbm>> -> memref<32x128xi32, #tpu.memory_space<hbm>>
        %dma_start3A_133 = arith.constant 0 : i32
        %dma_start3A_134 = tpu.memref_slice %arg4[%add3A_69, %dma_start3A_133] : memref<1344x128xi32, #tpu.memory_space<hbm>> -> memref<32x128xi32, #tpu.memory_space<hbm>>
        tpu.enqueue_dma source(%dma_start3A_134 : memref<32x128xi32, #tpu.memory_space<hbm>>) target(%arg8 : memref<32x128xi32, #tpu.memory_space<vmem>>) target_semaphore(%run_scoped3A : memref<!tpu.dma_semaphore, #tpu.memory_space<semaphore_mem>>)
        %dma_wait3A_135 = arith.constant 0 : i32
        %dma_wait3A_136 = tpu.memref_slice %arg4[%add3A_69, %dma_wait3A_135] : memref<1344x128xi32, #tpu.memory_space<hbm>> -> memref<32x128xi32, #tpu.memory_space<hbm>>
        %dma_wait3A_137 = arith.constant 0 : i32
        %dma_wait3A_138 = tpu.memref_slice %arg4[%add3A_69, %dma_wait3A_137] : memref<1344x128xi32, #tpu.memory_space<hbm>> -> memref<32x128xi32, #tpu.memory_space<hbm>>
        tpu.wait_dma2 semaphore(%run_scoped3A : memref<!tpu.dma_semaphore, #tpu.memory_space<semaphore_mem>>) src(%dma_wait3A_138 : memref<32x128xi32, #tpu.memory_space<hbm>>) dst(%arg8 : memref<32x128xi32, #tpu.memory_space<vmem>>)
        tpu.yield
      }) : () -> ()
      %dma_start3A_70 = arith.constant 0 : i32
      %dma_start3A_71 = arith.constant 0 : i32
      %dma_start3A_72 = tpu.memref_slice %arg7[%dma_start3A_70, %dma_start3A_71] : memref<32x128xi32, #tpu.memory_space<vmem>> -> memref<1x128xi32, #tpu.memory_space<vmem>>
      %dma_start3A_73 = tpu.memref_squeeze %dma_start3A_72 : memref<1x128xi32, #tpu.memory_space<vmem>> -> memref<128xi32, #tpu.memory_space<vmem>>
      %dma_start3A_74 = arith.constant 0 : i32
      %dma_start3A_75 = arith.constant 0 : i32
      %dma_start3A_76 = tpu.memref_slice %arg2[%dma_start3A_74, %dma_start3A_75] : memref<10000x128xf32, #tpu.memory_space<hbm>> -> memref<10000x128xf32, #tpu.memory_space<hbm>>
      tpu.enqueue_indirect_dma source(%dma_start3A_76 : memref<10000x128xf32, #tpu.memory_space<hbm>>) target(%arg9 : memref<128x128xf32, #tpu.memory_space<vmem>>) offsets(%dma_start3A_73 : memref<128xi32, #tpu.memory_space<vmem>>) semaphore(%arg12 : memref<!tpu.dma_semaphore, #tpu.memory_space<semaphore_mem>>)
      %dma_start3A_77 = arith.constant 1 : i32
      %dma_start3A_78 = arith.constant 0 : i32
      %dma_start3A_79 = tpu.memref_slice %arg7[%dma_start3A_77, %dma_start3A_78] : memref<32x128xi32, #tpu.memory_space<vmem>> -> memref<1x128xi32, #tpu.memory_space<vmem>>
      %dma_start3A_80 = tpu.memref_squeeze %dma_start3A_79 : memref<1x128xi32, #tpu.memory_space<vmem>> -> memref<128xi32, #tpu.memory_space<vmem>>
      %dma_start3A_81 = arith.constant 0 : i32
      %dma_start3A_82 = arith.constant 0 : i32
      %dma_start3A_83 = tpu.memref_slice %arg2[%dma_start3A_81, %dma_start3A_82] : memref<10000x128xf32, #tpu.memory_space<hbm>> -> memref<10000x128xf32, #tpu.memory_space<hbm>>
      tpu.enqueue_indirect_dma source(%dma_start3A_83 : memref<10000x128xf32, #tpu.memory_space<hbm>>) target(%arg10 : memref<128x128xf32, #tpu.memory_space<vmem>>) offsets(%dma_start3A_80 : memref<128xi32, #tpu.memory_space<vmem>>) semaphore(%arg13 : memref<!tpu.dma_semaphore, #tpu.memory_space<semaphore_mem>>)
      %scan3A_84 = arith.constant 0 : i32
      %scan3A_85 = arith.constant 15 : i32
      %scan3A_86 = arith.addi %scan3A_84, %scan3A_85 : i32
      %scan3A_87 = arith.constant 1 : i32
      scf.for %scan3A_131 = %scan3A_84 to %scan3A_86 step %scan3A_87  : i32 {
        %mul3A_132 = arith.constant 1 : i32
        %mul3A_133 = arith.muli %scan3A_131, %mul3A_132 : i32
        %add3A_134 = arith.constant 0 : i32
        %add3A_135 = arith.addi %add3A_134, %mul3A_133 : i32
        %mul3A_136 = arith.constant 2 : i32
        %mul3A_137 = arith.muli %add3A_135, %mul3A_136 : i32
        %add3A_138 = arith.constant 0 : i32
        %add3A_139 = arith.addi %mul3A_137, %add3A_138 : i32
        %dma_wait3A_140 = arith.constant 0 : i32
        %dma_wait3A_141 = tpu.memref_slice %arg7[%add3A_139, %dma_wait3A_140] : memref<32x128xi32, #tpu.memory_space<vmem>> -> memref<1x128xi32, #tpu.memory_space<vmem>>
        %dma_wait3A_142 = tpu.memref_squeeze %dma_wait3A_141 : memref<1x128xi32, #tpu.memory_space<vmem>> -> memref<128xi32, #tpu.memory_space<vmem>>
        %dma_wait3A_143 = arith.constant 0 : i32
        %dma_wait3A_144 = arith.constant 0 : i32
        %dma_wait3A_145 = tpu.memref_slice %arg2[%dma_wait3A_143, %dma_wait3A_144] : memref<10000x128xf32, #tpu.memory_space<hbm>> -> memref<10000x128xf32, #tpu.memory_space<hbm>>
        tpu.wait_indirect_dma semaphore(%arg12 : memref<!tpu.dma_semaphore, #tpu.memory_space<semaphore_mem>>) src(%dma_wait3A_145 : memref<10000x128xf32, #tpu.memory_space<hbm>>) dst(%arg9 : memref<128x128xf32, #tpu.memory_space<vmem>>)
        %add3A_146 = arith.constant 0 : i32
        %add3A_147 = arith.addi %mul3A_137, %add3A_146 : i32
        %dma_start3A_148 = arith.constant 0 : i32
        %dma_start3A_149 = tpu.memref_slice %arg8[%add3A_147, %dma_start3A_148] : memref<32x128xi32, #tpu.memory_space<vmem>> -> memref<1x128xi32, #tpu.memory_space<vmem>>
        %dma_start3A_150 = tpu.memref_squeeze %dma_start3A_149 : memref<1x128xi32, #tpu.memory_space<vmem>> -> memref<128xi32, #tpu.memory_space<vmem>>
        %dma_start3A_151 = arith.constant 0 : i32
        %dma_start3A_152 = arith.constant 0 : i32
        %dma_start3A_153 = tpu.memref_slice %arg11[%dma_start3A_151, %dma_start3A_152] : memref<10112x128xf32, #tpu.memory_space<vmem_shared>> -> memref<10112x128xf32, #tpu.memory_space<vmem_shared>>
        tpu.enqueue_indirect_dma source(%arg9 : memref<128x128xf32, #tpu.memory_space<vmem>>) target(%dma_start3A_153 : memref<10112x128xf32, #tpu.memory_space<vmem_shared>>) offsets(%dma_start3A_150 : memref<128xi32, #tpu.memory_space<vmem>>) semaphore(%arg14 : memref<!tpu.dma_semaphore, #tpu.memory_space<semaphore_mem>>) {add = true}
        %add3A_154 = arith.constant 1 : i32
        %add3A_155 = arith.addi %mul3A_137, %add3A_154 : i32
        %dma_wait3A_156 = arith.constant 0 : i32
        %dma_wait3A_157 = tpu.memref_slice %arg7[%add3A_155, %dma_wait3A_156] : memref<32x128xi32, #tpu.memory_space<vmem>> -> memref<1x128xi32, #tpu.memory_space<vmem>>
        %dma_wait3A_158 = tpu.memref_squeeze %dma_wait3A_157 : memref<1x128xi32, #tpu.memory_space<vmem>> -> memref<128xi32, #tpu.memory_space<vmem>>
        %dma_wait3A_159 = arith.constant 0 : i32
        %dma_wait3A_160 = arith.constant 0 : i32
        %dma_wait3A_161 = tpu.memref_slice %arg2[%dma_wait3A_159, %dma_wait3A_160] : memref<10000x128xf32, #tpu.memory_space<hbm>> -> memref<10000x128xf32, #tpu.memory_space<hbm>>
        tpu.wait_indirect_dma semaphore(%arg13 : memref<!tpu.dma_semaphore, #tpu.memory_space<semaphore_mem>>) src(%dma_wait3A_161 : memref<10000x128xf32, #tpu.memory_space<hbm>>) dst(%arg10 : memref<128x128xf32, #tpu.memory_space<vmem>>)
        %add3A_162 = arith.constant 1 : i32
        %add3A_163 = arith.addi %mul3A_137, %add3A_162 : i32
        %dma_start3A_164 = arith.constant 0 : i32
        %dma_start3A_165 = tpu.memref_slice %arg8[%add3A_163, %dma_start3A_164] : memref<32x128xi32, #tpu.memory_space<vmem>> -> memref<1x128xi32, #tpu.memory_space<vmem>>
        %dma_start3A_166 = tpu.memref_squeeze %dma_start3A_165 : memref<1x128xi32, #tpu.memory_space<vmem>> -> memref<128xi32, #tpu.memory_space<vmem>>
        %dma_start3A_167 = arith.constant 0 : i32
        %dma_start3A_168 = arith.constant 0 : i32
        %dma_start3A_169 = tpu.memref_slice %arg11[%dma_start3A_167, %dma_start3A_168] : memref<10112x128xf32, #tpu.memory_space<vmem_shared>> -> memref<10112x128xf32, #tpu.memory_space<vmem_shared>>
        tpu.enqueue_indirect_dma source(%arg10 : memref<128x128xf32, #tpu.memory_space<vmem>>) target(%dma_start3A_169 : memref<10112x128xf32, #tpu.memory_space<vmem_shared>>) offsets(%dma_start3A_166 : memref<128xi32, #tpu.memory_space<vmem>>) semaphore(%arg15 : memref<!tpu.dma_semaphore, #tpu.memory_space<semaphore_mem>>) {add = true}
        %add3A_170 = arith.constant 0 : i32
        %add3A_171 = arith.addi %mul3A_137, %add3A_170 : i32
        %dma_wait3A_172 = arith.constant 0 : i32
        %dma_wait3A_173 = tpu.memref_slice %arg8[%add3A_171, %dma_wait3A_172] : memref<32x128xi32, #tpu.memory_space<vmem>> -> memref<1x128xi32, #tpu.memory_space<vmem>>
        %dma_wait3A_174 = tpu.memref_squeeze %dma_wait3A_173 : memref<1x128xi32, #tpu.memory_space<vmem>> -> memref<128xi32, #tpu.memory_space<vmem>>
        %dma_wait3A_175 = arith.constant 0 : i32
        %dma_wait3A_176 = arith.constant 0 : i32
        %dma_wait3A_177 = tpu.memref_slice %arg11[%dma_wait3A_175, %dma_wait3A_176] : memref<10112x128xf32, #tpu.memory_space<vmem_shared>> -> memref<10112x128xf32, #tpu.memory_space<vmem_shared>>
        tpu.wait_indirect_dma semaphore(%arg14 : memref<!tpu.dma_semaphore, #tpu.memory_space<semaphore_mem>>) src(%arg9 : memref<128x128xf32, #tpu.memory_space<vmem>>) dst(%dma_wait3A_177 : memref<10112x128xf32, #tpu.memory_space<vmem_shared>>)
        %add3A_178 = arith.constant 2 : i32
        %add3A_179 = arith.addi %mul3A_137, %add3A_178 : i32
        %add3A_180 = arith.constant 0 : i32
        %add3A_181 = arith.addi %add3A_179, %add3A_180 : i32
        %dma_start3A_182 = arith.constant 0 : i32
        %dma_start3A_183 = tpu.memref_slice %arg7[%add3A_181, %dma_start3A_182] : memref<32x128xi32, #tpu.memory_space<vmem>> -> memref<1x128xi32, #tpu.memory_space<vmem>>
        %dma_start3A_184 = tpu.memref_squeeze %dma_start3A_183 : memref<1x128xi32, #tpu.memory_space<vmem>> -> memref<128xi32, #tpu.memory_space<vmem>>
        %dma_start3A_185 = arith.constant 0 : i32
        %dma_start3A_186 = arith.constant 0 : i32
        %dma_start3A_187 = tpu.memref_slice %arg2[%dma_start3A_185, %dma_start3A_186] : memref<10000x128xf32, #tpu.memory_space<hbm>> -> memref<10000x128xf32, #tpu.memory_space<hbm>>
        tpu.enqueue_indirect_dma source(%dma_start3A_187 : memref<10000x128xf32, #tpu.memory_space<hbm>>) target(%arg9 : memref<128x128xf32, #tpu.memory_space<vmem>>) offsets(%dma_start3A_184 : memref<128xi32, #tpu.memory_space<vmem>>) semaphore(%arg12 : memref<!tpu.dma_semaphore, #tpu.memory_space<semaphore_mem>>)
        %add3A_188 = arith.constant 1 : i32
        %add3A_189 = arith.addi %mul3A_137, %add3A_188 : i32
        %dma_wait3A_190 = arith.constant 0 : i32
        %dma_wait3A_191 = tpu.memref_slice %arg8[%add3A_189, %dma_wait3A_190] : memref<32x128xi32, #tpu.memory_space<vmem>> -> memref<1x128xi32, #tpu.memory_space<vmem>>
        %dma_wait3A_192 = tpu.memref_squeeze %dma_wait3A_191 : memref<1x128xi32, #tpu.memory_space<vmem>> -> memref<128xi32, #tpu.memory_space<vmem>>
        %dma_wait3A_193 = arith.constant 0 : i32
        %dma_wait3A_194 = arith.constant 0 : i32
        %dma_wait3A_195 = tpu.memref_slice %arg11[%dma_wait3A_193, %dma_wait3A_194] : memref<10112x128xf32, #tpu.memory_space<vmem_shared>> -> memref<10112x128xf32, #tpu.memory_space<vmem_shared>>
        tpu.wait_indirect_dma semaphore(%arg15 : memref<!tpu.dma_semaphore, #tpu.memory_space<semaphore_mem>>) src(%arg10 : memref<128x128xf32, #tpu.memory_space<vmem>>) dst(%dma_wait3A_195 : memref<10112x128xf32, #tpu.memory_space<vmem_shared>>)
        %add3A_196 = arith.constant 2 : i32
        %add3A_197 = arith.addi %mul3A_137, %add3A_196 : i32
        %add3A_198 = arith.constant 1 : i32
        %add3A_199 = arith.addi %add3A_197, %add3A_198 : i32
        %dma_start3A_200 = arith.constant 0 : i32
        %dma_start3A_201 = tpu.memref_slice %arg7[%add3A_199, %dma_start3A_200] : memref<32x128xi32, #tpu.memory_space<vmem>> -> memref<1x128xi32, #tpu.memory_space<vmem>>
        %dma_start3A_202 = tpu.memref_squeeze %dma_start3A_201 : memref<1x128xi32, #tpu.memory_space<vmem>> -> memref<128xi32, #tpu.memory_space<vmem>>
        %dma_start3A_203 = arith.constant 0 : i32
        %dma_start3A_204 = arith.constant 0 : i32
        %dma_start3A_205 = tpu.memref_slice %arg2[%dma_start3A_203, %dma_start3A_204] : memref<10000x128xf32, #tpu.memory_space<hbm>> -> memref<10000x128xf32, #tpu.memory_space<hbm>>
        tpu.enqueue_indirect_dma source(%dma_start3A_205 : memref<10000x128xf32, #tpu.memory_space<hbm>>) target(%arg10 : memref<128x128xf32, #tpu.memory_space<vmem>>) offsets(%dma_start3A_202 : memref<128xi32, #tpu.memory_space<vmem>>) semaphore(%arg13 : memref<!tpu.dma_semaphore, #tpu.memory_space<semaphore_mem>>)
      }
      %scan3A_88 = arith.constant 15 : i32
      %dma_wait3A_89 = arith.constant 30 : i32
      %dma_wait3A_90 = arith.constant 0 : i32
      %dma_wait3A_91 = tpu.memref_slice %arg7[%dma_wait3A_89, %dma_wait3A_90] : memref<32x128xi32, #tpu.memory_space<vmem>> -> memref<1x128xi32, #tpu.memory_space<vmem>>
      %dma_wait3A_92 = tpu.memref_squeeze %dma_wait3A_91 : memref<1x128xi32, #tpu.memory_space<vmem>> -> memref<128xi32, #tpu.memory_space<vmem>>
      %dma_wait3A_93 = arith.constant 0 : i32
      %dma_wait3A_94 = arith.constant 0 : i32
      %dma_wait3A_95 = tpu.memref_slice %arg2[%dma_wait3A_93, %dma_wait3A_94] : memref<10000x128xf32, #tpu.memory_space<hbm>> -> memref<10000x128xf32, #tpu.memory_space<hbm>>
      tpu.wait_indirect_dma semaphore(%arg12 : memref<!tpu.dma_semaphore, #tpu.memory_space<semaphore_mem>>) src(%dma_wait3A_95 : memref<10000x128xf32, #tpu.memory_space<hbm>>) dst(%arg9 : memref<128x128xf32, #tpu.memory_space<vmem>>)
      %dma_start3A_96 = arith.constant 30 : i32
      %dma_start3A_97 = arith.constant 0 : i32
      %dma_start3A_98 = tpu.memref_slice %arg8[%dma_start3A_96, %dma_start3A_97] : memref<32x128xi32, #tpu.memory_space<vmem>> -> memref<1x128xi32, #tpu.memory_space<vmem>>
      %dma_start3A_99 = tpu.memref_squeeze %dma_start3A_98 : memref<1x128xi32, #tpu.memory_space<vmem>> -> memref<128xi32, #tpu.memory_space<vmem>>
      %dma_start3A_100 = arith.constant 0 : i32
      %dma_start3A_101 = arith.constant 0 : i32
      %dma_start3A_102 = tpu.memref_slice %arg11[%dma_start3A_100, %dma_start3A_101] : memref<10112x128xf32, #tpu.memory_space<vmem_shared>> -> memref<10112x128xf32, #tpu.memory_space<vmem_shared>>
      tpu.enqueue_indirect_dma source(%arg9 : memref<128x128xf32, #tpu.memory_space<vmem>>) target(%dma_start3A_102 : memref<10112x128xf32, #tpu.memory_space<vmem_shared>>) offsets(%dma_start3A_99 : memref<128xi32, #tpu.memory_space<vmem>>) semaphore(%arg14 : memref<!tpu.dma_semaphore, #tpu.memory_space<semaphore_mem>>) {add = true}
      %dma_wait3A_103 = arith.constant 31 : i32
      %dma_wait3A_104 = arith.constant 0 : i32
      %dma_wait3A_105 = tpu.memref_slice %arg7[%dma_wait3A_103, %dma_wait3A_104] : memref<32x128xi32, #tpu.memory_space<vmem>> -> memref<1x128xi32, #tpu.memory_space<vmem>>
      %dma_wait3A_106 = tpu.memref_squeeze %dma_wait3A_105 : memref<1x128xi32, #tpu.memory_space<vmem>> -> memref<128xi32, #tpu.memory_space<vmem>>
      %dma_wait3A_107 = arith.constant 0 : i32
      %dma_wait3A_108 = arith.constant 0 : i32
      %dma_wait3A_109 = tpu.memref_slice %arg2[%dma_wait3A_107, %dma_wait3A_108] : memref<10000x128xf32, #tpu.memory_space<hbm>> -> memref<10000x128xf32, #tpu.memory_space<hbm>>
      tpu.wait_indirect_dma semaphore(%arg13 : memref<!tpu.dma_semaphore, #tpu.memory_space<semaphore_mem>>) src(%dma_wait3A_109 : memref<10000x128xf32, #tpu.memory_space<hbm>>) dst(%arg10 : memref<128x128xf32, #tpu.memory_space<vmem>>)
      %dma_start3A_110 = arith.constant 31 : i32
      %dma_start3A_111 = arith.constant 0 : i32
      %dma_start3A_112 = tpu.memref_slice %arg8[%dma_start3A_110, %dma_start3A_111] : memref<32x128xi32, #tpu.memory_space<vmem>> -> memref<1x128xi32, #tpu.memory_space<vmem>>
      %dma_start3A_113 = tpu.memref_squeeze %dma_start3A_112 : memref<1x128xi32, #tpu.memory_space<vmem>> -> memref<128xi32, #tpu.memory_space<vmem>>
      %dma_start3A_114 = arith.constant 0 : i32
      %dma_start3A_115 = arith.constant 0 : i32
      %dma_start3A_116 = tpu.memref_slice %arg11[%dma_start3A_114, %dma_start3A_115] : memref<10112x128xf32, #tpu.memory_space<vmem_shared>> -> memref<10112x128xf32, #tpu.memory_space<vmem_shared>>
      tpu.enqueue_indirect_dma source(%arg10 : memref<128x128xf32, #tpu.memory_space<vmem>>) target(%dma_start3A_116 : memref<10112x128xf32, #tpu.memory_space<vmem_shared>>) offsets(%dma_start3A_113 : memref<128xi32, #tpu.memory_space<vmem>>) semaphore(%arg15 : memref<!tpu.dma_semaphore, #tpu.memory_space<semaphore_mem>>) {add = true}
      %dma_wait3A_117 = arith.constant 30 : i32
      %dma_wait3A_118 = arith.constant 0 : i32
      %dma_wait3A_119 = tpu.memref_slice %arg8[%dma_wait3A_117, %dma_wait3A_118] : memref<32x128xi32, #tpu.memory_space<vmem>> -> memref<1x128xi32, #tpu.memory_space<vmem>>
      %dma_wait3A_120 = tpu.memref_squeeze %dma_wait3A_119 : memref<1x128xi32, #tpu.memory_space<vmem>> -> memref<128xi32, #tpu.memory_space<vmem>>
      %dma_wait3A_121 = arith.constant 0 : i32
      %dma_wait3A_122 = arith.constant 0 : i32
      %dma_wait3A_123 = tpu.memref_slice %arg11[%dma_wait3A_121, %dma_wait3A_122] : memref<10112x128xf32, #tpu.memory_space<vmem_shared>> -> memref<10112x128xf32, #tpu.memory_space<vmem_shared>>
      tpu.wait_indirect_dma semaphore(%arg14 : memref<!tpu.dma_semaphore, #tpu.memory_space<semaphore_mem>>) src(%arg9 : memref<128x128xf32, #tpu.memory_space<vmem>>) dst(%dma_wait3A_123 : memref<10112x128xf32, #tpu.memory_space<vmem_shared>>)
      %dma_wait3A_124 = arith.constant 31 : i32
      %dma_wait3A_125 = arith.constant 0 : i32
      %dma_wait3A_126 = tpu.memref_slice %arg8[%dma_wait3A_124, %dma_wait3A_125] : memref<32x128xi32, #tpu.memory_space<vmem>> -> memref<1x128xi32, #tpu.memory_space<vmem>>
      %dma_wait3A_127 = tpu.memref_squeeze %dma_wait3A_126 : memref<1x128xi32, #tpu.memory_space<vmem>> -> memref<128xi32, #tpu.memory_space<vmem>>
      %dma_wait3A_128 = arith.constant 0 : i32
      %dma_wait3A_129 = arith.constant 0 : i32
      %dma_wait3A_130 = tpu.memref_slice %arg11[%dma_wait3A_128, %dma_wait3A_129] : memref<10112x128xf32, #tpu.memory_space<vmem_shared>> -> memref<10112x128xf32, #tpu.memory_space<vmem_shared>>
      tpu.wait_indirect_dma semaphore(%arg15 : memref<!tpu.dma_semaphore, #tpu.memory_space<semaphore_mem>>) src(%arg10 : memref<128x128xf32, #tpu.memory_space<vmem>>) dst(%dma_wait3A_130 : memref<10112x128xf32, #tpu.memory_space<vmem_shared>>)
    } else {
    }
    %eq3A_13 = arith.constant 0 : i32
    %eq3A_14 = arith.cmpi eq, %arg0, %eq3A_13 : i32
    %convert_element_type3A_15 = arith.extui %eq3A_14 : i1 to i32
    %cond3A_16 = arith.constant 0 : i32
    %cond3A_17 = arith.cmpi ne, %convert_element_type3A_15, %cond3A_16 : i32
    scf.if %cond3A_17 {
      %scan3A = arith.constant 0 : i32
      %scan3A_23 = arith.constant 7 : i32
      %scan3A_24 = arith.addi %scan3A, %scan3A_23 : i32
      %scan3A_25 = arith.constant 1 : i32
      scf.for %scan3A_67 = %scan3A to %scan3A_24 step %scan3A_25  : i32 {
        %mul3A_68 = arith.constant 1 : i32
        %mul3A_69 = arith.muli %scan3A_67, %mul3A_68 : i32
        %add3A = arith.constant 0 : i32
        %add3A_70 = arith.addi %add3A, %mul3A_69 : i32
        %mul3A_71 = arith.constant 2 : i32
        %mul3A_72 = arith.muli %add3A_70, %mul3A_71 : i32
        %add3A_73 = arith.constant 0 : i32
        %add3A_74 = arith.addi %mul3A_72, %add3A_73 : i32
        %dma_wait3A_75 = arith.constant 0 : i32
        %dma_wait3A_76 = tpu.memref_slice %arg7[%add3A_74, %dma_wait3A_75] : memref<32x128xi32, #tpu.memory_space<vmem>> -> memref<1x128xi32, #tpu.memory_space<vmem>>
        %dma_wait3A_77 = tpu.memref_squeeze %dma_wait3A_76 : memref<1x128xi32, #tpu.memory_space<vmem>> -> memref<128xi32, #tpu.memory_space<vmem>>
        %dma_wait3A_78 = arith.constant 0 : i32
        %dma_wait3A_79 = arith.constant 0 : i32
        %dma_wait3A_80 = tpu.memref_slice %arg2[%dma_wait3A_78, %dma_wait3A_79] : memref<10000x128xf32, #tpu.memory_space<hbm>> -> memref<10000x128xf32, #tpu.memory_space<hbm>>
        tpu.wait_indirect_dma semaphore(%arg12 : memref<!tpu.dma_semaphore, #tpu.memory_space<semaphore_mem>>) src(%dma_wait3A_80 : memref<10000x128xf32, #tpu.memory_space<hbm>>) dst(%arg9 : memref<128x128xf32, #tpu.memory_space<vmem>>)
        %add3A_81 = arith.constant 0 : i32
        %add3A_82 = arith.addi %mul3A_72, %add3A_81 : i32
        %dma_start3A_83 = arith.constant 0 : i32
        %dma_start3A_84 = tpu.memref_slice %arg8[%add3A_82, %dma_start3A_83] : memref<32x128xi32, #tpu.memory_space<vmem>> -> memref<1x128xi32, #tpu.memory_space<vmem>>
        %dma_start3A_85 = tpu.memref_squeeze %dma_start3A_84 : memref<1x128xi32, #tpu.memory_space<vmem>> -> memref<128xi32, #tpu.memory_space<vmem>>
        %dma_start3A_86 = arith.constant 0 : i32
        %dma_start3A_87 = arith.constant 0 : i32
        %dma_start3A_88 = tpu.memref_slice %arg11[%dma_start3A_86, %dma_start3A_87] : memref<10112x128xf32, #tpu.memory_space<vmem_shared>> -> memref<10112x128xf32, #tpu.memory_space<vmem_shared>>
        tpu.enqueue_indirect_dma source(%arg9 : memref<128x128xf32, #tpu.memory_space<vmem>>) target(%dma_start3A_88 : memref<10112x128xf32, #tpu.memory_space<vmem_shared>>) offsets(%dma_start3A_85 : memref<128xi32, #tpu.memory_space<vmem>>) semaphore(%arg14 : memref<!tpu.dma_semaphore, #tpu.memory_space<semaphore_mem>>) {add = true}
        %add3A_89 = arith.constant 1 : i32
        %add3A_90 = arith.addi %mul3A_72, %add3A_89 : i32
        %dma_wait3A_91 = arith.constant 0 : i32
        %dma_wait3A_92 = tpu.memref_slice %arg7[%add3A_90, %dma_wait3A_91] : memref<32x128xi32, #tpu.memory_space<vmem>> -> memref<1x128xi32, #tpu.memory_space<vmem>>
        %dma_wait3A_93 = tpu.memref_squeeze %dma_wait3A_92 : memref<1x128xi32, #tpu.memory_space<vmem>> -> memref<128xi32, #tpu.memory_space<vmem>>
        %dma_wait3A_94 = arith.constant 0 : i32
        %dma_wait3A_95 = arith.constant 0 : i32
        %dma_wait3A_96 = tpu.memref_slice %arg2[%dma_wait3A_94, %dma_wait3A_95] : memref<10000x128xf32, #tpu.memory_space<hbm>> -> memref<10000x128xf32, #tpu.memory_space<hbm>>
        tpu.wait_indirect_dma semaphore(%arg13 : memref<!tpu.dma_semaphore, #tpu.memory_space<semaphore_mem>>) src(%dma_wait3A_96 : memref<10000x128xf32, #tpu.memory_space<hbm>>) dst(%arg10 : memref<128x128xf32, #tpu.memory_space<vmem>>)
        %add3A_97 = arith.constant 1 : i32
        %add3A_98 = arith.addi %mul3A_72, %add3A_97 : i32
        %dma_start3A_99 = arith.constant 0 : i32
        %dma_start3A_100 = tpu.memref_slice %arg8[%add3A_98, %dma_start3A_99] : memref<32x128xi32, #tpu.memory_space<vmem>> -> memref<1x128xi32, #tpu.memory_space<vmem>>
        %dma_start3A_101 = tpu.memref_squeeze %dma_start3A_100 : memref<1x128xi32, #tpu.memory_space<vmem>> -> memref<128xi32, #tpu.memory_space<vmem>>
        %dma_start3A_102 = arith.constant 0 : i32
        %dma_start3A_103 = arith.constant 0 : i32
        %dma_start3A_104 = tpu.memref_slice %arg11[%dma_start3A_102, %dma_start3A_103] : memref<10112x128xf32, #tpu.memory_space<vmem_shared>> -> memref<10112x128xf32, #tpu.memory_space<vmem_shared>>
        tpu.enqueue_indirect_dma source(%arg10 : memref<128x128xf32, #tpu.memory_space<vmem>>) target(%dma_start3A_104 : memref<10112x128xf32, #tpu.memory_space<vmem_shared>>) offsets(%dma_start3A_101 : memref<128xi32, #tpu.memory_space<vmem>>) semaphore(%arg15 : memref<!tpu.dma_semaphore, #tpu.memory_space<semaphore_mem>>) {add = true}
        %add3A_105 = arith.constant 0 : i32
        %add3A_106 = arith.addi %mul3A_72, %add3A_105 : i32
        %dma_wait3A_107 = arith.constant 0 : i32
        %dma_wait3A_108 = tpu.memref_slice %arg8[%add3A_106, %dma_wait3A_107] : memref<32x128xi32, #tpu.memory_space<vmem>> -> memref<1x128xi32, #tpu.memory_space<vmem>>
        %dma_wait3A_109 = tpu.memref_squeeze %dma_wait3A_108 : memref<1x128xi32, #tpu.memory_space<vmem>> -> memref<128xi32, #tpu.memory_space<vmem>>
        %dma_wait3A_110 = arith.constant 0 : i32
        %dma_wait3A_111 = arith.constant 0 : i32
        %dma_wait3A_112 = tpu.memref_slice %arg11[%dma_wait3A_110, %dma_wait3A_111] : memref<10112x128xf32, #tpu.memory_space<vmem_shared>> -> memref<10112x128xf32, #tpu.memory_space<vmem_shared>>
        tpu.wait_indirect_dma semaphore(%arg14 : memref<!tpu.dma_semaphore, #tpu.memory_space<semaphore_mem>>) src(%arg9 : memref<128x128xf32, #tpu.memory_space<vmem>>) dst(%dma_wait3A_112 : memref<10112x128xf32, #tpu.memory_space<vmem_shared>>)
        %add3A_113 = arith.constant 2 : i32
        %add3A_114 = arith.addi %mul3A_72, %add3A_113 : i32
        %add3A_115 = arith.constant 0 : i32
        %add3A_116 = arith.addi %add3A_114, %add3A_115 : i32
        %dma_start3A_117 = arith.constant 0 : i32
        %dma_start3A_118 = tpu.memref_slice %arg7[%add3A_116, %dma_start3A_117] : memref<32x128xi32, #tpu.memory_space<vmem>> -> memref<1x128xi32, #tpu.memory_space<vmem>>
        %dma_start3A_119 = tpu.memref_squeeze %dma_start3A_118 : memref<1x128xi32, #tpu.memory_space<vmem>> -> memref<128xi32, #tpu.memory_space<vmem>>
        %dma_start3A_120 = arith.constant 0 : i32
        %dma_start3A_121 = arith.constant 0 : i32
        %dma_start3A_122 = tpu.memref_slice %arg2[%dma_start3A_120, %dma_start3A_121] : memref<10000x128xf32, #tpu.memory_space<hbm>> -> memref<10000x128xf32, #tpu.memory_space<hbm>>
        tpu.enqueue_indirect_dma source(%dma_start3A_122 : memref<10000x128xf32, #tpu.memory_space<hbm>>) target(%arg9 : memref<128x128xf32, #tpu.memory_space<vmem>>) offsets(%dma_start3A_119 : memref<128xi32, #tpu.memory_space<vmem>>) semaphore(%arg12 : memref<!tpu.dma_semaphore, #tpu.memory_space<semaphore_mem>>)
        %add3A_123 = arith.constant 1 : i32
        %add3A_124 = arith.addi %mul3A_72, %add3A_123 : i32
        %dma_wait3A_125 = arith.constant 0 : i32
        %dma_wait3A_126 = tpu.memref_slice %arg8[%add3A_124, %dma_wait3A_125] : memref<32x128xi32, #tpu.memory_space<vmem>> -> memref<1x128xi32, #tpu.memory_space<vmem>>
        %dma_wait3A_127 = tpu.memref_squeeze %dma_wait3A_126 : memref<1x128xi32, #tpu.memory_space<vmem>> -> memref<128xi32, #tpu.memory_space<vmem>>
        %dma_wait3A_128 = arith.constant 0 : i32
        %dma_wait3A_129 = arith.constant 0 : i32
        %dma_wait3A_130 = tpu.memref_slice %arg11[%dma_wait3A_128, %dma_wait3A_129] : memref<10112x128xf32, #tpu.memory_space<vmem_shared>> -> memref<10112x128xf32, #tpu.memory_space<vmem_shared>>
        tpu.wait_indirect_dma semaphore(%arg15 : memref<!tpu.dma_semaphore, #tpu.memory_space<semaphore_mem>>) src(%arg10 : memref<128x128xf32, #tpu.memory_space<vmem>>) dst(%dma_wait3A_130 : memref<10112x128xf32, #tpu.memory_space<vmem_shared>>)
        %add3A_131 = arith.constant 2 : i32
        %add3A_132 = arith.addi %mul3A_72, %add3A_131 : i32
        %add3A_133 = arith.constant 1 : i32
        %add3A_134 = arith.addi %add3A_132, %add3A_133 : i32
        %dma_start3A_135 = arith.constant 0 : i32
        %dma_start3A_136 = tpu.memref_slice %arg7[%add3A_134, %dma_start3A_135] : memref<32x128xi32, #tpu.memory_space<vmem>> -> memref<1x128xi32, #tpu.memory_space<vmem>>
        %dma_start3A_137 = tpu.memref_squeeze %dma_start3A_136 : memref<1x128xi32, #tpu.memory_space<vmem>> -> memref<128xi32, #tpu.memory_space<vmem>>
        %dma_start3A_138 = arith.constant 0 : i32
        %dma_start3A_139 = arith.constant 0 : i32
        %dma_start3A_140 = tpu.memref_slice %arg2[%dma_start3A_138, %dma_start3A_139] : memref<10000x128xf32, #tpu.memory_space<hbm>> -> memref<10000x128xf32, #tpu.memory_space<hbm>>
        tpu.enqueue_indirect_dma source(%dma_start3A_140 : memref<10000x128xf32, #tpu.memory_space<hbm>>) target(%arg10 : memref<128x128xf32, #tpu.memory_space<vmem>>) offsets(%dma_start3A_137 : memref<128xi32, #tpu.memory_space<vmem>>) semaphore(%arg13 : memref<!tpu.dma_semaphore, #tpu.memory_space<semaphore_mem>>)
      }
      %scan3A_26 = arith.constant 7 : i32
      %dma_wait3A = arith.constant 14 : i32
      %dma_wait3A_27 = arith.constant 0 : i32
      %dma_wait3A_28 = tpu.memref_slice %arg7[%dma_wait3A, %dma_wait3A_27] : memref<32x128xi32, #tpu.memory_space<vmem>> -> memref<1x128xi32, #tpu.memory_space<vmem>>
      %dma_wait3A_29 = tpu.memref_squeeze %dma_wait3A_28 : memref<1x128xi32, #tpu.memory_space<vmem>> -> memref<128xi32, #tpu.memory_space<vmem>>
      %dma_wait3A_30 = arith.constant 0 : i32
      %dma_wait3A_31 = arith.constant 0 : i32
      %dma_wait3A_32 = tpu.memref_slice %arg2[%dma_wait3A_30, %dma_wait3A_31] : memref<10000x128xf32, #tpu.memory_space<hbm>> -> memref<10000x128xf32, #tpu.memory_space<hbm>>
      tpu.wait_indirect_dma semaphore(%arg12 : memref<!tpu.dma_semaphore, #tpu.memory_space<semaphore_mem>>) src(%dma_wait3A_32 : memref<10000x128xf32, #tpu.memory_space<hbm>>) dst(%arg9 : memref<128x128xf32, #tpu.memory_space<vmem>>)
      %dma_start3A = arith.constant 14 : i32
      %dma_start3A_33 = arith.constant 0 : i32
      %dma_start3A_34 = tpu.memref_slice %arg8[%dma_start3A, %dma_start3A_33] : memref<32x128xi32, #tpu.memory_space<vmem>> -> memref<1x128xi32, #tpu.memory_space<vmem>>
      %dma_start3A_35 = tpu.memref_squeeze %dma_start3A_34 : memref<1x128xi32, #tpu.memory_space<vmem>> -> memref<128xi32, #tpu.memory_space<vmem>>
      %dma_start3A_36 = arith.constant 0 : i32
      %dma_start3A_37 = arith.constant 0 : i32
      %dma_start3A_38 = tpu.memref_slice %arg11[%dma_start3A_36, %dma_start3A_37] : memref<10112x128xf32, #tpu.memory_space<vmem_shared>> -> memref<10112x128xf32, #tpu.memory_space<vmem_shared>>
      tpu.enqueue_indirect_dma source(%arg9 : memref<128x128xf32, #tpu.memory_space<vmem>>) target(%dma_start3A_38 : memref<10112x128xf32, #tpu.memory_space<vmem_shared>>) offsets(%dma_start3A_35 : memref<128xi32, #tpu.memory_space<vmem>>) semaphore(%arg14 : memref<!tpu.dma_semaphore, #tpu.memory_space<semaphore_mem>>) {add = true}
      %dma_wait3A_39 = arith.constant 15 : i32
      %dma_wait3A_40 = arith.constant 0 : i32
      %dma_wait3A_41 = tpu.memref_slice %arg7[%dma_wait3A_39, %dma_wait3A_40] : memref<32x128xi32, #tpu.memory_space<vmem>> -> memref<1x128xi32, #tpu.memory_space<vmem>>
      %dma_wait3A_42 = tpu.memref_squeeze %dma_wait3A_41 : memref<1x128xi32, #tpu.memory_space<vmem>> -> memref<128xi32, #tpu.memory_space<vmem>>
      %dma_wait3A_43 = arith.constant 0 : i32
      %dma_wait3A_44 = arith.constant 0 : i32
      %dma_wait3A_45 = tpu.memref_slice %arg2[%dma_wait3A_43, %dma_wait3A_44] : memref<10000x128xf32, #tpu.memory_space<hbm>> -> memref<10000x128xf32, #tpu.memory_space<hbm>>
      tpu.wait_indirect_dma semaphore(%arg13 : memref<!tpu.dma_semaphore, #tpu.memory_space<semaphore_mem>>) src(%dma_wait3A_45 : memref<10000x128xf32, #tpu.memory_space<hbm>>) dst(%arg10 : memref<128x128xf32, #tpu.memory_space<vmem>>)
      %dma_start3A_46 = arith.constant 15 : i32
      %dma_start3A_47 = arith.constant 0 : i32
      %dma_start3A_48 = tpu.memref_slice %arg8[%dma_start3A_46, %dma_start3A_47] : memref<32x128xi32, #tpu.memory_space<vmem>> -> memref<1x128xi32, #tpu.memory_space<vmem>>
      %dma_start3A_49 = tpu.memref_squeeze %dma_start3A_48 : memref<1x128xi32, #tpu.memory_space<vmem>> -> memref<128xi32, #tpu.memory_space<vmem>>
      %dma_start3A_50 = arith.constant 0 : i32
      %dma_start3A_51 = arith.constant 0 : i32
      %dma_start3A_52 = tpu.memref_slice %arg11[%dma_start3A_50, %dma_start3A_51] : memref<10112x128xf32, #tpu.memory_space<vmem_shared>> -> memref<10112x128xf32, #tpu.memory_space<vmem_shared>>
      tpu.enqueue_indirect_dma source(%arg10 : memref<128x128xf32, #tpu.memory_space<vmem>>) target(%dma_start3A_52 : memref<10112x128xf32, #tpu.memory_space<vmem_shared>>) offsets(%dma_start3A_49 : memref<128xi32, #tpu.memory_space<vmem>>) semaphore(%arg15 : memref<!tpu.dma_semaphore, #tpu.memory_space<semaphore_mem>>) {add = true}
      %dma_wait3A_53 = arith.constant 14 : i32
      %dma_wait3A_54 = arith.constant 0 : i32
      %dma_wait3A_55 = tpu.memref_slice %arg8[%dma_wait3A_53, %dma_wait3A_54] : memref<32x128xi32, #tpu.memory_space<vmem>> -> memref<1x128xi32, #tpu.memory_space<vmem>>
      %dma_wait3A_56 = tpu.memref_squeeze %dma_wait3A_55 : memref<1x128xi32, #tpu.memory_space<vmem>> -> memref<128xi32, #tpu.memory_space<vmem>>
      %dma_wait3A_57 = arith.constant 0 : i32
      %dma_wait3A_58 = arith.constant 0 : i32
      %dma_wait3A_59 = tpu.memref_slice %arg11[%dma_wait3A_57, %dma_wait3A_58] : memref<10112x128xf32, #tpu.memory_space<vmem_shared>> -> memref<10112x128xf32, #tpu.memory_space<vmem_shared>>
      tpu.wait_indirect_dma semaphore(%arg14 : memref<!tpu.dma_semaphore, #tpu.memory_space<semaphore_mem>>) src(%arg9 : memref<128x128xf32, #tpu.memory_space<vmem>>) dst(%dma_wait3A_59 : memref<10112x128xf32, #tpu.memory_space<vmem_shared>>)
      %dma_wait3A_60 = arith.constant 15 : i32
      %dma_wait3A_61 = arith.constant 0 : i32
      %dma_wait3A_62 = tpu.memref_slice %arg8[%dma_wait3A_60, %dma_wait3A_61] : memref<32x128xi32, #tpu.memory_space<vmem>> -> memref<1x128xi32, #tpu.memory_space<vmem>>
      %dma_wait3A_63 = tpu.memref_squeeze %dma_wait3A_62 : memref<1x128xi32, #tpu.memory_space<vmem>> -> memref<128xi32, #tpu.memory_space<vmem>>
      %dma_wait3A_64 = arith.constant 0 : i32
      %dma_wait3A_65 = arith.constant 0 : i32
      %dma_wait3A_66 = tpu.memref_slice %arg11[%dma_wait3A_64, %dma_wait3A_65] : memref<10112x128xf32, #tpu.memory_space<vmem_shared>> -> memref<10112x128xf32, #tpu.memory_space<vmem_shared>>
      tpu.wait_indirect_dma semaphore(%arg15 : memref<!tpu.dma_semaphore, #tpu.memory_space<semaphore_mem>>) src(%arg10 : memref<128x128xf32, #tpu.memory_space<vmem>>) dst(%dma_wait3A_66 : memref<10112x128xf32, #tpu.memory_space<vmem_shared>>)
    } else {
    }
    %barrier3A_18 = arith.constant 0 : index
    tpu.barrier barrier_id(%barrier3A_18)
    %mul3A_19 = arith.constant 632 : i32
    %mul3A_20 = arith.muli %arg1, %mul3A_19 : i32
    %mul3A_21 = arith.constant 632 : i32
    %mul3A_22 = arith.muli %arg1, %mul3A_21 : i32
    "tpu.region"() ({
      %run_scoped3A = tpu.sem_alloc : memref<!tpu.dma_semaphore, #tpu.memory_space<semaphore_mem>>
      %dma_start3A = arith.constant 0 : i32
      %dma_start3A_23 = tpu.memref_slice %arg6[%arg0, %mul3A_22, %dma_start3A] : memref<2x10112x128xf32, #tpu.memory_space<hbm>> -> memref<1x632x128xf32, #tpu.memory_space<hbm>>
      %dma_start3A_24 = tpu.memref_squeeze %dma_start3A_23 : memref<1x632x128xf32, #tpu.memory_space<hbm>> -> memref<632x128xf32, #tpu.memory_space<hbm>>
      %dma_start3A_25 = arith.constant 0 : i32
      %dma_start3A_26 = tpu.memref_slice %arg11[%mul3A_20, %dma_start3A_25] : memref<10112x128xf32, #tpu.memory_space<vmem_shared>> -> memref<632x128xf32, #tpu.memory_space<vmem_shared>>
      tpu.enqueue_dma source(%dma_start3A_26 : memref<632x128xf32, #tpu.memory_space<vmem_shared>>) target(%dma_start3A_24 : memref<632x128xf32, #tpu.memory_space<hbm>>) target_semaphore(%run_scoped3A : memref<!tpu.dma_semaphore, #tpu.memory_space<semaphore_mem>>)
      %dma_wait3A = arith.constant 0 : i32
      %dma_wait3A_27 = tpu.memref_slice %arg6[%arg0, %mul3A_22, %dma_wait3A] : memref<2x10112x128xf32, #tpu.memory_space<hbm>> -> memref<1x632x128xf32, #tpu.memory_space<hbm>>
      %dma_wait3A_28 = tpu.memref_squeeze %dma_wait3A_27 : memref<1x632x128xf32, #tpu.memory_space<hbm>> -> memref<632x128xf32, #tpu.memory_space<hbm>>
      %dma_wait3A_29 = arith.constant 0 : i32
      %dma_wait3A_30 = tpu.memref_slice %arg11[%mul3A_20, %dma_wait3A_29] : memref<10112x128xf32, #tpu.memory_space<vmem_shared>> -> memref<632x128xf32, #tpu.memory_space<vmem_shared>>
      tpu.wait_dma2 semaphore(%run_scoped3A : memref<!tpu.dma_semaphore, #tpu.memory_space<semaphore_mem>>) src(%dma_wait3A_30 : memref<632x128xf32, #tpu.memory_space<vmem_shared>>) dst(%dma_wait3A_28 : memref<632x128xf32, #tpu.memory_space<hbm>>)
      tpu.yield
    }) : () -> ()
    return
  }
}

#map = affine_map<(d0, d1) -> (0, 0)>
#map1 = affine_map<(d0, d1) -> (0, 0, 0)>
module attributes {stable_mosaic.version = 14 : i64} {
  func.func @_edge_pass(%arg0: i32, %arg1: i32, %arg2: memref<10000x128xf32, #tpu.memory_space<hbm>>, %arg3: memref<1344x128xi32, #tpu.memory_space<hbm>>, %arg4: memref<1344x128xi32, #tpu.memory_space<hbm>>, %arg5: memref<632x128xf32, #tpu.memory_space<hbm>>, %arg6: memref<2x10112x128xf32, #tpu.memory_space<hbm>>, %arg7: memref<32x128xi32, #tpu.memory_space<vmem>>, %arg8: memref<32x128xi32, #tpu.memory_space<vmem>>, %arg9: memref<128x128xf32, #tpu.memory_space<vmem>>, %arg10: memref<128x128xf32, #tpu.memory_space<vmem>>, %arg11: memref<10112x128xf32, #tpu.memory_space<vmem_shared>>, %arg12: memref<!tpu.dma_semaphore, #tpu.memory_space<semaphore_mem>>, %arg13: memref<!tpu.dma_semaphore, #tpu.memory_space<semaphore_mem>>, %arg14: memref<!tpu.dma_semaphore, #tpu.memory_space<semaphore_mem>>, %arg15: memref<!tpu.dma_semaphore, #tpu.memory_space<semaphore_mem>>) attributes {dimension_semantics = [#tpu.dimension_semantics<core_parallel>, #tpu.dimension_semantics<subcore_parallel>], iteration_bounds = array<i64: 2, 16>, scalar_prefetch = 0 : i64, scratch_operands = 9 : i64, tpu.core_type = #tpu.core_type<sc_vector_subcore>, window_params = [{transform_indices = #map}, {transform_indices = #map}, {transform_indices = #map}, {transform_indices = #map}, {transform_indices = #map1}]} {
    %mul3A = arith.constant 632 : i32
    %mul3A_0 = arith.muli %arg1, %mul3A : i32
    "tpu.region"() ({
      %run_scoped3A = tpu.sem_alloc : memref<!tpu.dma_semaphore, #tpu.memory_space<semaphore_mem>>
      %dma_start3A = arith.constant 0 : i32
      %dma_start3A_23 = tpu.memref_slice %arg11[%mul3A_0, %dma_start3A] : memref<10112x128xf32, #tpu.memory_space<vmem_shared>> -> memref<632x128xf32, #tpu.memory_space<vmem_shared>>
      tpu.enqueue_dma source(%arg5 : memref<632x128xf32, #tpu.memory_space<hbm>>) target(%dma_start3A_23 : memref<632x128xf32, #tpu.memory_space<vmem_shared>>) target_semaphore(%run_scoped3A : memref<!tpu.dma_semaphore, #tpu.memory_space<semaphore_mem>>)
      %dma_wait3A = arith.constant 0 : i32
      %dma_wait3A_24 = tpu.memref_slice %arg11[%mul3A_0, %dma_wait3A] : memref<10112x128xf32, #tpu.memory_space<vmem_shared>> -> memref<632x128xf32, #tpu.memory_space<vmem_shared>>
      tpu.wait_dma2 semaphore(%run_scoped3A : memref<!tpu.dma_semaphore, #tpu.memory_space<semaphore_mem>>) src(%arg5 : memref<632x128xf32, #tpu.memory_space<hbm>>) dst(%dma_wait3A_24 : memref<632x128xf32, #tpu.memory_space<vmem_shared>>)
      tpu.yield
    }) : () -> ()
    %eq3A = arith.constant 1 : i32
    %eq3A_1 = arith.cmpi eq, %arg0, %eq3A : i32
    %convert_element_type3A = arith.extui %eq3A_1 : i1 to i32
    %cond3A = arith.constant 0 : i32
    %cond3A_2 = arith.cmpi ne, %convert_element_type3A, %cond3A : i32
    scf.if %cond3A_2 {
      %mul3A_23 = arith.constant 64 : i32
      %mul3A_24 = arith.muli %arg1, %mul3A_23 : i32
      "tpu.region"() ({
        %run_scoped3A = tpu.sem_alloc : memref<!tpu.dma_semaphore, #tpu.memory_space<semaphore_mem>>
        %dma_start3A_38 = arith.constant 0 : i32
        %dma_start3A_39 = tpu.memref_slice %arg3[%mul3A_24, %dma_start3A_38] : memref<1344x128xi32, #tpu.memory_space<hbm>> -> memref<32x128xi32, #tpu.memory_space<hbm>>
        %dma_start3A_40 = arith.constant 0 : i32
        %dma_start3A_41 = tpu.memref_slice %arg3[%mul3A_24, %dma_start3A_40] : memref<1344x128xi32, #tpu.memory_space<hbm>> -> memref<32x128xi32, #tpu.memory_space<hbm>>
        tpu.enqueue_dma source(%dma_start3A_41 : memref<32x128xi32, #tpu.memory_space<hbm>>) target(%arg7 : memref<32x128xi32, #tpu.memory_space<vmem>>) target_semaphore(%run_scoped3A : memref<!tpu.dma_semaphore, #tpu.memory_space<semaphore_mem>>)
        %dma_wait3A = arith.constant 0 : i32
        %dma_wait3A_42 = tpu.memref_slice %arg3[%mul3A_24, %dma_wait3A] : memref<1344x128xi32, #tpu.memory_space<hbm>> -> memref<32x128xi32, #tpu.memory_space<hbm>>
        %dma_wait3A_43 = arith.constant 0 : i32
        %dma_wait3A_44 = tpu.memref_slice %arg3[%mul3A_24, %dma_wait3A_43] : memref<1344x128xi32, #tpu.memory_space<hbm>> -> memref<32x128xi32, #tpu.memory_space<hbm>>
        tpu.wait_dma2 semaphore(%run_scoped3A : memref<!tpu.dma_semaphore, #tpu.memory_space<semaphore_mem>>) src(%dma_wait3A_44 : memref<32x128xi32, #tpu.memory_space<hbm>>) dst(%arg7 : memref<32x128xi32, #tpu.memory_space<vmem>>)
        tpu.yield
      }) : () -> ()
      "tpu.region"() ({
        %run_scoped3A = tpu.sem_alloc : memref<!tpu.dma_semaphore, #tpu.memory_space<semaphore_mem>>
        %dma_start3A_38 = arith.constant 0 : i32
        %dma_start3A_39 = tpu.memref_slice %arg4[%mul3A_24, %dma_start3A_38] : memref<1344x128xi32, #tpu.memory_space<hbm>> -> memref<32x128xi32, #tpu.memory_space<hbm>>
        %dma_start3A_40 = arith.constant 0 : i32
        %dma_start3A_41 = tpu.memref_slice %arg4[%mul3A_24, %dma_start3A_40] : memref<1344x128xi32, #tpu.memory_space<hbm>> -> memref<32x128xi32, #tpu.memory_space<hbm>>
        tpu.enqueue_dma source(%dma_start3A_41 : memref<32x128xi32, #tpu.memory_space<hbm>>) target(%arg8 : memref<32x128xi32, #tpu.memory_space<vmem>>) target_semaphore(%run_scoped3A : memref<!tpu.dma_semaphore, #tpu.memory_space<semaphore_mem>>)
        %dma_wait3A = arith.constant 0 : i32
        %dma_wait3A_42 = tpu.memref_slice %arg4[%mul3A_24, %dma_wait3A] : memref<1344x128xi32, #tpu.memory_space<hbm>> -> memref<32x128xi32, #tpu.memory_space<hbm>>
        %dma_wait3A_43 = arith.constant 0 : i32
        %dma_wait3A_44 = tpu.memref_slice %arg4[%mul3A_24, %dma_wait3A_43] : memref<1344x128xi32, #tpu.memory_space<hbm>> -> memref<32x128xi32, #tpu.memory_space<hbm>>
        tpu.wait_dma2 semaphore(%run_scoped3A : memref<!tpu.dma_semaphore, #tpu.memory_space<semaphore_mem>>) src(%dma_wait3A_44 : memref<32x128xi32, #tpu.memory_space<hbm>>) dst(%arg8 : memref<32x128xi32, #tpu.memory_space<vmem>>)
        tpu.yield
      }) : () -> ()
      %dma_start3A = arith.constant 0 : i32
      %dma_start3A_25 = arith.constant 0 : i32
      %dma_start3A_26 = tpu.memref_slice %arg7[%dma_start3A, %dma_start3A_25] : memref<32x128xi32, #tpu.memory_space<vmem>> -> memref<1x128xi32, #tpu.memory_space<vmem>>
      %dma_start3A_27 = tpu.memref_squeeze %dma_start3A_26 : memref<1x128xi32, #tpu.memory_space<vmem>> -> memref<128xi32, #tpu.memory_space<vmem>>
      %dma_start3A_28 = arith.constant 0 : i32
      %dma_start3A_29 = arith.constant 0 : i32
      %dma_start3A_30 = tpu.memref_slice %arg2[%dma_start3A_28, %dma_start3A_29] : memref<10000x128xf32, #tpu.memory_space<hbm>> -> memref<10000x128xf32, #tpu.memory_space<hbm>>
      tpu.enqueue_indirect_dma source(%dma_start3A_30 : memref<10000x128xf32, #tpu.memory_space<hbm>>) target(%arg9 : memref<128x128xf32, #tpu.memory_space<vmem>>) offsets(%dma_start3A_27 : memref<128xi32, #tpu.memory_space<vmem>>) semaphore(%arg12 : memref<!tpu.dma_semaphore, #tpu.memory_space<semaphore_mem>>)
      %dma_start3A_31 = arith.constant 1 : i32
      %dma_start3A_32 = arith.constant 0 : i32
      %dma_start3A_33 = tpu.memref_slice %arg7[%dma_start3A_31, %dma_start3A_32] : memref<32x128xi32, #tpu.memory_space<vmem>> -> memref<1x128xi32, #tpu.memory_space<vmem>>
      %dma_start3A_34 = tpu.memref_squeeze %dma_start3A_33 : memref<1x128xi32, #tpu.memory_space<vmem>> -> memref<128xi32, #tpu.memory_space<vmem>>
      %dma_start3A_35 = arith.constant 0 : i32
      %dma_start3A_36 = arith.constant 0 : i32
      %dma_start3A_37 = tpu.memref_slice %arg2[%dma_start3A_35, %dma_start3A_36] : memref<10000x128xf32, #tpu.memory_space<hbm>> -> memref<10000x128xf32, #tpu.memory_space<hbm>>
      tpu.enqueue_indirect_dma source(%dma_start3A_37 : memref<10000x128xf32, #tpu.memory_space<hbm>>) target(%arg10 : memref<128x128xf32, #tpu.memory_space<vmem>>) offsets(%dma_start3A_34 : memref<128xi32, #tpu.memory_space<vmem>>) semaphore(%arg13 : memref<!tpu.dma_semaphore, #tpu.memory_space<semaphore_mem>>)
    } else {
    }
    %eq3A_3 = arith.constant 0 : i32
    %eq3A_4 = arith.cmpi eq, %arg0, %eq3A_3 : i32
    %convert_element_type3A_5 = arith.extui %eq3A_4 : i1 to i32
    %cond3A_6 = arith.constant 0 : i32
    %cond3A_7 = arith.cmpi ne, %convert_element_type3A_5, %cond3A_6 : i32
    scf.if %cond3A_7 {
      %mul3A_23 = arith.constant 16 : i32
      %mul3A_24 = arith.muli %arg1, %mul3A_23 : i32
      %add3A = arith.constant 1024 : i32
      %add3A_25 = arith.addi %add3A, %mul3A_24 : i32
      "tpu.region"() ({
        %run_scoped3A = tpu.sem_alloc : memref<!tpu.dma_semaphore, #tpu.memory_space<semaphore_mem>>
        %dma_start3A_39 = arith.constant 0 : i32
        %dma_start3A_40 = tpu.memref_slice %arg3[%add3A_25, %dma_start3A_39] : memref<1344x128xi32, #tpu.memory_space<hbm>> -> memref<32x128xi32, #tpu.memory_space<hbm>>
        %dma_start3A_41 = arith.constant 0 : i32
        %dma_start3A_42 = tpu.memref_slice %arg3[%add3A_25, %dma_start3A_41] : memref<1344x128xi32, #tpu.memory_space<hbm>> -> memref<32x128xi32, #tpu.memory_space<hbm>>
        tpu.enqueue_dma source(%dma_start3A_42 : memref<32x128xi32, #tpu.memory_space<hbm>>) target(%arg7 : memref<32x128xi32, #tpu.memory_space<vmem>>) target_semaphore(%run_scoped3A : memref<!tpu.dma_semaphore, #tpu.memory_space<semaphore_mem>>)
        %dma_wait3A = arith.constant 0 : i32
        %dma_wait3A_43 = tpu.memref_slice %arg3[%add3A_25, %dma_wait3A] : memref<1344x128xi32, #tpu.memory_space<hbm>> -> memref<32x128xi32, #tpu.memory_space<hbm>>
        %dma_wait3A_44 = arith.constant 0 : i32
        %dma_wait3A_45 = tpu.memref_slice %arg3[%add3A_25, %dma_wait3A_44] : memref<1344x128xi32, #tpu.memory_space<hbm>> -> memref<32x128xi32, #tpu.memory_space<hbm>>
        tpu.wait_dma2 semaphore(%run_scoped3A : memref<!tpu.dma_semaphore, #tpu.memory_space<semaphore_mem>>) src(%dma_wait3A_45 : memref<32x128xi32, #tpu.memory_space<hbm>>) dst(%arg7 : memref<32x128xi32, #tpu.memory_space<vmem>>)
        tpu.yield
      }) : () -> ()
      "tpu.region"() ({
        %run_scoped3A = tpu.sem_alloc : memref<!tpu.dma_semaphore, #tpu.memory_space<semaphore_mem>>
        %dma_start3A_39 = arith.constant 0 : i32
        %dma_start3A_40 = tpu.memref_slice %arg4[%add3A_25, %dma_start3A_39] : memref<1344x128xi32, #tpu.memory_space<hbm>> -> memref<32x128xi32, #tpu.memory_space<hbm>>
        %dma_start3A_41 = arith.constant 0 : i32
        %dma_start3A_42 = tpu.memref_slice %arg4[%add3A_25, %dma_start3A_41] : memref<1344x128xi32, #tpu.memory_space<hbm>> -> memref<32x128xi32, #tpu.memory_space<hbm>>
        tpu.enqueue_dma source(%dma_start3A_42 : memref<32x128xi32, #tpu.memory_space<hbm>>) target(%arg8 : memref<32x128xi32, #tpu.memory_space<vmem>>) target_semaphore(%run_scoped3A : memref<!tpu.dma_semaphore, #tpu.memory_space<semaphore_mem>>)
        %dma_wait3A = arith.constant 0 : i32
        %dma_wait3A_43 = tpu.memref_slice %arg4[%add3A_25, %dma_wait3A] : memref<1344x128xi32, #tpu.memory_space<hbm>> -> memref<32x128xi32, #tpu.memory_space<hbm>>
        %dma_wait3A_44 = arith.constant 0 : i32
        %dma_wait3A_45 = tpu.memref_slice %arg4[%add3A_25, %dma_wait3A_44] : memref<1344x128xi32, #tpu.memory_space<hbm>> -> memref<32x128xi32, #tpu.memory_space<hbm>>
        tpu.wait_dma2 semaphore(%run_scoped3A : memref<!tpu.dma_semaphore, #tpu.memory_space<semaphore_mem>>) src(%dma_wait3A_45 : memref<32x128xi32, #tpu.memory_space<hbm>>) dst(%arg8 : memref<32x128xi32, #tpu.memory_space<vmem>>)
        tpu.yield
      }) : () -> ()
      %dma_start3A = arith.constant 0 : i32
      %dma_start3A_26 = arith.constant 0 : i32
      %dma_start3A_27 = tpu.memref_slice %arg7[%dma_start3A, %dma_start3A_26] : memref<32x128xi32, #tpu.memory_space<vmem>> -> memref<1x128xi32, #tpu.memory_space<vmem>>
      %dma_start3A_28 = tpu.memref_squeeze %dma_start3A_27 : memref<1x128xi32, #tpu.memory_space<vmem>> -> memref<128xi32, #tpu.memory_space<vmem>>
      %dma_start3A_29 = arith.constant 0 : i32
      %dma_start3A_30 = arith.constant 0 : i32
      %dma_start3A_31 = tpu.memref_slice %arg2[%dma_start3A_29, %dma_start3A_30] : memref<10000x128xf32, #tpu.memory_space<hbm>> -> memref<10000x128xf32, #tpu.memory_space<hbm>>
      tpu.enqueue_indirect_dma source(%dma_start3A_31 : memref<10000x128xf32, #tpu.memory_space<hbm>>) target(%arg9 : memref<128x128xf32, #tpu.memory_space<vmem>>) offsets(%dma_start3A_28 : memref<128xi32, #tpu.memory_space<vmem>>) semaphore(%arg12 : memref<!tpu.dma_semaphore, #tpu.memory_space<semaphore_mem>>)
      %dma_start3A_32 = arith.constant 1 : i32
      %dma_start3A_33 = arith.constant 0 : i32
      %dma_start3A_34 = tpu.memref_slice %arg7[%dma_start3A_32, %dma_start3A_33] : memref<32x128xi32, #tpu.memory_space<vmem>> -> memref<1x128xi32, #tpu.memory_space<vmem>>
      %dma_start3A_35 = tpu.memref_squeeze %dma_start3A_34 : memref<1x128xi32, #tpu.memory_space<vmem>> -> memref<128xi32, #tpu.memory_space<vmem>>
      %dma_start3A_36 = arith.constant 0 : i32
      %dma_start3A_37 = arith.constant 0 : i32
      %dma_start3A_38 = tpu.memref_slice %arg2[%dma_start3A_36, %dma_start3A_37] : memref<10000x128xf32, #tpu.memory_space<hbm>> -> memref<10000x128xf32, #tpu.memory_space<hbm>>
      tpu.enqueue_indirect_dma source(%dma_start3A_38 : memref<10000x128xf32, #tpu.memory_space<hbm>>) target(%arg10 : memref<128x128xf32, #tpu.memory_space<vmem>>) offsets(%dma_start3A_35 : memref<128xi32, #tpu.memory_space<vmem>>) semaphore(%arg13 : memref<!tpu.dma_semaphore, #tpu.memory_space<semaphore_mem>>)
    } else {
    }
    %barrier3A = arith.constant 0 : index
    tpu.barrier barrier_id(%barrier3A)
    %eq3A_8 = arith.constant 1 : i32
    %eq3A_9 = arith.cmpi eq, %arg0, %eq3A_8 : i32
    %convert_element_type3A_10 = arith.extui %eq3A_9 : i1 to i32
    %cond3A_11 = arith.constant 0 : i32
    %cond3A_12 = arith.cmpi ne, %convert_element_type3A_10, %cond3A_11 : i32
    scf.if %cond3A_12 {
      %scan3A = arith.constant 0 : i32
      %scan3A_23 = arith.constant 15 : i32
      %scan3A_24 = arith.addi %scan3A, %scan3A_23 : i32
      %scan3A_25 = arith.constant 1 : i32
      scf.for %scan3A_131 = %scan3A to %scan3A_24 step %scan3A_25  : i32 {
        %mul3A_132 = arith.constant 1 : i32
        %mul3A_133 = arith.muli %scan3A_131, %mul3A_132 : i32
        %add3A_134 = arith.constant 0 : i32
        %add3A_135 = arith.addi %add3A_134, %mul3A_133 : i32
        %mul3A_136 = arith.constant 2 : i32
        %mul3A_137 = arith.muli %add3A_135, %mul3A_136 : i32
        %add3A_138 = arith.constant 0 : i32
        %add3A_139 = arith.addi %mul3A_137, %add3A_138 : i32
        %dma_wait3A_140 = arith.constant 0 : i32
        %dma_wait3A_141 = tpu.memref_slice %arg7[%add3A_139, %dma_wait3A_140] : memref<32x128xi32, #tpu.memory_space<vmem>> -> memref<1x128xi32, #tpu.memory_space<vmem>>
        %dma_wait3A_142 = tpu.memref_squeeze %dma_wait3A_141 : memref<1x128xi32, #tpu.memory_space<vmem>> -> memref<128xi32, #tpu.memory_space<vmem>>
        %dma_wait3A_143 = arith.constant 0 : i32
        %dma_wait3A_144 = arith.constant 0 : i32
        %dma_wait3A_145 = tpu.memref_slice %arg2[%dma_wait3A_143, %dma_wait3A_144] : memref<10000x128xf32, #tpu.memory_space<hbm>> -> memref<10000x128xf32, #tpu.memory_space<hbm>>
        tpu.wait_indirect_dma semaphore(%arg12 : memref<!tpu.dma_semaphore, #tpu.memory_space<semaphore_mem>>) src(%dma_wait3A_145 : memref<10000x128xf32, #tpu.memory_space<hbm>>) dst(%arg9 : memref<128x128xf32, #tpu.memory_space<vmem>>)
        %add3A_146 = arith.constant 0 : i32
        %add3A_147 = arith.addi %mul3A_137, %add3A_146 : i32
        %dma_start3A_148 = arith.constant 0 : i32
        %dma_start3A_149 = tpu.memref_slice %arg8[%add3A_147, %dma_start3A_148] : memref<32x128xi32, #tpu.memory_space<vmem>> -> memref<1x128xi32, #tpu.memory_space<vmem>>
        %dma_start3A_150 = tpu.memref_squeeze %dma_start3A_149 : memref<1x128xi32, #tpu.memory_space<vmem>> -> memref<128xi32, #tpu.memory_space<vmem>>
        %dma_start3A_151 = arith.constant 0 : i32
        %dma_start3A_152 = arith.constant 0 : i32
        %dma_start3A_153 = tpu.memref_slice %arg11[%dma_start3A_151, %dma_start3A_152] : memref<10112x128xf32, #tpu.memory_space<vmem_shared>> -> memref<10112x128xf32, #tpu.memory_space<vmem_shared>>
        tpu.enqueue_indirect_dma source(%arg9 : memref<128x128xf32, #tpu.memory_space<vmem>>) target(%dma_start3A_153 : memref<10112x128xf32, #tpu.memory_space<vmem_shared>>) offsets(%dma_start3A_150 : memref<128xi32, #tpu.memory_space<vmem>>) semaphore(%arg14 : memref<!tpu.dma_semaphore, #tpu.memory_space<semaphore_mem>>) {add = true}
        %add3A_154 = arith.constant 1 : i32
        %add3A_155 = arith.addi %mul3A_137, %add3A_154 : i32
        %dma_wait3A_156 = arith.constant 0 : i32
        %dma_wait3A_157 = tpu.memref_slice %arg7[%add3A_155, %dma_wait3A_156] : memref<32x128xi32, #tpu.memory_space<vmem>> -> memref<1x128xi32, #tpu.memory_space<vmem>>
        %dma_wait3A_158 = tpu.memref_squeeze %dma_wait3A_157 : memref<1x128xi32, #tpu.memory_space<vmem>> -> memref<128xi32, #tpu.memory_space<vmem>>
        %dma_wait3A_159 = arith.constant 0 : i32
        %dma_wait3A_160 = arith.constant 0 : i32
        %dma_wait3A_161 = tpu.memref_slice %arg2[%dma_wait3A_159, %dma_wait3A_160] : memref<10000x128xf32, #tpu.memory_space<hbm>> -> memref<10000x128xf32, #tpu.memory_space<hbm>>
        tpu.wait_indirect_dma semaphore(%arg13 : memref<!tpu.dma_semaphore, #tpu.memory_space<semaphore_mem>>) src(%dma_wait3A_161 : memref<10000x128xf32, #tpu.memory_space<hbm>>) dst(%arg10 : memref<128x128xf32, #tpu.memory_space<vmem>>)
        %add3A_162 = arith.constant 1 : i32
        %add3A_163 = arith.addi %mul3A_137, %add3A_162 : i32
        %dma_start3A_164 = arith.constant 0 : i32
        %dma_start3A_165 = tpu.memref_slice %arg8[%add3A_163, %dma_start3A_164] : memref<32x128xi32, #tpu.memory_space<vmem>> -> memref<1x128xi32, #tpu.memory_space<vmem>>
        %dma_start3A_166 = tpu.memref_squeeze %dma_start3A_165 : memref<1x128xi32, #tpu.memory_space<vmem>> -> memref<128xi32, #tpu.memory_space<vmem>>
        %dma_start3A_167 = arith.constant 0 : i32
        %dma_start3A_168 = arith.constant 0 : i32
        %dma_start3A_169 = tpu.memref_slice %arg11[%dma_start3A_167, %dma_start3A_168] : memref<10112x128xf32, #tpu.memory_space<vmem_shared>> -> memref<10112x128xf32, #tpu.memory_space<vmem_shared>>
        tpu.enqueue_indirect_dma source(%arg10 : memref<128x128xf32, #tpu.memory_space<vmem>>) target(%dma_start3A_169 : memref<10112x128xf32, #tpu.memory_space<vmem_shared>>) offsets(%dma_start3A_166 : memref<128xi32, #tpu.memory_space<vmem>>) semaphore(%arg15 : memref<!tpu.dma_semaphore, #tpu.memory_space<semaphore_mem>>) {add = true}
        %add3A_170 = arith.constant 0 : i32
        %add3A_171 = arith.addi %mul3A_137, %add3A_170 : i32
        %dma_wait3A_172 = arith.constant 0 : i32
        %dma_wait3A_173 = tpu.memref_slice %arg8[%add3A_171, %dma_wait3A_172] : memref<32x128xi32, #tpu.memory_space<vmem>> -> memref<1x128xi32, #tpu.memory_space<vmem>>
        %dma_wait3A_174 = tpu.memref_squeeze %dma_wait3A_173 : memref<1x128xi32, #tpu.memory_space<vmem>> -> memref<128xi32, #tpu.memory_space<vmem>>
        %dma_wait3A_175 = arith.constant 0 : i32
        %dma_wait3A_176 = arith.constant 0 : i32
        %dma_wait3A_177 = tpu.memref_slice %arg11[%dma_wait3A_175, %dma_wait3A_176] : memref<10112x128xf32, #tpu.memory_space<vmem_shared>> -> memref<10112x128xf32, #tpu.memory_space<vmem_shared>>
        tpu.wait_indirect_dma semaphore(%arg14 : memref<!tpu.dma_semaphore, #tpu.memory_space<semaphore_mem>>) src(%arg9 : memref<128x128xf32, #tpu.memory_space<vmem>>) dst(%dma_wait3A_177 : memref<10112x128xf32, #tpu.memory_space<vmem_shared>>)
        %add3A_178 = arith.constant 2 : i32
        %add3A_179 = arith.addi %mul3A_137, %add3A_178 : i32
        %add3A_180 = arith.constant 0 : i32
        %add3A_181 = arith.addi %add3A_179, %add3A_180 : i32
        %dma_start3A_182 = arith.constant 0 : i32
        %dma_start3A_183 = tpu.memref_slice %arg7[%add3A_181, %dma_start3A_182] : memref<32x128xi32, #tpu.memory_space<vmem>> -> memref<1x128xi32, #tpu.memory_space<vmem>>
        %dma_start3A_184 = tpu.memref_squeeze %dma_start3A_183 : memref<1x128xi32, #tpu.memory_space<vmem>> -> memref<128xi32, #tpu.memory_space<vmem>>
        %dma_start3A_185 = arith.constant 0 : i32
        %dma_start3A_186 = arith.constant 0 : i32
        %dma_start3A_187 = tpu.memref_slice %arg2[%dma_start3A_185, %dma_start3A_186] : memref<10000x128xf32, #tpu.memory_space<hbm>> -> memref<10000x128xf32, #tpu.memory_space<hbm>>
        tpu.enqueue_indirect_dma source(%dma_start3A_187 : memref<10000x128xf32, #tpu.memory_space<hbm>>) target(%arg9 : memref<128x128xf32, #tpu.memory_space<vmem>>) offsets(%dma_start3A_184 : memref<128xi32, #tpu.memory_space<vmem>>) semaphore(%arg12 : memref<!tpu.dma_semaphore, #tpu.memory_space<semaphore_mem>>)
        %add3A_188 = arith.constant 1 : i32
        %add3A_189 = arith.addi %mul3A_137, %add3A_188 : i32
        %dma_wait3A_190 = arith.constant 0 : i32
        %dma_wait3A_191 = tpu.memref_slice %arg8[%add3A_189, %dma_wait3A_190] : memref<32x128xi32, #tpu.memory_space<vmem>> -> memref<1x128xi32, #tpu.memory_space<vmem>>
        %dma_wait3A_192 = tpu.memref_squeeze %dma_wait3A_191 : memref<1x128xi32, #tpu.memory_space<vmem>> -> memref<128xi32, #tpu.memory_space<vmem>>
        %dma_wait3A_193 = arith.constant 0 : i32
        %dma_wait3A_194 = arith.constant 0 : i32
        %dma_wait3A_195 = tpu.memref_slice %arg11[%dma_wait3A_193, %dma_wait3A_194] : memref<10112x128xf32, #tpu.memory_space<vmem_shared>> -> memref<10112x128xf32, #tpu.memory_space<vmem_shared>>
        tpu.wait_indirect_dma semaphore(%arg15 : memref<!tpu.dma_semaphore, #tpu.memory_space<semaphore_mem>>) src(%arg10 : memref<128x128xf32, #tpu.memory_space<vmem>>) dst(%dma_wait3A_195 : memref<10112x128xf32, #tpu.memory_space<vmem_shared>>)
        %add3A_196 = arith.constant 2 : i32
        %add3A_197 = arith.addi %mul3A_137, %add3A_196 : i32
        %add3A_198 = arith.constant 1 : i32
        %add3A_199 = arith.addi %add3A_197, %add3A_198 : i32
        %dma_start3A_200 = arith.constant 0 : i32
        %dma_start3A_201 = tpu.memref_slice %arg7[%add3A_199, %dma_start3A_200] : memref<32x128xi32, #tpu.memory_space<vmem>> -> memref<1x128xi32, #tpu.memory_space<vmem>>
        %dma_start3A_202 = tpu.memref_squeeze %dma_start3A_201 : memref<1x128xi32, #tpu.memory_space<vmem>> -> memref<128xi32, #tpu.memory_space<vmem>>
        %dma_start3A_203 = arith.constant 0 : i32
        %dma_start3A_204 = arith.constant 0 : i32
        %dma_start3A_205 = tpu.memref_slice %arg2[%dma_start3A_203, %dma_start3A_204] : memref<10000x128xf32, #tpu.memory_space<hbm>> -> memref<10000x128xf32, #tpu.memory_space<hbm>>
        tpu.enqueue_indirect_dma source(%dma_start3A_205 : memref<10000x128xf32, #tpu.memory_space<hbm>>) target(%arg10 : memref<128x128xf32, #tpu.memory_space<vmem>>) offsets(%dma_start3A_202 : memref<128xi32, #tpu.memory_space<vmem>>) semaphore(%arg13 : memref<!tpu.dma_semaphore, #tpu.memory_space<semaphore_mem>>)
      }
      %scan3A_26 = arith.constant 15 : i32
      %dma_wait3A = arith.constant 30 : i32
      %dma_wait3A_27 = arith.constant 0 : i32
      %dma_wait3A_28 = tpu.memref_slice %arg7[%dma_wait3A, %dma_wait3A_27] : memref<32x128xi32, #tpu.memory_space<vmem>> -> memref<1x128xi32, #tpu.memory_space<vmem>>
      %dma_wait3A_29 = tpu.memref_squeeze %dma_wait3A_28 : memref<1x128xi32, #tpu.memory_space<vmem>> -> memref<128xi32, #tpu.memory_space<vmem>>
      %dma_wait3A_30 = arith.constant 0 : i32
      %dma_wait3A_31 = arith.constant 0 : i32
      %dma_wait3A_32 = tpu.memref_slice %arg2[%dma_wait3A_30, %dma_wait3A_31] : memref<10000x128xf32, #tpu.memory_space<hbm>> -> memref<10000x128xf32, #tpu.memory_space<hbm>>
      tpu.wait_indirect_dma semaphore(%arg12 : memref<!tpu.dma_semaphore, #tpu.memory_space<semaphore_mem>>) src(%dma_wait3A_32 : memref<10000x128xf32, #tpu.memory_space<hbm>>) dst(%arg9 : memref<128x128xf32, #tpu.memory_space<vmem>>)
      %dma_start3A = arith.constant 30 : i32
      %dma_start3A_33 = arith.constant 0 : i32
      %dma_start3A_34 = tpu.memref_slice %arg8[%dma_start3A, %dma_start3A_33] : memref<32x128xi32, #tpu.memory_space<vmem>> -> memref<1x128xi32, #tpu.memory_space<vmem>>
      %dma_start3A_35 = tpu.memref_squeeze %dma_start3A_34 : memref<1x128xi32, #tpu.memory_space<vmem>> -> memref<128xi32, #tpu.memory_space<vmem>>
      %dma_start3A_36 = arith.constant 0 : i32
      %dma_start3A_37 = arith.constant 0 : i32
      %dma_start3A_38 = tpu.memref_slice %arg11[%dma_start3A_36, %dma_start3A_37] : memref<10112x128xf32, #tpu.memory_space<vmem_shared>> -> memref<10112x128xf32, #tpu.memory_space<vmem_shared>>
      tpu.enqueue_indirect_dma source(%arg9 : memref<128x128xf32, #tpu.memory_space<vmem>>) target(%dma_start3A_38 : memref<10112x128xf32, #tpu.memory_space<vmem_shared>>) offsets(%dma_start3A_35 : memref<128xi32, #tpu.memory_space<vmem>>) semaphore(%arg14 : memref<!tpu.dma_semaphore, #tpu.memory_space<semaphore_mem>>) {add = true}
      %dma_wait3A_39 = arith.constant 31 : i32
      %dma_wait3A_40 = arith.constant 0 : i32
      %dma_wait3A_41 = tpu.memref_slice %arg7[%dma_wait3A_39, %dma_wait3A_40] : memref<32x128xi32, #tpu.memory_space<vmem>> -> memref<1x128xi32, #tpu.memory_space<vmem>>
      %dma_wait3A_42 = tpu.memref_squeeze %dma_wait3A_41 : memref<1x128xi32, #tpu.memory_space<vmem>> -> memref<128xi32, #tpu.memory_space<vmem>>
      %dma_wait3A_43 = arith.constant 0 : i32
      %dma_wait3A_44 = arith.constant 0 : i32
      %dma_wait3A_45 = tpu.memref_slice %arg2[%dma_wait3A_43, %dma_wait3A_44] : memref<10000x128xf32, #tpu.memory_space<hbm>> -> memref<10000x128xf32, #tpu.memory_space<hbm>>
      tpu.wait_indirect_dma semaphore(%arg13 : memref<!tpu.dma_semaphore, #tpu.memory_space<semaphore_mem>>) src(%dma_wait3A_45 : memref<10000x128xf32, #tpu.memory_space<hbm>>) dst(%arg10 : memref<128x128xf32, #tpu.memory_space<vmem>>)
      %dma_start3A_46 = arith.constant 31 : i32
      %dma_start3A_47 = arith.constant 0 : i32
      %dma_start3A_48 = tpu.memref_slice %arg8[%dma_start3A_46, %dma_start3A_47] : memref<32x128xi32, #tpu.memory_space<vmem>> -> memref<1x128xi32, #tpu.memory_space<vmem>>
      %dma_start3A_49 = tpu.memref_squeeze %dma_start3A_48 : memref<1x128xi32, #tpu.memory_space<vmem>> -> memref<128xi32, #tpu.memory_space<vmem>>
      %dma_start3A_50 = arith.constant 0 : i32
      %dma_start3A_51 = arith.constant 0 : i32
      %dma_start3A_52 = tpu.memref_slice %arg11[%dma_start3A_50, %dma_start3A_51] : memref<10112x128xf32, #tpu.memory_space<vmem_shared>> -> memref<10112x128xf32, #tpu.memory_space<vmem_shared>>
      tpu.enqueue_indirect_dma source(%arg10 : memref<128x128xf32, #tpu.memory_space<vmem>>) target(%dma_start3A_52 : memref<10112x128xf32, #tpu.memory_space<vmem_shared>>) offsets(%dma_start3A_49 : memref<128xi32, #tpu.memory_space<vmem>>) semaphore(%arg15 : memref<!tpu.dma_semaphore, #tpu.memory_space<semaphore_mem>>) {add = true}
      %dma_wait3A_53 = arith.constant 30 : i32
      %dma_wait3A_54 = arith.constant 0 : i32
      %dma_wait3A_55 = tpu.memref_slice %arg8[%dma_wait3A_53, %dma_wait3A_54] : memref<32x128xi32, #tpu.memory_space<vmem>> -> memref<1x128xi32, #tpu.memory_space<vmem>>
      %dma_wait3A_56 = tpu.memref_squeeze %dma_wait3A_55 : memref<1x128xi32, #tpu.memory_space<vmem>> -> memref<128xi32, #tpu.memory_space<vmem>>
      %dma_wait3A_57 = arith.constant 0 : i32
      %dma_wait3A_58 = arith.constant 0 : i32
      %dma_wait3A_59 = tpu.memref_slice %arg11[%dma_wait3A_57, %dma_wait3A_58] : memref<10112x128xf32, #tpu.memory_space<vmem_shared>> -> memref<10112x128xf32, #tpu.memory_space<vmem_shared>>
      tpu.wait_indirect_dma semaphore(%arg14 : memref<!tpu.dma_semaphore, #tpu.memory_space<semaphore_mem>>) src(%arg9 : memref<128x128xf32, #tpu.memory_space<vmem>>) dst(%dma_wait3A_59 : memref<10112x128xf32, #tpu.memory_space<vmem_shared>>)
      %dma_wait3A_60 = arith.constant 31 : i32
      %dma_wait3A_61 = arith.constant 0 : i32
      %dma_wait3A_62 = tpu.memref_slice %arg8[%dma_wait3A_60, %dma_wait3A_61] : memref<32x128xi32, #tpu.memory_space<vmem>> -> memref<1x128xi32, #tpu.memory_space<vmem>>
      %dma_wait3A_63 = tpu.memref_squeeze %dma_wait3A_62 : memref<1x128xi32, #tpu.memory_space<vmem>> -> memref<128xi32, #tpu.memory_space<vmem>>
      %dma_wait3A_64 = arith.constant 0 : i32
      %dma_wait3A_65 = arith.constant 0 : i32
      %dma_wait3A_66 = tpu.memref_slice %arg11[%dma_wait3A_64, %dma_wait3A_65] : memref<10112x128xf32, #tpu.memory_space<vmem_shared>> -> memref<10112x128xf32, #tpu.memory_space<vmem_shared>>
      tpu.wait_indirect_dma semaphore(%arg15 : memref<!tpu.dma_semaphore, #tpu.memory_space<semaphore_mem>>) src(%arg10 : memref<128x128xf32, #tpu.memory_space<vmem>>) dst(%dma_wait3A_66 : memref<10112x128xf32, #tpu.memory_space<vmem_shared>>)
      %mul3A_67 = arith.constant 64 : i32
      %mul3A_68 = arith.muli %arg1, %mul3A_67 : i32
      %add3A = arith.constant 32 : i32
      %add3A_69 = arith.addi %mul3A_68, %add3A : i32
      "tpu.region"() ({
        %run_scoped3A = tpu.sem_alloc : memref<!tpu.dma_semaphore, #tpu.memory_space<semaphore_mem>>
        %dma_start3A_131 = arith.constant 0 : i32
        %dma_start3A_132 = tpu.memref_slice %arg3[%add3A_69, %dma_start3A_131] : memref<1344x128xi32, #tpu.memory_space<hbm>> -> memref<32x128xi32, #tpu.memory_space<hbm>>
        %dma_start3A_133 = arith.constant 0 : i32
        %dma_start3A_134 = tpu.memref_slice %arg3[%add3A_69, %dma_start3A_133] : memref<1344x128xi32, #tpu.memory_space<hbm>> -> memref<32x128xi32, #tpu.memory_space<hbm>>
        tpu.enqueue_dma source(%dma_start3A_134 : memref<32x128xi32, #tpu.memory_space<hbm>>) target(%arg7 : memref<32x128xi32, #tpu.memory_space<vmem>>) target_semaphore(%run_scoped3A : memref<!tpu.dma_semaphore, #tpu.memory_space<semaphore_mem>>)
        %dma_wait3A_135 = arith.constant 0 : i32
        %dma_wait3A_136 = tpu.memref_slice %arg3[%add3A_69, %dma_wait3A_135] : memref<1344x128xi32, #tpu.memory_space<hbm>> -> memref<32x128xi32, #tpu.memory_space<hbm>>
        %dma_wait3A_137 = arith.constant 0 : i32
        %dma_wait3A_138 = tpu.memref_slice %arg3[%add3A_69, %dma_wait3A_137] : memref<1344x128xi32, #tpu.memory_space<hbm>> -> memref<32x128xi32, #tpu.memory_space<hbm>>
        tpu.wait_dma2 semaphore(%run_scoped3A : memref<!tpu.dma_semaphore, #tpu.memory_space<semaphore_mem>>) src(%dma_wait3A_138 : memref<32x128xi32, #tpu.memory_space<hbm>>) dst(%arg7 : memref<32x128xi32, #tpu.memory_space<vmem>>)
        tpu.yield
      }) : () -> ()
      "tpu.region"() ({
        %run_scoped3A = tpu.sem_alloc : memref<!tpu.dma_semaphore, #tpu.memory_space<semaphore_mem>>
        %dma_start3A_131 = arith.constant 0 : i32
        %dma_start3A_132 = tpu.memref_slice %arg4[%add3A_69, %dma_start3A_131] : memref<1344x128xi32, #tpu.memory_space<hbm>> -> memref<32x128xi32, #tpu.memory_space<hbm>>
        %dma_start3A_133 = arith.constant 0 : i32
        %dma_start3A_134 = tpu.memref_slice %arg4[%add3A_69, %dma_start3A_133] : memref<1344x128xi32, #tpu.memory_space<hbm>> -> memref<32x128xi32, #tpu.memory_space<hbm>>
        tpu.enqueue_dma source(%dma_start3A_134 : memref<32x128xi32, #tpu.memory_space<hbm>>) target(%arg8 : memref<32x128xi32, #tpu.memory_space<vmem>>) target_semaphore(%run_scoped3A : memref<!tpu.dma_semaphore, #tpu.memory_space<semaphore_mem>>)
        %dma_wait3A_135 = arith.constant 0 : i32
        %dma_wait3A_136 = tpu.memref_slice %arg4[%add3A_69, %dma_wait3A_135] : memref<1344x128xi32, #tpu.memory_space<hbm>> -> memref<32x128xi32, #tpu.memory_space<hbm>>
        %dma_wait3A_137 = arith.constant 0 : i32
        %dma_wait3A_138 = tpu.memref_slice %arg4[%add3A_69, %dma_wait3A_137] : memref<1344x128xi32, #tpu.memory_space<hbm>> -> memref<32x128xi32, #tpu.memory_space<hbm>>
        tpu.wait_dma2 semaphore(%run_scoped3A : memref<!tpu.dma_semaphore, #tpu.memory_space<semaphore_mem>>) src(%dma_wait3A_138 : memref<32x128xi32, #tpu.memory_space<hbm>>) dst(%arg8 : memref<32x128xi32, #tpu.memory_space<vmem>>)
        tpu.yield
      }) : () -> ()
      %dma_start3A_70 = arith.constant 0 : i32
      %dma_start3A_71 = arith.constant 0 : i32
      %dma_start3A_72 = tpu.memref_slice %arg7[%dma_start3A_70, %dma_start3A_71] : memref<32x128xi32, #tpu.memory_space<vmem>> -> memref<1x128xi32, #tpu.memory_space<vmem>>
      %dma_start3A_73 = tpu.memref_squeeze %dma_start3A_72 : memref<1x128xi32, #tpu.memory_space<vmem>> -> memref<128xi32, #tpu.memory_space<vmem>>
      %dma_start3A_74 = arith.constant 0 : i32
      %dma_start3A_75 = arith.constant 0 : i32
      %dma_start3A_76 = tpu.memref_slice %arg2[%dma_start3A_74, %dma_start3A_75] : memref<10000x128xf32, #tpu.memory_space<hbm>> -> memref<10000x128xf32, #tpu.memory_space<hbm>>
      tpu.enqueue_indirect_dma source(%dma_start3A_76 : memref<10000x128xf32, #tpu.memory_space<hbm>>) target(%arg9 : memref<128x128xf32, #tpu.memory_space<vmem>>) offsets(%dma_start3A_73 : memref<128xi32, #tpu.memory_space<vmem>>) semaphore(%arg12 : memref<!tpu.dma_semaphore, #tpu.memory_space<semaphore_mem>>)
      %dma_start3A_77 = arith.constant 1 : i32
      %dma_start3A_78 = arith.constant 0 : i32
      %dma_start3A_79 = tpu.memref_slice %arg7[%dma_start3A_77, %dma_start3A_78] : memref<32x128xi32, #tpu.memory_space<vmem>> -> memref<1x128xi32, #tpu.memory_space<vmem>>
      %dma_start3A_80 = tpu.memref_squeeze %dma_start3A_79 : memref<1x128xi32, #tpu.memory_space<vmem>> -> memref<128xi32, #tpu.memory_space<vmem>>
      %dma_start3A_81 = arith.constant 0 : i32
      %dma_start3A_82 = arith.constant 0 : i32
      %dma_start3A_83 = tpu.memref_slice %arg2[%dma_start3A_81, %dma_start3A_82] : memref<10000x128xf32, #tpu.memory_space<hbm>> -> memref<10000x128xf32, #tpu.memory_space<hbm>>
      tpu.enqueue_indirect_dma source(%dma_start3A_83 : memref<10000x128xf32, #tpu.memory_space<hbm>>) target(%arg10 : memref<128x128xf32, #tpu.memory_space<vmem>>) offsets(%dma_start3A_80 : memref<128xi32, #tpu.memory_space<vmem>>) semaphore(%arg13 : memref<!tpu.dma_semaphore, #tpu.memory_space<semaphore_mem>>)
      %scan3A_84 = arith.constant 0 : i32
      %scan3A_85 = arith.constant 15 : i32
      %scan3A_86 = arith.addi %scan3A_84, %scan3A_85 : i32
      %scan3A_87 = arith.constant 1 : i32
      scf.for %scan3A_131 = %scan3A_84 to %scan3A_86 step %scan3A_87  : i32 {
        %mul3A_132 = arith.constant 1 : i32
        %mul3A_133 = arith.muli %scan3A_131, %mul3A_132 : i32
        %add3A_134 = arith.constant 0 : i32
        %add3A_135 = arith.addi %add3A_134, %mul3A_133 : i32
        %mul3A_136 = arith.constant 2 : i32
        %mul3A_137 = arith.muli %add3A_135, %mul3A_136 : i32
        %add3A_138 = arith.constant 0 : i32
        %add3A_139 = arith.addi %mul3A_137, %add3A_138 : i32
        %dma_wait3A_140 = arith.constant 0 : i32
        %dma_wait3A_141 = tpu.memref_slice %arg7[%add3A_139, %dma_wait3A_140] : memref<32x128xi32, #tpu.memory_space<vmem>> -> memref<1x128xi32, #tpu.memory_space<vmem>>
        %dma_wait3A_142 = tpu.memref_squeeze %dma_wait3A_141 : memref<1x128xi32, #tpu.memory_space<vmem>> -> memref<128xi32, #tpu.memory_space<vmem>>
        %dma_wait3A_143 = arith.constant 0 : i32
        %dma_wait3A_144 = arith.constant 0 : i32
        %dma_wait3A_145 = tpu.memref_slice %arg2[%dma_wait3A_143, %dma_wait3A_144] : memref<10000x128xf32, #tpu.memory_space<hbm>> -> memref<10000x128xf32, #tpu.memory_space<hbm>>
        tpu.wait_indirect_dma semaphore(%arg12 : memref<!tpu.dma_semaphore, #tpu.memory_space<semaphore_mem>>) src(%dma_wait3A_145 : memref<10000x128xf32, #tpu.memory_space<hbm>>) dst(%arg9 : memref<128x128xf32, #tpu.memory_space<vmem>>)
        %add3A_146 = arith.constant 0 : i32
        %add3A_147 = arith.addi %mul3A_137, %add3A_146 : i32
        %dma_start3A_148 = arith.constant 0 : i32
        %dma_start3A_149 = tpu.memref_slice %arg8[%add3A_147, %dma_start3A_148] : memref<32x128xi32, #tpu.memory_space<vmem>> -> memref<1x128xi32, #tpu.memory_space<vmem>>
        %dma_start3A_150 = tpu.memref_squeeze %dma_start3A_149 : memref<1x128xi32, #tpu.memory_space<vmem>> -> memref<128xi32, #tpu.memory_space<vmem>>
        %dma_start3A_151 = arith.constant 0 : i32
        %dma_start3A_152 = arith.constant 0 : i32
        %dma_start3A_153 = tpu.memref_slice %arg11[%dma_start3A_151, %dma_start3A_152] : memref<10112x128xf32, #tpu.memory_space<vmem_shared>> -> memref<10112x128xf32, #tpu.memory_space<vmem_shared>>
        tpu.enqueue_indirect_dma source(%arg9 : memref<128x128xf32, #tpu.memory_space<vmem>>) target(%dma_start3A_153 : memref<10112x128xf32, #tpu.memory_space<vmem_shared>>) offsets(%dma_start3A_150 : memref<128xi32, #tpu.memory_space<vmem>>) semaphore(%arg14 : memref<!tpu.dma_semaphore, #tpu.memory_space<semaphore_mem>>) {add = true}
        %add3A_154 = arith.constant 1 : i32
        %add3A_155 = arith.addi %mul3A_137, %add3A_154 : i32
        %dma_wait3A_156 = arith.constant 0 : i32
        %dma_wait3A_157 = tpu.memref_slice %arg7[%add3A_155, %dma_wait3A_156] : memref<32x128xi32, #tpu.memory_space<vmem>> -> memref<1x128xi32, #tpu.memory_space<vmem>>
        %dma_wait3A_158 = tpu.memref_squeeze %dma_wait3A_157 : memref<1x128xi32, #tpu.memory_space<vmem>> -> memref<128xi32, #tpu.memory_space<vmem>>
        %dma_wait3A_159 = arith.constant 0 : i32
        %dma_wait3A_160 = arith.constant 0 : i32
        %dma_wait3A_161 = tpu.memref_slice %arg2[%dma_wait3A_159, %dma_wait3A_160] : memref<10000x128xf32, #tpu.memory_space<hbm>> -> memref<10000x128xf32, #tpu.memory_space<hbm>>
        tpu.wait_indirect_dma semaphore(%arg13 : memref<!tpu.dma_semaphore, #tpu.memory_space<semaphore_mem>>) src(%dma_wait3A_161 : memref<10000x128xf32, #tpu.memory_space<hbm>>) dst(%arg10 : memref<128x128xf32, #tpu.memory_space<vmem>>)
        %add3A_162 = arith.constant 1 : i32
        %add3A_163 = arith.addi %mul3A_137, %add3A_162 : i32
        %dma_start3A_164 = arith.constant 0 : i32
        %dma_start3A_165 = tpu.memref_slice %arg8[%add3A_163, %dma_start3A_164] : memref<32x128xi32, #tpu.memory_space<vmem>> -> memref<1x128xi32, #tpu.memory_space<vmem>>
        %dma_start3A_166 = tpu.memref_squeeze %dma_start3A_165 : memref<1x128xi32, #tpu.memory_space<vmem>> -> memref<128xi32, #tpu.memory_space<vmem>>
        %dma_start3A_167 = arith.constant 0 : i32
        %dma_start3A_168 = arith.constant 0 : i32
        %dma_start3A_169 = tpu.memref_slice %arg11[%dma_start3A_167, %dma_start3A_168] : memref<10112x128xf32, #tpu.memory_space<vmem_shared>> -> memref<10112x128xf32, #tpu.memory_space<vmem_shared>>
        tpu.enqueue_indirect_dma source(%arg10 : memref<128x128xf32, #tpu.memory_space<vmem>>) target(%dma_start3A_169 : memref<10112x128xf32, #tpu.memory_space<vmem_shared>>) offsets(%dma_start3A_166 : memref<128xi32, #tpu.memory_space<vmem>>) semaphore(%arg15 : memref<!tpu.dma_semaphore, #tpu.memory_space<semaphore_mem>>) {add = true}
        %add3A_170 = arith.constant 0 : i32
        %add3A_171 = arith.addi %mul3A_137, %add3A_170 : i32
        %dma_wait3A_172 = arith.constant 0 : i32
        %dma_wait3A_173 = tpu.memref_slice %arg8[%add3A_171, %dma_wait3A_172] : memref<32x128xi32, #tpu.memory_space<vmem>> -> memref<1x128xi32, #tpu.memory_space<vmem>>
        %dma_wait3A_174 = tpu.memref_squeeze %dma_wait3A_173 : memref<1x128xi32, #tpu.memory_space<vmem>> -> memref<128xi32, #tpu.memory_space<vmem>>
        %dma_wait3A_175 = arith.constant 0 : i32
        %dma_wait3A_176 = arith.constant 0 : i32
        %dma_wait3A_177 = tpu.memref_slice %arg11[%dma_wait3A_175, %dma_wait3A_176] : memref<10112x128xf32, #tpu.memory_space<vmem_shared>> -> memref<10112x128xf32, #tpu.memory_space<vmem_shared>>
        tpu.wait_indirect_dma semaphore(%arg14 : memref<!tpu.dma_semaphore, #tpu.memory_space<semaphore_mem>>) src(%arg9 : memref<128x128xf32, #tpu.memory_space<vmem>>) dst(%dma_wait3A_177 : memref<10112x128xf32, #tpu.memory_space<vmem_shared>>)
        %add3A_178 = arith.constant 2 : i32
        %add3A_179 = arith.addi %mul3A_137, %add3A_178 : i32
        %add3A_180 = arith.constant 0 : i32
        %add3A_181 = arith.addi %add3A_179, %add3A_180 : i32
        %dma_start3A_182 = arith.constant 0 : i32
        %dma_start3A_183 = tpu.memref_slice %arg7[%add3A_181, %dma_start3A_182] : memref<32x128xi32, #tpu.memory_space<vmem>> -> memref<1x128xi32, #tpu.memory_space<vmem>>
        %dma_start3A_184 = tpu.memref_squeeze %dma_start3A_183 : memref<1x128xi32, #tpu.memory_space<vmem>> -> memref<128xi32, #tpu.memory_space<vmem>>
        %dma_start3A_185 = arith.constant 0 : i32
        %dma_start3A_186 = arith.constant 0 : i32
        %dma_start3A_187 = tpu.memref_slice %arg2[%dma_start3A_185, %dma_start3A_186] : memref<10000x128xf32, #tpu.memory_space<hbm>> -> memref<10000x128xf32, #tpu.memory_space<hbm>>
        tpu.enqueue_indirect_dma source(%dma_start3A_187 : memref<10000x128xf32, #tpu.memory_space<hbm>>) target(%arg9 : memref<128x128xf32, #tpu.memory_space<vmem>>) offsets(%dma_start3A_184 : memref<128xi32, #tpu.memory_space<vmem>>) semaphore(%arg12 : memref<!tpu.dma_semaphore, #tpu.memory_space<semaphore_mem>>)
        %add3A_188 = arith.constant 1 : i32
        %add3A_189 = arith.addi %mul3A_137, %add3A_188 : i32
        %dma_wait3A_190 = arith.constant 0 : i32
        %dma_wait3A_191 = tpu.memref_slice %arg8[%add3A_189, %dma_wait3A_190] : memref<32x128xi32, #tpu.memory_space<vmem>> -> memref<1x128xi32, #tpu.memory_space<vmem>>
        %dma_wait3A_192 = tpu.memref_squeeze %dma_wait3A_191 : memref<1x128xi32, #tpu.memory_space<vmem>> -> memref<128xi32, #tpu.memory_space<vmem>>
        %dma_wait3A_193 = arith.constant 0 : i32
        %dma_wait3A_194 = arith.constant 0 : i32
        %dma_wait3A_195 = tpu.memref_slice %arg11[%dma_wait3A_193, %dma_wait3A_194] : memref<10112x128xf32, #tpu.memory_space<vmem_shared>> -> memref<10112x128xf32, #tpu.memory_space<vmem_shared>>
        tpu.wait_indirect_dma semaphore(%arg15 : memref<!tpu.dma_semaphore, #tpu.memory_space<semaphore_mem>>) src(%arg10 : memref<128x128xf32, #tpu.memory_space<vmem>>) dst(%dma_wait3A_195 : memref<10112x128xf32, #tpu.memory_space<vmem_shared>>)
        %add3A_196 = arith.constant 2 : i32
        %add3A_197 = arith.addi %mul3A_137, %add3A_196 : i32
        %add3A_198 = arith.constant 1 : i32
        %add3A_199 = arith.addi %add3A_197, %add3A_198 : i32
        %dma_start3A_200 = arith.constant 0 : i32
        %dma_start3A_201 = tpu.memref_slice %arg7[%add3A_199, %dma_start3A_200] : memref<32x128xi32, #tpu.memory_space<vmem>> -> memref<1x128xi32, #tpu.memory_space<vmem>>
        %dma_start3A_202 = tpu.memref_squeeze %dma_start3A_201 : memref<1x128xi32, #tpu.memory_space<vmem>> -> memref<128xi32, #tpu.memory_space<vmem>>
        %dma_start3A_203 = arith.constant 0 : i32
        %dma_start3A_204 = arith.constant 0 : i32
        %dma_start3A_205 = tpu.memref_slice %arg2[%dma_start3A_203, %dma_start3A_204] : memref<10000x128xf32, #tpu.memory_space<hbm>> -> memref<10000x128xf32, #tpu.memory_space<hbm>>
        tpu.enqueue_indirect_dma source(%dma_start3A_205 : memref<10000x128xf32, #tpu.memory_space<hbm>>) target(%arg10 : memref<128x128xf32, #tpu.memory_space<vmem>>) offsets(%dma_start3A_202 : memref<128xi32, #tpu.memory_space<vmem>>) semaphore(%arg13 : memref<!tpu.dma_semaphore, #tpu.memory_space<semaphore_mem>>)
      }
      %scan3A_88 = arith.constant 15 : i32
      %dma_wait3A_89 = arith.constant 30 : i32
      %dma_wait3A_90 = arith.constant 0 : i32
      %dma_wait3A_91 = tpu.memref_slice %arg7[%dma_wait3A_89, %dma_wait3A_90] : memref<32x128xi32, #tpu.memory_space<vmem>> -> memref<1x128xi32, #tpu.memory_space<vmem>>
      %dma_wait3A_92 = tpu.memref_squeeze %dma_wait3A_91 : memref<1x128xi32, #tpu.memory_space<vmem>> -> memref<128xi32, #tpu.memory_space<vmem>>
      %dma_wait3A_93 = arith.constant 0 : i32
      %dma_wait3A_94 = arith.constant 0 : i32
      %dma_wait3A_95 = tpu.memref_slice %arg2[%dma_wait3A_93, %dma_wait3A_94] : memref<10000x128xf32, #tpu.memory_space<hbm>> -> memref<10000x128xf32, #tpu.memory_space<hbm>>
      tpu.wait_indirect_dma semaphore(%arg12 : memref<!tpu.dma_semaphore, #tpu.memory_space<semaphore_mem>>) src(%dma_wait3A_95 : memref<10000x128xf32, #tpu.memory_space<hbm>>) dst(%arg9 : memref<128x128xf32, #tpu.memory_space<vmem>>)
      %dma_start3A_96 = arith.constant 30 : i32
      %dma_start3A_97 = arith.constant 0 : i32
      %dma_start3A_98 = tpu.memref_slice %arg8[%dma_start3A_96, %dma_start3A_97] : memref<32x128xi32, #tpu.memory_space<vmem>> -> memref<1x128xi32, #tpu.memory_space<vmem>>
      %dma_start3A_99 = tpu.memref_squeeze %dma_start3A_98 : memref<1x128xi32, #tpu.memory_space<vmem>> -> memref<128xi32, #tpu.memory_space<vmem>>
      %dma_start3A_100 = arith.constant 0 : i32
      %dma_start3A_101 = arith.constant 0 : i32
      %dma_start3A_102 = tpu.memref_slice %arg11[%dma_start3A_100, %dma_start3A_101] : memref<10112x128xf32, #tpu.memory_space<vmem_shared>> -> memref<10112x128xf32, #tpu.memory_space<vmem_shared>>
      tpu.enqueue_indirect_dma source(%arg9 : memref<128x128xf32, #tpu.memory_space<vmem>>) target(%dma_start3A_102 : memref<10112x128xf32, #tpu.memory_space<vmem_shared>>) offsets(%dma_start3A_99 : memref<128xi32, #tpu.memory_space<vmem>>) semaphore(%arg14 : memref<!tpu.dma_semaphore, #tpu.memory_space<semaphore_mem>>) {add = true}
      %dma_wait3A_103 = arith.constant 31 : i32
      %dma_wait3A_104 = arith.constant 0 : i32
      %dma_wait3A_105 = tpu.memref_slice %arg7[%dma_wait3A_103, %dma_wait3A_104] : memref<32x128xi32, #tpu.memory_space<vmem>> -> memref<1x128xi32, #tpu.memory_space<vmem>>
      %dma_wait3A_106 = tpu.memref_squeeze %dma_wait3A_105 : memref<1x128xi32, #tpu.memory_space<vmem>> -> memref<128xi32, #tpu.memory_space<vmem>>
      %dma_wait3A_107 = arith.constant 0 : i32
      %dma_wait3A_108 = arith.constant 0 : i32
      %dma_wait3A_109 = tpu.memref_slice %arg2[%dma_wait3A_107, %dma_wait3A_108] : memref<10000x128xf32, #tpu.memory_space<hbm>> -> memref<10000x128xf32, #tpu.memory_space<hbm>>
      tpu.wait_indirect_dma semaphore(%arg13 : memref<!tpu.dma_semaphore, #tpu.memory_space<semaphore_mem>>) src(%dma_wait3A_109 : memref<10000x128xf32, #tpu.memory_space<hbm>>) dst(%arg10 : memref<128x128xf32, #tpu.memory_space<vmem>>)
      %dma_start3A_110 = arith.constant 31 : i32
      %dma_start3A_111 = arith.constant 0 : i32
      %dma_start3A_112 = tpu.memref_slice %arg8[%dma_start3A_110, %dma_start3A_111] : memref<32x128xi32, #tpu.memory_space<vmem>> -> memref<1x128xi32, #tpu.memory_space<vmem>>
      %dma_start3A_113 = tpu.memref_squeeze %dma_start3A_112 : memref<1x128xi32, #tpu.memory_space<vmem>> -> memref<128xi32, #tpu.memory_space<vmem>>
      %dma_start3A_114 = arith.constant 0 : i32
      %dma_start3A_115 = arith.constant 0 : i32
      %dma_start3A_116 = tpu.memref_slice %arg11[%dma_start3A_114, %dma_start3A_115] : memref<10112x128xf32, #tpu.memory_space<vmem_shared>> -> memref<10112x128xf32, #tpu.memory_space<vmem_shared>>
      tpu.enqueue_indirect_dma source(%arg10 : memref<128x128xf32, #tpu.memory_space<vmem>>) target(%dma_start3A_116 : memref<10112x128xf32, #tpu.memory_space<vmem_shared>>) offsets(%dma_start3A_113 : memref<128xi32, #tpu.memory_space<vmem>>) semaphore(%arg15 : memref<!tpu.dma_semaphore, #tpu.memory_space<semaphore_mem>>) {add = true}
      %dma_wait3A_117 = arith.constant 30 : i32
      %dma_wait3A_118 = arith.constant 0 : i32
      %dma_wait3A_119 = tpu.memref_slice %arg8[%dma_wait3A_117, %dma_wait3A_118] : memref<32x128xi32, #tpu.memory_space<vmem>> -> memref<1x128xi32, #tpu.memory_space<vmem>>
      %dma_wait3A_120 = tpu.memref_squeeze %dma_wait3A_119 : memref<1x128xi32, #tpu.memory_space<vmem>> -> memref<128xi32, #tpu.memory_space<vmem>>
      %dma_wait3A_121 = arith.constant 0 : i32
      %dma_wait3A_122 = arith.constant 0 : i32
      %dma_wait3A_123 = tpu.memref_slice %arg11[%dma_wait3A_121, %dma_wait3A_122] : memref<10112x128xf32, #tpu.memory_space<vmem_shared>> -> memref<10112x128xf32, #tpu.memory_space<vmem_shared>>
      tpu.wait_indirect_dma semaphore(%arg14 : memref<!tpu.dma_semaphore, #tpu.memory_space<semaphore_mem>>) src(%arg9 : memref<128x128xf32, #tpu.memory_space<vmem>>) dst(%dma_wait3A_123 : memref<10112x128xf32, #tpu.memory_space<vmem_shared>>)
      %dma_wait3A_124 = arith.constant 31 : i32
      %dma_wait3A_125 = arith.constant 0 : i32
      %dma_wait3A_126 = tpu.memref_slice %arg8[%dma_wait3A_124, %dma_wait3A_125] : memref<32x128xi32, #tpu.memory_space<vmem>> -> memref<1x128xi32, #tpu.memory_space<vmem>>
      %dma_wait3A_127 = tpu.memref_squeeze %dma_wait3A_126 : memref<1x128xi32, #tpu.memory_space<vmem>> -> memref<128xi32, #tpu.memory_space<vmem>>
      %dma_wait3A_128 = arith.constant 0 : i32
      %dma_wait3A_129 = arith.constant 0 : i32
      %dma_wait3A_130 = tpu.memref_slice %arg11[%dma_wait3A_128, %dma_wait3A_129] : memref<10112x128xf32, #tpu.memory_space<vmem_shared>> -> memref<10112x128xf32, #tpu.memory_space<vmem_shared>>
      tpu.wait_indirect_dma semaphore(%arg15 : memref<!tpu.dma_semaphore, #tpu.memory_space<semaphore_mem>>) src(%arg10 : memref<128x128xf32, #tpu.memory_space<vmem>>) dst(%dma_wait3A_130 : memref<10112x128xf32, #tpu.memory_space<vmem_shared>>)
    } else {
    }
    %eq3A_13 = arith.constant 0 : i32
    %eq3A_14 = arith.cmpi eq, %arg0, %eq3A_13 : i32
    %convert_element_type3A_15 = arith.extui %eq3A_14 : i1 to i32
    %cond3A_16 = arith.constant 0 : i32
    %cond3A_17 = arith.cmpi ne, %convert_element_type3A_15, %cond3A_16 : i32
    scf.if %cond3A_17 {
      %scan3A = arith.constant 0 : i32
      %scan3A_23 = arith.constant 7 : i32
      %scan3A_24 = arith.addi %scan3A, %scan3A_23 : i32
      %scan3A_25 = arith.constant 1 : i32
      scf.for %scan3A_67 = %scan3A to %scan3A_24 step %scan3A_25  : i32 {
        %mul3A_68 = arith.constant 1 : i32
        %mul3A_69 = arith.muli %scan3A_67, %mul3A_68 : i32
        %add3A = arith.constant 0 : i32
        %add3A_70 = arith.addi %add3A, %mul3A_69 : i32
        %mul3A_71 = arith.constant 2 : i32
        %mul3A_72 = arith.muli %add3A_70, %mul3A_71 : i32
        %add3A_73 = arith.constant 0 : i32
        %add3A_74 = arith.addi %mul3A_72, %add3A_73 : i32
        %dma_wait3A_75 = arith.constant 0 : i32
        %dma_wait3A_76 = tpu.memref_slice %arg7[%add3A_74, %dma_wait3A_75] : memref<32x128xi32, #tpu.memory_space<vmem>> -> memref<1x128xi32, #tpu.memory_space<vmem>>
        %dma_wait3A_77 = tpu.memref_squeeze %dma_wait3A_76 : memref<1x128xi32, #tpu.memory_space<vmem>> -> memref<128xi32, #tpu.memory_space<vmem>>
        %dma_wait3A_78 = arith.constant 0 : i32
        %dma_wait3A_79 = arith.constant 0 : i32
        %dma_wait3A_80 = tpu.memref_slice %arg2[%dma_wait3A_78, %dma_wait3A_79] : memref<10000x128xf32, #tpu.memory_space<hbm>> -> memref<10000x128xf32, #tpu.memory_space<hbm>>
        tpu.wait_indirect_dma semaphore(%arg12 : memref<!tpu.dma_semaphore, #tpu.memory_space<semaphore_mem>>) src(%dma_wait3A_80 : memref<10000x128xf32, #tpu.memory_space<hbm>>) dst(%arg9 : memref<128x128xf32, #tpu.memory_space<vmem>>)
        %add3A_81 = arith.constant 0 : i32
        %add3A_82 = arith.addi %mul3A_72, %add3A_81 : i32
        %dma_start3A_83 = arith.constant 0 : i32
        %dma_start3A_84 = tpu.memref_slice %arg8[%add3A_82, %dma_start3A_83] : memref<32x128xi32, #tpu.memory_space<vmem>> -> memref<1x128xi32, #tpu.memory_space<vmem>>
        %dma_start3A_85 = tpu.memref_squeeze %dma_start3A_84 : memref<1x128xi32, #tpu.memory_space<vmem>> -> memref<128xi32, #tpu.memory_space<vmem>>
        %dma_start3A_86 = arith.constant 0 : i32
        %dma_start3A_87 = arith.constant 0 : i32
        %dma_start3A_88 = tpu.memref_slice %arg11[%dma_start3A_86, %dma_start3A_87] : memref<10112x128xf32, #tpu.memory_space<vmem_shared>> -> memref<10112x128xf32, #tpu.memory_space<vmem_shared>>
        tpu.enqueue_indirect_dma source(%arg9 : memref<128x128xf32, #tpu.memory_space<vmem>>) target(%dma_start3A_88 : memref<10112x128xf32, #tpu.memory_space<vmem_shared>>) offsets(%dma_start3A_85 : memref<128xi32, #tpu.memory_space<vmem>>) semaphore(%arg14 : memref<!tpu.dma_semaphore, #tpu.memory_space<semaphore_mem>>) {add = true}
        %add3A_89 = arith.constant 1 : i32
        %add3A_90 = arith.addi %mul3A_72, %add3A_89 : i32
        %dma_wait3A_91 = arith.constant 0 : i32
        %dma_wait3A_92 = tpu.memref_slice %arg7[%add3A_90, %dma_wait3A_91] : memref<32x128xi32, #tpu.memory_space<vmem>> -> memref<1x128xi32, #tpu.memory_space<vmem>>
        %dma_wait3A_93 = tpu.memref_squeeze %dma_wait3A_92 : memref<1x128xi32, #tpu.memory_space<vmem>> -> memref<128xi32, #tpu.memory_space<vmem>>
        %dma_wait3A_94 = arith.constant 0 : i32
        %dma_wait3A_95 = arith.constant 0 : i32
        %dma_wait3A_96 = tpu.memref_slice %arg2[%dma_wait3A_94, %dma_wait3A_95] : memref<10000x128xf32, #tpu.memory_space<hbm>> -> memref<10000x128xf32, #tpu.memory_space<hbm>>
        tpu.wait_indirect_dma semaphore(%arg13 : memref<!tpu.dma_semaphore, #tpu.memory_space<semaphore_mem>>) src(%dma_wait3A_96 : memref<10000x128xf32, #tpu.memory_space<hbm>>) dst(%arg10 : memref<128x128xf32, #tpu.memory_space<vmem>>)
        %add3A_97 = arith.constant 1 : i32
        %add3A_98 = arith.addi %mul3A_72, %add3A_97 : i32
        %dma_start3A_99 = arith.constant 0 : i32
        %dma_start3A_100 = tpu.memref_slice %arg8[%add3A_98, %dma_start3A_99] : memref<32x128xi32, #tpu.memory_space<vmem>> -> memref<1x128xi32, #tpu.memory_space<vmem>>
        %dma_start3A_101 = tpu.memref_squeeze %dma_start3A_100 : memref<1x128xi32, #tpu.memory_space<vmem>> -> memref<128xi32, #tpu.memory_space<vmem>>
        %dma_start3A_102 = arith.constant 0 : i32
        %dma_start3A_103 = arith.constant 0 : i32
        %dma_start3A_104 = tpu.memref_slice %arg11[%dma_start3A_102, %dma_start3A_103] : memref<10112x128xf32, #tpu.memory_space<vmem_shared>> -> memref<10112x128xf32, #tpu.memory_space<vmem_shared>>
        tpu.enqueue_indirect_dma source(%arg10 : memref<128x128xf32, #tpu.memory_space<vmem>>) target(%dma_start3A_104 : memref<10112x128xf32, #tpu.memory_space<vmem_shared>>) offsets(%dma_start3A_101 : memref<128xi32, #tpu.memory_space<vmem>>) semaphore(%arg15 : memref<!tpu.dma_semaphore, #tpu.memory_space<semaphore_mem>>) {add = true}
        %add3A_105 = arith.constant 0 : i32
        %add3A_106 = arith.addi %mul3A_72, %add3A_105 : i32
        %dma_wait3A_107 = arith.constant 0 : i32
        %dma_wait3A_108 = tpu.memref_slice %arg8[%add3A_106, %dma_wait3A_107] : memref<32x128xi32, #tpu.memory_space<vmem>> -> memref<1x128xi32, #tpu.memory_space<vmem>>
        %dma_wait3A_109 = tpu.memref_squeeze %dma_wait3A_108 : memref<1x128xi32, #tpu.memory_space<vmem>> -> memref<128xi32, #tpu.memory_space<vmem>>
        %dma_wait3A_110 = arith.constant 0 : i32
        %dma_wait3A_111 = arith.constant 0 : i32
        %dma_wait3A_112 = tpu.memref_slice %arg11[%dma_wait3A_110, %dma_wait3A_111] : memref<10112x128xf32, #tpu.memory_space<vmem_shared>> -> memref<10112x128xf32, #tpu.memory_space<vmem_shared>>
        tpu.wait_indirect_dma semaphore(%arg14 : memref<!tpu.dma_semaphore, #tpu.memory_space<semaphore_mem>>) src(%arg9 : memref<128x128xf32, #tpu.memory_space<vmem>>) dst(%dma_wait3A_112 : memref<10112x128xf32, #tpu.memory_space<vmem_shared>>)
        %add3A_113 = arith.constant 2 : i32
        %add3A_114 = arith.addi %mul3A_72, %add3A_113 : i32
        %add3A_115 = arith.constant 0 : i32
        %add3A_116 = arith.addi %add3A_114, %add3A_115 : i32
        %dma_start3A_117 = arith.constant 0 : i32
        %dma_start3A_118 = tpu.memref_slice %arg7[%add3A_116, %dma_start3A_117] : memref<32x128xi32, #tpu.memory_space<vmem>> -> memref<1x128xi32, #tpu.memory_space<vmem>>
        %dma_start3A_119 = tpu.memref_squeeze %dma_start3A_118 : memref<1x128xi32, #tpu.memory_space<vmem>> -> memref<128xi32, #tpu.memory_space<vmem>>
        %dma_start3A_120 = arith.constant 0 : i32
        %dma_start3A_121 = arith.constant 0 : i32
        %dma_start3A_122 = tpu.memref_slice %arg2[%dma_start3A_120, %dma_start3A_121] : memref<10000x128xf32, #tpu.memory_space<hbm>> -> memref<10000x128xf32, #tpu.memory_space<hbm>>
        tpu.enqueue_indirect_dma source(%dma_start3A_122 : memref<10000x128xf32, #tpu.memory_space<hbm>>) target(%arg9 : memref<128x128xf32, #tpu.memory_space<vmem>>) offsets(%dma_start3A_119 : memref<128xi32, #tpu.memory_space<vmem>>) semaphore(%arg12 : memref<!tpu.dma_semaphore, #tpu.memory_space<semaphore_mem>>)
        %add3A_123 = arith.constant 1 : i32
        %add3A_124 = arith.addi %mul3A_72, %add3A_123 : i32
        %dma_wait3A_125 = arith.constant 0 : i32
        %dma_wait3A_126 = tpu.memref_slice %arg8[%add3A_124, %dma_wait3A_125] : memref<32x128xi32, #tpu.memory_space<vmem>> -> memref<1x128xi32, #tpu.memory_space<vmem>>
        %dma_wait3A_127 = tpu.memref_squeeze %dma_wait3A_126 : memref<1x128xi32, #tpu.memory_space<vmem>> -> memref<128xi32, #tpu.memory_space<vmem>>
        %dma_wait3A_128 = arith.constant 0 : i32
        %dma_wait3A_129 = arith.constant 0 : i32
        %dma_wait3A_130 = tpu.memref_slice %arg11[%dma_wait3A_128, %dma_wait3A_129] : memref<10112x128xf32, #tpu.memory_space<vmem_shared>> -> memref<10112x128xf32, #tpu.memory_space<vmem_shared>>
        tpu.wait_indirect_dma semaphore(%arg15 : memref<!tpu.dma_semaphore, #tpu.memory_space<semaphore_mem>>) src(%arg10 : memref<128x128xf32, #tpu.memory_space<vmem>>) dst(%dma_wait3A_130 : memref<10112x128xf32, #tpu.memory_space<vmem_shared>>)
        %add3A_131 = arith.constant 2 : i32
        %add3A_132 = arith.addi %mul3A_72, %add3A_131 : i32
        %add3A_133 = arith.constant 1 : i32
        %add3A_134 = arith.addi %add3A_132, %add3A_133 : i32
        %dma_start3A_135 = arith.constant 0 : i32
        %dma_start3A_136 = tpu.memref_slice %arg7[%add3A_134, %dma_start3A_135] : memref<32x128xi32, #tpu.memory_space<vmem>> -> memref<1x128xi32, #tpu.memory_space<vmem>>
        %dma_start3A_137 = tpu.memref_squeeze %dma_start3A_136 : memref<1x128xi32, #tpu.memory_space<vmem>> -> memref<128xi32, #tpu.memory_space<vmem>>
        %dma_start3A_138 = arith.constant 0 : i32
        %dma_start3A_139 = arith.constant 0 : i32
        %dma_start3A_140 = tpu.memref_slice %arg2[%dma_start3A_138, %dma_start3A_139] : memref<10000x128xf32, #tpu.memory_space<hbm>> -> memref<10000x128xf32, #tpu.memory_space<hbm>>
        tpu.enqueue_indirect_dma source(%dma_start3A_140 : memref<10000x128xf32, #tpu.memory_space<hbm>>) target(%arg10 : memref<128x128xf32, #tpu.memory_space<vmem>>) offsets(%dma_start3A_137 : memref<128xi32, #tpu.memory_space<vmem>>) semaphore(%arg13 : memref<!tpu.dma_semaphore, #tpu.memory_space<semaphore_mem>>)
      }
      %scan3A_26 = arith.constant 7 : i32
      %dma_wait3A = arith.constant 14 : i32
      %dma_wait3A_27 = arith.constant 0 : i32
      %dma_wait3A_28 = tpu.memref_slice %arg7[%dma_wait3A, %dma_wait3A_27] : memref<32x128xi32, #tpu.memory_space<vmem>> -> memref<1x128xi32, #tpu.memory_space<vmem>>
      %dma_wait3A_29 = tpu.memref_squeeze %dma_wait3A_28 : memref<1x128xi32, #tpu.memory_space<vmem>> -> memref<128xi32, #tpu.memory_space<vmem>>
      %dma_wait3A_30 = arith.constant 0 : i32
      %dma_wait3A_31 = arith.constant 0 : i32
      %dma_wait3A_32 = tpu.memref_slice %arg2[%dma_wait3A_30, %dma_wait3A_31] : memref<10000x128xf32, #tpu.memory_space<hbm>> -> memref<10000x128xf32, #tpu.memory_space<hbm>>
      tpu.wait_indirect_dma semaphore(%arg12 : memref<!tpu.dma_semaphore, #tpu.memory_space<semaphore_mem>>) src(%dma_wait3A_32 : memref<10000x128xf32, #tpu.memory_space<hbm>>) dst(%arg9 : memref<128x128xf32, #tpu.memory_space<vmem>>)
      %dma_start3A = arith.constant 14 : i32
      %dma_start3A_33 = arith.constant 0 : i32
      %dma_start3A_34 = tpu.memref_slice %arg8[%dma_start3A, %dma_start3A_33] : memref<32x128xi32, #tpu.memory_space<vmem>> -> memref<1x128xi32, #tpu.memory_space<vmem>>
      %dma_start3A_35 = tpu.memref_squeeze %dma_start3A_34 : memref<1x128xi32, #tpu.memory_space<vmem>> -> memref<128xi32, #tpu.memory_space<vmem>>
      %dma_start3A_36 = arith.constant 0 : i32
      %dma_start3A_37 = arith.constant 0 : i32
      %dma_start3A_38 = tpu.memref_slice %arg11[%dma_start3A_36, %dma_start3A_37] : memref<10112x128xf32, #tpu.memory_space<vmem_shared>> -> memref<10112x128xf32, #tpu.memory_space<vmem_shared>>
      tpu.enqueue_indirect_dma source(%arg9 : memref<128x128xf32, #tpu.memory_space<vmem>>) target(%dma_start3A_38 : memref<10112x128xf32, #tpu.memory_space<vmem_shared>>) offsets(%dma_start3A_35 : memref<128xi32, #tpu.memory_space<vmem>>) semaphore(%arg14 : memref<!tpu.dma_semaphore, #tpu.memory_space<semaphore_mem>>) {add = true}
      %dma_wait3A_39 = arith.constant 15 : i32
      %dma_wait3A_40 = arith.constant 0 : i32
      %dma_wait3A_41 = tpu.memref_slice %arg7[%dma_wait3A_39, %dma_wait3A_40] : memref<32x128xi32, #tpu.memory_space<vmem>> -> memref<1x128xi32, #tpu.memory_space<vmem>>
      %dma_wait3A_42 = tpu.memref_squeeze %dma_wait3A_41 : memref<1x128xi32, #tpu.memory_space<vmem>> -> memref<128xi32, #tpu.memory_space<vmem>>
      %dma_wait3A_43 = arith.constant 0 : i32
      %dma_wait3A_44 = arith.constant 0 : i32
      %dma_wait3A_45 = tpu.memref_slice %arg2[%dma_wait3A_43, %dma_wait3A_44] : memref<10000x128xf32, #tpu.memory_space<hbm>> -> memref<10000x128xf32, #tpu.memory_space<hbm>>
      tpu.wait_indirect_dma semaphore(%arg13 : memref<!tpu.dma_semaphore, #tpu.memory_space<semaphore_mem>>) src(%dma_wait3A_45 : memref<10000x128xf32, #tpu.memory_space<hbm>>) dst(%arg10 : memref<128x128xf32, #tpu.memory_space<vmem>>)
      %dma_start3A_46 = arith.constant 15 : i32
      %dma_start3A_47 = arith.constant 0 : i32
      %dma_start3A_48 = tpu.memref_slice %arg8[%dma_start3A_46, %dma_start3A_47] : memref<32x128xi32, #tpu.memory_space<vmem>> -> memref<1x128xi32, #tpu.memory_space<vmem>>
      %dma_start3A_49 = tpu.memref_squeeze %dma_start3A_48 : memref<1x128xi32, #tpu.memory_space<vmem>> -> memref<128xi32, #tpu.memory_space<vmem>>
      %dma_start3A_50 = arith.constant 0 : i32
      %dma_start3A_51 = arith.constant 0 : i32
      %dma_start3A_52 = tpu.memref_slice %arg11[%dma_start3A_50, %dma_start3A_51] : memref<10112x128xf32, #tpu.memory_space<vmem_shared>> -> memref<10112x128xf32, #tpu.memory_space<vmem_shared>>
      tpu.enqueue_indirect_dma source(%arg10 : memref<128x128xf32, #tpu.memory_space<vmem>>) target(%dma_start3A_52 : memref<10112x128xf32, #tpu.memory_space<vmem_shared>>) offsets(%dma_start3A_49 : memref<128xi32, #tpu.memory_space<vmem>>) semaphore(%arg15 : memref<!tpu.dma_semaphore, #tpu.memory_space<semaphore_mem>>) {add = true}
      %dma_wait3A_53 = arith.constant 14 : i32
      %dma_wait3A_54 = arith.constant 0 : i32
      %dma_wait3A_55 = tpu.memref_slice %arg8[%dma_wait3A_53, %dma_wait3A_54] : memref<32x128xi32, #tpu.memory_space<vmem>> -> memref<1x128xi32, #tpu.memory_space<vmem>>
      %dma_wait3A_56 = tpu.memref_squeeze %dma_wait3A_55 : memref<1x128xi32, #tpu.memory_space<vmem>> -> memref<128xi32, #tpu.memory_space<vmem>>
      %dma_wait3A_57 = arith.constant 0 : i32
      %dma_wait3A_58 = arith.constant 0 : i32
      %dma_wait3A_59 = tpu.memref_slice %arg11[%dma_wait3A_57, %dma_wait3A_58] : memref<10112x128xf32, #tpu.memory_space<vmem_shared>> -> memref<10112x128xf32, #tpu.memory_space<vmem_shared>>
      tpu.wait_indirect_dma semaphore(%arg14 : memref<!tpu.dma_semaphore, #tpu.memory_space<semaphore_mem>>) src(%arg9 : memref<128x128xf32, #tpu.memory_space<vmem>>) dst(%dma_wait3A_59 : memref<10112x128xf32, #tpu.memory_space<vmem_shared>>)
      %dma_wait3A_60 = arith.constant 15 : i32
      %dma_wait3A_61 = arith.constant 0 : i32
      %dma_wait3A_62 = tpu.memref_slice %arg8[%dma_wait3A_60, %dma_wait3A_61] : memref<32x128xi32, #tpu.memory_space<vmem>> -> memref<1x128xi32, #tpu.memory_space<vmem>>
      %dma_wait3A_63 = tpu.memref_squeeze %dma_wait3A_62 : memref<1x128xi32, #tpu.memory_space<vmem>> -> memref<128xi32, #tpu.memory_space<vmem>>
      %dma_wait3A_64 = arith.constant 0 : i32
      %dma_wait3A_65 = arith.constant 0 : i32
      %dma_wait3A_66 = tpu.memref_slice %arg11[%dma_wait3A_64, %dma_wait3A_65] : memref<10112x128xf32, #tpu.memory_space<vmem_shared>> -> memref<10112x128xf32, #tpu.memory_space<vmem_shared>>
      tpu.wait_indirect_dma semaphore(%arg15 : memref<!tpu.dma_semaphore, #tpu.memory_space<semaphore_mem>>) src(%arg10 : memref<128x128xf32, #tpu.memory_space<vmem>>) dst(%dma_wait3A_66 : memref<10112x128xf32, #tpu.memory_space<vmem_shared>>)
    } else {
    }
    %barrier3A_18 = arith.constant 0 : index
    tpu.barrier barrier_id(%barrier3A_18)
    %mul3A_19 = arith.constant 632 : i32
    %mul3A_20 = arith.muli %arg1, %mul3A_19 : i32
    %mul3A_21 = arith.constant 632 : i32
    %mul3A_22 = arith.muli %arg1, %mul3A_21 : i32
    "tpu.region"() ({
      %run_scoped3A = tpu.sem_alloc : memref<!tpu.dma_semaphore, #tpu.memory_space<semaphore_mem>>
      %dma_start3A = arith.constant 0 : i32
      %dma_start3A_23 = tpu.memref_slice %arg6[%arg0, %mul3A_22, %dma_start3A] : memref<2x10112x128xf32, #tpu.memory_space<hbm>> -> memref<1x632x128xf32, #tpu.memory_space<hbm>>
      %dma_start3A_24 = tpu.memref_squeeze %dma_start3A_23 : memref<1x632x128xf32, #tpu.memory_space<hbm>> -> memref<632x128xf32, #tpu.memory_space<hbm>>
      %dma_start3A_25 = arith.constant 0 : i32
      %dma_start3A_26 = tpu.memref_slice %arg11[%mul3A_20, %dma_start3A_25] : memref<10112x128xf32, #tpu.memory_space<vmem_shared>> -> memref<632x128xf32, #tpu.memory_space<vmem_shared>>
      tpu.enqueue_dma source(%dma_start3A_26 : memref<632x128xf32, #tpu.memory_space<vmem_shared>>) target(%dma_start3A_24 : memref<632x128xf32, #tpu.memory_space<hbm>>) target_semaphore(%run_scoped3A : memref<!tpu.dma_semaphore, #tpu.memory_space<semaphore_mem>>)
      %dma_wait3A = arith.constant 0 : i32
      %dma_wait3A_27 = tpu.memref_slice %arg6[%arg0, %mul3A_22, %dma_wait3A] : memref<2x10112x128xf32, #tpu.memory_space<hbm>> -> memref<1x632x128xf32, #tpu.memory_space<hbm>>
      %dma_wait3A_28 = tpu.memref_squeeze %dma_wait3A_27 : memref<1x632x128xf32, #tpu.memory_space<hbm>> -> memref<632x128xf32, #tpu.memory_space<hbm>>
      %dma_wait3A_29 = arith.constant 0 : i32
      %dma_wait3A_30 = tpu.memref_slice %arg11[%mul3A_20, %dma_wait3A_29] : memref<10112x128xf32, #tpu.memory_space<vmem_shared>> -> memref<632x128xf32, #tpu.memory_space<vmem_shared>>
      tpu.wait_dma2 semaphore(%run_scoped3A : memref<!tpu.dma_semaphore, #tpu.memory_space<semaphore_mem>>) src(%dma_wait3A_30 : memref<632x128xf32, #tpu.memory_space<vmem_shared>>) dst(%dma_wait3A_28 : memref<632x128xf32, #tpu.memory_space<hbm>>)
      tpu.yield
    }) : () -> ()
    return
  }
}

#map = affine_map<(d0, d1) -> (0, 0)>
#map1 = affine_map<(d0, d1) -> (0, 0, 0)>
module attributes {stable_mosaic.version = 14 : i64} {
  func.func @_degree(%arg0: i32, %arg1: i32, %arg2: memref<1344x128xi32, #tpu.memory_space<hbm>>, %arg3: memref<632x16xf32, #tpu.memory_space<hbm>>, %arg4: memref<128x16xf32, #tpu.memory_space<hbm>>, %arg5: memref<2x10112x16xf32, #tpu.memory_space<hbm>>, %arg6: memref<40x128xi32, #tpu.memory_space<vmem>>, %arg7: memref<128x16xf32, #tpu.memory_space<vmem>>, %arg8: memref<10112x16xf32, #tpu.memory_space<vmem_shared>>, %arg9: memref<!tpu.dma_semaphore, #tpu.memory_space<semaphore_mem>>) attributes {dimension_semantics = [#tpu.dimension_semantics<core_parallel>, #tpu.dimension_semantics<subcore_parallel>], iteration_bounds = array<i64: 2, 16>, scalar_prefetch = 0 : i64, scratch_operands = 4 : i64, tpu.core_type = #tpu.core_type<sc_vector_subcore>, window_params = [{transform_indices = #map}, {transform_indices = #map}, {transform_indices = #map}, {transform_indices = #map1}]} {
    %mul3A = arith.constant 2 : i32
    %mul3A_0 = arith.muli %arg1, %mul3A : i32
    %add3A = arith.addi %mul3A_0, %arg0 : i32
    %mul3A_1 = arith.constant 632 : i32
    %mul3A_2 = arith.muli %arg1, %mul3A_1 : i32
    "tpu.region"() ({
      %run_scoped3A = tpu.sem_alloc : memref<!tpu.dma_semaphore, #tpu.memory_space<semaphore_mem>>
      %dma_start3A = arith.constant 0 : i32
      %dma_start3A_19 = tpu.memref_slice %arg8[%mul3A_2, %dma_start3A] : memref<10112x16xf32, #tpu.memory_space<vmem_shared>> -> memref<632x16xf32, #tpu.memory_space<vmem_shared>>
      tpu.enqueue_dma source(%arg3 : memref<632x16xf32, #tpu.memory_space<hbm>>) target(%dma_start3A_19 : memref<632x16xf32, #tpu.memory_space<vmem_shared>>) target_semaphore(%run_scoped3A : memref<!tpu.dma_semaphore, #tpu.memory_space<semaphore_mem>>)
      %dma_wait3A = arith.constant 0 : i32
      %dma_wait3A_20 = tpu.memref_slice %arg8[%mul3A_2, %dma_wait3A] : memref<10112x16xf32, #tpu.memory_space<vmem_shared>> -> memref<632x16xf32, #tpu.memory_space<vmem_shared>>
      tpu.wait_dma2 semaphore(%run_scoped3A : memref<!tpu.dma_semaphore, #tpu.memory_space<semaphore_mem>>) src(%arg3 : memref<632x16xf32, #tpu.memory_space<hbm>>) dst(%dma_wait3A_20 : memref<632x16xf32, #tpu.memory_space<vmem_shared>>)
      tpu.yield
    }) : () -> ()
    "tpu.region"() ({
      %run_scoped3A = tpu.sem_alloc : memref<!tpu.dma_semaphore, #tpu.memory_space<semaphore_mem>>
      tpu.enqueue_dma source(%arg4 : memref<128x16xf32, #tpu.memory_space<hbm>>) target(%arg7 : memref<128x16xf32, #tpu.memory_space<vmem>>) target_semaphore(%run_scoped3A : memref<!tpu.dma_semaphore, #tpu.memory_space<semaphore_mem>>)
      tpu.wait_dma2 semaphore(%run_scoped3A : memref<!tpu.dma_semaphore, #tpu.memory_space<semaphore_mem>>) src(%arg4 : memref<128x16xf32, #tpu.memory_space<hbm>>) dst(%arg7 : memref<128x16xf32, #tpu.memory_space<vmem>>)
      tpu.yield
    }) : () -> ()
    %mul3A_3 = arith.constant 40 : i32
    %mul3A_4 = arith.muli %add3A, %mul3A_3 : i32
    "tpu.region"() ({
      %run_scoped3A = tpu.sem_alloc : memref<!tpu.dma_semaphore, #tpu.memory_space<semaphore_mem>>
      %dma_start3A = arith.constant 0 : i32
      %dma_start3A_19 = tpu.memref_slice %arg2[%mul3A_4, %dma_start3A] : memref<1344x128xi32, #tpu.memory_space<hbm>> -> memref<40x128xi32, #tpu.memory_space<hbm>>
      %dma_start3A_20 = arith.constant 0 : i32
      %dma_start3A_21 = tpu.memref_slice %arg2[%mul3A_4, %dma_start3A_20] : memref<1344x128xi32, #tpu.memory_space<hbm>> -> memref<40x128xi32, #tpu.memory_space<hbm>>
      tpu.enqueue_dma source(%dma_start3A_21 : memref<40x128xi32, #tpu.memory_space<hbm>>) target(%arg6 : memref<40x128xi32, #tpu.memory_space<vmem>>) target_semaphore(%run_scoped3A : memref<!tpu.dma_semaphore, #tpu.memory_space<semaphore_mem>>)
      %dma_wait3A = arith.constant 0 : i32
      %dma_wait3A_22 = tpu.memref_slice %arg2[%mul3A_4, %dma_wait3A] : memref<1344x128xi32, #tpu.memory_space<hbm>> -> memref<40x128xi32, #tpu.memory_space<hbm>>
      %dma_wait3A_23 = arith.constant 0 : i32
      %dma_wait3A_24 = tpu.memref_slice %arg2[%mul3A_4, %dma_wait3A_23] : memref<1344x128xi32, #tpu.memory_space<hbm>> -> memref<40x128xi32, #tpu.memory_space<hbm>>
      tpu.wait_dma2 semaphore(%run_scoped3A : memref<!tpu.dma_semaphore, #tpu.memory_space<semaphore_mem>>) src(%dma_wait3A_24 : memref<40x128xi32, #tpu.memory_space<hbm>>) dst(%arg6 : memref<40x128xi32, #tpu.memory_space<vmem>>)
      tpu.yield
    }) : () -> ()
    %barrier3A = arith.constant 0 : index
    tpu.barrier barrier_id(%barrier3A)
    %scan3A = arith.constant 0 : i32
    %scan3A_5 = arith.constant 40 : i32
    %scan3A_6 = arith.addi %scan3A, %scan3A_5 : i32
    %scan3A_7 = arith.constant 1 : i32
    scf.for %scan3A_19 = %scan3A to %scan3A_6 step %scan3A_7  : i32 {
      %mul3A_20 = arith.constant 1 : i32
      %mul3A_21 = arith.muli %scan3A_19, %mul3A_20 : i32
      %add3A_22 = arith.constant 0 : i32
      %add3A_23 = arith.addi %add3A_22, %mul3A_21 : i32
      %dma_start3A = arith.constant 0 : i32
      %dma_start3A_24 = tpu.memref_slice %arg6[%add3A_23, %dma_start3A] : memref<40x128xi32, #tpu.memory_space<vmem>> -> memref<1x128xi32, #tpu.memory_space<vmem>>
      %dma_start3A_25 = tpu.memref_squeeze %dma_start3A_24 : memref<1x128xi32, #tpu.memory_space<vmem>> -> memref<128xi32, #tpu.memory_space<vmem>>
      %dma_start3A_26 = arith.constant 0 : i32
      %dma_start3A_27 = arith.constant 0 : i32
      %dma_start3A_28 = tpu.memref_slice %arg8[%dma_start3A_26, %dma_start3A_27] : memref<10112x16xf32, #tpu.memory_space<vmem_shared>> -> memref<10112x16xf32, #tpu.memory_space<vmem_shared>>
      tpu.enqueue_indirect_dma source(%arg7 : memref<128x16xf32, #tpu.memory_space<vmem>>) target(%dma_start3A_28 : memref<10112x16xf32, #tpu.memory_space<vmem_shared>>) offsets(%dma_start3A_25 : memref<128xi32, #tpu.memory_space<vmem>>) semaphore(%arg9 : memref<!tpu.dma_semaphore, #tpu.memory_space<semaphore_mem>>) {add = true}
    }
    %scan3A_8 = arith.constant 40 : i32
    %scan3A_9 = arith.constant 0 : i32
    %scan3A_10 = arith.constant 40 : i32
    %scan3A_11 = arith.addi %scan3A_9, %scan3A_10 : i32
    %scan3A_12 = arith.constant 1 : i32
    scf.for %scan3A_19 = %scan3A_9 to %scan3A_11 step %scan3A_12  : i32 {
      %mul3A_20 = arith.constant 1 : i32
      %mul3A_21 = arith.muli %scan3A_19, %mul3A_20 : i32
      %add3A_22 = arith.constant 0 : i32
      %add3A_23 = arith.addi %add3A_22, %mul3A_21 : i32
      %dma_wait3A = arith.constant 0 : i32
      %dma_wait3A_24 = tpu.memref_slice %arg6[%add3A_23, %dma_wait3A] : memref<40x128xi32, #tpu.memory_space<vmem>> -> memref<1x128xi32, #tpu.memory_space<vmem>>
      %dma_wait3A_25 = tpu.memref_squeeze %dma_wait3A_24 : memref<1x128xi32, #tpu.memory_space<vmem>> -> memref<128xi32, #tpu.memory_space<vmem>>
      %dma_wait3A_26 = arith.constant 0 : i32
      %dma_wait3A_27 = arith.constant 0 : i32
      %dma_wait3A_28 = tpu.memref_slice %arg8[%dma_wait3A_26, %dma_wait3A_27] : memref<10112x16xf32, #tpu.memory_space<vmem_shared>> -> memref<10112x16xf32, #tpu.memory_space<vmem_shared>>
      tpu.wait_indirect_dma semaphore(%arg9 : memref<!tpu.dma_semaphore, #tpu.memory_space<semaphore_mem>>) src(%arg7 : memref<128x16xf32, #tpu.memory_space<vmem>>) dst(%dma_wait3A_28 : memref<10112x16xf32, #tpu.memory_space<vmem_shared>>)
    }
    %scan3A_13 = arith.constant 40 : i32
    %barrier3A_14 = arith.constant 0 : index
    tpu.barrier barrier_id(%barrier3A_14)
    %mul3A_15 = arith.constant 632 : i32
    %mul3A_16 = arith.muli %arg1, %mul3A_15 : i32
    %mul3A_17 = arith.constant 632 : i32
    %mul3A_18 = arith.muli %arg1, %mul3A_17 : i32
    "tpu.region"() ({
      %run_scoped3A = tpu.sem_alloc : memref<!tpu.dma_semaphore, #tpu.memory_space<semaphore_mem>>
      %dma_start3A = arith.constant 0 : i32
      %dma_start3A_19 = tpu.memref_slice %arg5[%arg0, %mul3A_18, %dma_start3A] : memref<2x10112x16xf32, #tpu.memory_space<hbm>> -> memref<1x632x16xf32, #tpu.memory_space<hbm>>
      %dma_start3A_20 = tpu.memref_squeeze %dma_start3A_19 : memref<1x632x16xf32, #tpu.memory_space<hbm>> -> memref<632x16xf32, #tpu.memory_space<hbm>>
      %dma_start3A_21 = arith.constant 0 : i32
      %dma_start3A_22 = tpu.memref_slice %arg8[%mul3A_16, %dma_start3A_21] : memref<10112x16xf32, #tpu.memory_space<vmem_shared>> -> memref<632x16xf32, #tpu.memory_space<vmem_shared>>
      tpu.enqueue_dma source(%dma_start3A_22 : memref<632x16xf32, #tpu.memory_space<vmem_shared>>) target(%dma_start3A_20 : memref<632x16xf32, #tpu.memory_space<hbm>>) target_semaphore(%run_scoped3A : memref<!tpu.dma_semaphore, #tpu.memory_space<semaphore_mem>>)
      %dma_wait3A = arith.constant 0 : i32
      %dma_wait3A_23 = tpu.memref_slice %arg5[%arg0, %mul3A_18, %dma_wait3A] : memref<2x10112x16xf32, #tpu.memory_space<hbm>> -> memref<1x632x16xf32, #tpu.memory_space<hbm>>
      %dma_wait3A_24 = tpu.memref_squeeze %dma_wait3A_23 : memref<1x632x16xf32, #tpu.memory_space<hbm>> -> memref<632x16xf32, #tpu.memory_space<hbm>>
      %dma_wait3A_25 = arith.constant 0 : i32
      %dma_wait3A_26 = tpu.memref_slice %arg8[%mul3A_16, %dma_wait3A_25] : memref<10112x16xf32, #tpu.memory_space<vmem_shared>> -> memref<632x16xf32, #tpu.memory_space<vmem_shared>>
      tpu.wait_dma2 semaphore(%run_scoped3A : memref<!tpu.dma_semaphore, #tpu.memory_space<semaphore_mem>>) src(%dma_wait3A_26 : memref<632x16xf32, #tpu.memory_space<vmem_shared>>) dst(%dma_wait3A_24 : memref<632x16xf32, #tpu.memory_space<hbm>>)
      tpu.yield
    }) : () -> ()
    return
  }
}

module attributes {stable_mosaic.version = 14 : i64} {
  func.func @_tc_a_body(%arg0: i32, %arg1: memref<1000x256xf32, #tpu.memory_space<vmem>>, %arg2: memref<256x128xf32, #tpu.memory_space<vmem>>, %arg3: memref<1000x1xf32, #tpu.memory_space<vmem>>, %arg4: memref<1000x1xf32, #tpu.memory_space<vmem>>, %arg5: memref<1000x1xf32, #tpu.memory_space<vmem>>, %arg6: memref<1000x128xf32, #tpu.memory_space<vmem>>) attributes {dimension_semantics = [#tpu.dimension_semantics<parallel>], iteration_bounds = array<i64: 10>, scalar_prefetch = 0 : i64, scratch_operands = 0 : i64, tpu.core_type = #tpu.core_type<tc>, window_params = [{transform_indices = @transform_0, window_bounds = array<i64: 1000, 256>}, {pipeline_mode = #tpu.pipeline_mode<synchronous>, transform_indices = @transform_1, window_bounds = array<i64: 256, 128>}, {transform_indices = @transform_2, window_bounds = array<i64: 1000, 1>}, {transform_indices = @transform_3, window_bounds = array<i64: 1000, 1>}, {transform_indices = @transform_4, window_bounds = array<i64: 1000, 1>}, {transform_indices = @transform_5, window_bounds = array<i64: 1000, 128>}]} {
    %get3A = arith.constant 0 : index
    %get3A_0 = arith.constant 0 : index
    %get3A_1 = vector.load %arg3[%get3A, %get3A_0] : memref<1000x1xf32, #tpu.memory_space<vmem>>, vector<1000x1xf32>
    %get3A_2 = arith.constant 0 : index
    %get3A_3 = arith.constant 0 : index
    %get3A_4 = vector.load %arg4[%get3A_2, %get3A_3] : memref<1000x1xf32, #tpu.memory_space<vmem>>, vector<1000x1xf32>
    %add3A = arith.addf %get3A_1, %get3A_4 : vector<1000x1xf32>
    %add3A_5 = arith.constant 1.000000e+00 : f32
    %add3A_6 = vector.broadcast %add3A_5 : f32 to vector<1000x1xf32>
    %add3A_7 = arith.addf %add3A, %add3A_6 : vector<1000x1xf32>
    %rsqrt3A = math.rsqrt %add3A_7 : vector<1000x1xf32>
    %get3A_8 = arith.constant 0 : index
    %get3A_9 = arith.constant 0 : index
    %get3A_10 = vector.load %arg1[%get3A_8, %get3A_9] : memref<1000x256xf32, #tpu.memory_space<vmem>>, vector<1000x256xf32>
    %get3A_11 = arith.constant 0 : index
    %get3A_12 = arith.constant 0 : index
    %get3A_13 = vector.load %arg2[%get3A_11, %get3A_12] : memref<256x128xf32, #tpu.memory_space<vmem>>, vector<256x128xf32>
    %dot_general3A = arith.constant dense<0.000000e+00> : vector<1000x128xf32>
    %dot_general3A_14 = tpu.matmul %get3A_10, %get3A_13, %dot_general3A {dimension_numbers = #tpu.dot_dimension_numbers<[1], [0], [0], [1], [0, 0, 1, 1], [], []>, transpose_lhs_hint = false} : vector<1000x256xf32>, vector<256x128xf32>, vector<1000x128xf32> -> vector<1000x128xf32>
    %swap3A = arith.constant 0 : index
    %swap3A_15 = arith.constant 0 : index
    %swap3A_16 = vector.load %arg5[%swap3A, %swap3A_15] : memref<1000x1xf32, #tpu.memory_space<vmem>>, vector<1000x1xf32>
    tpu.vector_store %arg5[%swap3A, %swap3A_15], %rsqrt3A {strides = array<i32>} : memref<1000x1xf32, #tpu.memory_space<vmem>>, vector<1000x1xf32>,
    %mul3A = vector.broadcast %rsqrt3A : vector<1000x1xf32> to vector<1000x128xf32>
    %mul3A_17 = arith.mulf %dot_general3A_14, %mul3A : vector<1000x128xf32>
    %swap3A_18 = arith.constant 0 : index
    %swap3A_19 = arith.constant 0 : index
    %swap3A_20 = vector.load %arg6[%swap3A_18, %swap3A_19] : memref<1000x128xf32, #tpu.memory_space<vmem>>, vector<1000x128xf32>
    tpu.vector_store %arg6[%swap3A_18, %swap3A_19], %mul3A_17 {strides = array<i32>} : memref<1000x128xf32, #tpu.memory_space<vmem>>, vector<1000x128xf32>,
    return
  }
  func.func @transform_0(%arg0: i32) -> (i32, i32) {
    %c0_i32 = arith.constant 0 : i32
    %c0_i32_0 = arith.constant 0 : i32
    return %arg0, %c0_i32 : i32, i32
  }
  func.func @transform_1(%arg0: i32) -> (i32, i32) {
    %c0_i32 = arith.constant 0 : i32
    %c0_i32_0 = arith.constant 0 : i32
    %c0_i32_1 = arith.constant 0 : i32
    return %c0_i32, %c0_i32_0 : i32, i32
  }
  func.func @transform_2(%arg0: i32) -> (i32, i32) {
    %c0_i32 = arith.constant 0 : i32
    %c0_i32_0 = arith.constant 0 : i32
    return %arg0, %c0_i32 : i32, i32
  }
  func.func @transform_3(%arg0: i32) -> (i32, i32) {
    %c0_i32 = arith.constant 0 : i32
    %c0_i32_0 = arith.constant 0 : i32
    return %arg0, %c0_i32 : i32, i32
  }
  func.func @transform_4(%arg0: i32) -> (i32, i32) {
    %c0_i32 = arith.constant 0 : i32
    %c0_i32_0 = arith.constant 0 : i32
    return %arg0, %c0_i32 : i32, i32
  }
  func.func @transform_5(%arg0: i32) -> (i32, i32) {
    %c0_i32 = arith.constant 0 : i32
    %c0_i32_0 = arith.constant 0 : i32
    return %arg0, %c0_i32 : i32, i32
  }
}

module attributes {stable_mosaic.version = 14 : i64} {
  func.func @_tc_b_body(%arg0: i32, %arg1: memref<1000x128xf32, #tpu.memory_space<vmem>>, %arg2: memref<1000x128xf32, #tpu.memory_space<vmem>>, %arg3: memref<1000x128xf32, #tpu.memory_space<vmem>>, %arg4: memref<1000x1xf32, #tpu.memory_space<vmem>>, %arg5: memref<128x128xf32, #tpu.memory_space<vmem>>, %arg6: memref<1x128xf32, #tpu.memory_space<vmem>>, %arg7: memref<1000x128xf32, #tpu.memory_space<vmem>>) attributes {dimension_semantics = [#tpu.dimension_semantics<parallel>], iteration_bounds = array<i64: 10>, scalar_prefetch = 0 : i64, scratch_operands = 0 : i64, tpu.core_type = #tpu.core_type<tc>, window_params = [{transform_indices = @transform_0, window_bounds = array<i64: 1000, 128>}, {transform_indices = @transform_1, window_bounds = array<i64: 1000, 128>}, {transform_indices = @transform_2, window_bounds = array<i64: 1000, 128>}, {transform_indices = @transform_3, window_bounds = array<i64: 1000, 1>}, {pipeline_mode = #tpu.pipeline_mode<synchronous>, transform_indices = @transform_4, window_bounds = array<i64: 128, 128>}, {pipeline_mode = #tpu.pipeline_mode<synchronous>, transform_indices = @transform_5, window_bounds = array<i64: 1, 128>}, {transform_indices = @transform_6, window_bounds = array<i64: 1000, 128>}]} {
    %get3A = arith.constant 0 : index
    %get3A_0 = arith.constant 0 : index
    %get3A_1 = vector.load %arg4[%get3A, %get3A_0] : memref<1000x1xf32, #tpu.memory_space<vmem>>, vector<1000x1xf32>
    %get3A_2 = arith.constant 0 : index
    %get3A_3 = arith.constant 0 : index
    %get3A_4 = vector.load %arg1[%get3A_2, %get3A_3] : memref<1000x128xf32, #tpu.memory_space<vmem>>, vector<1000x128xf32>
    %get3A_5 = arith.constant 0 : index
    %get3A_6 = arith.constant 0 : index
    %get3A_7 = vector.load %arg2[%get3A_5, %get3A_6] : memref<1000x128xf32, #tpu.memory_space<vmem>>, vector<1000x128xf32>
    %add3A = arith.addf %get3A_4, %get3A_7 : vector<1000x128xf32>
    %get3A_8 = arith.constant 0 : index
    %get3A_9 = arith.constant 0 : index
    %get3A_10 = vector.load %arg3[%get3A_8, %get3A_9] : memref<1000x128xf32, #tpu.memory_space<vmem>>, vector<1000x128xf32>
    %add3A_11 = arith.addf %add3A, %get3A_10 : vector<1000x128xf32>
    %mul3A = vector.broadcast %get3A_1 : vector<1000x1xf32> to vector<1000x128xf32>
    %mul3A_12 = arith.mulf %add3A_11, %mul3A : vector<1000x128xf32>
    %get3A_13 = arith.constant 0 : index
    %get3A_14 = arith.constant 0 : index
    %get3A_15 = vector.load %arg6[%get3A_13, %get3A_14] : memref<1x128xf32, #tpu.memory_space<vmem>>, vector<1x128xf32>
    %add3A_16 = vector.broadcast %get3A_15 : vector<1x128xf32> to vector<1000x128xf32>
    %add3A_17 = arith.addf %mul3A_12, %add3A_16 : vector<1000x128xf32>
    %max3A = arith.constant 0.000000e+00 : f32
    %max3A_18 = vector.broadcast %max3A : f32 to vector<1000x128xf32>
    %max3A_19 = arith.maximumf %add3A_17, %max3A_18 : vector<1000x128xf32>
    %get3A_20 = arith.constant 0 : index
    %get3A_21 = arith.constant 0 : index
    %get3A_22 = vector.load %arg5[%get3A_20, %get3A_21] : memref<128x128xf32, #tpu.memory_space<vmem>>, vector<128x128xf32>
    %dot_general3A = arith.constant dense<0.000000e+00> : vector<1000x128xf32>
    %dot_general3A_23 = tpu.matmul %max3A_19, %get3A_22, %dot_general3A {dimension_numbers = #tpu.dot_dimension_numbers<[1], [0], [0], [1], [0, 0, 1, 1], [], []>, transpose_lhs_hint = false} : vector<1000x128xf32>, vector<128x128xf32>, vector<1000x128xf32> -> vector<1000x128xf32>
    %mul3A_24 = vector.broadcast %get3A_1 : vector<1000x1xf32> to vector<1000x128xf32>
    %mul3A_25 = arith.mulf %dot_general3A_23, %mul3A_24 : vector<1000x128xf32>
    %swap3A = arith.constant 0 : index
    %swap3A_26 = arith.constant 0 : index
    %swap3A_27 = vector.load %arg7[%swap3A, %swap3A_26] : memref<1000x128xf32, #tpu.memory_space<vmem>>, vector<1000x128xf32>
    tpu.vector_store %arg7[%swap3A, %swap3A_26], %mul3A_25 {strides = array<i32>} : memref<1000x128xf32, #tpu.memory_space<vmem>>, vector<1000x128xf32>,
    return
  }
  func.func @transform_0(%arg0: i32) -> (i32, i32) {
    %c0_i32 = arith.constant 0 : i32
    %c0_i32_0 = arith.constant 0 : i32
    return %arg0, %c0_i32 : i32, i32
  }
  func.func @transform_1(%arg0: i32) -> (i32, i32) {
    %c0_i32 = arith.constant 0 : i32
    %c0_i32_0 = arith.constant 0 : i32
    return %arg0, %c0_i32 : i32, i32
  }
  func.func @transform_2(%arg0: i32) -> (i32, i32) {
    %c0_i32 = arith.constant 0 : i32
    %c0_i32_0 = arith.constant 0 : i32
    return %arg0, %c0_i32 : i32, i32
  }
  func.func @transform_3(%arg0: i32) -> (i32, i32) {
    %c0_i32 = arith.constant 0 : i32
    %c0_i32_0 = arith.constant 0 : i32
    return %arg0, %c0_i32 : i32, i32
  }
  func.func @transform_4(%arg0: i32) -> (i32, i32) {
    %c0_i32 = arith.constant 0 : i32
    %c0_i32_0 = arith.constant 0 : i32
    %c0_i32_1 = arith.constant 0 : i32
    return %c0_i32, %c0_i32_0 : i32, i32
  }
  func.func @transform_5(%arg0: i32) -> (i32, i32) {
    %c0_i32 = arith.constant 0 : i32
    %c0_i32_0 = arith.constant 0 : i32
    %c0_i32_1 = arith.constant 0 : i32
    return %c0_i32, %c0_i32_0 : i32, i32
  }
  func.func @transform_6(%arg0: i32) -> (i32, i32) {
    %c0_i32 = arith.constant 0 : i32
    %c0_i32_0 = arith.constant 0 : i32
    return %arg0, %c0_i32 : i32, i32
  }
}

module attributes {stable_mosaic.version = 14 : i64} {
  func.func @_tc_c_body(%arg0: i32, %arg1: memref<1000x128xf32, #tpu.memory_space<vmem>>, %arg2: memref<1000x128xf32, #tpu.memory_space<vmem>>, %arg3: memref<1000x128xf32, #tpu.memory_space<vmem>>, %arg4: memref<1000x1xf32, #tpu.memory_space<vmem>>, %arg5: memref<1x128xf32, #tpu.memory_space<vmem>>, %arg6: memref<1x1x1000xi32, #tpu.memory_space<vmem>>, %arg7: memref<128x1xf32, #tpu.memory_space<vmem>>, %arg8: memref<1x1xf32, #tpu.memory_space<vmem>>, %arg9: memref<64x1xf32, #tpu.memory_space<vmem>>, %arg10: memref<64x128xf32, #tpu.memory_space<vmem>>, %arg11: memref<64x1xf32, #tpu.memory_space<vmem>>) attributes {dimension_semantics = [#tpu.dimension_semantics<arbitrary>], iteration_bounds = array<i64: 10>, scalar_prefetch = 0 : i64, scratch_operands = 2 : i64, tpu.core_type = #tpu.core_type<tc>, window_params = [{transform_indices = @transform_0, window_bounds = array<i64: 1000, 128>}, {transform_indices = @transform_1, window_bounds = array<i64: 1000, 128>}, {transform_indices = @transform_2, window_bounds = array<i64: 1000, 128>}, {transform_indices = @transform_3, window_bounds = array<i64: 1000, 1>}, {pipeline_mode = #tpu.pipeline_mode<synchronous>, transform_indices = @transform_4, window_bounds = array<i64: 1, 128>}, {transform_indices = @transform_5, window_bounds = array<i64: 1, 1, 1000>}, {pipeline_mode = #tpu.pipeline_mode<synchronous>, transform_indices = @transform_6, window_bounds = array<i64: 128, 1>}, {pipeline_mode = #tpu.pipeline_mode<synchronous>, transform_indices = @transform_7, window_bounds = array<i64: 1, 1>}, {pipeline_mode = #tpu.pipeline_mode<synchronous>, transform_indices = @transform_8, window_bounds = array<i64: 64, 1>}]} {
    %eq3A = arith.constant 0 : i32
    %eq3A_0 = arith.cmpi eq, %arg0, %eq3A : i32
    %convert_element_type3A = arith.extui %eq3A_0 : i1 to i32
    %cond3A = arith.constant 0 : i32
    %cond3A_1 = arith.cmpi ne, %convert_element_type3A, %cond3A : i32
    scf.if %cond3A_1 {
      %broadcast_in_dim3A_50 = arith.constant 0.000000e+00 : f32
      %broadcast_in_dim3A_51 = vector.broadcast %broadcast_in_dim3A_50 : f32 to vector<64x128xf32>
      %swap3A_52 = arith.constant 0 : index
      %swap3A_53 = arith.constant 0 : index
      %swap3A_54 = vector.load %arg10[%swap3A_52, %swap3A_53] : memref<64x128xf32, #tpu.memory_space<vmem>>, vector<64x128xf32>
      tpu.vector_store %arg10[%swap3A_52, %swap3A_53], %broadcast_in_dim3A_51 {strides = array<i32>} : memref<64x128xf32, #tpu.memory_space<vmem>>, vector<64x128xf32>,
      %broadcast_in_dim3A_55 = arith.constant 0.000000e+00 : f32
      %broadcast_in_dim3A_56 = vector.broadcast %broadcast_in_dim3A_55 : f32 to vector<64x1xf32>
      %swap3A_57 = arith.constant 0 : index
      %swap3A_58 = arith.constant 0 : index
      %swap3A_59 = vector.load %arg11[%swap3A_57, %swap3A_58] : memref<64x1xf32, #tpu.memory_space<vmem>>, vector<64x1xf32>
      tpu.vector_store %arg11[%swap3A_57, %swap3A_58], %broadcast_in_dim3A_56 {strides = array<i32>} : memref<64x1xf32, #tpu.memory_space<vmem>>, vector<64x1xf32>,
    } else {
    }
    %get3A = arith.constant 0 : index
    %get3A_2 = arith.constant 0 : index
    %get3A_3 = vector.load %arg1[%get3A, %get3A_2] : memref<1000x128xf32, #tpu.memory_space<vmem>>, vector<1000x128xf32>
    %get3A_4 = arith.constant 0 : index
    %get3A_5 = arith.constant 0 : index
    %get3A_6 = vector.load %arg2[%get3A_4, %get3A_5] : memref<1000x128xf32, #tpu.memory_space<vmem>>, vector<1000x128xf32>
    %add3A = arith.addf %get3A_3, %get3A_6 : vector<1000x128xf32>
    %get3A_7 = arith.constant 0 : index
    %get3A_8 = arith.constant 0 : index
    %get3A_9 = vector.load %arg3[%get3A_7, %get3A_8] : memref<1000x128xf32, #tpu.memory_space<vmem>>, vector<1000x128xf32>
    %add3A_10 = arith.addf %add3A, %get3A_9 : vector<1000x128xf32>
    %get3A_11 = arith.constant 0 : index
    %get3A_12 = arith.constant 0 : index
    %get3A_13 = vector.load %arg4[%get3A_11, %get3A_12] : memref<1000x1xf32, #tpu.memory_space<vmem>>, vector<1000x1xf32>
    %mul3A = vector.broadcast %get3A_13 : vector<1000x1xf32> to vector<1000x128xf32>
    %mul3A_14 = arith.mulf %add3A_10, %mul3A : vector<1000x128xf32>
    %get3A_15 = arith.constant 0 : index
    %get3A_16 = arith.constant 0 : index
    %get3A_17 = vector.load %arg5[%get3A_15, %get3A_16] : memref<1x128xf32, #tpu.memory_space<vmem>>, vector<1x128xf32>
    %add3A_18 = vector.broadcast %get3A_17 : vector<1x128xf32> to vector<1000x128xf32>
    %add3A_19 = arith.addf %mul3A_14, %add3A_18 : vector<1000x128xf32>
    %max3A = arith.constant 0.000000e+00 : f32
    %max3A_20 = vector.broadcast %max3A : f32 to vector<1000x128xf32>
    %max3A_21 = arith.maximumf %add3A_19, %max3A_20 : vector<1000x128xf32>
    %iota3A = tpu.iota {dimensions = array<i32: 0>} : vector<64x1000xi32>
    %get3A_22 = arith.constant 0 : index
    %get3A_23 = arith.constant 0 : index
    %get3A_24 = arith.constant 0 : index
    %get3A_25 = vector.load %arg6[%get3A_22, %get3A_23, %get3A_24] : memref<1x1x1000xi32, #tpu.memory_space<vmem>>, vector<1x1x1000xi32>
    %reshape3A = vector.shape_cast %get3A_25 : vector<1x1x1000xi32> to vector<1x1000xi32>
    %eq3A_26 = vector.broadcast %reshape3A : vector<1x1000xi32> to vector<64x1000xi32>
    %eq3A_27 = arith.cmpi eq, %eq3A_26, %iota3A : vector<64x1000xi32>
    %convert_element_type3A_28 = arith.extui %eq3A_27 : vector<64x1000xi1> to vector<64x1000xi32>
    %convert_element_type3A_29 = arith.sitofp %convert_element_type3A_28 : vector<64x1000xi32> to vector<64x1000xf32>
    %get3A_30 = arith.constant 0 : index
    %get3A_31 = arith.constant 0 : index
    %get3A_32 = vector.load %arg10[%get3A_30, %get3A_31] : memref<64x128xf32, #tpu.memory_space<vmem>>, vector<64x128xf32>
    %dot_general3A = arith.constant dense<0.000000e+00> : vector<64x128xf32>
    %dot_general3A_33 = tpu.matmul %convert_element_type3A_29, %max3A_21, %dot_general3A {dimension_numbers = #tpu.dot_dimension_numbers<[1], [0], [0], [1], [0, 0, 1, 1], [], []>, transpose_lhs_hint = false} : vector<64x1000xf32>, vector<1000x128xf32>, vector<64x128xf32> -> vector<64x128xf32>
    %add3A_34 = arith.addf %get3A_32, %dot_general3A_33 : vector<64x128xf32>
    %swap3A = arith.constant 0 : index
    %swap3A_35 = arith.constant 0 : index
    %swap3A_36 = vector.load %arg10[%swap3A, %swap3A_35] : memref<64x128xf32, #tpu.memory_space<vmem>>, vector<64x128xf32>
    tpu.vector_store %arg10[%swap3A, %swap3A_35], %add3A_34 {strides = array<i32>} : memref<64x128xf32, #tpu.memory_space<vmem>>, vector<64x128xf32>,
    %get3A_37 = arith.constant 0 : index
    %get3A_38 = arith.constant 0 : index
    %get3A_39 = vector.load %arg11[%get3A_37, %get3A_38] : memref<64x1xf32, #tpu.memory_space<vmem>>, vector<64x1xf32>
    %reduce_sum3A = arith.constant dense<0.000000e+00> : vector<64xf32>
    %reduce_sum3A_40 = vector.multi_reduction <add>, %convert_element_type3A_29, %reduce_sum3A [1] : vector<64x1000xf32> to vector<64xf32>
    %broadcast_in_dim3A = vector.shape_cast %reduce_sum3A_40 : vector<64xf32> to vector<64x1xf32>
    %add3A_41 = arith.addf %get3A_39, %broadcast_in_dim3A : vector<64x1xf32>
    %swap3A_42 = arith.constant 0 : index
    %swap3A_43 = arith.constant 0 : index
    %swap3A_44 = vector.load %arg11[%swap3A_42, %swap3A_43] : memref<64x1xf32, #tpu.memory_space<vmem>>, vector<64x1xf32>
    tpu.vector_store %arg11[%swap3A_42, %swap3A_43], %add3A_41 {strides = array<i32>} : memref<64x1xf32, #tpu.memory_space<vmem>>, vector<64x1xf32>,
    %eq3A_45 = arith.constant 9 : i32
    %eq3A_46 = arith.cmpi eq, %arg0, %eq3A_45 : i32
    %convert_element_type3A_47 = arith.extui %eq3A_46 : i1 to i32
    %cond3A_48 = arith.constant 0 : i32
    %cond3A_49 = arith.cmpi ne, %convert_element_type3A_47, %cond3A_48 : i32
    scf.if %cond3A_49 {
      %get3A_50 = arith.constant 0 : index
      %get3A_51 = arith.constant 0 : index
      %get3A_52 = vector.load %arg10[%get3A_50, %get3A_51] : memref<64x128xf32, #tpu.memory_space<vmem>>, vector<64x128xf32>
      %get3A_53 = arith.constant 0 : index
      %get3A_54 = arith.constant 0 : index
      %get3A_55 = vector.load %arg11[%get3A_53, %get3A_54] : memref<64x1xf32, #tpu.memory_space<vmem>>, vector<64x1xf32>
      %max3A_56 = arith.constant 1.000000e+00 : f32
      %max3A_57 = vector.broadcast %max3A_56 : f32 to vector<64x1xf32>
      %max3A_58 = arith.maximumf %get3A_55, %max3A_57 : vector<64x1xf32>
      %div3A = vector.broadcast %max3A_58 : vector<64x1xf32> to vector<64x128xf32>
      %div3A_59 = arith.divf %get3A_52, %div3A : vector<64x128xf32>
      %get3A_60 = arith.constant 0 : index
      %get3A_61 = arith.constant 0 : index
      %get3A_62 = vector.load %arg7[%get3A_60, %get3A_61] : memref<128x1xf32, #tpu.memory_space<vmem>>, vector<128x1xf32>
      %dot_general3A_63 = arith.constant dense<0.000000e+00> : vector<64x1xf32>
      %dot_general3A_64 = tpu.matmul %div3A_59, %get3A_62, %dot_general3A_63 {dimension_numbers = #tpu.dot_dimension_numbers<[1], [0], [0], [1], [0, 0, 1, 1], [], []>, transpose_lhs_hint = false} : vector<64x128xf32>, vector<128x1xf32>, vector<64x1xf32> -> vector<64x1xf32>
      %get3A_65 = arith.constant 0 : index
      %get3A_66 = arith.constant 0 : index
      %get3A_67 = vector.load %arg8[%get3A_65, %get3A_66] : memref<1x1xf32, #tpu.memory_space<vmem>>, vector<1x1xf32>
      %add3A_68 = vector.broadcast %get3A_67 : vector<1x1xf32> to vector<64x1xf32>
      %add3A_69 = arith.addf %dot_general3A_64, %add3A_68 : vector<64x1xf32>
      %swap3A_70 = arith.constant 0 : index
      %swap3A_71 = arith.constant 0 : index
      %swap3A_72 = vector.load %arg9[%swap3A_70, %swap3A_71] : memref<64x1xf32, #tpu.memory_space<vmem>>, vector<64x1xf32>
      tpu.vector_store %arg9[%swap3A_70, %swap3A_71], %add3A_69 {strides = array<i32>} : memref<64x1xf32, #tpu.memory_space<vmem>>, vector<64x1xf32>,
    } else {
    }
    return
  }
  func.func @transform_0(%arg0: i32) -> (i32, i32) {
    %c0_i32 = arith.constant 0 : i32
    %c0_i32_0 = arith.constant 0 : i32
    return %arg0, %c0_i32 : i32, i32
  }
  func.func @transform_1(%arg0: i32) -> (i32, i32) {
    %c0_i32 = arith.constant 0 : i32
    %c0_i32_0 = arith.constant 0 : i32
    return %arg0, %c0_i32 : i32, i32
  }
  func.func @transform_2(%arg0: i32) -> (i32, i32) {
    %c0_i32 = arith.constant 0 : i32
    %c0_i32_0 = arith.constant 0 : i32
    return %arg0, %c0_i32 : i32, i32
  }
  func.func @transform_3(%arg0: i32) -> (i32, i32) {
    %c0_i32 = arith.constant 0 : i32
    %c0_i32_0 = arith.constant 0 : i32
    return %arg0, %c0_i32 : i32, i32
  }
  func.func @transform_4(%arg0: i32) -> (i32, i32) {
    %c0_i32 = arith.constant 0 : i32
    %c0_i32_0 = arith.constant 0 : i32
    %c0_i32_1 = arith.constant 0 : i32
    return %c0_i32, %c0_i32_0 : i32, i32
  }
  func.func @transform_5(%arg0: i32) -> (i32, i32, i32) {
    %c0_i32 = arith.constant 0 : i32
    %c0_i32_0 = arith.constant 0 : i32
    %c0_i32_1 = arith.constant 0 : i32
    return %arg0, %c0_i32, %c0_i32_0 : i32, i32, i32
  }
  func.func @transform_6(%arg0: i32) -> (i32, i32) {
    %c0_i32 = arith.constant 0 : i32
    %c0_i32_0 = arith.constant 0 : i32
    %c0_i32_1 = arith.constant 0 : i32
    return %c0_i32, %c0_i32_0 : i32, i32
  }
  func.func @transform_7(%arg0: i32) -> (i32, i32) {
    %c0_i32 = arith.constant 0 : i32
    %c0_i32_0 = arith.constant 0 : i32
    %c0_i32_1 = arith.constant 0 : i32
    return %c0_i32, %c0_i32_0 : i32, i32
  }
  func.func @transform_8(%arg0: i32) -> (i32, i32) {
    %c0_i32 = arith.constant 0 : i32
    %c0_i32_0 = arith.constant 0 : i32
    %c0_i32_1 = arith.constant 0 : i32
    return %c0_i32, %c0_i32_0 : i32, i32
  }
}

</mosaic_0001>

<sc_bundles>
// kernel: kernel.12.cloned.1.call-start
scs
__scs_entry_jumppad:
0x0: {  	(pc) =	sbr.rel $0x88, $3  }
0x1: {  	(tag) =	ssettag $0x0;
	lr =	simm.s32 $0x1  }
0x2: {  	[smem:$0x3F97] =	sst lr;
	_ =	strace $0xD0000000  }
0x3: {  	_ = 	snop  }
0x4: {  	_ = 	snop  }
0x5: {  	_ = 	snop  }
0x6: {  	_ = 	snop  }
0x7: {  	_ = 	snop  }
__scs_overlays_trampoline_lowered:
0x8: {  	[smem:$0x3FA6] =	sst s0  }
0x9: {  	[smem:$0x3FA7] =	sst s1  }
0xa: {  	[smem:$0x3FA8] =	sst s2  }
0xb: {  	[smem:$0x3FA9] =	sst s3  }
0xc: {  	[smem:$0x3FAA] =	sst s4  }
0xd: {  	[smem:$0x3FAB] =	sst s5  }
0xe: {  	[smem:$0x3FAC] =	sst s6  }
0xf: {  	[smem:$0x3FAD] =	sst s7  }
0x10: {  	[smem:$0x3FAE] =	sst s8  }
0x11: {  	[smem:$0x3FAF] =	sst s9;
	s0 =	simm.s32 @!p0 $0x0  }
0x12: {  	s1 =	sld [smem:$0x3F95];
	s0 =	simm.s32 @p0 $0x1  }
0x13: {  	[smem:$0x3FB0] =	sst s0;
	s0 =	simm.s32 @!p1 $0x0  }
0x14: {  	s2 =	sld [smem:$0x3F94];
	s0 =	simm.s32 @p1 $0x1  }
0x15: {  	[smem:$0x3FB1] =	sst s0;
	s0 =	simm.s32 @!p2 $0x0  }
0x16: {  	s3 =	sld [smem:$0x3FDB];
	s0 =	simm.s32 @p2 $0x1  }
0x17: {  	s4 =	simm.s32 $0x1BF5;
	[smem:$0x3FB3] =	sst s0  }
0x18: {  	s0 =	sld [smem:$0x3F96];
	_ =	swait.ge [sflag:s4], $0x0  }
0x19: {  	s7 =	sld [smem:$0x3F97]  }
0x1a: {  	s8 =	sadd.s32 $0xFFFFE003, lr  }
0x1b: {  	s9 =	sadd.s32 $0xFFFFFEF7, lr;
	s5 =	simm.s32 $0xFFFFFFFF;
	p2 =	slt.u32 s8, $0xFFFFF086  }
0x1c: {  	p1 =	slt.u32 s9, $0xF7A;
	s5 =	simm.s32 @!p2 $0x0  }
0x1d: {  	s5 =	simm.s32 @p1 $0x1;
	p0 =	seq.s32 s7, s2  }
0x1e: {  	s7 =	smul.u32 @!p0 $0xF7A, s2;
	p2 =	seq.s32 @!p0 s5, $0x0  }
0x1f: {  	s9 =	smul.u32 $0xF7A, s1;
	s8 =	simm.s32 @!p0 $0x1BF5;
	p2 =	por !p2, p0  }
0x20: {  	[sflag:s8] =	ssyncset.s32 @!p0 $0xFFFFF086;
	s6 =	sadd.s32 @!p0 s3, s7;
	s7 =	simm.s32 @!p0 $0x108  }
0x21: {  	s3 =	sadd.s32 s3, s9;
	s6 =	sadd.s32 @!p0 $0x88, s6;
	s7 =	simm.s32 @p2 $0x1082  }
0x22: {  	[simem:s7], [sflag:s8] =	dma.local @!p0 [hbm:s6], $0xF7A  }
0x23: {  	s9 =	sor.u32 $0xD0000000, s2;
	s6 =	simm.s32 $0x108;
	_ =	swait.ge @!p0 [sflag:s8], $0x0  }
0x24: {  	s3 =	sadd.s32 $0x88, s3;
	s6 =	simm.s32 @!p1 $0x1082;
	[sflag:s4] =	ssyncset.s32 $0xFFFFF086  }
0x25: {  	[simem:s6], [sflag:s4] =	dma.local [hbm:s3], $0xF7A  }
0x26: {  	[smem:$0x3F97] =	sst s1;
	(tag) =	ssettag s2;
	_ =	strace s9  }
0x27: {  	s1 =	sld [smem:$0x3FA7]  }
0x28: {  	s2 =	sld [smem:$0x3FA8]  }
0x29: {  	s4 =	sld [smem:$0x3FAA]  }
0x2a: {  	p0 =	seq.s32 s5, $0x0;
	s5 =	sld [smem:$0x3FAB]  }
0x2b: {  	s6 =	sld [smem:$0x3FAC]  }
0x2c: {  	s7 =	sld [smem:$0x3FAD]  }
0x2d: {  	s3 =	simm.s32 $0x108;
	s8 =	sld [smem:$0x3FAE]  }
0x2e: {  	s3 =	simm.s32 @!p0 $0x1082;
	s9 =	sld [smem:$0x3FAF]  }
0x2f: {  	lr =	sadd.s32 s0, s3;
	s0 =	sld [smem:$0x3FA6]  }
0x30: {  	s3 =	sld [smem:$0x3FA9]  }
0x31: {  	[smem:$0x3FB2] =	sst s10  }
0x32: {  	s10 =	sld [smem:$0x3FB0];
	_ =	sdelay $0x3  }
0x33: {  	p0 =	seq.s32 s10, $0x1;
	s10 =	sld [smem:$0x3FB2];
	_ =	sdelay $0x3  }
0x34: {  	[smem:$0x3FB2] =	sst s10  }
0x35: {  	s10 =	sld [smem:$0x3FB1];
	_ =	sdelay $0x3  }
0x36: {  	p1 =	seq.s32 s10, $0x1;
	s10 =	sld [smem:$0x3FB2];
	_ =	sdelay $0x3  }
0x37: {  	[smem:$0x3FB2] =	sst s10  }
0x38: {  	s10 =	sld [smem:$0x3FB3]  }
0x39: {  	_ = 	snop;
	(pc) =	sbr.ind lr, $3  }
0x3a: {  	_ = 	snop  }
0x3b: {  	_ = 	snop  }
0x3c: {  	p2 =	seq.s32 s10, $0x1;
	s10 =	sld [smem:$0x3FB2]  }
0x3d: {  	_ =	shalt  }
0x3e: {  	_ =	shalt  }
0x3f: {  	_ =	shalt  }
0x40: {  	_ =	shalt  }
0x41: {  	_ =	shalt  }
0x42: {  	_ =	shalt  }
0x43: {  	_ =	shalt  }
0x44: {  	_ =	shalt  }
0x45: {  	_ =	shalt  }
0x46: {  	_ =	shalt  }
0x47: {  	_ =	shalt  }
0x48: {  	_ =	shalt  }
0x49: {  	_ =	shalt  }
0x4a: {  	_ =	shalt  }
0x4b: {  	_ =	shalt  }
0x4c: {  	_ =	shalt  }
0x4d: {  	_ =	shalt  }
0x4e: {  	_ =	shalt  }
0x4f: {  	_ =	shalt  }
0x50: {  	_ =	shalt  }
0x51: {  	_ =	shalt  }
0x52: {  	_ =	shalt  }
0x53: {  	_ =	shalt  }
0x54: {  	_ =	shalt  }
0x55: {  	_ =	shalt  }
0x56: {  	_ =	shalt  }
0x57: {  	_ =	shalt  }
0x58: {  	_ =	shalt  }
0x59: {  	_ =	shalt  }
0x5a: {  	_ =	shalt  }
0x5b: {  	_ =	shalt  }
0x5c: {  	_ =	shalt  }
0x5d: {  	_ =	shalt  }
0x5e: {  	_ =	shalt  }
0x5f: {  	_ =	shalt  }
0x60: {  	_ =	shalt  }
0x61: {  	_ =	shalt  }
0x62: {  	_ =	shalt  }
0x63: {  	_ =	shalt  }
0x64: {  	_ =	shalt  }
0x65: {  	_ =	shalt  }
0x66: {  	_ =	shalt  }
0x67: {  	_ =	shalt  }
0x68: {  	_ =	shalt  }
0x69: {  	_ =	shalt  }
0x6a: {  	_ =	shalt  }
0x6b: {  	_ =	shalt  }
0x6c: {  	_ =	shalt  }
0x6d: {  	_ =	shalt  }
0x6e: {  	_ =	shalt  }
0x6f: {  	_ =	shalt  }
0x70: {  	_ =	shalt  }
0x71: {  	_ =	shalt  }
0x72: {  	_ =	shalt  }
0x73: {  	_ =	shalt  }
0x74: {  	_ =	shalt  }
0x75: {  	_ =	shalt  }
0x76: {  	_ =	shalt  }
0x77: {  	_ =	shalt  }
0x78: {  	_ =	shalt  }
0x79: {  	_ =	shalt  }
0x7a: {  	_ =	shalt  }
0x7b: {  	_ =	shalt  }
0x7c: {  	_ =	shalt  }
0x7d: {  	_ =	shalt  }
0x7e: {  	_ =	shalt  }
0x7f: {  	_ =	shalt  }
0x80: {  	_ =	shalt  }
0x81: {  	_ =	shalt  }
0x82: {  	_ =	shalt  }
0x83: {  	_ =	shalt  }
0x84: {  	_ =	shalt  }
0x85: {  	_ =	shalt  }
0x86: {  	_ =	shalt  }
0x87: {  	_ =	shalt  }
.Lfunc_end0:
.L_simem_size_0:
called_computation.1_lowered:
.L_overlay_start_0:
0x88: {  	s2 =	sld [smem:$0x3FD9]  }
0x89: {  	s3 =	sld [smem:$0x3FFE];
	_ =	sdelay $0x1  }
0x8a: {  	s1 =	srdreg.scid  }
0x8b: {  	s0 =	sand.u32 $0x1, s1  }
0x8c: {  	s16 =	sshll.u32 s0, $0xA;
	s2 =	sadd.s32 s3, s2  }
0x8d: {  	s2 =	sadd.s32 s2, s16  }
0x8e: {  	[smem:$0x3FBE] =	sst s2  }
0x8f: {  	_ = 	snop  }
0x90: {  	(tm) =	ssettm $0x1  }
0x91: {  	s17 =	sld [smem:$0x3FFB];
	_ =	sdelay $0x3  }
0x92: {  	_ =	strace s17  }
0x93: {  	s2 =	sld [smem:$0x3FFC];
	_ =	sdelay $0x3  }
0x94: {  	_ =	strace s2  }
0x95: {  	s2 =	sld [smem:$0x3FFD];
	_ =	sdelay $0x3  }
0x96: {  	_ =	strace s2  }
0x97: {  	_ =	strace $0x8FFFFFFF  }
0x98: {  	s18 =	sld [smem:$0x3FDB];
	_ =	sdelay $0x1  }
0x99: {  	s19 =	simm.s32 $_scs_section_size  }
0x9a: {  	s4 =	simm.s32 $_size__tile_overlayer_lowered;
	s5 =	simm.s32 $_tile_overlayer_lowered  }
0x9b: {  	s22 =	simm.s32 $0x1BFF;
	s21 =	sshll.u32 s5, $0x1;
	s2 =	sadd.s32 s19, s18  }
0x9c: {  	s6 =	simm.s32 $0x0;
	s20 =	sshll.u32 s4, $0x1;
	s4 =	sadd.s32 s21, s2  }
0x9d: {  	[timem:s6], [sflag:s22] =	dma.local [hbm:s4], s20  }
0x9e: {  	_ =	swait.ge [sflag:s22], s20  }
0x9f: {  	s3 =	ssub.s32 $0x0, s20;
	[sflag:s22] =	ssyncset.done $0x0  }
0xa0: {  	[sflag:s22] =	ssyncadd.s32 s3;
	_ =	sdelay $0x1  }
0xa1: {  	s23 =	simm.s32 $0x1B8B  }
0xa2: {  	_ =	swait.ge [sflag:s23], $0x1  }
0xa3: {  	[sflag:s23] =	ssyncset.done $0x0  }
0xa4: {  	s25 =	simm.s32 $0x1B8E;
	s24 =	sld [smem:$0x3FFE];
	[sflag:s23] =	ssyncadd.s32 $0xFFFFFFFF  }
0xa5: {  	s26 =	simm.s32 $execute0_lowered;
	[smem:$0x3FD2] =	sst s25  }
0xa6: {  	s4 =	sshll.u32 s26, $0x1;
	_ =	strace $0x80000046;
	[dreg:$0x1] =	wrdreg $0xFFFFFFFF  }
0xa7: {  	s28 =	simm.s32 $_size_execute0_lowered;
	s2 =	sadd.s32 s2, s4;
	[dreg:$0x0] =	wrdreg $0x0  }
0xa8: {  	s4 =	sshll.u32 s28, $0x1;
	[dreg:$0x2] =	wrdreg s2  }
0xa9: {  	[dreg:$0x3] =	wrdreg s4  }
0xaa: {  	[dreg:$0x4] =	wrdreg $0xC0  }
0xab: {  	_ =	task [dreg:s6], $0x5FFFF  }
0xac: {  	[dreg:$0x1] =	wrdreg $0xFFFFFFFF  }
0xad: {  	[dreg:$0x0] =	wrdreg $0x60  }
0xae: {  	[dreg:$0x2] =	wrdreg s24  }
0xaf: {  	[dreg:$0x3] =	wrdreg $0x54000  }
0xb0: {  	[dreg:$0x4] =	wrdreg $0xA  }
0xb1: {  	_ =	task.clear_ibuf [dreg:s6], $0x5FFFF;
	_ =	strace $0x90000046  }
0xb2: {  	s29 =	simm.s32 $0xA;
	_ =	strace $0x80000048  }
0xb3: {  	_ =	swait.ge [sflag:s29], $0x1  }
0xb4: {  	[sflag:s29] =	ssyncadd.s32 $0xFFFFFFFF  }
0xb5: {  	_ =	strace $0x90000048  }
0xb6: {  	_ =	sfence  }
0xb7: {  	s30 =	sld [smem:$0x0];
	_ =	sdelay $0x2  }
0xb8: {  	s31 =	sshll.u32 s1, $0xD;
	s1 =	sshrl.u32 s1, $0x2  }
0xb9: {  	s3 =	sand.u32 $0x4000, s31;
	s1 =	sadd.s32 s1, s30  }
0xba: {  	s0 =	sor.u32 s3, s0;
	s1 =	sshll.u32 s1, $0x11  }
0xbb: {  	s0 =	sor.u32 s1, s0  }
0xbc: {  	s0 =	sadd.s32 $0x8F2B, s0  }
0xbd: {  	[sflag:s0] =	ssyncadd.remote.s32 $0x1  }
0xbe: {  	_ =	sfence.sel $0xFFFF  }
0xbf: {  	[dreg:$0x0] =	wrdreg $0xFFFFFFFF;
	(pc) =	sbr.abs _section_cstart, $3  }
0xc0: {  	[dreg:$0x1] =	wrdreg $0xFFFFFFFF  }
0xc1: {  	_ =	task.clear_ibuf [dreg:s6], $0x2FFFF;
	_ =	strace $0x9FFFFFFF  }
0xc2: {  	(tm) =	ssettm $0x7FFFFFFF  }
0xc3: {  	_ =	shalt  }
tec
execute0_lowered:
.L_overlay_start_1:
0x0: {  	(tag) =	ssettag $0x1  }
0x1: {  	s0 =	srdreg.scid;
	s6 =	rddreg [dreg:$0x0]  }
0x2: {  	s11 =	stileid.u32;
	s2 =	rddreg [dreg:$0x1]  }
0x3: {  	s3 =	simm.s32 $0x0;
	s12 =	simm.s32 $0x1400;
	s13 =	simm.s32 $0x80  }
0x4: {  	s17 =	simm.s32 $0xC00;
	s18 =	simm.s32 $0xC80;
	s19 =	simm.s32 $0xD00  }
0x5: {  	s20 =	simm.s32 $0xD80;
	s21 =	simm.s32 $0xE00;
	s22 =	simm.s32 $0xE80  }
0x6: {  	s23 =	simm.s32 $0xF00;
	s28 =	simm.s32 $0x1100;
	s29 =	simm.s32 $0x1180  }
0x7: {  	s30 =	simm.s32 $0x1200;
	s31 =	simm.s32 $0x1280;
	s14 =	simm.s32 $0x1  }
0x8: {  	s15 =	simm.s32 $0x0;
	s0 =	sand.u32 $0x1, s0;
	s1 =	sshll.u32 s11, $0x1  }
0x9: {  	[smem:$0x7FF] =	sst s3;
	s7 =	smul.u32 $0x13C00, s11;
	s4 =	sadd.s32 $0xE600, s6  }
0xa: {  	s8 =	smul.u32 $0x4F000, s11;
	s26 =	sshll.u32 s11, $0x6;
	s11 =	simm.s32 $0x2  }
0xb: {  	s1 =	sor.u32 s0, s1;
	s5 =	smul.u32 $0x13C000, s0;
	s0 =	ssub.s32 $0x2, s0  }
0xc: {  	_ =	strace $0x80000047;
	s1 =	smul.u32 $0x280, s1;
	s24 =	sshrl.u32 s0, $0x1  }
0xd: {  	s25 =	sshrl.u32 s8, $0x2;
	s7 =	sadd.s32 s7, s5;
	s5 =	sadd.s32 $0x10E00, s6  }
0xe: {  	s0 =	ssub.s32 s0, s24;
	s10 =	sadd.s32 s25, s2;
	s24 =	simm.s32 $0xF80  }
0xf: {  	s25 =	simm.s32 $0x1000;
	s1 =	sadd.s32 s1, s6;
	s7 =	sshrl.u32 s7, $0x3  }
0x10: {  	s10 =	sshrl.u32 s10, $0x3;
	s9 =	sadd.s32 s7, s6;
	s6 =	sor.u32 $0x1C02, s26  }
0x11: {  	s7 =	sadd.s32 $0x9200, s1;
	s26 =	simm.s32 $0x1080;
	s1 =	simm.s32 $0x1300  }
0x12: {  	s8 =	sadd.s32 $0x11600, s9;
	s9 =	smax.u32 s0, $0x1;
	s0 =	simm.s32 $0x1380  }
.LBB2_1:
0x13: {  	[spmem:s10], [sflag:s6] =	dma.local [hbm:s4], $0x2780  }
0x14: {  	_ =	swait.ge [sflag:s11], $0x2780  }
0x15: {  	[sflag:s11] =	ssyncset.done $0x0  }
0x16: {  	[sflag:s11] =	ssyncadd.s32 $0xFFFFD880  }
0x17: {  	[tilespmem:s12], [sflag:$0x2] =	stream.linear.gather [hbm4b:s5+s3], $0x4000, $0x38;
	[tilespmem:$0x7B80] =	vst v63  }
0x18: {  	_ =	swait.ge [sflag:s11], $0x4000  }
0x19: {  	[sflag:s11] =	ssyncset.done $0x0  }
0x1a: {  	[sflag:s11] =	ssyncadd.s32 $0xFFFFC000  }
0x1b: {  	[tilespmem:s3], [sflag:$0x2] =	stream.linear.gather [hbm4b:s7+s3], $0x1400, $0x38;
	[tilespmem:$0x7B80] =	vst v63  }
0x1c: {  	_ =	swait.ge [sflag:s11], $0x1400  }
0x1d: {  	[sflag:s11] =	ssyncset.done $0x0  }
0x1e: {  	[sflag:s11] =	ssyncadd.s32 $0xFFFFEC00  }
0x1f: {  	[bflag:$0x0] =	sbarrier.arrive $0xFFFF  }
0x20: {  	[spmem:s2] =	stream.indirect.scatter.add.f32 [tilespmem:s12], [sflag:$0x1], $0x10, s3, s13, $0xb8;
	[tilespmem:$0x7B80] =	vst v63  }
0x21: {  	_ = 	snop  }
0x22: {  	[spmem:s2] =	stream.indirect.scatter.add.f32 [tilespmem:s12], [sflag:$0x1], $0x10, s13, s13, $0xb8;
	[tilespmem:$0x7B80] =	vst v63  }
0x23: {  	s16 =	simm.s32 $0x100  }
0x24: {  	[spmem:s2] =	stream.indirect.scatter.add.f32 [tilespmem:s12], [sflag:$0x1], $0x10, s16, s13, $0xb8;
	[tilespmem:$0x7B80] =	vst v63  }
0x25: {  	s16 =	simm.s32 $0x180  }
0x26: {  	[spmem:s2] =	stream.indirect.scatter.add.f32 [tilespmem:s12], [sflag:$0x1], $0x10, s16, s13, $0xb8;
	[tilespmem:$0x7B80] =	vst v63  }
0x27: {  	s16 =	simm.s32 $0x200  }
0x28: {  	[spmem:s2] =	stream.indirect.scatter.add.f32 [tilespmem:s12], [sflag:$0x1], $0x10, s16, s13, $0xb8;
	[tilespmem:$0x7B80] =	vst v63  }
0x29: {  	s16 =	simm.s32 $0x280  }
0x2a: {  	[spmem:s2] =	stream.indirect.scatter.add.f32 [tilespmem:s12], [sflag:$0x1], $0x10, s16, s13, $0xb8;
	[tilespmem:$0x7B80] =	vst v63  }
0x2b: {  	s16 =	simm.s32 $0x300  }
0x2c: {  	[spmem:s2] =	stream.indirect.scatter.add.f32 [tilespmem:s12], [sflag:$0x1], $0x10, s16, s13, $0xb8;
	[tilespmem:$0x7B80] =	vst v63  }
0x2d: {  	s16 =	simm.s32 $0x380  }
0x2e: {  	[spmem:s2] =	stream.indirect.scatter.add.f32 [tilespmem:s12], [sflag:$0x1], $0x10, s16, s13, $0xb8;
	[tilespmem:$0x7B80] =	vst v63  }
0x2f: {  	s16 =	simm.s32 $0x400  }
0x30: {  	[spmem:s2] =	stream.indirect.scatter.add.f32 [tilespmem:s12], [sflag:$0x1], $0x10, s16, s13, $0xb8;
	[tilespmem:$0x7B80] =	vst v63  }
0x31: {  	s16 =	simm.s32 $0x480  }
0x32: {  	[spmem:s2] =	stream.indirect.scatter.add.f32 [tilespmem:s12], [sflag:$0x1], $0x10, s16, s13, $0xb8;
	[tilespmem:$0x7B80] =	vst v63  }
0x33: {  	s16 =	simm.s32 $0x500  }
0x34: {  	[spmem:s2] =	stream.indirect.scatter.add.f32 [tilespmem:s12], [sflag:$0x1], $0x10, s16, s13, $0xb8;
	[tilespmem:$0x7B80] =	vst v63  }
0x35: {  	s16 =	simm.s32 $0x580  }
0x36: {  	[spmem:s2] =	stream.indirect.scatter.add.f32 [tilespmem:s12], [sflag:$0x1], $0x10, s16, s13, $0xb8;
	[tilespmem:$0x7B80] =	vst v63  }
0x37: {  	s16 =	simm.s32 $0x600  }
0x38: {  	[spmem:s2] =	stream.indirect.scatter.add.f32 [tilespmem:s12], [sflag:$0x1], $0x10, s16, s13, $0xb8;
	[tilespmem:$0x7B80] =	vst v63  }
0x39: {  	s16 =	simm.s32 $0x680  }
0x3a: {  	[spmem:s2] =	stream.indirect.scatter.add.f32 [tilespmem:s12], [sflag:$0x1], $0x10, s16, s13, $0xb8;
	[tilespmem:$0x7B80] =	vst v63  }
0x3b: {  	s16 =	simm.s32 $0x700  }
0x3c: {  	[spmem:s2] =	stream.indirect.scatter.add.f32 [tilespmem:s12], [sflag:$0x1], $0x10, s16, s13, $0xb8;
	[tilespmem:$0x7B80] =	vst v63  }
0x3d: {  	s16 =	simm.s32 $0x780  }
0x3e: {  	[spmem:s2] =	stream.indirect.scatter.add.f32 [tilespmem:s12], [sflag:$0x1], $0x10, s16, s13, $0xb8;
	[tilespmem:$0x7B80] =	vst v63  }
0x3f: {  	s16 =	simm.s32 $0x800  }
0x40: {  	[spmem:s2] =	stream.indirect.scatter.add.f32 [tilespmem:s12], [sflag:$0x1], $0x10, s16, s13, $0xb8;
	[tilespmem:$0x7B80] =	vst v63  }
0x41: {  	s16 =	simm.s32 $0x880  }
0x42: {  	[spmem:s2] =	stream.indirect.scatter.add.f32 [tilespmem:s12], [sflag:$0x1], $0x10, s16, s13, $0xb8;
	[tilespmem:$0x7B80] =	vst v63  }
0x43: {  	s16 =	simm.s32 $0x900  }
0x44: {  	[spmem:s2] =	stream.indirect.scatter.add.f32 [tilespmem:s12], [sflag:$0x1], $0x10, s16, s13, $0xb8;
	[tilespmem:$0x7B80] =	vst v63  }
0x45: {  	s16 =	simm.s32 $0x980  }
0x46: {  	[spmem:s2] =	stream.indirect.scatter.add.f32 [tilespmem:s12], [sflag:$0x1], $0x10, s16, s13, $0xb8;
	[tilespmem:$0x7B80] =	vst v63  }
0x47: {  	s16 =	simm.s32 $0xA00  }
0x48: {  	[spmem:s2] =	stream.indirect.scatter.add.f32 [tilespmem:s12], [sflag:$0x1], $0x10, s16, s13, $0xb8;
	[tilespmem:$0x7B80] =	vst v63  }
0x49: {  	s16 =	simm.s32 $0xA80  }
0x4a: {  	[spmem:s2] =	stream.indirect.scatter.add.f32 [tilespmem:s12], [sflag:$0x1], $0x10, s16, s13, $0xb8;
	[tilespmem:$0x7B80] =	vst v63  }
0x4b: {  	s16 =	simm.s32 $0xB00  }
0x4c: {  	[spmem:s2] =	stream.indirect.scatter.add.f32 [tilespmem:s12], [sflag:$0x1], $0x10, s16, s13, $0xb8;
	[tilespmem:$0x7B80] =	vst v63  }
0x4d: {  	s16 =	simm.s32 $0xB80  }
0x4e: {  	[spmem:s2] =	stream.indirect.scatter.add.f32 [tilespmem:s12], [sflag:$0x1], $0x10, s16, s13, $0xb8;
	[tilespmem:$0x7B80] =	vst v63  }
0x4f: {  	_ = 	snop  }
0x50: {  	[spmem:s2] =	stream.indirect.scatter.add.f32 [tilespmem:s12], [sflag:$0x1], $0x10, s17, s13, $0xb8;
	[tilespmem:$0x7B80] =	vst v63  }
0x51: {  	_ = 	snop  }
0x52: {  	[spmem:s2] =	stream.indirect.scatter.add.f32 [tilespmem:s12], [sflag:$0x1], $0x10, s18, s13, $0xb8;
	[tilespmem:$0x7B80] =	vst v63  }
0x53: {  	_ = 	snop  }
0x54: {  	[spmem:s2] =	stream.indirect.scatter.add.f32 [tilespmem:s12], [sflag:$0x1], $0x10, s19, s13, $0xb8;
	[tilespmem:$0x7B80] =	vst v63  }
0x55: {  	_ = 	snop  }
0x56: {  	[spmem:s2] =	stream.indirect.scatter.add.f32 [tilespmem:s12], [sflag:$0x1], $0x10, s20, s13, $0xb8;
	[tilespmem:$0x7B80] =	vst v63  }
0x57: {  	_ = 	snop  }
0x58: {  	[spmem:s2] =	stream.indirect.scatter.add.f32 [tilespmem:s12], [sflag:$0x1], $0x10, s21, s13, $0xb8;
	[tilespmem:$0x7B80] =	vst v63  }
0x59: {  	_ = 	snop  }
0x5a: {  	[spmem:s2] =	stream.indirect.scatter.add.f32 [tilespmem:s12], [sflag:$0x1], $0x10, s22, s13, $0xb8;
	[tilespmem:$0x7B80] =	vst v63  }
0x5b: {  	_ = 	snop  }
0x5c: {  	[spmem:s2] =	stream.indirect.scatter.add.f32 [tilespmem:s12], [sflag:$0x1], $0x10, s23, s13, $0xb8;
	[tilespmem:$0x7B80] =	vst v63  }
0x5d: {  	_ = 	snop  }
0x5e: {  	[spmem:s2] =	stream.indirect.scatter.add.f32 [tilespmem:s12], [sflag:$0x1], $0x10, s24, s13, $0xb8;
	[tilespmem:$0x7B80] =	vst v63  }
0x5f: {  	_ = 	snop  }
0x60: {  	[spmem:s2] =	stream.indirect.scatter.add.f32 [tilespmem:s12], [sflag:$0x1], $0x10, s25, s13, $0xb8;
	[tilespmem:$0x7B80] =	vst v63  }
0x61: {  	_ = 	snop  }
0x62: {  	[spmem:s2] =	stream.indirect.scatter.add.f32 [tilespmem:s12], [sflag:$0x1], $0x10, s26, s13, $0xb8;
	[tilespmem:$0x7B80] =	vst v63  }
0x63: {  	_ = 	snop  }
0x64: {  	[spmem:s2] =	stream.indirect.scatter.add.f32 [tilespmem:s12], [sflag:$0x1], $0x10, s28, s13, $0xb8;
	[tilespmem:$0x7B80] =	vst v63  }
0x65: {  	_ = 	snop  }
0x66: {  	[spmem:s2] =	stream.indirect.scatter.add.f32 [tilespmem:s12], [sflag:$0x1], $0x10, s29, s13, $0xb8;
	[tilespmem:$0x7B80] =	vst v63  }
0x67: {  	_ = 	snop  }
0x68: {  	[spmem:s2] =	stream.indirect.scatter.add.f32 [tilespmem:s12], [sflag:$0x1], $0x10, s30, s13, $0xb8;
	[tilespmem:$0x7B80] =	vst v63  }
0x69: {  	_ = 	snop  }
0x6a: {  	[spmem:s2] =	stream.indirect.scatter.add.f32 [tilespmem:s12], [sflag:$0x1], $0x10, s31, s13, $0xb8;
	[tilespmem:$0x7B80] =	vst v63  }
0x6b: {  	_ = 	snop  }
0x6c: {  	[spmem:s2] =	stream.indirect.scatter.add.f32 [tilespmem:s12], [sflag:$0x1], $0x10, s1, s13, $0xb8;
	[tilespmem:$0x7B80] =	vst v63  }
0x6d: {  	_ = 	snop  }
0x6e: {  	[spmem:s2] =	stream.indirect.scatter.add.f32 [tilespmem:s12], [sflag:$0x1], $0x10, s0, s13, $0xb8;
	[tilespmem:$0x7B80] =	vst v63  }
0x6f: {  	_ =	swait.ge [sflag:s14], $0x800  }
0x70: {  	s16 =	simm.s32 $0x27;
	[sflag:s14] =	ssyncset.done $0x0  }
.LBB2_2:
0x71: {  	p0 =	sne.s32 s16, $0x1;
	s16 =	sadd.s32 $0xFFFFFFFF, s16;
	[sflag:s14] =	ssyncadd.s32 $0xFFFFF800  }
.Ltmp0:
0x72: {  	(pc) =	sbr.rel @p0 .LBB2_2-.Ltmp0, $3  }
0x73: {  	_ =	sdelay $0x1  }
0x74: {  	_ =	swait.ge [sflag:s14], $0x800  }
0x75: {  	[sflag:s14] =	ssyncset.done $0x0  }
0x76: {  	s15 =	sadd.s32 $0x1, s15  }
0x77: {  	[sflag:s14] =	ssyncadd.s32 $0xFFFFF800;
	p0 =	sne.s32 s15, s9  }
.Ltmp1:
0x78: {  	[bflag:$0x0] =	sbarrier.arrive $0xFFFF;
	(pc) =	sbr.rel @p0 .LBB2_1-.Ltmp1, $4  }
0x79: {  	[hbm:s8], [sflag:s6] =	dma.local [spmem:s10], $0x2780  }
0x7a: {  	_ =	swait.ge [sflag:s11], $0x2780  }
0x7b: {  	[sflag:s11] =	ssyncset.done $0x0  }
0x7c: {  	[sflag:s11] =	ssyncadd.s32 $0xFFFFD880  }
0x7d: {  	_ =	sfence.sel $0x180000  }
0x7e: {  	[bflag:$0x0] =	sbarrier.arrive $0xFFFF  }
0x7f: {  	_ =	strace $0x90000047  }
0x80: {  	s0 =	stileid.u32;
	[bflag:$0x2] =	sbarrier.arrive $0xFFFF  }
0x81: {  	p0 =	sne.s32 s0, $0x0;
	s0 =	rddreg [dreg:$0x2]  }
0x82: {  	s0 =	sadd.s32 @!p0 $0x100000, s0  }
0x83: {  	[sflag:s0] =	ssyncadd.tile.s32 @!p0 $0x1;
	_ =	shalt  }
.Lfunc_end2:
_tile_overlayer_lowered:
.L_overlay_start_2:
0x84: {  	(tag) =	ssettag $0x2  }
0x85: {  	s0 =	rddreg [dreg:$0x0];
	s2 =	stileid.u32  }
0x86: {  	s1 =	rddreg [dreg:$0x1];
	p0 =	sne.s32 s2, $0x0  }
0x87: {  	s3 =	rddreg [dreg:$0x2];
	[bflag:$0x3] =	sbarrier.arrive $0xFFFF;
	s2 =	simm.s32 @!p0 $0x1C02  }
0x88: {  	[timem:s3], [sflag:s2] =	dma.local @!p0 [hbm:s0], s1  }
0x89: {  	s0 =	simm.s32 @!p0 $0x2  }
0x8a: {  	_ =	swait.ge @!p0 [sflag:s0], s1  }
0x8b: {  	s1 =	ssub.s32 @!p0 $0x0, s1;
	[sflag:s0] =	ssyncset.done @!p0 $0x0  }
0x8c: {  	[sflag:s0] =	ssyncadd.s32 @!p0 s1  }
0x8d: {  	[bflag:$0x3] =	sbarrier.arrive $0xFFFF  }
0x8e: {  	_ =	shalt  }

// kernel: kernel.15.cloned.1.call-start
scs
__scs_entry_jumppad:
0x0: {  	(pc) =	sbr.rel $0x88, $3  }
0x1: {  	(tag) =	ssettag $0x0;
	lr =	simm.s32 $0x1  }
0x2: {  	[smem:$0x3F97] =	sst lr;
	_ =	strace $0xD0000000  }
0x3: {  	_ = 	snop  }
0x4: {  	_ = 	snop  }
0x5: {  	_ = 	snop  }
0x6: {  	_ = 	snop  }
0x7: {  	_ = 	snop  }
__scs_overlays_trampoline_lowered:
0x8: {  	[smem:$0x3FA6] =	sst s0  }
0x9: {  	[smem:$0x3FA7] =	sst s1  }
0xa: {  	[smem:$0x3FA8] =	sst s2  }
0xb: {  	[smem:$0x3FA9] =	sst s3  }
0xc: {  	[smem:$0x3FAA] =	sst s4  }
0xd: {  	[smem:$0x3FAB] =	sst s5  }
0xe: {  	[smem:$0x3FAC] =	sst s6  }
0xf: {  	[smem:$0x3FAD] =	sst s7  }
0x10: {  	[smem:$0x3FAE] =	sst s8  }
0x11: {  	[smem:$0x3FAF] =	sst s9;
	s0 =	simm.s32 @!p0 $0x0  }
0x12: {  	s1 =	sld [smem:$0x3F95];
	s0 =	simm.s32 @p0 $0x1  }
0x13: {  	[smem:$0x3FB0] =	sst s0;
	s0 =	simm.s32 @!p1 $0x0  }
0x14: {  	s2 =	sld [smem:$0x3F94];
	s0 =	simm.s32 @p1 $0x1  }
0x15: {  	[smem:$0x3FB1] =	sst s0;
	s0 =	simm.s32 @!p2 $0x0  }
0x16: {  	s3 =	sld [smem:$0x3FDB];
	s0 =	simm.s32 @p2 $0x1  }
0x17: {  	s4 =	simm.s32 $0x1BF5;
	[smem:$0x3FB3] =	sst s0  }
0x18: {  	s0 =	sld [smem:$0x3F96];
	_ =	swait.ge [sflag:s4], $0x0  }
0x19: {  	s7 =	sld [smem:$0x3F97]  }
0x1a: {  	s8 =	sadd.s32 $0xFFFFE003, lr  }
0x1b: {  	s9 =	sadd.s32 $0xFFFFFEF7, lr;
	s5 =	simm.s32 $0xFFFFFFFF;
	p2 =	slt.u32 s8, $0xFFFFF086  }
0x1c: {  	p1 =	slt.u32 s9, $0xF7A;
	s5 =	simm.s32 @!p2 $0x0  }
0x1d: {  	s5 =	simm.s32 @p1 $0x1;
	p0 =	seq.s32 s7, s2  }
0x1e: {  	s7 =	smul.u32 @!p0 $0xF7A, s2;
	p2 =	seq.s32 @!p0 s5, $0x0  }
0x1f: {  	s9 =	smul.u32 $0xF7A, s1;
	s8 =	simm.s32 @!p0 $0x1BF5;
	p2 =	por !p2, p0  }
0x20: {  	[sflag:s8] =	ssyncset.s32 @!p0 $0xFFFFF086;
	s6 =	sadd.s32 @!p0 s3, s7;
	s7 =	simm.s32 @!p0 $0x108  }
0x21: {  	s3 =	sadd.s32 s3, s9;
	s6 =	sadd.s32 @!p0 $0x88, s6;
	s7 =	simm.s32 @p2 $0x1082  }
0x22: {  	[simem:s7], [sflag:s8] =	dma.local @!p0 [hbm:s6], $0xF7A  }
0x23: {  	s9 =	sor.u32 $0xD0000000, s2;
	s6 =	simm.s32 $0x108;
	_ =	swait.ge @!p0 [sflag:s8], $0x0  }
0x24: {  	s3 =	sadd.s32 $0x88, s3;
	s6 =	simm.s32 @!p1 $0x1082;
	[sflag:s4] =	ssyncset.s32 $0xFFFFF086  }
0x25: {  	[simem:s6], [sflag:s4] =	dma.local [hbm:s3], $0xF7A  }
0x26: {  	[smem:$0x3F97] =	sst s1;
	(tag) =	ssettag s2;
	_ =	strace s9  }
0x27: {  	s1 =	sld [smem:$0x3FA7]  }
0x28: {  	s2 =	sld [smem:$0x3FA8]  }
0x29: {  	s4 =	sld [smem:$0x3FAA]  }
0x2a: {  	p0 =	seq.s32 s5, $0x0;
	s5 =	sld [smem:$0x3FAB]  }
0x2b: {  	s6 =	sld [smem:$0x3FAC]  }
0x2c: {  	s7 =	sld [smem:$0x3FAD]  }
0x2d: {  	s3 =	simm.s32 $0x108;
	s8 =	sld [smem:$0x3FAE]  }
0x2e: {  	s3 =	simm.s32 @!p0 $0x1082;
	s9 =	sld [smem:$0x3FAF]  }
0x2f: {  	lr =	sadd.s32 s0, s3;
	s0 =	sld [smem:$0x3FA6]  }
0x30: {  	s3 =	sld [smem:$0x3FA9]  }
0x31: {  	[smem:$0x3FB2] =	sst s10  }
0x32: {  	s10 =	sld [smem:$0x3FB0];
	_ =	sdelay $0x3  }
0x33: {  	p0 =	seq.s32 s10, $0x1;
	s10 =	sld [smem:$0x3FB2];
	_ =	sdelay $0x3  }
0x34: {  	[smem:$0x3FB2] =	sst s10  }
0x35: {  	s10 =	sld [smem:$0x3FB1];
	_ =	sdelay $0x3  }
0x36: {  	p1 =	seq.s32 s10, $0x1;
	s10 =	sld [smem:$0x3FB2];
	_ =	sdelay $0x3  }
0x37: {  	[smem:$0x3FB2] =	sst s10  }
0x38: {  	s10 =	sld [smem:$0x3FB3]  }
0x39: {  	_ = 	snop;
	(pc) =	sbr.ind lr, $3  }
0x3a: {  	_ = 	snop  }
0x3b: {  	_ = 	snop  }
0x3c: {  	p2 =	seq.s32 s10, $0x1;
	s10 =	sld [smem:$0x3FB2]  }
0x3d: {  	_ =	shalt  }
0x3e: {  	_ =	shalt  }
0x3f: {  	_ =	shalt  }
0x40: {  	_ =	shalt  }
0x41: {  	_ =	shalt  }
0x42: {  	_ =	shalt  }
0x43: {  	_ =	shalt  }
0x44: {  	_ =	shalt  }
0x45: {  	_ =	shalt  }
0x46: {  	_ =	shalt  }
0x47: {  	_ =	shalt  }
0x48: {  	_ =	shalt  }
0x49: {  	_ =	shalt  }
0x4a: {  	_ =	shalt  }
0x4b: {  	_ =	shalt  }
0x4c: {  	_ =	shalt  }
0x4d: {  	_ =	shalt  }
0x4e: {  	_ =	shalt  }
0x4f: {  	_ =	shalt  }
0x50: {  	_ =	shalt  }
0x51: {  	_ =	shalt  }
0x52: {  	_ =	shalt  }
0x53: {  	_ =	shalt  }
0x54: {  	_ =	shalt  }
0x55: {  	_ =	shalt  }
0x56: {  	_ =	shalt  }
0x57: {  	_ =	shalt  }
0x58: {  	_ =	shalt  }
0x59: {  	_ =	shalt  }
0x5a: {  	_ =	shalt  }
0x5b: {  	_ =	shalt  }
0x5c: {  	_ =	shalt  }
0x5d: {  	_ =	shalt  }
0x5e: {  	_ =	shalt  }
0x5f: {  	_ =	shalt  }
0x60: {  	_ =	shalt  }
0x61: {  	_ =	shalt  }
0x62: {  	_ =	shalt  }
0x63: {  	_ =	shalt  }
0x64: {  	_ =	shalt  }
0x65: {  	_ =	shalt  }
0x66: {  	_ =	shalt  }
0x67: {  	_ =	shalt  }
0x68: {  	_ =	shalt  }
0x69: {  	_ =	shalt  }
0x6a: {  	_ =	shalt  }
0x6b: {  	_ =	shalt  }
0x6c: {  	_ =	shalt  }
0x6d: {  	_ =	shalt  }
0x6e: {  	_ =	shalt  }
0x6f: {  	_ =	shalt  }
0x70: {  	_ =	shalt  }
0x71: {  	_ =	shalt  }
0x72: {  	_ =	shalt  }
0x73: {  	_ =	shalt  }
0x74: {  	_ =	shalt  }
0x75: {  	_ =	shalt  }
0x76: {  	_ =	shalt  }
0x77: {  	_ =	shalt  }
0x78: {  	_ =	shalt  }
0x79: {  	_ =	shalt  }
0x7a: {  	_ =	shalt  }
0x7b: {  	_ =	shalt  }
0x7c: {  	_ =	shalt  }
0x7d: {  	_ =	shalt  }
0x7e: {  	_ =	shalt  }
0x7f: {  	_ =	shalt  }
0x80: {  	_ =	shalt  }
0x81: {  	_ =	shalt  }
0x82: {  	_ =	shalt  }
0x83: {  	_ =	shalt  }
0x84: {  	_ =	shalt  }
0x85: {  	_ =	shalt  }
0x86: {  	_ =	shalt  }
0x87: {  	_ =	shalt  }
.Lfunc_end0:
.L_simem_size_0:
called_computation.2_lowered:
.L_overlay_start_0:
0x88: {  	s2 =	sld [smem:$0x3FD9]  }
0x89: {  	s3 =	sld [smem:$0x3FFE];
	_ =	sdelay $0x1  }
0x8a: {  	s1 =	srdreg.scid  }
0x8b: {  	s0 =	sand.u32 $0x1, s1  }
0x8c: {  	s16 =	sshll.u32 s0, $0xA;
	s2 =	sadd.s32 s3, s2  }
0x8d: {  	s2 =	sadd.s32 s2, s16  }
0x8e: {  	[smem:$0x3FBE] =	sst s2  }
0x8f: {  	_ = 	snop  }
0x90: {  	(tm) =	ssettm $0x1  }
0x91: {  	s17 =	sld [smem:$0x3FFB];
	_ =	sdelay $0x3  }
0x92: {  	_ =	strace s17  }
0x93: {  	s2 =	sld [smem:$0x3FFC];
	_ =	sdelay $0x3  }
0x94: {  	_ =	strace s2  }
0x95: {  	s2 =	sld [smem:$0x3FFD];
	_ =	sdelay $0x3  }
0x96: {  	_ =	strace s2  }
0x97: {  	_ =	strace $0x8FFFFFFF  }
0x98: {  	s18 =	sld [smem:$0x3FDB];
	_ =	sdelay $0x1  }
0x99: {  	s19 =	simm.s32 $_scs_section_size  }
0x9a: {  	s4 =	simm.s32 $_size__tile_overlayer_lowered;
	s5 =	simm.s32 $_tile_overlayer_lowered  }
0x9b: {  	s22 =	simm.s32 $0x1BFF;
	s21 =	sshll.u32 s5, $0x1;
	s2 =	sadd.s32 s19, s18  }
0x9c: {  	s6 =	simm.s32 $0x0;
	s20 =	sshll.u32 s4, $0x1;
	s4 =	sadd.s32 s21, s2  }
0x9d: {  	[timem:s6], [sflag:s22] =	dma.local [hbm:s4], s20  }
0x9e: {  	_ =	swait.ge [sflag:s22], s20  }
0x9f: {  	s3 =	ssub.s32 $0x0, s20;
	[sflag:s22] =	ssyncset.done $0x0  }
0xa0: {  	[sflag:s22] =	ssyncadd.s32 s3;
	_ =	sdelay $0x1  }
0xa1: {  	s23 =	simm.s32 $0x1B8B  }
0xa2: {  	_ =	swait.ge [sflag:s23], $0x1  }
0xa3: {  	[sflag:s23] =	ssyncset.done $0x0  }
0xa4: {  	s25 =	simm.s32 $0x1B8E;
	s24 =	sld [smem:$0x3FFE];
	[sflag:s23] =	ssyncadd.s32 $0xFFFFFFFF  }
0xa5: {  	s26 =	simm.s32 $execute0_lowered;
	[smem:$0x3FD2] =	sst s25  }
0xa6: {  	s4 =	sshll.u32 s26, $0x1;
	_ =	strace $0x8000004C;
	[dreg:$0x1] =	wrdreg $0xFFFFFFFF  }
0xa7: {  	s28 =	simm.s32 $_size_execute0_lowered;
	s2 =	sadd.s32 s2, s4;
	[dreg:$0x0] =	wrdreg $0x0  }
0xa8: {  	s4 =	sshll.u32 s28, $0x1;
	[dreg:$0x2] =	wrdreg s2  }
0xa9: {  	[dreg:$0x3] =	wrdreg s4  }
0xaa: {  	[dreg:$0x4] =	wrdreg $0xC0  }
0xab: {  	_ =	task [dreg:s6], $0x5FFFF  }
0xac: {  	[dreg:$0x1] =	wrdreg $0xFFFFFFFF  }
0xad: {  	[dreg:$0x0] =	wrdreg $0x60  }
0xae: {  	[dreg:$0x2] =	wrdreg s24  }
0xaf: {  	[dreg:$0x3] =	wrdreg $0xA0000  }
0xb0: {  	[dreg:$0x4] =	wrdreg $0x9  }
0xb1: {  	_ =	task.clear_ibuf [dreg:s6], $0x5FFFF;
	_ =	strace $0x9000004C  }
0xb2: {  	s29 =	simm.s32 $0x9;
	_ =	strace $0x8000004E  }
0xb3: {  	_ =	swait.ge [sflag:s29], $0x1  }
0xb4: {  	[sflag:s29] =	ssyncadd.s32 $0xFFFFFFFF  }
0xb5: {  	_ =	strace $0x9000004E  }
0xb6: {  	_ =	sfence  }
0xb7: {  	s30 =	sld [smem:$0x0];
	_ =	sdelay $0x2  }
0xb8: {  	s31 =	sshll.u32 s1, $0xD;
	s1 =	sshrl.u32 s1, $0x2  }
0xb9: {  	s3 =	sand.u32 $0x4000, s31;
	s1 =	sadd.s32 s1, s30  }
0xba: {  	s0 =	sor.u32 s3, s0;
	s1 =	sshll.u32 s1, $0x11  }
0xbb: {  	s0 =	sor.u32 s1, s0  }
0xbc: {  	s0 =	sadd.s32 $0x8F2B, s0  }
0xbd: {  	[sflag:s0] =	ssyncadd.remote.s32 $0x1  }
0xbe: {  	_ =	sfence.sel $0xFFFF  }
0xbf: {  	[dreg:$0x0] =	wrdreg $0xFFFFFFFF;
	(pc) =	sbr.abs _section_cstart, $3  }
0xc0: {  	[dreg:$0x1] =	wrdreg $0xFFFFFFFF  }
0xc1: {  	_ =	task.clear_ibuf [dreg:s6], $0x2FFFF;
	_ =	strace $0x9FFFFFFF  }
0xc2: {  	(tm) =	ssettm $0x7FFFFFFF  }
0xc3: {  	_ =	shalt  }
tec
execute0_lowered:
.L_overlay_start_1:
0x0: {  	(tag) =	ssettag $0x1  }
0x1: {  	s0 =	rddreg [dreg:$0x0]  }
0x2: {  	s1 =	rddreg [dreg:$0x1];
	s2 =	srdreg.scid  }
0x3: {  	s3 =	simm.s32 $0x0;
	s13 =	stileid.u32;
	s16 =	simm.s32 $0x5  }
0x4: {  	s17 =	simm.s32 $0x1000;
	s18 =	simm.s32 $0x80;
	s19 =	simm.s32 $0x2000  }
0x5: {  	s20 =	simm.s32 $0x6000;
	s21 =	simm.s32 $0x1;
	s22 =	simm.s32 $0x2  }
0x6: {  	s28 =	simm.s32 $0x780;
	s29 =	simm.s32 $0x1F00;
	s30 =	simm.s32 $0x1F80  }
0x7: {  	s31 =	simm.s32 $0x0;
	s2 =	sand.u32 $0x1, s2;
	[smem:$0x7FF] =	sst s3  }
0x8: {  	s6 =	smul.u32 $0x13C00, s13;
	s4 =	sadd.s32 $0xE600, s0;
	s11 =	sadd.s32 $0x3E00, s0  }
0x9: {  	s12 =	sadd.s32 $0x9200, s0;
	s9 =	smul.u32 $0x4F000, s13;
	s25 =	sshll.u32 s13, $0x6  }
0xa: {  	s26 =	sshll.u32 s13, $0xA;
	s13 =	sshll.u32 s13, $0x8;
	s5 =	smul.u32 $0x13C000, s2  }
0xb: {  	_ =	strace $0x8000004D;
	s23 =	ssub.s32 $0x2, s2;
	s10 =	sor.u32 $0x200, s26  }
0xc: {  	s13 =	sor.u32 $0x4000, s13;
	p0 =	seq.s32 s2, $0x0;
	s8 =	sshrl.u32 s23, $0x1  }
0xd: {  	s24 =	sshrl.u32 s9, $0x2;
	s9 =	sadd.s32 s11, s10;
	s10 =	sadd.s32 s12, s10  }
0xe: {  	s5 =	sadd.s32 s6, s5;
	s14 =	ssub.s32 s23, s8;
	s15 =	sadd.s32 s24, s1  }
.Ltmp0:
0xf: {  	s6 =	sor.u32 $0x1C05, s25;
	s8 =	sadd.s32 s12, s26;
	(pc) =	sbr.rel .LBB2_1-.Ltmp0, $4  }
0x10: {  	s12 =	sadd.s32 s12, s13;
	s24 =	simm.s32 $0x3;
	s25 =	simm.s32 $0x700  }
0x11: {  	s7 =	sshrl.u32 s5, $0x3;
	s5 =	sadd.s32 $0x5CA00, s0;
	s14 =	smax.u32 s14, $0x1  }
0x12: {  	s15 =	sshrl.u32 s15, $0x3;
	s0 =	sadd.s32 s7, s0;
	s7 =	sadd.s32 s11, s26  }
0x13: {  	s11 =	sadd.s32 s11, s13;
	s26 =	simm.s32 $0x4;
	s13 =	sadd.s32 $0x5F200, s0  }
.LBB2_7:
0x14: {  	[tilespmem:s3], [sflag:$0x5] =	stream.linear.gather [hbm4b:s11+s3], $0x1000, $0x38;
	[tilespmem:$0x1DC00] =	vst v63  }
0x15: {  	_ =	swait.ge [sflag:s16], $0x1000  }
0x16: {  	[sflag:s16] =	ssyncset.done $0x0  }
0x17: {  	[sflag:s16] =	ssyncadd.s32 $0xFFFFF000  }
0x18: {  	[tilespmem:s17], [sflag:$0x5] =	stream.linear.gather [hbm4b:s12+s3], $0x1000, $0x38;
	[tilespmem:$0x1DC00] =	vst v63  }
0x19: {  	_ =	swait.ge [sflag:s16], $0x1000  }
0x1a: {  	[sflag:s16] =	ssyncset.done $0x0  }
0x1b: {  	[sflag:s16] =	ssyncadd.s32 $0xFFFFF000  }
0x1c: {  	[tilespmem:s19], [sflag:$0x1] =	stream.indirect.gather [hbm4b:s4+s18], $0x80, s3, s18, $0xb8;
	[tilespmem:$0x1DC00] =	vst v63  }
0x1d: {  	_ = 	snop  }
0x1e: {  	[tilespmem:s20], [sflag:$0x2] =	stream.indirect.gather [hbm4b:s4+s18], $0x80, s18, s18, $0xb8;
	[tilespmem:$0x1DC00] =	vst v63  }
0x1f: {  	[bflag:$0x0] =	sbarrier.arrive $0xFFFF  }
0x20: {  	_ =	swait.ge [sflag:s21], $0x4000  }
0x21: {  	[sflag:s21] =	ssyncset.done $0x0  }
0x22: {  	[sflag:s21] =	ssyncadd.s32 $0xFFFFC000  }
0x23: {  	[spmem:s1] =	stream.indirect.scatter.add.f32 [tilespmem:s19], [sflag:$0x3], $0x80, s17, s18, $0xb8;
	[tilespmem:$0x1DC00] =	vst v63  }
0x24: {  	_ =	swait.ge [sflag:s22], $0x4000  }
0x25: {  	[sflag:s22] =	ssyncset.done $0x0  }
0x26: {  	s0 =	simm.s32 $0x1080;
	[sflag:s22] =	ssyncadd.s32 $0xFFFFC000  }
0x27: {  	[spmem:s1] =	stream.indirect.scatter.add.f32 [tilespmem:s20], [sflag:$0x4], $0x80, s0, s18, $0xb8;
	[tilespmem:$0x1DC00] =	vst v63  }
0x28: {  	_ =	swait.ge [sflag:s24], $0x4000  }
0x29: {  	[sflag:s24] =	ssyncset.done $0x0  }
0x2a: {  	s2 =	simm.s32 $0x100;
	[sflag:s24] =	ssyncadd.s32 $0xFFFFC000  }
0x2b: {  	[tilespmem:s19], [sflag:$0x1] =	stream.indirect.gather [hbm4b:s4+s18], $0x80, s2, s18, $0xb8;
	[tilespmem:$0x1DC00] =	vst v63  }
0x2c: {  	_ =	swait.ge [sflag:s26], $0x4000  }
0x2d: {  	[sflag:s26] =	ssyncset.done $0x0  }
0x2e: {  	s23 =	simm.s32 $0x180;
	[sflag:s26] =	ssyncadd.s32 $0xFFFFC000  }
0x2f: {  	[tilespmem:s20], [sflag:$0x2] =	stream.indirect.gather [hbm4b:s4+s18], $0x80, s23, s18, $0xb8;
	[tilespmem:$0x1DC00] =	vst v63  }
0x30: {  	_ =	swait.ge [sflag:s21], $0x4000  }
0x31: {  	[sflag:s21] =	ssyncset.done $0x0  }
0x32: {  	s2 =	simm.s32 $0x1100;
	[sflag:s21] =	ssyncadd.s32 $0xFFFFC000  }
0x33: {  	[spmem:s1] =	stream.indirect.scatter.add.f32 [tilespmem:s19], [sflag:$0x3], $0x80, s2, s18, $0xb8;
	[tilespmem:$0x1DC00] =	vst v63  }
0x34: {  	_ =	swait.ge [sflag:s22], $0x4000  }
0x35: {  	[sflag:s22] =	ssyncset.done $0x0  }
0x36: {  	s23 =	simm.s32 $0x1180;
	[sflag:s22] =	ssyncadd.s32 $0xFFFFC000  }
0x37: {  	[spmem:s1] =	stream.indirect.scatter.add.f32 [tilespmem:s20], [sflag:$0x4], $0x80, s23, s18, $0xb8;
	[tilespmem:$0x1DC00] =	vst v63  }
0x38: {  	_ =	swait.ge [sflag:s24], $0x4000  }
0x39: {  	[sflag:s24] =	ssyncset.done $0x0  }
0x3a: {  	s2 =	simm.s32 $0x200;
	[sflag:s24] =	ssyncadd.s32 $0xFFFFC000  }
0x3b: {  	[tilespmem:s19], [sflag:$0x1] =	stream.indirect.gather [hbm4b:s4+s18], $0x80, s2, s18, $0xb8;
	[tilespmem:$0x1DC00] =	vst v63  }
0x3c: {  	_ =	swait.ge [sflag:s26], $0x4000  }
0x3d: {  	[sflag:s26] =	ssyncset.done $0x0  }
0x3e: {  	s23 =	simm.s32 $0x280;
	[sflag:s26] =	ssyncadd.s32 $0xFFFFC000  }
0x3f: {  	[tilespmem:s20], [sflag:$0x2] =	stream.indirect.gather [hbm4b:s4+s18], $0x80, s23, s18, $0xb8;
	[tilespmem:$0x1DC00] =	vst v63  }
0x40: {  	_ =	swait.ge [sflag:s21], $0x4000  }
0x41: {  	[sflag:s21] =	ssyncset.done $0x0  }
0x42: {  	s2 =	simm.s32 $0x1200;
	[sflag:s21] =	ssyncadd.s32 $0xFFFFC000  }
0x43: {  	[spmem:s1] =	stream.indirect.scatter.add.f32 [tilespmem:s19], [sflag:$0x3], $0x80, s2, s18, $0xb8;
	[tilespmem:$0x1DC00] =	vst v63  }
0x44: {  	_ =	swait.ge [sflag:s22], $0x4000  }
0x45: {  	[sflag:s22] =	ssyncset.done $0x0  }
0x46: {  	s23 =	simm.s32 $0x1280;
	[sflag:s22] =	ssyncadd.s32 $0xFFFFC000  }
0x47: {  	[spmem:s1] =	stream.indirect.scatter.add.f32 [tilespmem:s20], [sflag:$0x4], $0x80, s23, s18, $0xb8;
	[tilespmem:$0x1DC00] =	vst v63  }
0x48: {  	_ =	swait.ge [sflag:s24], $0x4000  }
0x49: {  	[sflag:s24] =	ssyncset.done $0x0  }
0x4a: {  	s2 =	simm.s32 $0x300;
	[sflag:s24] =	ssyncadd.s32 $0xFFFFC000  }
0x4b: {  	[tilespmem:s19], [sflag:$0x1] =	stream.indirect.gather [hbm4b:s4+s18], $0x80, s2, s18, $0xb8;
	[tilespmem:$0x1DC00] =	vst v63  }
0x4c: {  	_ =	swait.ge [sflag:s26], $0x4000  }
0x4d: {  	[sflag:s26] =	ssyncset.done $0x0  }
0x4e: {  	s23 =	simm.s32 $0x380;
	[sflag:s26] =	ssyncadd.s32 $0xFFFFC000  }
0x4f: {  	[tilespmem:s20], [sflag:$0x2] =	stream.indirect.gather [hbm4b:s4+s18], $0x80, s23, s18, $0xb8;
	[tilespmem:$0x1DC00] =	vst v63  }
0x50: {  	_ =	swait.ge [sflag:s21], $0x4000  }
0x51: {  	[sflag:s21] =	ssyncset.done $0x0  }
0x52: {  	s2 =	simm.s32 $0x1300;
	[sflag:s21] =	ssyncadd.s32 $0xFFFFC000  }
0x53: {  	[spmem:s1] =	stream.indirect.scatter.add.f32 [tilespmem:s19], [sflag:$0x3], $0x80, s2, s18, $0xb8;
	[tilespmem:$0x1DC00] =	vst v63  }
0x54: {  	_ =	swait.ge [sflag:s22], $0x4000  }
0x55: {  	[sflag:s22] =	ssyncset.done $0x0  }
0x56: {  	s23 =	simm.s32 $0x1380;
	[sflag:s22] =	ssyncadd.s32 $0xFFFFC000  }
0x57: {  	[spmem:s1] =	stream.indirect.scatter.add.f32 [tilespmem:s20], [sflag:$0x4], $0x80, s23, s18, $0xb8;
	[tilespmem:$0x1DC00] =	vst v63  }
0x58: {  	_ =	swait.ge [sflag:s24], $0x4000  }
0x59: {  	[sflag:s24] =	ssyncset.done $0x0  }
0x5a: {  	s2 =	simm.s32 $0x400;
	[sflag:s24] =	ssyncadd.s32 $0xFFFFC000  }
0x5b: {  	[tilespmem:s19], [sflag:$0x1] =	stream.indirect.gather [hbm4b:s4+s18], $0x80, s2, s18, $0xb8;
	[tilespmem:$0x1DC00] =	vst v63  }
0x5c: {  	_ =	swait.ge [sflag:s26], $0x4000  }
0x5d: {  	[sflag:s26] =	ssyncset.done $0x0  }
0x5e: {  	s23 =	simm.s32 $0x480;
	[sflag:s26] =	ssyncadd.s32 $0xFFFFC000  }
0x5f: {  	[tilespmem:s20], [sflag:$0x2] =	stream.indirect.gather [hbm4b:s4+s18], $0x80, s23, s18, $0xb8;
	[tilespmem:$0x1DC00] =	vst v63  }
0x60: {  	_ =	swait.ge [sflag:s21], $0x4000  }
0x61: {  	[sflag:s21] =	ssyncset.done $0x0  }
0x62: {  	s2 =	simm.s32 $0x1400;
	[sflag:s21] =	ssyncadd.s32 $0xFFFFC000  }
0x63: {  	[spmem:s1] =	stream.indirect.scatter.add.f32 [tilespmem:s19], [sflag:$0x3], $0x80, s2, s18, $0xb8;
	[tilespmem:$0x1DC00] =	vst v63  }
0x64: {  	_ =	swait.ge [sflag:s22], $0x4000  }
0x65: {  	[sflag:s22] =	ssyncset.done $0x0  }
0x66: {  	s23 =	simm.s32 $0x1480;
	[sflag:s22] =	ssyncadd.s32 $0xFFFFC000  }
0x67: {  	[spmem:s1] =	stream.indirect.scatter.add.f32 [tilespmem:s20], [sflag:$0x4], $0x80, s23, s18, $0xb8;
	[tilespmem:$0x1DC00] =	vst v63  }
0x68: {  	_ =	swait.ge [sflag:s24], $0x4000  }
0x69: {  	[sflag:s24] =	ssyncset.done $0x0  }
0x6a: {  	s2 =	simm.s32 $0x500;
	[sflag:s24] =	ssyncadd.s32 $0xFFFFC000  }
0x6b: {  	[tilespmem:s19], [sflag:$0x1] =	stream.indirect.gather [hbm4b:s4+s18], $0x80, s2, s18, $0xb8;
	[tilespmem:$0x1DC00] =	vst v63  }
0x6c: {  	_ =	swait.ge [sflag:s26], $0x4000  }
0x6d: {  	[sflag:s26] =	ssyncset.done $0x0  }
0x6e: {  	s23 =	simm.s32 $0x580;
	[sflag:s26] =	ssyncadd.s32 $0xFFFFC000  }
0x6f: {  	[tilespmem:s20], [sflag:$0x2] =	stream.indirect.gather [hbm4b:s4+s18], $0x80, s23, s18, $0xb8;
	[tilespmem:$0x1DC00] =	vst v63  }
0x70: {  	_ =	swait.ge [sflag:s21], $0x4000  }
0x71: {  	[sflag:s21] =	ssyncset.done $0x0  }
0x72: {  	s2 =	simm.s32 $0x1500;
	[sflag:s21] =	ssyncadd.s32 $0xFFFFC000  }
0x73: {  	[spmem:s1] =	stream.indirect.scatter.add.f32 [tilespmem:s19], [sflag:$0x3], $0x80, s2, s18, $0xb8;
	[tilespmem:$0x1DC00] =	vst v63  }
0x74: {  	_ =	swait.ge [sflag:s22], $0x4000  }
0x75: {  	[sflag:s22] =	ssyncset.done $0x0  }
0x76: {  	s23 =	simm.s32 $0x1580;
	[sflag:s22] =	ssyncadd.s32 $0xFFFFC000  }
0x77: {  	[spmem:s1] =	stream.indirect.scatter.add.f32 [tilespmem:s20], [sflag:$0x4], $0x80, s23, s18, $0xb8;
	[tilespmem:$0x1DC00] =	vst v63  }
0x78: {  	_ =	swait.ge [sflag:s24], $0x4000  }
0x79: {  	[sflag:s24] =	ssyncset.done $0x0  }
0x7a: {  	s2 =	simm.s32 $0x600;
	[sflag:s24] =	ssyncadd.s32 $0xFFFFC000  }
0x7b: {  	[tilespmem:s19], [sflag:$0x1] =	stream.indirect.gather [hbm4b:s4+s18], $0x80, s2, s18, $0xb8;
	[tilespmem:$0x1DC00] =	vst v63  }
0x7c: {  	_ =	swait.ge [sflag:s26], $0x4000  }
0x7d: {  	[sflag:s26] =	ssyncset.done $0x0  }
0x7e: {  	s23 =	simm.s32 $0x680;
	[sflag:s26] =	ssyncadd.s32 $0xFFFFC000  }
0x7f: {  	[tilespmem:s20], [sflag:$0x2] =	stream.indirect.gather [hbm4b:s4+s18], $0x80, s23, s18, $0xb8;
	[tilespmem:$0x1DC00] =	vst v63  }
0x80: {  	_ =	swait.ge [sflag:s21], $0x4000  }
0x81: {  	[sflag:s21] =	ssyncset.done $0x0  }
0x82: {  	s2 =	simm.s32 $0x1600;
	[sflag:s21] =	ssyncadd.s32 $0xFFFFC000  }
0x83: {  	[spmem:s1] =	stream.indirect.scatter.add.f32 [tilespmem:s19], [sflag:$0x3], $0x80, s2, s18, $0xb8;
	[tilespmem:$0x1DC00] =	vst v63  }
0x84: {  	_ =	swait.ge [sflag:s22], $0x4000  }
0x85: {  	[sflag:s22] =	ssyncset.done $0x0  }
0x86: {  	s23 =	simm.s32 $0x1680;
	[sflag:s22] =	ssyncadd.s32 $0xFFFFC000  }
0x87: {  	[spmem:s1] =	stream.indirect.scatter.add.f32 [tilespmem:s20], [sflag:$0x4], $0x80, s23, s18, $0xb8;
	[tilespmem:$0x1DC00] =	vst v63  }
0x88: {  	_ =	swait.ge [sflag:s24], $0x4000  }
0x89: {  	[sflag:s24] =	ssyncset.done $0x0  }
0x8a: {  	[sflag:s24] =	ssyncadd.s32 $0xFFFFC000  }
0x8b: {  	[tilespmem:s19], [sflag:$0x1] =	stream.indirect.gather [hbm4b:s4+s18], $0x80, s25, s18, $0xb8;
	[tilespmem:$0x1DC00] =	vst v63  }
0x8c: {  	_ =	swait.ge [sflag:s26], $0x4000  }
0x8d: {  	[sflag:s26] =	ssyncset.done $0x0  }
0x8e: {  	s0 =	simm.s32 $0x1780;
	s2 =	simm.s32 $0x1700;
	[sflag:s26] =	ssyncadd.s32 $0xFFFFC000  }
0x8f: {  	[tilespmem:s20], [sflag:$0x2] =	stream.indirect.gather [hbm4b:s4+s18], $0x80, s28, s18, $0xb8;
	[tilespmem:$0x1DC00] =	vst v63  }
.LBB2_8:
0x90: {  	_ =	swait.ge [sflag:s21], $0x4000  }
0x91: {  	[sflag:s21] =	ssyncset.done $0x0  }
0x92: {  	[sflag:s21] =	ssyncadd.s32 $0xFFFFC000  }
0x93: {  	[spmem:s1] =	stream.indirect.scatter.add.f32 [tilespmem:s19], [sflag:$0x3], $0x80, s2, s18, $0xb8;
	[tilespmem:$0x1DC00] =	vst v63  }
0x94: {  	_ =	swait.ge [sflag:s22], $0x4000  }
0x95: {  	[sflag:s22] =	ssyncset.done $0x0  }
0x96: {  	[sflag:s22] =	ssyncadd.s32 $0xFFFFC000  }
0x97: {  	[spmem:s1] =	stream.indirect.scatter.add.f32 [tilespmem:s20], [sflag:$0x4], $0x80, s0, s18, $0xb8;
	[tilespmem:$0x1DC00] =	vst v63  }
0x98: {  	_ =	swait.ge [sflag:s24], $0x4000  }
0x99: {  	[sflag:s24] =	ssyncset.done $0x0  }
0x9a: {  	[sflag:s24] =	ssyncadd.s32 $0xFFFFC000  }
0x9b: {  	_ =	swait.ge [sflag:s26], $0x4000  }
0x9c: {  	s31 =	sadd.s32 $0x1, s31;
	[sflag:s26] =	ssyncset.done $0x0  }
0x9d: {  	p1 =	sne.s32 s31, s14;
	[sflag:s26] =	ssyncadd.s32 $0xFFFFC000  }
.Ltmp1:
0x9e: {  	[bflag:$0x0] =	sbarrier.arrive $0xFFFF;
	(pc) =	sbr.rel @!p1 .LBB2_9-.Ltmp1, $4  }
0x9f: {  	[hbm:s13], [sflag:s6] =	dma.local [spmem:s15], $0x2780  }
0xa0: {  	_ =	swait.ge [sflag:s16], $0x2780  }
0xa1: {  	[sflag:s16] =	ssyncset.done $0x0  }
0xa2: {  	[sflag:s16] =	ssyncadd.s32 $0xFFFFD880  }
.LBB2_1:
.Ltmp2:
0xa3: {  	(pc) =	sbr.rel @p0 .LBB2_7-.Ltmp2, $4  }
0xa4: {  	[spmem:s15], [sflag:s6] =	dma.local [hbm:s5], $0x2780  }
0xa5: {  	_ =	swait.ge [sflag:s16], $0x2780  }
0xa6: {  	[sflag:s16] =	ssyncset.done $0x0  }
0xa7: {  	[sflag:s16] =	ssyncadd.s32 $0xFFFFD880  }
0xa8: {  	s0 =	simm.s32 $0x0  }
0xa9: {  	[tilespmem:s0], [sflag:$0x5] =	stream.linear.gather [hbm4b:s7+s0], $0x1000, $0x38;
	[tilespmem:$0x1DC00] =	vst v63  }
0xaa: {  	_ =	swait.ge [sflag:s16], $0x1000  }
0xab: {  	[sflag:s16] =	ssyncset.done $0x0  }
0xac: {  	[sflag:s16] =	ssyncadd.s32 $0xFFFFF000  }
0xad: {  	[tilespmem:s17], [sflag:$0x5] =	stream.linear.gather [hbm4b:s8+s0], $0x1000, $0x38;
	[tilespmem:$0x1DC00] =	vst v63  }
0xae: {  	_ =	swait.ge [sflag:s16], $0x1000  }
0xaf: {  	[sflag:s16] =	ssyncset.done $0x0  }
0xb0: {  	[sflag:s16] =	ssyncadd.s32 $0xFFFFF000  }
0xb1: {  	[tilespmem:s19], [sflag:$0x1] =	stream.indirect.gather [hbm4b:s4+s18], $0x80, s0, s18, $0xb8;
	[tilespmem:$0x1DC00] =	vst v63  }
0xb2: {  	_ = 	snop  }
0xb3: {  	[tilespmem:s20], [sflag:$0x2] =	stream.indirect.gather [hbm4b:s4+s18], $0x80, s18, s18, $0xb8;
	[tilespmem:$0x1DC00] =	vst v63  }
0xb4: {  	[bflag:$0x0] =	sbarrier.arrive $0xFFFF  }
0xb5: {  	_ =	swait.ge [sflag:s21], $0x4000  }
0xb6: {  	[sflag:s21] =	ssyncset.done $0x0  }
0xb7: {  	s23 =	simm.s32 $0x1000;
	[sflag:s21] =	ssyncadd.s32 $0xFFFFC000  }
0xb8: {  	[spmem:s1] =	stream.indirect.scatter.add.f32 [tilespmem:s19], [sflag:$0x3], $0x80, s23, s18, $0xb8;
	[tilespmem:$0x1DC00] =	vst v63  }
0xb9: {  	_ =	swait.ge [sflag:s22], $0x4000  }
0xba: {  	[sflag:s22] =	ssyncset.done $0x0  }
0xbb: {  	s2 =	simm.s32 $0x1080;
	[sflag:s22] =	ssyncadd.s32 $0xFFFFC000  }
0xbc: {  	[spmem:s1] =	stream.indirect.scatter.add.f32 [tilespmem:s20], [sflag:$0x4], $0x80, s2, s18, $0xb8;
	[tilespmem:$0x1DC00] =	vst v63  }
0xbd: {  	_ =	swait.ge [sflag:s24], $0x4000  }
0xbe: {  	[sflag:s24] =	ssyncset.done $0x0  }
0xbf: {  	s23 =	simm.s32 $0x100;
	[sflag:s24] =	ssyncadd.s32 $0xFFFFC000  }
0xc0: {  	[tilespmem:s19], [sflag:$0x1] =	stream.indirect.gather [hbm4b:s4+s18], $0x80, s23, s18, $0xb8;
	[tilespmem:$0x1DC00] =	vst v63  }
0xc1: {  	_ =	swait.ge [sflag:s26], $0x4000  }
0xc2: {  	[sflag:s26] =	ssyncset.done $0x0  }
0xc3: {  	s0 =	simm.s32 $0x400;
	s2 =	simm.s32 $0x180;
	[sflag:s26] =	ssyncadd.s32 $0xFFFFC000  }
.LBB2_3:
0xc4: {  	[tilespmem:s20], [sflag:$0x2] =	stream.indirect.gather [hbm4b:s4+s18], $0x80, s2, s18, $0xb8;
	[tilespmem:$0x1DC00] =	vst v63  }
0xc5: {  	s2 =	smov.u32 s0  }
0xc6: {  	p1 =	sne.s32 s0, $0x3800;
	s0 =	sadd.s32 $0x400, s0;
	_ =	swait.ge [sflag:s21], $0x4000  }
0xc7: {  	s2 =	sshra.s32 s2, $0x2;
	[sflag:s21] =	ssyncset.done $0x0  }
0xc8: {  	s23 =	sadd.s32 $0x1000, s2;
	[sflag:s21] =	ssyncadd.s32 $0xFFFFC000  }
0xc9: {  	[spmem:s1] =	stream.indirect.scatter.add.f32 [tilespmem:s19], [sflag:$0x3], $0x80, s23, s18, $0xb8;
	[tilespmem:$0x1DC00] =	vst v63  }
0xca: {  	_ =	swait.ge [sflag:s22], $0x4000  }
0xcb: {  	[sflag:s22] =	ssyncset.done $0x0  }
0xcc: {  	s23 =	sadd.s32 $0x1080, s2;
	[sflag:s22] =	ssyncadd.s32 $0xFFFFC000  }
0xcd: {  	[spmem:s1] =	stream.indirect.scatter.add.f32 [tilespmem:s20], [sflag:$0x4], $0x80, s23, s18, $0xb8;
	[tilespmem:$0x1DC00] =	vst v63  }
0xce: {  	_ =	swait.ge [sflag:s24], $0x4000  }
0xcf: {  	[sflag:s24] =	ssyncset.done $0x0  }
.Ltmp3:
0xd0: {  	s23 =	sadd.s32 $0x100, s2;
	[sflag:s24] =	ssyncadd.s32 $0xFFFFC000;
	(pc) =	sbr.rel @p1 .LBB2_3-.Ltmp3, $4  }
0xd1: {  	[tilespmem:s19], [sflag:$0x1] =	stream.indirect.gather [hbm4b:s4+s18], $0x80, s23, s18, $0xb8;
	[tilespmem:$0x1DC00] =	vst v63  }
0xd2: {  	_ =	swait.ge [sflag:s26], $0x4000  }
0xd3: {  	[sflag:s26] =	ssyncset.done $0x0  }
0xd4: {  	s2 =	sadd.s32 $0x180, s2;
	[sflag:s26] =	ssyncadd.s32 $0xFFFFC000  }
0xd5: {  	[tilespmem:s20], [sflag:$0x2] =	stream.indirect.gather [hbm4b:s4+s18], $0x80, s2, s18, $0xb8;
	[tilespmem:$0x1DC00] =	vst v63  }
0xd6: {  	_ =	swait.ge [sflag:s21], $0x4000  }
0xd7: {  	[sflag:s21] =	ssyncset.done $0x0  }
0xd8: {  	[sflag:s21] =	ssyncadd.s32 $0xFFFFC000  }
0xd9: {  	[spmem:s1] =	stream.indirect.scatter.add.f32 [tilespmem:s19], [sflag:$0x3], $0x80, s29, s18, $0xb8;
	[tilespmem:$0x1DC00] =	vst v63  }
0xda: {  	_ =	swait.ge [sflag:s22], $0x4000  }
0xdb: {  	[sflag:s22] =	ssyncset.done $0x0  }
0xdc: {  	[sflag:s22] =	ssyncadd.s32 $0xFFFFC000  }
0xdd: {  	[spmem:s1] =	stream.indirect.scatter.add.f32 [tilespmem:s20], [sflag:$0x4], $0x80, s30, s18, $0xb8;
	[tilespmem:$0x1DC00] =	vst v63  }
0xde: {  	_ =	swait.ge [sflag:s24], $0x4000  }
0xdf: {  	[sflag:s24] =	ssyncset.done $0x0  }
0xe0: {  	[sflag:s24] =	ssyncadd.s32 $0xFFFFC000  }
0xe1: {  	_ =	swait.ge [sflag:s26], $0x4000  }
0xe2: {  	[sflag:s26] =	ssyncset.done $0x0  }
0xe3: {  	s0 =	simm.s32 $0x0;
	[sflag:s26] =	ssyncadd.s32 $0xFFFFC000  }
0xe4: {  	[tilespmem:s0], [sflag:$0x5] =	stream.linear.gather [hbm4b:s9+s0], $0x1000, $0x38;
	[tilespmem:$0x1DC00] =	vst v63  }
0xe5: {  	_ =	swait.ge [sflag:s16], $0x1000  }
0xe6: {  	[sflag:s16] =	ssyncset.done $0x0  }
0xe7: {  	[sflag:s16] =	ssyncadd.s32 $0xFFFFF000  }
0xe8: {  	[tilespmem:s17], [sflag:$0x5] =	stream.linear.gather [hbm4b:s10+s0], $0x1000, $0x38;
	[tilespmem:$0x1DC00] =	vst v63  }
0xe9: {  	_ =	swait.ge [sflag:s16], $0x1000  }
0xea: {  	[sflag:s16] =	ssyncset.done $0x0  }
0xeb: {  	[sflag:s16] =	ssyncadd.s32 $0xFFFFF000  }
0xec: {  	[tilespmem:s19], [sflag:$0x1] =	stream.indirect.gather [hbm4b:s4+s18], $0x80, s0, s18, $0xb8;
	[tilespmem:$0x1DC00] =	vst v63  }
0xed: {  	_ = 	snop  }
0xee: {  	[tilespmem:s20], [sflag:$0x2] =	stream.indirect.gather [hbm4b:s4+s18], $0x80, s18, s18, $0xb8;
	[tilespmem:$0x1DC00] =	vst v63  }
0xef: {  	_ =	swait.ge [sflag:s21], $0x4000  }
0xf0: {  	[sflag:s21] =	ssyncset.done $0x0  }
0xf1: {  	s23 =	simm.s32 $0x1000;
	[sflag:s21] =	ssyncadd.s32 $0xFFFFC000  }
0xf2: {  	[spmem:s1] =	stream.indirect.scatter.add.f32 [tilespmem:s19], [sflag:$0x3], $0x80, s23, s18, $0xb8;
	[tilespmem:$0x1DC00] =	vst v63  }
0xf3: {  	_ =	swait.ge [sflag:s22], $0x4000  }
0xf4: {  	[sflag:s22] =	ssyncset.done $0x0  }
0xf5: {  	s2 =	simm.s32 $0x1080;
	[sflag:s22] =	ssyncadd.s32 $0xFFFFC000  }
0xf6: {  	[spmem:s1] =	stream.indirect.scatter.add.f32 [tilespmem:s20], [sflag:$0x4], $0x80, s2, s18, $0xb8;
	[tilespmem:$0x1DC00] =	vst v63  }
0xf7: {  	_ =	swait.ge [sflag:s24], $0x4000  }
0xf8: {  	p1 =	por $0x0, $0x0;
	[sflag:s24] =	ssyncset.done $0x0  }
.Ltmp4:
0xf9: {  	s23 =	simm.s32 $0x100;
	[sflag:s24] =	ssyncadd.s32 $0xFFFFC000;
	(pc) =	sbr.rel @p1 .LBB2_6-.Ltmp4, $4  }
0xfa: {  	[tilespmem:s19], [sflag:$0x1] =	stream.indirect.gather [hbm4b:s4+s18], $0x80, s23, s18, $0xb8;
	[tilespmem:$0x1DC00] =	vst v63  }
0xfb: {  	_ =	swait.ge [sflag:s26], $0x4000  }
0xfc: {  	[sflag:s26] =	ssyncset.done $0x0  }
0xfd: {  	s0 =	simm.s32 $0x400;
	s2 =	simm.s32 $0x180;
	[sflag:s26] =	ssyncadd.s32 $0xFFFFC000  }
.LBB2_5:
0xfe: {  	[tilespmem:s20], [sflag:$0x2] =	stream.indirect.gather [hbm4b:s4+s18], $0x80, s2, s18, $0xb8;
	[tilespmem:$0x1DC00] =	vst v63  }
0xff: {  	s2 =	smov.u32 s0  }
0x100: {  	p1 =	seq.s32 s0, $0x3800;
	s0 =	sadd.s32 $0x400, s0;
	_ =	swait.ge [sflag:s21], $0x4000  }
0x101: {  	s2 =	sshra.s32 s2, $0x2;
	[sflag:s21] =	ssyncset.done $0x0  }
0x102: {  	s23 =	sadd.s32 $0x1000, s2;
	[sflag:s21] =	ssyncadd.s32 $0xFFFFC000  }
0x103: {  	[spmem:s1] =	stream.indirect.scatter.add.f32 [tilespmem:s19], [sflag:$0x3], $0x80, s23, s18, $0xb8;
	[tilespmem:$0x1DC00] =	vst v63  }
0x104: {  	_ =	swait.ge [sflag:s22], $0x4000  }
0x105: {  	[sflag:s22] =	ssyncset.done $0x0  }
0x106: {  	s23 =	sadd.s32 $0x1080, s2;
	[sflag:s22] =	ssyncadd.s32 $0xFFFFC000  }
0x107: {  	[spmem:s1] =	stream.indirect.scatter.add.f32 [tilespmem:s20], [sflag:$0x4], $0x80, s23, s18, $0xb8;
	[tilespmem:$0x1DC00] =	vst v63  }
0x108: {  	_ =	swait.ge [sflag:s24], $0x4000  }
0x109: {  	[sflag:s24] =	ssyncset.done $0x0  }
.Ltmp5:
0x10a: {  	s23 =	sadd.s32 $0x100, s2;
	[sflag:s24] =	ssyncadd.s32 $0xFFFFC000;
	(pc) =	sbr.rel @!p1 .LBB2_5-.Ltmp5, $4  }
0x10b: {  	[tilespmem:s19], [sflag:$0x1] =	stream.indirect.gather [hbm4b:s4+s18], $0x80, s23, s18, $0xb8;
	[tilespmem:$0x1DC00] =	vst v63  }
0x10c: {  	_ =	swait.ge [sflag:s26], $0x4000  }
0x10d: {  	[sflag:s26] =	ssyncset.done $0x0  }
0x10e: {  	s2 =	sadd.s32 $0x180, s2;
	[sflag:s26] =	ssyncadd.s32 $0xFFFFC000  }
.LBB2_6:
.Ltmp6:
0x10f: {  	(pc) =	sbr.rel .LBB2_8-.Ltmp6, $3  }
0x110: {  	_ =	sdelay $0x1  }
0x111: {  	[tilespmem:s20], [sflag:$0x2] =	stream.indirect.gather [hbm4b:s4+s18], $0x80, s2, s18, $0xb8;
	[tilespmem:$0x1DC00] =	vst v63  }
0x112: {  	s0 =	simm.s32 $0x1F80;
	s2 =	simm.s32 $0x1F00  }
.LBB2_9:
0x113: {  	_ =	sfence.sel $0x180000  }
0x114: {  	[bflag:$0x0] =	sbarrier.arrive $0xFFFF  }
0x115: {  	_ =	strace $0x9000004D  }
0x116: {  	s0 =	stileid.u32;
	[bflag:$0x2] =	sbarrier.arrive $0xFFFF  }
0x117: {  	p0 =	sne.s32 s0, $0x0;
	s0 =	rddreg [dreg:$0x2]  }
0x118: {  	s0 =	sadd.s32 @!p0 $0x100000, s0  }
0x119: {  	[sflag:s0] =	ssyncadd.tile.s32 @!p0 $0x1;
	_ =	shalt  }
.Lfunc_end2:
_tile_overlayer_lowered:
.L_overlay_start_2:
0x11a: {  	(tag) =	ssettag $0x2  }
0x11b: {  	s0 =	rddreg [dreg:$0x0];
	s2 =	stileid.u32  }
0x11c: {  	s1 =	rddreg [dreg:$0x1];
	p0 =	sne.s32 s2, $0x0  }
0x11d: {  	s3 =	rddreg [dreg:$0x2];
	[bflag:$0x3] =	sbarrier.arrive $0xFFFF;
	s2 =	simm.s32 @!p0 $0x1C05  }
0x11e: {  	[timem:s3], [sflag:s2] =	dma.local @!p0 [hbm:s0], s1  }
0x11f: {  	s0 =	simm.s32 @!p0 $0x5  }
0x120: {  	_ =	swait.ge @!p0 [sflag:s0], s1  }
0x121: {  	s1 =	ssub.s32 @!p0 $0x0, s1;
	[sflag:s0] =	ssyncset.done @!p0 $0x0  }
0x122: {  	[sflag:s0] =	ssyncadd.s32 @!p0 s1  }
0x123: {  	[bflag:$0x3] =	sbarrier.arrive $0xFFFF  }
0x124: {  	_ =	shalt  }

// kernel: kernel.18.cloned.1.call-start
scs
__scs_entry_jumppad:
0x0: {  	(pc) =	sbr.rel $0x88, $3  }
0x1: {  	(tag) =	ssettag $0x0;
	lr =	simm.s32 $0x1  }
0x2: {  	[smem:$0x3F97] =	sst lr;
	_ =	strace $0xD0000000  }
0x3: {  	_ = 	snop  }
0x4: {  	_ = 	snop  }
0x5: {  	_ = 	snop  }
0x6: {  	_ = 	snop  }
0x7: {  	_ = 	snop  }
__scs_overlays_trampoline_lowered:
0x8: {  	[smem:$0x3FA6] =	sst s0  }
0x9: {  	[smem:$0x3FA7] =	sst s1  }
0xa: {  	[smem:$0x3FA8] =	sst s2  }
0xb: {  	[smem:$0x3FA9] =	sst s3  }
0xc: {  	[smem:$0x3FAA] =	sst s4  }
0xd: {  	[smem:$0x3FAB] =	sst s5  }
0xe: {  	[smem:$0x3FAC] =	sst s6  }
0xf: {  	[smem:$0x3FAD] =	sst s7  }
0x10: {  	[smem:$0x3FAE] =	sst s8  }
0x11: {  	[smem:$0x3FAF] =	sst s9;
	s0 =	simm.s32 @!p0 $0x0  }
0x12: {  	s1 =	sld [smem:$0x3F95];
	s0 =	simm.s32 @p0 $0x1  }
0x13: {  	[smem:$0x3FB0] =	sst s0;
	s0 =	simm.s32 @!p1 $0x0  }
0x14: {  	s2 =	sld [smem:$0x3F94];
	s0 =	simm.s32 @p1 $0x1  }
0x15: {  	[smem:$0x3FB1] =	sst s0;
	s0 =	simm.s32 @!p2 $0x0  }
0x16: {  	s3 =	sld [smem:$0x3FDB];
	s0 =	simm.s32 @p2 $0x1  }
0x17: {  	s4 =	simm.s32 $0x1BF5;
	[smem:$0x3FB3] =	sst s0  }
0x18: {  	s0 =	sld [smem:$0x3F96];
	_ =	swait.ge [sflag:s4], $0x0  }
0x19: {  	s7 =	sld [smem:$0x3F97]  }
0x1a: {  	s8 =	sadd.s32 $0xFFFFE003, lr  }
0x1b: {  	s9 =	sadd.s32 $0xFFFFFEF7, lr;
	s5 =	simm.s32 $0xFFFFFFFF;
	p2 =	slt.u32 s8, $0xFFFFF086  }
0x1c: {  	p1 =	slt.u32 s9, $0xF7A;
	s5 =	simm.s32 @!p2 $0x0  }
0x1d: {  	s5 =	simm.s32 @p1 $0x1;
	p0 =	seq.s32 s7, s2  }
0x1e: {  	s7 =	smul.u32 @!p0 $0xF7A, s2;
	p2 =	seq.s32 @!p0 s5, $0x0  }
0x1f: {  	s9 =	smul.u32 $0xF7A, s1;
	s8 =	simm.s32 @!p0 $0x1BF5;
	p2 =	por !p2, p0  }
0x20: {  	[sflag:s8] =	ssyncset.s32 @!p0 $0xFFFFF086;
	s6 =	sadd.s32 @!p0 s3, s7;
	s7 =	simm.s32 @!p0 $0x108  }
0x21: {  	s3 =	sadd.s32 s3, s9;
	s6 =	sadd.s32 @!p0 $0x88, s6;
	s7 =	simm.s32 @p2 $0x1082  }
0x22: {  	[simem:s7], [sflag:s8] =	dma.local @!p0 [hbm:s6], $0xF7A  }
0x23: {  	s9 =	sor.u32 $0xD0000000, s2;
	s6 =	simm.s32 $0x108;
	_ =	swait.ge @!p0 [sflag:s8], $0x0  }
0x24: {  	s3 =	sadd.s32 $0x88, s3;
	s6 =	simm.s32 @!p1 $0x1082;
	[sflag:s4] =	ssyncset.s32 $0xFFFFF086  }
0x25: {  	[simem:s6], [sflag:s4] =	dma.local [hbm:s3], $0xF7A  }
0x26: {  	[smem:$0x3F97] =	sst s1;
	(tag) =	ssettag s2;
	_ =	strace s9  }
0x27: {  	s1 =	sld [smem:$0x3FA7]  }
0x28: {  	s2 =	sld [smem:$0x3FA8]  }
0x29: {  	s4 =	sld [smem:$0x3FAA]  }
0x2a: {  	p0 =	seq.s32 s5, $0x0;
	s5 =	sld [smem:$0x3FAB]  }
0x2b: {  	s6 =	sld [smem:$0x3FAC]  }
0x2c: {  	s7 =	sld [smem:$0x3FAD]  }
0x2d: {  	s3 =	simm.s32 $0x108;
	s8 =	sld [smem:$0x3FAE]  }
0x2e: {  	s3 =	simm.s32 @!p0 $0x1082;
	s9 =	sld [smem:$0x3FAF]  }
0x2f: {  	lr =	sadd.s32 s0, s3;
	s0 =	sld [smem:$0x3FA6]  }
0x30: {  	s3 =	sld [smem:$0x3FA9]  }
0x31: {  	[smem:$0x3FB2] =	sst s10  }
0x32: {  	s10 =	sld [smem:$0x3FB0];
	_ =	sdelay $0x3  }
0x33: {  	p0 =	seq.s32 s10, $0x1;
	s10 =	sld [smem:$0x3FB2];
	_ =	sdelay $0x3  }
0x34: {  	[smem:$0x3FB2] =	sst s10  }
0x35: {  	s10 =	sld [smem:$0x3FB1];
	_ =	sdelay $0x3  }
0x36: {  	p1 =	seq.s32 s10, $0x1;
	s10 =	sld [smem:$0x3FB2];
	_ =	sdelay $0x3  }
0x37: {  	[smem:$0x3FB2] =	sst s10  }
0x38: {  	s10 =	sld [smem:$0x3FB3]  }
0x39: {  	_ = 	snop;
	(pc) =	sbr.ind lr, $3  }
0x3a: {  	_ = 	snop  }
0x3b: {  	_ = 	snop  }
0x3c: {  	p2 =	seq.s32 s10, $0x1;
	s10 =	sld [smem:$0x3FB2]  }
0x3d: {  	_ =	shalt  }
0x3e: {  	_ =	shalt  }
0x3f: {  	_ =	shalt  }
0x40: {  	_ =	shalt  }
0x41: {  	_ =	shalt  }
0x42: {  	_ =	shalt  }
0x43: {  	_ =	shalt  }
0x44: {  	_ =	shalt  }
0x45: {  	_ =	shalt  }
0x46: {  	_ =	shalt  }
0x47: {  	_ =	shalt  }
0x48: {  	_ =	shalt  }
0x49: {  	_ =	shalt  }
0x4a: {  	_ =	shalt  }
0x4b: {  	_ =	shalt  }
0x4c: {  	_ =	shalt  }
0x4d: {  	_ =	shalt  }
0x4e: {  	_ =	shalt  }
0x4f: {  	_ =	shalt  }
0x50: {  	_ =	shalt  }
0x51: {  	_ =	shalt  }
0x52: {  	_ =	shalt  }
0x53: {  	_ =	shalt  }
0x54: {  	_ =	shalt  }
0x55: {  	_ =	shalt  }
0x56: {  	_ =	shalt  }
0x57: {  	_ =	shalt  }
0x58: {  	_ =	shalt  }
0x59: {  	_ =	shalt  }
0x5a: {  	_ =	shalt  }
0x5b: {  	_ =	shalt  }
0x5c: {  	_ =	shalt  }
0x5d: {  	_ =	shalt  }
0x5e: {  	_ =	shalt  }
0x5f: {  	_ =	shalt  }
0x60: {  	_ =	shalt  }
0x61: {  	_ =	shalt  }
0x62: {  	_ =	shalt  }
0x63: {  	_ =	shalt  }
0x64: {  	_ =	shalt  }
0x65: {  	_ =	shalt  }
0x66: {  	_ =	shalt  }
0x67: {  	_ =	shalt  }
0x68: {  	_ =	shalt  }
0x69: {  	_ =	shalt  }
0x6a: {  	_ =	shalt  }
0x6b: {  	_ =	shalt  }
0x6c: {  	_ =	shalt  }
0x6d: {  	_ =	shalt  }
0x6e: {  	_ =	shalt  }
0x6f: {  	_ =	shalt  }
0x70: {  	_ =	shalt  }
0x71: {  	_ =	shalt  }
0x72: {  	_ =	shalt  }
0x73: {  	_ =	shalt  }
0x74: {  	_ =	shalt  }
0x75: {  	_ =	shalt  }
0x76: {  	_ =	shalt  }
0x77: {  	_ =	shalt  }
0x78: {  	_ =	shalt  }
0x79: {  	_ =	shalt  }
0x7a: {  	_ =	shalt  }
0x7b: {  	_ =	shalt  }
0x7c: {  	_ =	shalt  }
0x7d: {  	_ =	shalt  }
0x7e: {  	_ =	shalt  }
0x7f: {  	_ =	shalt  }
0x80: {  	_ =	shalt  }
0x81: {  	_ =	shalt  }
0x82: {  	_ =	shalt  }
0x83: {  	_ =	shalt  }
0x84: {  	_ =	shalt  }
0x85: {  	_ =	shalt  }
0x86: {  	_ =	shalt  }
0x87: {  	_ =	shalt  }
.Lfunc_end0:
.L_simem_size_0:
called_computation.3_lowered:
.L_overlay_start_0:
0x88: {  	s2 =	sld [smem:$0x3FD9]  }
0x89: {  	s3 =	sld [smem:$0x3FFE];
	_ =	sdelay $0x1  }
0x8a: {  	s1 =	srdreg.scid  }
0x8b: {  	s0 =	sand.u32 $0x1, s1  }
0x8c: {  	s16 =	sshll.u32 s0, $0xA;
	s2 =	sadd.s32 s3, s2  }
0x8d: {  	s2 =	sadd.s32 s2, s16  }
0x8e: {  	[smem:$0x3FBE] =	sst s2  }
0x8f: {  	_ = 	snop  }
0x90: {  	(tm) =	ssettm $0x1  }
0x91: {  	s17 =	sld [smem:$0x3FFB];
	_ =	sdelay $0x3  }
0x92: {  	_ =	strace s17  }
0x93: {  	s2 =	sld [smem:$0x3FFC];
	_ =	sdelay $0x3  }
0x94: {  	_ =	strace s2  }
0x95: {  	s2 =	sld [smem:$0x3FFD];
	_ =	sdelay $0x3  }
0x96: {  	_ =	strace s2  }
0x97: {  	_ =	strace $0x8FFFFFFF  }
0x98: {  	s18 =	sld [smem:$0x3FDB];
	_ =	sdelay $0x1  }
0x99: {  	s19 =	simm.s32 $_scs_section_size  }
0x9a: {  	s4 =	simm.s32 $_size__tile_overlayer_lowered;
	s5 =	simm.s32 $_tile_overlayer_lowered  }
0x9b: {  	s22 =	simm.s32 $0x1BFF;
	s21 =	sshll.u32 s5, $0x1;
	s2 =	sadd.s32 s19, s18  }
0x9c: {  	s6 =	simm.s32 $0x0;
	s20 =	sshll.u32 s4, $0x1;
	s4 =	sadd.s32 s21, s2  }
0x9d: {  	[timem:s6], [sflag:s22] =	dma.local [hbm:s4], s20  }
0x9e: {  	_ =	swait.ge [sflag:s22], s20  }
0x9f: {  	s3 =	ssub.s32 $0x0, s20;
	[sflag:s22] =	ssyncset.done $0x0  }
0xa0: {  	[sflag:s22] =	ssyncadd.s32 s3;
	_ =	sdelay $0x1  }
0xa1: {  	s23 =	simm.s32 $0x1B8B  }
0xa2: {  	_ =	swait.ge [sflag:s23], $0x1  }
0xa3: {  	[sflag:s23] =	ssyncset.done $0x0  }
0xa4: {  	s25 =	simm.s32 $0x1B8E;
	s24 =	sld [smem:$0x3FFE];
	[sflag:s23] =	ssyncadd.s32 $0xFFFFFFFF  }
0xa5: {  	s26 =	simm.s32 $execute0_lowered;
	[smem:$0x3FD2] =	sst s25  }
0xa6: {  	s4 =	sshll.u32 s26, $0x1;
	_ =	strace $0x8000004F;
	[dreg:$0x1] =	wrdreg $0xFFFFFFFF  }
0xa7: {  	s28 =	simm.s32 $_size_execute0_lowered;
	s2 =	sadd.s32 s2, s4;
	[dreg:$0x0] =	wrdreg $0x0  }
0xa8: {  	s4 =	sshll.u32 s28, $0x1;
	[dreg:$0x2] =	wrdreg s2  }
0xa9: {  	[dreg:$0x3] =	wrdreg s4  }
0xaa: {  	[dreg:$0x4] =	wrdreg $0xC0  }
0xab: {  	_ =	task [dreg:s6], $0x5FFFF  }
0xac: {  	[dreg:$0x1] =	wrdreg $0xFFFFFFFF  }
0xad: {  	[dreg:$0x0] =	wrdreg $0x60  }
0xae: {  	[dreg:$0x2] =	wrdreg s24  }
0xaf: {  	[dreg:$0x3] =	wrdreg $0xA0000  }
0xb0: {  	[dreg:$0x4] =	wrdreg $0x9  }
0xb1: {  	_ =	task.clear_ibuf [dreg:s6], $0x5FFFF;
	_ =	strace $0x9000004F  }
0xb2: {  	s29 =	simm.s32 $0x9;
	_ =	strace $0x80000051  }
0xb3: {  	_ =	swait.ge [sflag:s29], $0x1  }
0xb4: {  	[sflag:s29] =	ssyncadd.s32 $0xFFFFFFFF  }
0xb5: {  	_ =	strace $0x90000051  }
0xb6: {  	_ =	sfence  }
0xb7: {  	s30 =	sld [smem:$0x0];
	_ =	sdelay $0x2  }
0xb8: {  	s31 =	sshll.u32 s1, $0xD;
	s1 =	sshrl.u32 s1, $0x2  }
0xb9: {  	s3 =	sand.u32 $0x4000, s31;
	s1 =	sadd.s32 s1, s30  }
0xba: {  	s0 =	sor.u32 s3, s0;
	s1 =	sshll.u32 s1, $0x11  }
0xbb: {  	s0 =	sor.u32 s1, s0  }
0xbc: {  	s0 =	sadd.s32 $0x8F2B, s0  }
0xbd: {  	[sflag:s0] =	ssyncadd.remote.s32 $0x1  }
0xbe: {  	_ =	sfence.sel $0xFFFF  }
0xbf: {  	[dreg:$0x0] =	wrdreg $0xFFFFFFFF;
	(pc) =	sbr.abs _section_cstart, $3  }
0xc0: {  	[dreg:$0x1] =	wrdreg $0xFFFFFFFF  }
0xc1: {  	_ =	task.clear_ibuf [dreg:s6], $0x2FFFF;
	_ =	strace $0x9FFFFFFF  }
0xc2: {  	(tm) =	ssettm $0x7FFFFFFF  }
0xc3: {  	_ =	shalt  }
tec
execute0_lowered:
.L_overlay_start_1:
0x0: {  	(tag) =	ssettag $0x1  }
0x1: {  	s0 =	rddreg [dreg:$0x0]  }
0x2: {  	s1 =	rddreg [dreg:$0x1];
	s2 =	srdreg.scid  }
0x3: {  	s3 =	simm.s32 $0x0;
	s13 =	stileid.u32;
	s16 =	simm.s32 $0x5  }
0x4: {  	s17 =	simm.s32 $0x1000;
	s18 =	simm.s32 $0x80;
	s19 =	simm.s32 $0x2000  }
0x5: {  	s20 =	simm.s32 $0x6000;
	s21 =	simm.s32 $0x1;
	s22 =	simm.s32 $0x2  }
0x6: {  	s28 =	simm.s32 $0x780;
	s29 =	simm.s32 $0x1F00;
	s30 =	simm.s32 $0x1F80  }
0x7: {  	s31 =	simm.s32 $0x0;
	s2 =	sand.u32 $0x1, s2;
	[smem:$0x7FF] =	sst s3  }
0x8: {  	s6 =	smul.u32 $0x13C00, s13;
	s4 =	sadd.s32 $0xE600, s0;
	s11 =	sadd.s32 $0x3E00, s0  }
0x9: {  	s12 =	sadd.s32 $0x9200, s0;
	s9 =	smul.u32 $0x4F000, s13;
	s25 =	sshll.u32 s13, $0x6  }
0xa: {  	s26 =	sshll.u32 s13, $0xA;
	s13 =	sshll.u32 s13, $0x8;
	s5 =	smul.u32 $0x13C000, s2  }
0xb: {  	_ =	strace $0x80000050;
	s23 =	ssub.s32 $0x2, s2;
	s10 =	sor.u32 $0x200, s26  }
0xc: {  	s13 =	sor.u32 $0x4000, s13;
	p0 =	seq.s32 s2, $0x0;
	s8 =	sshrl.u32 s23, $0x1  }
0xd: {  	s24 =	sshrl.u32 s9, $0x2;
	s9 =	sadd.s32 s11, s10;
	s10 =	sadd.s32 s12, s10  }
0xe: {  	s5 =	sadd.s32 s6, s5;
	s14 =	ssub.s32 s23, s8;
	s15 =	sadd.s32 s24, s1  }
.Ltmp0:
0xf: {  	s6 =	sor.u32 $0x1C05, s25;
	s8 =	sadd.s32 s12, s26;
	(pc) =	sbr.rel .LBB2_1-.Ltmp0, $4  }
0x10: {  	s12 =	sadd.s32 s12, s13;
	s24 =	simm.s32 $0x3;
	s25 =	simm.s32 $0x700  }
0x11: {  	s7 =	sshrl.u32 s5, $0x3;
	s5 =	sadd.s32 $0x5CA00, s0;
	s14 =	smax.u32 s14, $0x1  }
0x12: {  	s15 =	sshrl.u32 s15, $0x3;
	s0 =	sadd.s32 s7, s0;
	s7 =	sadd.s32 s11, s26  }
0x13: {  	s11 =	sadd.s32 s11, s13;
	s26 =	simm.s32 $0x4;
	s13 =	sadd.s32 $0x5F200, s0  }
.LBB2_7:
0x14: {  	[tilespmem:s3], [sflag:$0x5] =	stream.linear.gather [hbm4b:s11+s3], $0x1000, $0x38;
	[tilespmem:$0x1DC00] =	vst v63  }
0x15: {  	_ =	swait.ge [sflag:s16], $0x1000  }
0x16: {  	[sflag:s16] =	ssyncset.done $0x0  }
0x17: {  	[sflag:s16] =	ssyncadd.s32 $0xFFFFF000  }
0x18: {  	[tilespmem:s17], [sflag:$0x5] =	stream.linear.gather [hbm4b:s12+s3], $0x1000, $0x38;
	[tilespmem:$0x1DC00] =	vst v63  }
0x19: {  	_ =	swait.ge [sflag:s16], $0x1000  }
0x1a: {  	[sflag:s16] =	ssyncset.done $0x0  }
0x1b: {  	[sflag:s16] =	ssyncadd.s32 $0xFFFFF000  }
0x1c: {  	[tilespmem:s19], [sflag:$0x1] =	stream.indirect.gather [hbm4b:s4+s18], $0x80, s3, s18, $0xb8;
	[tilespmem:$0x1DC00] =	vst v63  }
0x1d: {  	_ = 	snop  }
0x1e: {  	[tilespmem:s20], [sflag:$0x2] =	stream.indirect.gather [hbm4b:s4+s18], $0x80, s18, s18, $0xb8;
	[tilespmem:$0x1DC00] =	vst v63  }
0x1f: {  	[bflag:$0x0] =	sbarrier.arrive $0xFFFF  }
0x20: {  	_ =	swait.ge [sflag:s21], $0x4000  }
0x21: {  	[sflag:s21] =	ssyncset.done $0x0  }
0x22: {  	[sflag:s21] =	ssyncadd.s32 $0xFFFFC000  }
0x23: {  	[spmem:s1] =	stream.indirect.scatter.add.f32 [tilespmem:s19], [sflag:$0x3], $0x80, s17, s18, $0xb8;
	[tilespmem:$0x1DC00] =	vst v63  }
0x24: {  	_ =	swait.ge [sflag:s22], $0x4000  }
0x25: {  	[sflag:s22] =	ssyncset.done $0x0  }
0x26: {  	s0 =	simm.s32 $0x1080;
	[sflag:s22] =	ssyncadd.s32 $0xFFFFC000  }
0x27: {  	[spmem:s1] =	stream.indirect.scatter.add.f32 [tilespmem:s20], [sflag:$0x4], $0x80, s0, s18, $0xb8;
	[tilespmem:$0x1DC00] =	vst v63  }
0x28: {  	_ =	swait.ge [sflag:s24], $0x4000  }
0x29: {  	[sflag:s24] =	ssyncset.done $0x0  }
0x2a: {  	s2 =	simm.s32 $0x100;
	[sflag:s24] =	ssyncadd.s32 $0xFFFFC000  }
0x2b: {  	[tilespmem:s19], [sflag:$0x1] =	stream.indirect.gather [hbm4b:s4+s18], $0x80, s2, s18, $0xb8;
	[tilespmem:$0x1DC00] =	vst v63  }
0x2c: {  	_ =	swait.ge [sflag:s26], $0x4000  }
0x2d: {  	[sflag:s26] =	ssyncset.done $0x0  }
0x2e: {  	s23 =	simm.s32 $0x180;
	[sflag:s26] =	ssyncadd.s32 $0xFFFFC000  }
0x2f: {  	[tilespmem:s20], [sflag:$0x2] =	stream.indirect.gather [hbm4b:s4+s18], $0x80, s23, s18, $0xb8;
	[tilespmem:$0x1DC00] =	vst v63  }
0x30: {  	_ =	swait.ge [sflag:s21], $0x4000  }
0x31: {  	[sflag:s21] =	ssyncset.done $0x0  }
0x32: {  	s2 =	simm.s32 $0x1100;
	[sflag:s21] =	ssyncadd.s32 $0xFFFFC000  }
0x33: {  	[spmem:s1] =	stream.indirect.scatter.add.f32 [tilespmem:s19], [sflag:$0x3], $0x80, s2, s18, $0xb8;
	[tilespmem:$0x1DC00] =	vst v63  }
0x34: {  	_ =	swait.ge [sflag:s22], $0x4000  }
0x35: {  	[sflag:s22] =	ssyncset.done $0x0  }
0x36: {  	s23 =	simm.s32 $0x1180;
	[sflag:s22] =	ssyncadd.s32 $0xFFFFC000  }
0x37: {  	[spmem:s1] =	stream.indirect.scatter.add.f32 [tilespmem:s20], [sflag:$0x4], $0x80, s23, s18, $0xb8;
	[tilespmem:$0x1DC00] =	vst v63  }
0x38: {  	_ =	swait.ge [sflag:s24], $0x4000  }
0x39: {  	[sflag:s24] =	ssyncset.done $0x0  }
0x3a: {  	s2 =	simm.s32 $0x200;
	[sflag:s24] =	ssyncadd.s32 $0xFFFFC000  }
0x3b: {  	[tilespmem:s19], [sflag:$0x1] =	stream.indirect.gather [hbm4b:s4+s18], $0x80, s2, s18, $0xb8;
	[tilespmem:$0x1DC00] =	vst v63  }
0x3c: {  	_ =	swait.ge [sflag:s26], $0x4000  }
0x3d: {  	[sflag:s26] =	ssyncset.done $0x0  }
0x3e: {  	s23 =	simm.s32 $0x280;
	[sflag:s26] =	ssyncadd.s32 $0xFFFFC000  }
0x3f: {  	[tilespmem:s20], [sflag:$0x2] =	stream.indirect.gather [hbm4b:s4+s18], $0x80, s23, s18, $0xb8;
	[tilespmem:$0x1DC00] =	vst v63  }
0x40: {  	_ =	swait.ge [sflag:s21], $0x4000  }
0x41: {  	[sflag:s21] =	ssyncset.done $0x0  }
0x42: {  	s2 =	simm.s32 $0x1200;
	[sflag:s21] =	ssyncadd.s32 $0xFFFFC000  }
0x43: {  	[spmem:s1] =	stream.indirect.scatter.add.f32 [tilespmem:s19], [sflag:$0x3], $0x80, s2, s18, $0xb8;
	[tilespmem:$0x1DC00] =	vst v63  }
0x44: {  	_ =	swait.ge [sflag:s22], $0x4000  }
0x45: {  	[sflag:s22] =	ssyncset.done $0x0  }
0x46: {  	s23 =	simm.s32 $0x1280;
	[sflag:s22] =	ssyncadd.s32 $0xFFFFC000  }
0x47: {  	[spmem:s1] =	stream.indirect.scatter.add.f32 [tilespmem:s20], [sflag:$0x4], $0x80, s23, s18, $0xb8;
	[tilespmem:$0x1DC00] =	vst v63  }
0x48: {  	_ =	swait.ge [sflag:s24], $0x4000  }
0x49: {  	[sflag:s24] =	ssyncset.done $0x0  }
0x4a: {  	s2 =	simm.s32 $0x300;
	[sflag:s24] =	ssyncadd.s32 $0xFFFFC000  }
0x4b: {  	[tilespmem:s19], [sflag:$0x1] =	stream.indirect.gather [hbm4b:s4+s18], $0x80, s2, s18, $0xb8;
	[tilespmem:$0x1DC00] =	vst v63  }
0x4c: {  	_ =	swait.ge [sflag:s26], $0x4000  }
0x4d: {  	[sflag:s26] =	ssyncset.done $0x0  }
0x4e: {  	s23 =	simm.s32 $0x380;
	[sflag:s26] =	ssyncadd.s32 $0xFFFFC000  }
0x4f: {  	[tilespmem:s20], [sflag:$0x2] =	stream.indirect.gather [hbm4b:s4+s18], $0x80, s23, s18, $0xb8;
	[tilespmem:$0x1DC00] =	vst v63  }
0x50: {  	_ =	swait.ge [sflag:s21], $0x4000  }
0x51: {  	[sflag:s21] =	ssyncset.done $0x0  }
0x52: {  	s2 =	simm.s32 $0x1300;
	[sflag:s21] =	ssyncadd.s32 $0xFFFFC000  }
0x53: {  	[spmem:s1] =	stream.indirect.scatter.add.f32 [tilespmem:s19], [sflag:$0x3], $0x80, s2, s18, $0xb8;
	[tilespmem:$0x1DC00] =	vst v63  }
0x54: {  	_ =	swait.ge [sflag:s22], $0x4000  }
0x55: {  	[sflag:s22] =	ssyncset.done $0x0  }
0x56: {  	s23 =	simm.s32 $0x1380;
	[sflag:s22] =	ssyncadd.s32 $0xFFFFC000  }
0x57: {  	[spmem:s1] =	stream.indirect.scatter.add.f32 [tilespmem:s20], [sflag:$0x4], $0x80, s23, s18, $0xb8;
	[tilespmem:$0x1DC00] =	vst v63  }
0x58: {  	_ =	swait.ge [sflag:s24], $0x4000  }
0x59: {  	[sflag:s24] =	ssyncset.done $0x0  }
0x5a: {  	s2 =	simm.s32 $0x400;
	[sflag:s24] =	ssyncadd.s32 $0xFFFFC000  }
0x5b: {  	[tilespmem:s19], [sflag:$0x1] =	stream.indirect.gather [hbm4b:s4+s18], $0x80, s2, s18, $0xb8;
	[tilespmem:$0x1DC00] =	vst v63  }
0x5c: {  	_ =	swait.ge [sflag:s26], $0x4000  }
0x5d: {  	[sflag:s26] =	ssyncset.done $0x0  }
0x5e: {  	s23 =	simm.s32 $0x480;
	[sflag:s26] =	ssyncadd.s32 $0xFFFFC000  }
0x5f: {  	[tilespmem:s20], [sflag:$0x2] =	stream.indirect.gather [hbm4b:s4+s18], $0x80, s23, s18, $0xb8;
	[tilespmem:$0x1DC00] =	vst v63  }
0x60: {  	_ =	swait.ge [sflag:s21], $0x4000  }
0x61: {  	[sflag:s21] =	ssyncset.done $0x0  }
0x62: {  	s2 =	simm.s32 $0x1400;
	[sflag:s21] =	ssyncadd.s32 $0xFFFFC000  }
0x63: {  	[spmem:s1] =	stream.indirect.scatter.add.f32 [tilespmem:s19], [sflag:$0x3], $0x80, s2, s18, $0xb8;
	[tilespmem:$0x1DC00] =	vst v63  }
0x64: {  	_ =	swait.ge [sflag:s22], $0x4000  }
0x65: {  	[sflag:s22] =	ssyncset.done $0x0  }
0x66: {  	s23 =	simm.s32 $0x1480;
	[sflag:s22] =	ssyncadd.s32 $0xFFFFC000  }
0x67: {  	[spmem:s1] =	stream.indirect.scatter.add.f32 [tilespmem:s20], [sflag:$0x4], $0x80, s23, s18, $0xb8;
	[tilespmem:$0x1DC00] =	vst v63  }
0x68: {  	_ =	swait.ge [sflag:s24], $0x4000  }
0x69: {  	[sflag:s24] =	ssyncset.done $0x0  }
0x6a: {  	s2 =	simm.s32 $0x500;
	[sflag:s24] =	ssyncadd.s32 $0xFFFFC000  }
0x6b: {  	[tilespmem:s19], [sflag:$0x1] =	stream.indirect.gather [hbm4b:s4+s18], $0x80, s2, s18, $0xb8;
	[tilespmem:$0x1DC00] =	vst v63  }
0x6c: {  	_ =	swait.ge [sflag:s26], $0x4000  }
0x6d: {  	[sflag:s26] =	ssyncset.done $0x0  }
0x6e: {  	s23 =	simm.s32 $0x580;
	[sflag:s26] =	ssyncadd.s32 $0xFFFFC000  }
0x6f: {  	[tilespmem:s20], [sflag:$0x2] =	stream.indirect.gather [hbm4b:s4+s18], $0x80, s23, s18, $0xb8;
	[tilespmem:$0x1DC00] =	vst v63  }
0x70: {  	_ =	swait.ge [sflag:s21], $0x4000  }
0x71: {  	[sflag:s21] =	ssyncset.done $0x0  }
0x72: {  	s2 =	simm.s32 $0x1500;
	[sflag:s21] =	ssyncadd.s32 $0xFFFFC000  }
0x73: {  	[spmem:s1] =	stream.indirect.scatter.add.f32 [tilespmem:s19], [sflag:$0x3], $0x80, s2, s18, $0xb8;
	[tilespmem:$0x1DC00] =	vst v63  }
0x74: {  	_ =	swait.ge [sflag:s22], $0x4000  }
0x75: {  	[sflag:s22] =	ssyncset.done $0x0  }
0x76: {  	s23 =	simm.s32 $0x1580;
	[sflag:s22] =	ssyncadd.s32 $0xFFFFC000  }
0x77: {  	[spmem:s1] =	stream.indirect.scatter.add.f32 [tilespmem:s20], [sflag:$0x4], $0x80, s23, s18, $0xb8;
	[tilespmem:$0x1DC00] =	vst v63  }
0x78: {  	_ =	swait.ge [sflag:s24], $0x4000  }
0x79: {  	[sflag:s24] =	ssyncset.done $0x0  }
0x7a: {  	s2 =	simm.s32 $0x600;
	[sflag:s24] =	ssyncadd.s32 $0xFFFFC000  }
0x7b: {  	[tilespmem:s19], [sflag:$0x1] =	stream.indirect.gather [hbm4b:s4+s18], $0x80, s2, s18, $0xb8;
	[tilespmem:$0x1DC00] =	vst v63  }
0x7c: {  	_ =	swait.ge [sflag:s26], $0x4000  }
0x7d: {  	[sflag:s26] =	ssyncset.done $0x0  }
0x7e: {  	s23 =	simm.s32 $0x680;
	[sflag:s26] =	ssyncadd.s32 $0xFFFFC000  }
0x7f: {  	[tilespmem:s20], [sflag:$0x2] =	stream.indirect.gather [hbm4b:s4+s18], $0x80, s23, s18, $0xb8;
	[tilespmem:$0x1DC00] =	vst v63  }
0x80: {  	_ =	swait.ge [sflag:s21], $0x4000  }
0x81: {  	[sflag:s21] =	ssyncset.done $0x0  }
0x82: {  	s2 =	simm.s32 $0x1600;
	[sflag:s21] =	ssyncadd.s32 $0xFFFFC000  }
0x83: {  	[spmem:s1] =	stream.indirect.scatter.add.f32 [tilespmem:s19], [sflag:$0x3], $0x80, s2, s18, $0xb8;
	[tilespmem:$0x1DC00] =	vst v63  }
0x84: {  	_ =	swait.ge [sflag:s22], $0x4000  }
0x85: {  	[sflag:s22] =	ssyncset.done $0x0  }
0x86: {  	s23 =	simm.s32 $0x1680;
	[sflag:s22] =	ssyncadd.s32 $0xFFFFC000  }
0x87: {  	[spmem:s1] =	stream.indirect.scatter.add.f32 [tilespmem:s20], [sflag:$0x4], $0x80, s23, s18, $0xb8;
	[tilespmem:$0x1DC00] =	vst v63  }
0x88: {  	_ =	swait.ge [sflag:s24], $0x4000  }
0x89: {  	[sflag:s24] =	ssyncset.done $0x0  }
0x8a: {  	[sflag:s24] =	ssyncadd.s32 $0xFFFFC000  }
0x8b: {  	[tilespmem:s19], [sflag:$0x1] =	stream.indirect.gather [hbm4b:s4+s18], $0x80, s25, s18, $0xb8;
	[tilespmem:$0x1DC00] =	vst v63  }
0x8c: {  	_ =	swait.ge [sflag:s26], $0x4000  }
0x8d: {  	[sflag:s26] =	ssyncset.done $0x0  }
0x8e: {  	s0 =	simm.s32 $0x1780;
	s2 =	simm.s32 $0x1700;
	[sflag:s26] =	ssyncadd.s32 $0xFFFFC000  }
0x8f: {  	[tilespmem:s20], [sflag:$0x2] =	stream.indirect.gather [hbm4b:s4+s18], $0x80, s28, s18, $0xb8;
	[tilespmem:$0x1DC00] =	vst v63  }
.LBB2_8:
0x90: {  	_ =	swait.ge [sflag:s21], $0x4000  }
0x91: {  	[sflag:s21] =	ssyncset.done $0x0  }
0x92: {  	[sflag:s21] =	ssyncadd.s32 $0xFFFFC000  }
0x93: {  	[spmem:s1] =	stream.indirect.scatter.add.f32 [tilespmem:s19], [sflag:$0x3], $0x80, s2, s18, $0xb8;
	[tilespmem:$0x1DC00] =	vst v63  }
0x94: {  	_ =	swait.ge [sflag:s22], $0x4000  }
0x95: {  	[sflag:s22] =	ssyncset.done $0x0  }
0x96: {  	[sflag:s22] =	ssyncadd.s32 $0xFFFFC000  }
0x97: {  	[spmem:s1] =	stream.indirect.scatter.add.f32 [tilespmem:s20], [sflag:$0x4], $0x80, s0, s18, $0xb8;
	[tilespmem:$0x1DC00] =	vst v63  }
0x98: {  	_ =	swait.ge [sflag:s24], $0x4000  }
0x99: {  	[sflag:s24] =	ssyncset.done $0x0  }
0x9a: {  	[sflag:s24] =	ssyncadd.s32 $0xFFFFC000  }
0x9b: {  	_ =	swait.ge [sflag:s26], $0x4000  }
0x9c: {  	s31 =	sadd.s32 $0x1, s31;
	[sflag:s26] =	ssyncset.done $0x0  }
0x9d: {  	p1 =	sne.s32 s31, s14;
	[sflag:s26] =	ssyncadd.s32 $0xFFFFC000  }
.Ltmp1:
0x9e: {  	[bflag:$0x0] =	sbarrier.arrive $0xFFFF;
	(pc) =	sbr.rel @!p1 .LBB2_9-.Ltmp1, $4  }
0x9f: {  	[hbm:s13], [sflag:s6] =	dma.local [spmem:s15], $0x2780  }
0xa0: {  	_ =	swait.ge [sflag:s16], $0x2780  }
0xa1: {  	[sflag:s16] =	ssyncset.done $0x0  }
0xa2: {  	[sflag:s16] =	ssyncadd.s32 $0xFFFFD880  }
.LBB2_1:
.Ltmp2:
0xa3: {  	(pc) =	sbr.rel @p0 .LBB2_7-.Ltmp2, $4  }
0xa4: {  	[spmem:s15], [sflag:s6] =	dma.local [hbm:s5], $0x2780  }
0xa5: {  	_ =	swait.ge [sflag:s16], $0x2780  }
0xa6: {  	[sflag:s16] =	ssyncset.done $0x0  }
0xa7: {  	[sflag:s16] =	ssyncadd.s32 $0xFFFFD880  }
0xa8: {  	s0 =	simm.s32 $0x0  }
0xa9: {  	[tilespmem:s0], [sflag:$0x5] =	stream.linear.gather [hbm4b:s7+s0], $0x1000, $0x38;
	[tilespmem:$0x1DC00] =	vst v63  }
0xaa: {  	_ =	swait.ge [sflag:s16], $0x1000  }
0xab: {  	[sflag:s16] =	ssyncset.done $0x0  }
0xac: {  	[sflag:s16] =	ssyncadd.s32 $0xFFFFF000  }
0xad: {  	[tilespmem:s17], [sflag:$0x5] =	stream.linear.gather [hbm4b:s8+s0], $0x1000, $0x38;
	[tilespmem:$0x1DC00] =	vst v63  }
0xae: {  	_ =	swait.ge [sflag:s16], $0x1000  }
0xaf: {  	[sflag:s16] =	ssyncset.done $0x0  }
0xb0: {  	[sflag:s16] =	ssyncadd.s32 $0xFFFFF000  }
0xb1: {  	[tilespmem:s19], [sflag:$0x1] =	stream.indirect.gather [hbm4b:s4+s18], $0x80, s0, s18, $0xb8;
	[tilespmem:$0x1DC00] =	vst v63  }
0xb2: {  	_ = 	snop  }
0xb3: {  	[tilespmem:s20], [sflag:$0x2] =	stream.indirect.gather [hbm4b:s4+s18], $0x80, s18, s18, $0xb8;
	[tilespmem:$0x1DC00] =	vst v63  }
0xb4: {  	[bflag:$0x0] =	sbarrier.arrive $0xFFFF  }
0xb5: {  	_ =	swait.ge [sflag:s21], $0x4000  }
0xb6: {  	[sflag:s21] =	ssyncset.done $0x0  }
0xb7: {  	s23 =	simm.s32 $0x1000;
	[sflag:s21] =	ssyncadd.s32 $0xFFFFC000  }
0xb8: {  	[spmem:s1] =	stream.indirect.scatter.add.f32 [tilespmem:s19], [sflag:$0x3], $0x80, s23, s18, $0xb8;
	[tilespmem:$0x1DC00] =	vst v63  }
0xb9: {  	_ =	swait.ge [sflag:s22], $0x4000  }
0xba: {  	[sflag:s22] =	ssyncset.done $0x0  }
0xbb: {  	s2 =	simm.s32 $0x1080;
	[sflag:s22] =	ssyncadd.s32 $0xFFFFC000  }
0xbc: {  	[spmem:s1] =	stream.indirect.scatter.add.f32 [tilespmem:s20], [sflag:$0x4], $0x80, s2, s18, $0xb8;
	[tilespmem:$0x1DC00] =	vst v63  }
0xbd: {  	_ =	swait.ge [sflag:s24], $0x4000  }
0xbe: {  	[sflag:s24] =	ssyncset.done $0x0  }
0xbf: {  	s23 =	simm.s32 $0x100;
	[sflag:s24] =	ssyncadd.s32 $0xFFFFC000  }
0xc0: {  	[tilespmem:s19], [sflag:$0x1] =	stream.indirect.gather [hbm4b:s4+s18], $0x80, s23, s18, $0xb8;
	[tilespmem:$0x1DC00] =	vst v63  }
0xc1: {  	_ =	swait.ge [sflag:s26], $0x4000  }
0xc2: {  	[sflag:s26] =	ssyncset.done $0x0  }
0xc3: {  	s0 =	simm.s32 $0x400;
	s2 =	simm.s32 $0x180;
	[sflag:s26] =	ssyncadd.s32 $0xFFFFC000  }
.LBB2_3:
0xc4: {  	[tilespmem:s20], [sflag:$0x2] =	stream.indirect.gather [hbm4b:s4+s18], $0x80, s2, s18, $0xb8;
	[tilespmem:$0x1DC00] =	vst v63  }
0xc5: {  	s2 =	smov.u32 s0  }
0xc6: {  	p1 =	sne.s32 s0, $0x3800;
	s0 =	sadd.s32 $0x400, s0;
	_ =	swait.ge [sflag:s21], $0x4000  }
0xc7: {  	s2 =	sshra.s32 s2, $0x2;
	[sflag:s21] =	ssyncset.done $0x0  }
0xc8: {  	s23 =	sadd.s32 $0x1000, s2;
	[sflag:s21] =	ssyncadd.s32 $0xFFFFC000  }
0xc9: {  	[spmem:s1] =	stream.indirect.scatter.add.f32 [tilespmem:s19], [sflag:$0x3], $0x80, s23, s18, $0xb8;
	[tilespmem:$0x1DC00] =	vst v63  }
0xca: {  	_ =	swait.ge [sflag:s22], $0x4000  }
0xcb: {  	[sflag:s22] =	ssyncset.done $0x0  }
0xcc: {  	s23 =	sadd.s32 $0x1080, s2;
	[sflag:s22] =	ssyncadd.s32 $0xFFFFC000  }
0xcd: {  	[spmem:s1] =	stream.indirect.scatter.add.f32 [tilespmem:s20], [sflag:$0x4], $0x80, s23, s18, $0xb8;
	[tilespmem:$0x1DC00] =	vst v63  }
0xce: {  	_ =	swait.ge [sflag:s24], $0x4000  }
0xcf: {  	[sflag:s24] =	ssyncset.done $0x0  }
.Ltmp3:
0xd0: {  	s23 =	sadd.s32 $0x100, s2;
	[sflag:s24] =	ssyncadd.s32 $0xFFFFC000;
	(pc) =	sbr.rel @p1 .LBB2_3-.Ltmp3, $4  }
0xd1: {  	[tilespmem:s19], [sflag:$0x1] =	stream.indirect.gather [hbm4b:s4+s18], $0x80, s23, s18, $0xb8;
	[tilespmem:$0x1DC00] =	vst v63  }
0xd2: {  	_ =	swait.ge [sflag:s26], $0x4000  }
0xd3: {  	[sflag:s26] =	ssyncset.done $0x0  }
0xd4: {  	s2 =	sadd.s32 $0x180, s2;
	[sflag:s26] =	ssyncadd.s32 $0xFFFFC000  }
0xd5: {  	[tilespmem:s20], [sflag:$0x2] =	stream.indirect.gather [hbm4b:s4+s18], $0x80, s2, s18, $0xb8;
	[tilespmem:$0x1DC00] =	vst v63  }
0xd6: {  	_ =	swait.ge [sflag:s21], $0x4000  }
0xd7: {  	[sflag:s21] =	ssyncset.done $0x0  }
0xd8: {  	[sflag:s21] =	ssyncadd.s32 $0xFFFFC000  }
0xd9: {  	[spmem:s1] =	stream.indirect.scatter.add.f32 [tilespmem:s19], [sflag:$0x3], $0x80, s29, s18, $0xb8;
	[tilespmem:$0x1DC00] =	vst v63  }
0xda: {  	_ =	swait.ge [sflag:s22], $0x4000  }
0xdb: {  	[sflag:s22] =	ssyncset.done $0x0  }
0xdc: {  	[sflag:s22] =	ssyncadd.s32 $0xFFFFC000  }
0xdd: {  	[spmem:s1] =	stream.indirect.scatter.add.f32 [tilespmem:s20], [sflag:$0x4], $0x80, s30, s18, $0xb8;
	[tilespmem:$0x1DC00] =	vst v63  }
0xde: {  	_ =	swait.ge [sflag:s24], $0x4000  }
0xdf: {  	[sflag:s24] =	ssyncset.done $0x0  }
0xe0: {  	[sflag:s24] =	ssyncadd.s32 $0xFFFFC000  }
0xe1: {  	_ =	swait.ge [sflag:s26], $0x4000  }
0xe2: {  	[sflag:s26] =	ssyncset.done $0x0  }
0xe3: {  	s0 =	simm.s32 $0x0;
	[sflag:s26] =	ssyncadd.s32 $0xFFFFC000  }
0xe4: {  	[tilespmem:s0], [sflag:$0x5] =	stream.linear.gather [hbm4b:s9+s0], $0x1000, $0x38;
	[tilespmem:$0x1DC00] =	vst v63  }
0xe5: {  	_ =	swait.ge [sflag:s16], $0x1000  }
0xe6: {  	[sflag:s16] =	ssyncset.done $0x0  }
0xe7: {  	[sflag:s16] =	ssyncadd.s32 $0xFFFFF000  }
0xe8: {  	[tilespmem:s17], [sflag:$0x5] =	stream.linear.gather [hbm4b:s10+s0], $0x1000, $0x38;
	[tilespmem:$0x1DC00] =	vst v63  }
0xe9: {  	_ =	swait.ge [sflag:s16], $0x1000  }
0xea: {  	[sflag:s16] =	ssyncset.done $0x0  }
0xeb: {  	[sflag:s16] =	ssyncadd.s32 $0xFFFFF000  }
0xec: {  	[tilespmem:s19], [sflag:$0x1] =	stream.indirect.gather [hbm4b:s4+s18], $0x80, s0, s18, $0xb8;
	[tilespmem:$0x1DC00] =	vst v63  }
0xed: {  	_ = 	snop  }
0xee: {  	[tilespmem:s20], [sflag:$0x2] =	stream.indirect.gather [hbm4b:s4+s18], $0x80, s18, s18, $0xb8;
	[tilespmem:$0x1DC00] =	vst v63  }
0xef: {  	_ =	swait.ge [sflag:s21], $0x4000  }
0xf0: {  	[sflag:s21] =	ssyncset.done $0x0  }
0xf1: {  	s23 =	simm.s32 $0x1000;
	[sflag:s21] =	ssyncadd.s32 $0xFFFFC000  }
0xf2: {  	[spmem:s1] =	stream.indirect.scatter.add.f32 [tilespmem:s19], [sflag:$0x3], $0x80, s23, s18, $0xb8;
	[tilespmem:$0x1DC00] =	vst v63  }
0xf3: {  	_ =	swait.ge [sflag:s22], $0x4000  }
0xf4: {  	[sflag:s22] =	ssyncset.done $0x0  }
0xf5: {  	s2 =	simm.s32 $0x1080;
	[sflag:s22] =	ssyncadd.s32 $0xFFFFC000  }
0xf6: {  	[spmem:s1] =	stream.indirect.scatter.add.f32 [tilespmem:s20], [sflag:$0x4], $0x80, s2, s18, $0xb8;
	[tilespmem:$0x1DC00] =	vst v63  }
0xf7: {  	_ =	swait.ge [sflag:s24], $0x4000  }
0xf8: {  	p1 =	por $0x0, $0x0;
	[sflag:s24] =	ssyncset.done $0x0  }
.Ltmp4:
0xf9: {  	s23 =	simm.s32 $0x100;
	[sflag:s24] =	ssyncadd.s32 $0xFFFFC000;
	(pc) =	sbr.rel @p1 .LBB2_6-.Ltmp4, $4  }
0xfa: {  	[tilespmem:s19], [sflag:$0x1] =	stream.indirect.gather [hbm4b:s4+s18], $0x80, s23, s18, $0xb8;
	[tilespmem:$0x1DC00] =	vst v63  }
0xfb: {  	_ =	swait.ge [sflag:s26], $0x4000  }
0xfc: {  	[sflag:s26] =	ssyncset.done $0x0  }
0xfd: {  	s0 =	simm.s32 $0x400;
	s2 =	simm.s32 $0x180;
	[sflag:s26] =	ssyncadd.s32 $0xFFFFC000  }
.LBB2_5:
0xfe: {  	[tilespmem:s20], [sflag:$0x2] =	stream.indirect.gather [hbm4b:s4+s18], $0x80, s2, s18, $0xb8;
	[tilespmem:$0x1DC00] =	vst v63  }
0xff: {  	s2 =	smov.u32 s0  }
0x100: {  	p1 =	seq.s32 s0, $0x3800;
	s0 =	sadd.s32 $0x400, s0;
	_ =	swait.ge [sflag:s21], $0x4000  }
0x101: {  	s2 =	sshra.s32 s2, $0x2;
	[sflag:s21] =	ssyncset.done $0x0  }
0x102: {  	s23 =	sadd.s32 $0x1000, s2;
	[sflag:s21] =	ssyncadd.s32 $0xFFFFC000  }
0x103: {  	[spmem:s1] =	stream.indirect.scatter.add.f32 [tilespmem:s19], [sflag:$0x3], $0x80, s23, s18, $0xb8;
	[tilespmem:$0x1DC00] =	vst v63  }
0x104: {  	_ =	swait.ge [sflag:s22], $0x4000  }
0x105: {  	[sflag:s22] =	ssyncset.done $0x0  }
0x106: {  	s23 =	sadd.s32 $0x1080, s2;
	[sflag:s22] =	ssyncadd.s32 $0xFFFFC000  }
0x107: {  	[spmem:s1] =	stream.indirect.scatter.add.f32 [tilespmem:s20], [sflag:$0x4], $0x80, s23, s18, $0xb8;
	[tilespmem:$0x1DC00] =	vst v63  }
0x108: {  	_ =	swait.ge [sflag:s24], $0x4000  }
0x109: {  	[sflag:s24] =	ssyncset.done $0x0  }
.Ltmp5:
0x10a: {  	s23 =	sadd.s32 $0x100, s2;
	[sflag:s24] =	ssyncadd.s32 $0xFFFFC000;
	(pc) =	sbr.rel @!p1 .LBB2_5-.Ltmp5, $4  }
0x10b: {  	[tilespmem:s19], [sflag:$0x1] =	stream.indirect.gather [hbm4b:s4+s18], $0x80, s23, s18, $0xb8;
	[tilespmem:$0x1DC00] =	vst v63  }
0x10c: {  	_ =	swait.ge [sflag:s26], $0x4000  }
0x10d: {  	[sflag:s26] =	ssyncset.done $0x0  }
0x10e: {  	s2 =	sadd.s32 $0x180, s2;
	[sflag:s26] =	ssyncadd.s32 $0xFFFFC000  }
.LBB2_6:
.Ltmp6:
0x10f: {  	(pc) =	sbr.rel .LBB2_8-.Ltmp6, $3  }
0x110: {  	_ =	sdelay $0x1  }
0x111: {  	[tilespmem:s20], [sflag:$0x2] =	stream.indirect.gather [hbm4b:s4+s18], $0x80, s2, s18, $0xb8;
	[tilespmem:$0x1DC00] =	vst v63  }
0x112: {  	s0 =	simm.s32 $0x1F80;
	s2 =	simm.s32 $0x1F00  }
.LBB2_9:
0x113: {  	_ =	sfence.sel $0x180000  }
0x114: {  	[bflag:$0x0] =	sbarrier.arrive $0xFFFF  }
0x115: {  	_ =	strace $0x90000050  }
0x116: {  	s0 =	stileid.u32;
	[bflag:$0x2] =	sbarrier.arrive $0xFFFF  }
0x117: {  	p0 =	sne.s32 s0, $0x0;
	s0 =	rddreg [dreg:$0x2]  }
0x118: {  	s0 =	sadd.s32 @!p0 $0x100000, s0  }
0x119: {  	[sflag:s0] =	ssyncadd.tile.s32 @!p0 $0x1;
	_ =	shalt  }
.Lfunc_end2:
_tile_overlayer_lowered:
.L_overlay_start_2:
0x11a: {  	(tag) =	ssettag $0x2  }
0x11b: {  	s0 =	rddreg [dreg:$0x0];
	s2 =	stileid.u32  }
0x11c: {  	s1 =	rddreg [dreg:$0x1];
	p0 =	sne.s32 s2, $0x0  }
0x11d: {  	s3 =	rddreg [dreg:$0x2];
	[bflag:$0x3] =	sbarrier.arrive $0xFFFF;
	s2 =	simm.s32 @!p0 $0x1C05  }
0x11e: {  	[timem:s3], [sflag:s2] =	dma.local @!p0 [hbm:s0], s1  }
0x11f: {  	s0 =	simm.s32 @!p0 $0x5  }
0x120: {  	_ =	swait.ge @!p0 [sflag:s0], s1  }
0x121: {  	s1 =	ssub.s32 @!p0 $0x0, s1;
	[sflag:s0] =	ssyncset.done @!p0 $0x0  }
0x122: {  	[sflag:s0] =	ssyncadd.s32 @!p0 s1  }
0x123: {  	[bflag:$0x3] =	sbarrier.arrive $0xFFFF  }
0x124: {  	_ =	shalt  }

// kernel: kernel.9.cloned.1.call-start
scs
__scs_entry_jumppad:
0x0: {  	(pc) =	sbr.rel $0x88, $3  }
0x1: {  	(tag) =	ssettag $0x0;
	lr =	simm.s32 $0x1  }
0x2: {  	[smem:$0x3F97] =	sst lr;
	_ =	strace $0xD0000000  }
0x3: {  	_ = 	snop  }
0x4: {  	_ = 	snop  }
0x5: {  	_ = 	snop  }
0x6: {  	_ = 	snop  }
0x7: {  	_ = 	snop  }
__scs_overlays_trampoline_lowered:
0x8: {  	[smem:$0x3FA6] =	sst s0  }
0x9: {  	[smem:$0x3FA7] =	sst s1  }
0xa: {  	[smem:$0x3FA8] =	sst s2  }
0xb: {  	[smem:$0x3FA9] =	sst s3  }
0xc: {  	[smem:$0x3FAA] =	sst s4  }
0xd: {  	[smem:$0x3FAB] =	sst s5  }
0xe: {  	[smem:$0x3FAC] =	sst s6  }
0xf: {  	[smem:$0x3FAD] =	sst s7  }
0x10: {  	[smem:$0x3FAE] =	sst s8  }
0x11: {  	[smem:$0x3FAF] =	sst s9;
	s0 =	simm.s32 @!p0 $0x0  }
0x12: {  	s1 =	sld [smem:$0x3F95];
	s0 =	simm.s32 @p0 $0x1  }
0x13: {  	[smem:$0x3FB0] =	sst s0;
	s0 =	simm.s32 @!p1 $0x0  }
0x14: {  	s2 =	sld [smem:$0x3F94];
	s0 =	simm.s32 @p1 $0x1  }
0x15: {  	[smem:$0x3FB1] =	sst s0;
	s0 =	simm.s32 @!p2 $0x0  }
0x16: {  	s3 =	sld [smem:$0x3FDB];
	s0 =	simm.s32 @p2 $0x1  }
0x17: {  	s4 =	simm.s32 $0x1BF5;
	[smem:$0x3FB3] =	sst s0  }
0x18: {  	s0 =	sld [smem:$0x3F96];
	_ =	swait.ge [sflag:s4], $0x0  }
0x19: {  	s7 =	sld [smem:$0x3F97]  }
0x1a: {  	s8 =	sadd.s32 $0xFFFFE003, lr  }
0x1b: {  	s9 =	sadd.s32 $0xFFFFFEF7, lr;
	s5 =	simm.s32 $0xFFFFFFFF;
	p2 =	slt.u32 s8, $0xFFFFF086  }
0x1c: {  	p1 =	slt.u32 s9, $0xF7A;
	s5 =	simm.s32 @!p2 $0x0  }
0x1d: {  	s5 =	simm.s32 @p1 $0x1;
	p0 =	seq.s32 s7, s2  }
0x1e: {  	s7 =	smul.u32 @!p0 $0xF7A, s2;
	p2 =	seq.s32 @!p0 s5, $0x0  }
0x1f: {  	s9 =	smul.u32 $0xF7A, s1;
	s8 =	simm.s32 @!p0 $0x1BF5;
	p2 =	por !p2, p0  }
0x20: {  	[sflag:s8] =	ssyncset.s32 @!p0 $0xFFFFF086;
	s6 =	sadd.s32 @!p0 s3, s7;
	s7 =	simm.s32 @!p0 $0x108  }
0x21: {  	s3 =	sadd.s32 s3, s9;
	s6 =	sadd.s32 @!p0 $0x88, s6;
	s7 =	simm.s32 @p2 $0x1082  }
0x22: {  	[simem:s7], [sflag:s8] =	dma.local @!p0 [hbm:s6], $0xF7A  }
0x23: {  	s9 =	sor.u32 $0xD0000000, s2;
	s6 =	simm.s32 $0x108;
	_ =	swait.ge @!p0 [sflag:s8], $0x0  }
0x24: {  	s3 =	sadd.s32 $0x88, s3;
	s6 =	simm.s32 @!p1 $0x1082;
	[sflag:s4] =	ssyncset.s32 $0xFFFFF086  }
0x25: {  	[simem:s6], [sflag:s4] =	dma.local [hbm:s3], $0xF7A  }
0x26: {  	[smem:$0x3F97] =	sst s1;
	(tag) =	ssettag s2;
	_ =	strace s9  }
0x27: {  	s1 =	sld [smem:$0x3FA7]  }
0x28: {  	s2 =	sld [smem:$0x3FA8]  }
0x29: {  	s4 =	sld [smem:$0x3FAA]  }
0x2a: {  	p0 =	seq.s32 s5, $0x0;
	s5 =	sld [smem:$0x3FAB]  }
0x2b: {  	s6 =	sld [smem:$0x3FAC]  }
0x2c: {  	s7 =	sld [smem:$0x3FAD]  }
0x2d: {  	s3 =	simm.s32 $0x108;
	s8 =	sld [smem:$0x3FAE]  }
0x2e: {  	s3 =	simm.s32 @!p0 $0x1082;
	s9 =	sld [smem:$0x3FAF]  }
0x2f: {  	lr =	sadd.s32 s0, s3;
	s0 =	sld [smem:$0x3FA6]  }
0x30: {  	s3 =	sld [smem:$0x3FA9]  }
0x31: {  	[smem:$0x3FB2] =	sst s10  }
0x32: {  	s10 =	sld [smem:$0x3FB0];
	_ =	sdelay $0x3  }
0x33: {  	p0 =	seq.s32 s10, $0x1;
	s10 =	sld [smem:$0x3FB2];
	_ =	sdelay $0x3  }
0x34: {  	[smem:$0x3FB2] =	sst s10  }
0x35: {  	s10 =	sld [smem:$0x3FB1];
	_ =	sdelay $0x3  }
0x36: {  	p1 =	seq.s32 s10, $0x1;
	s10 =	sld [smem:$0x3FB2];
	_ =	sdelay $0x3  }
0x37: {  	[smem:$0x3FB2] =	sst s10  }
0x38: {  	s10 =	sld [smem:$0x3FB3]  }
0x39: {  	_ = 	snop;
	(pc) =	sbr.ind lr, $3  }
0x3a: {  	_ = 	snop  }
0x3b: {  	_ = 	snop  }
0x3c: {  	p2 =	seq.s32 s10, $0x1;
	s10 =	sld [smem:$0x3FB2]  }
0x3d: {  	_ =	shalt  }
0x3e: {  	_ =	shalt  }
0x3f: {  	_ =	shalt  }
0x40: {  	_ =	shalt  }
0x41: {  	_ =	shalt  }
0x42: {  	_ =	shalt  }
0x43: {  	_ =	shalt  }
0x44: {  	_ =	shalt  }
0x45: {  	_ =	shalt  }
0x46: {  	_ =	shalt  }
0x47: {  	_ =	shalt  }
0x48: {  	_ =	shalt  }
0x49: {  	_ =	shalt  }
0x4a: {  	_ =	shalt  }
0x4b: {  	_ =	shalt  }
0x4c: {  	_ =	shalt  }
0x4d: {  	_ =	shalt  }
0x4e: {  	_ =	shalt  }
0x4f: {  	_ =	shalt  }
0x50: {  	_ =	shalt  }
0x51: {  	_ =	shalt  }
0x52: {  	_ =	shalt  }
0x53: {  	_ =	shalt  }
0x54: {  	_ =	shalt  }
0x55: {  	_ =	shalt  }
0x56: {  	_ =	shalt  }
0x57: {  	_ =	shalt  }
0x58: {  	_ =	shalt  }
0x59: {  	_ =	shalt  }
0x5a: {  	_ =	shalt  }
0x5b: {  	_ =	shalt  }
0x5c: {  	_ =	shalt  }
0x5d: {  	_ =	shalt  }
0x5e: {  	_ =	shalt  }
0x5f: {  	_ =	shalt  }
0x60: {  	_ =	shalt  }
0x61: {  	_ =	shalt  }
0x62: {  	_ =	shalt  }
0x63: {  	_ =	shalt  }
0x64: {  	_ =	shalt  }
0x65: {  	_ =	shalt  }
0x66: {  	_ =	shalt  }
0x67: {  	_ =	shalt  }
0x68: {  	_ =	shalt  }
0x69: {  	_ =	shalt  }
0x6a: {  	_ =	shalt  }
0x6b: {  	_ =	shalt  }
0x6c: {  	_ =	shalt  }
0x6d: {  	_ =	shalt  }
0x6e: {  	_ =	shalt  }
0x6f: {  	_ =	shalt  }
0x70: {  	_ =	shalt  }
0x71: {  	_ =	shalt  }
0x72: {  	_ =	shalt  }
0x73: {  	_ =	shalt  }
0x74: {  	_ =	shalt  }
0x75: {  	_ =	shalt  }
0x76: {  	_ =	shalt  }
0x77: {  	_ =	shalt  }
0x78: {  	_ =	shalt  }
0x79: {  	_ =	shalt  }
0x7a: {  	_ =	shalt  }
0x7b: {  	_ =	shalt  }
0x7c: {  	_ =	shalt  }
0x7d: {  	_ =	shalt  }
0x7e: {  	_ =	shalt  }
0x7f: {  	_ =	shalt  }
0x80: {  	_ =	shalt  }
0x81: {  	_ =	shalt  }
0x82: {  	_ =	shalt  }
0x83: {  	_ =	shalt  }
0x84: {  	_ =	shalt  }
0x85: {  	_ =	shalt  }
0x86: {  	_ =	shalt  }
0x87: {  	_ =	shalt  }
.Lfunc_end0:
.L_simem_size_0:
called_computation_lowered:
.L_overlay_start_0:
0x88: {  	s2 =	sld [smem:$0x3FD9]  }
0x89: {  	s3 =	sld [smem:$0x3FFE];
	_ =	sdelay $0x1  }
0x8a: {  	s1 =	srdreg.scid  }
0x8b: {  	s0 =	sand.u32 $0x1, s1  }
0x8c: {  	s17 =	sshll.u32 s0, $0xA;
	s2 =	sadd.s32 s3, s2  }
0x8d: {  	s2 =	sadd.s32 s2, s17  }
0x8e: {  	[smem:$0x3FBE] =	sst s2  }
0x8f: {  	_ = 	snop  }
0x90: {  	s18 =	sld [smem:$0x3FC6];
	(tm) =	ssettm $0x1  }
0x91: {  	s19 =	sld [smem:$0x3FFB];
	_ =	sdelay $0x3  }
0x92: {  	_ =	strace s19  }
0x93: {  	s2 =	sld [smem:$0x3FFC];
	_ =	sdelay $0x3  }
0x94: {  	_ =	strace s2  }
0x95: {  	s2 =	sld [smem:$0x3FFD];
	_ =	sdelay $0x3  }
0x96: {  	_ =	strace s2  }
0x97: {  	_ =	strace $0x8FFFFFFF  }
0x98: {  	s20 =	sld [smem:$0x3FDB];
	_ =	sdelay $0x1  }
0x99: {  	s4 =	simm.s32 $_scs_section_size  }
0x9a: {  	s5 =	simm.s32 $_size__tile_overlayer_lowered;
	s6 =	simm.s32 $_tile_overlayer_lowered  }
0x9b: {  	s7 =	simm.s32 $0x1BFF;
	s21 =	sshll.u32 s6, $0x1;
	s4 =	sadd.s32 s4, s20  }
0x9c: {  	s22 =	simm.s32 $0x0;
	s5 =	sshll.u32 s5, $0x1;
	s6 =	sadd.s32 s21, s4  }
0x9d: {  	[timem:s22], [sflag:s7] =	dma.local [hbm:s6], s5  }
0x9e: {  	_ =	swait.ge [sflag:s7], s5  }
0x9f: {  	s5 =	ssub.s32 $0x0, s5;
	[sflag:s7] =	ssyncset.done $0x0  }
0xa0: {  	[sflag:s7] =	ssyncadd.s32 s5;
	_ =	sdelay $0x1  }
0xa1: {  	s23 =	simm.s32 $0x1B8B  }
0xa2: {  	_ =	swait.ge [sflag:s23], $0x1  }
0xa3: {  	[sflag:s23] =	ssyncset.done $0x0  }
0xa4: {  	[sflag:s23] =	ssyncadd.s32 $0xFFFFFFFF  }
0xa5: {  	s5 =	sld [smem:$0x0]  }
0xa6: {  	s6 =	sand.u32 $0xFFFFFFFE, s1  }
0xa7: {  	p0 =	sne.s32 s1, s6  }
0xa8: {  	s6 =	sshll.u32 @p0 s6, $0xE  }
0xa9: {  	s6 =	sadd.s32 @p0 $0x11B8D, s6;
	s7 =	sshll.u32 @p0 s5, $0x11  }
0xaa: {  	s6 =	sor.u32 @p0 s7, s6  }
0xab: {  	[sflag:s6] =	ssyncadd.remote.s32 @p0 $0x1;
	_ =	sdelay $0x1  }
0xac: {  	s6 =	simm.s32 @p0 $0x1B8D  }
0xad: {  	_ =	swait.eq @p0 [sflag:s6], $0x1  }
0xae: {  	[sflag:s6] =	ssyncadd.s32 @p0 $0xFFFFFFFF  }
0xaf: {  	s7 =	sshll.u32 @!p0 s1, $0xE  }
0xb0: {  	s7 =	sor.u32 @!p0 $0x4000, s7;
	s6 =	simm.s32 @!p0 $0x1B8D  }
0xb1: {  	s5 =	sshll.u32 @!p0 s5, $0x11;
	s7 =	sadd.s32 @!p0 $0x11B8D, s7;
	_ =	swait.eq @!p0 [sflag:s6], $0x1  }
0xb2: {  	s5 =	sor.u32 @!p0 s5, s7;
	[sflag:s6] =	ssyncadd.s32 @!p0 $0xFFFFFFFF  }
0xb3: {  	s25 =	simm.s32 $0x1B8E;
	s24 =	sld [smem:$0x3FFE];
	[sflag:s5] =	ssyncadd.remote.s32 @!p0 $0x1  }
0xb4: {  	s26 =	simm.s32 $execute0_lowered;
	[smem:$0x3FD2] =	sst s25  }
0xb5: {  	s6 =	sshll.u32 s26, $0x1;
	_ =	strace $0x80000049;
	[dreg:$0x1] =	wrdreg $0xFFFFFFFF  }
0xb6: {  	s28 =	simm.s32 $_size_execute0_lowered;
	s4 =	sadd.s32 s4, s6;
	[dreg:$0x0] =	wrdreg $0x0  }
0xb7: {  	s6 =	sshll.u32 s28, $0x1;
	[dreg:$0x2] =	wrdreg s4  }
0xb8: {  	[dreg:$0x3] =	wrdreg s6  }
0xb9: {  	[dreg:$0x4] =	wrdreg $0xC0  }
0xba: {  	_ =	task [dreg:s22], $0x5FFFF  }
0xbb: {  	[dreg:$0x1] =	wrdreg $0xFFFFFFFF  }
0xbc: {  	[dreg:$0x0] =	wrdreg $0x60  }
0xbd: {  	[dreg:$0x2] =	wrdreg s18  }
0xbe: {  	[dreg:$0x3] =	wrdreg s24  }
0xbf: {  	[dreg:$0x4] =	wrdreg $0x9  }
0xc0: {  	_ =	task.clear_ibuf [dreg:s22], $0x5FFFF;
	_ =	strace $0x90000049  }
0xc1: {  	s29 =	simm.s32 $0x9;
	_ =	strace $0x8000004B  }
0xc2: {  	_ =	swait.ge [sflag:s29], $0x1  }
0xc3: {  	[sflag:s29] =	ssyncadd.s32 $0xFFFFFFFF  }
0xc4: {  	_ =	strace $0x9000004B  }
0xc5: {  	_ =	sfence  }
0xc6: {  	s30 =	sld [smem:$0x0];
	_ =	sdelay $0x2  }
0xc7: {  	s31 =	sshll.u32 s1, $0xD;
	s1 =	sshrl.u32 s1, $0x2  }
0xc8: {  	s4 =	sand.u32 $0x4000, s31;
	s1 =	sadd.s32 s1, s30  }
0xc9: {  	s0 =	sor.u32 s4, s0;
	s1 =	sshll.u32 s1, $0x11  }
0xca: {  	s0 =	sor.u32 s1, s0  }
0xcb: {  	s0 =	sadd.s32 $0x8F2B, s0  }
0xcc: {  	[sflag:s0] =	ssyncadd.remote.s32 $0x1  }
0xcd: {  	_ =	sfence.sel $0xFFFF  }
0xce: {  	[dreg:$0x0] =	wrdreg $0xFFFFFFFF;
	(pc) =	sbr.abs _section_cstart, $3  }
0xcf: {  	[dreg:$0x1] =	wrdreg $0xFFFFFFFF  }
0xd0: {  	_ =	task.clear_ibuf [dreg:s22], $0x2FFFF;
	_ =	strace $0x9FFFFFFF  }
0xd1: {  	(tm) =	ssettm $0x7FFFFFFF  }
tec
execute0_lowered:
.L_overlay_start_1:
0x0: {  	(tag) =	ssettag $0x1  }
0x1: {  	s2 =	rddreg [dreg:$0x0]  }
0x2: {  	s4 =	rddreg [dreg:$0x1]  }
0x3: {  	s0 =	rddreg [dreg:$0x2];
	s5 =	srdreg.scid  }
0x4: {  	s1 =	stileid.u32;
	s3 =	simm.s32 $0x0;
	s14 =	simm.s32 $0x5  }
0x5: {  	s15 =	simm.s32 $0x400;
	s16 =	simm.s32 $0xC00;
	s17 =	simm.s32 $0x1400  }
0x6: {  	s18 =	simm.s32 $0x1C00;
	s19 =	simm.s32 $0x2400;
	s20 =	simm.s32 $0x2C00  }
0x7: {  	s21 =	simm.s32 $0x3400;
	s22 =	simm.s32 $0x3C00;
	s23 =	simm.s32 $0x4400  }
0x8: {  	s24 =	simm.s32 $0x4C00;
	s25 =	simm.s32 $0x1;
	s26 =	simm.s32 $0x3  }
0x9: {  	s28 =	simm.s32 $0x2;
	s5 =	sand.u32 $0x1, s5;
	s6 =	sshll.u32 s1, $0x1  }
0xa: {  	s29 =	simm.s32 $0x4;
	[smem:$0x7FF] =	sst s3;
	s6 =	sor.u32 s5, s6  }
0xb: {  	s9 =	sadd.s32 $0x61600, s4;
	s5 =	ssub.s32 $0x2, s5;
	s8 =	smul.u32 $0x14000, s6  }
0xc: {  	s7 =	sshll.u32 s6, $0x7;
	s6 =	smul.u32 $0x2800, s6;
	s31 =	sshrl.u32 s5, $0x1  }
0xd: {  	_ =	strace $0x8000004A;
	s7 =	sadd.s32 s7, s4;
	s13 =	ssub.s32 s5, s31  }
0xe: {  	s8 =	sshrl.u32 s8, $0x3;
	s4 =	sadd.s32 s9, s6;
	s5 =	sadd.s32 $0x60600, s7  }
0xf: {  	v2 =	vlaneseq.u32;
	s13 =	smax.u32 s13, $0x1;
	s12 =	sadd.s32 s9, s8;
	s6 =	sadd.s32 $0x500, s4  }
0x10: {  	vm0 =	vmmov $0xffff;
	v1 =	vshrl.u32 v2, $0x3;
	s7 =	sadd.s32 $0xA00, s12;
	s8 =	sadd.s32 $0xF00, s12;
	s9 =	sadd.s32 $0x1400, s12  }
0x11: {  	v0 =	vand.u32 $0x7, v2;
	v2 =	vor.u32 $0x8, v2;
	v1 =	vmul.u32 $0x8, v1;
	s10 =	sadd.s32 $0x1900, s12;
	s11 =	sadd.s32 $0x1E00, s12;
	s12 =	sadd.s32 $0x2300, s12  }
.LBB2_1:
0x12: {  	[tilespmem:s3], [sflag:$0x5] =	stream.linear.gather [hbm4b:s5+s3], $0x400, $0x38;
	[tilespmem:$0x5400] =	vst v63  }
0x13: {  	_ =	swait.ge [sflag:s14], $0x400  }
0x14: {  	[sflag:s14] =	ssyncset.done $0x0  }
0x15: {  	[sflag:s14] =	ssyncadd.s32 $0xFFFFFC00  }
0x16: {  	v3 =	vld [tilespmem:$0x0];
	_ =	sdelay $0x4  }
0x17: {  	v4 =	vshll.u32 v3, $0x1  }
0x18: {  	v3 =	vand.u32 $0x7, v3;
	v4 =	vand.u32 $0xFFFFFFF0, v4  }
0x19: {  	v3 =	vor.u32 v3, v4  }
0x1a: {  	v4 =	vperm.xlane v3, v0;
	_ =	sdelay $0x1  }
0x1b: {  	v3 =	vperm.xlane v3, v2;
	v4 =	vadd.s32 v1, v4;
	_ =	sdelay $0x1  }
0x1c: {  	v3 =	vadd.s32 v1, v3;
	_ =	sdelay $0x2  }
0x1d: {  	[tilespmem:s15], [sflag:$0x1] =	stream.indirect_vreg.gather [hbm4b:s2+s3], $0x80, v4, vm0, $0xb8;
	[tilespmem:$0x5400] =	vst v63  }
0x1e: {  	_ = 	snop  }
0x1f: {  	[tilespmem:s16], [sflag:$0x1] =	stream.indirect_vreg.gather [hbm4b:s2+s3], $0x80, v3, vm0, $0xb8;
	[tilespmem:$0x5400] =	vst v63  }
0x20: {  	v3 =	vld [tilespmem:$0x10];
	_ =	sdelay $0x4  }
0x21: {  	v41 =	vshll.u32 v3, $0x1  }
0x22: {  	v3 =	vand.u32 $0x7, v3;
	v4 =	vand.u32 $0xFFFFFFF0, v41  }
0x23: {  	v3 =	vor.u32 v3, v4  }
0x24: {  	v4 =	vperm.xlane v3, v0;
	_ =	sdelay $0x1  }
0x25: {  	v3 =	vperm.xlane v3, v2;
	v4 =	vadd.s32 v1, v4;
	_ =	sdelay $0x1  }
0x26: {  	v3 =	vadd.s32 v1, v3;
	_ =	sdelay $0x2  }
0x27: {  	[tilespmem:s17], [sflag:$0x1] =	stream.indirect_vreg.gather [hbm4b:s2+s3], $0x80, v4, vm0, $0xb8;
	[tilespmem:$0x5400] =	vst v63  }
0x28: {  	_ = 	snop  }
0x29: {  	[tilespmem:s18], [sflag:$0x1] =	stream.indirect_vreg.gather [hbm4b:s2+s3], $0x80, v3, vm0, $0xb8;
	[tilespmem:$0x5400] =	vst v63  }
0x2a: {  	v3 =	vld.msk [tilespmem:$0x20], $0xff;
	_ =	sdelay $0x4  }
0x2b: {  	v42 =	vshll.u32 v3, $0x1  }
0x2c: {  	v3 =	vand.u32 $0x7, v3;
	v4 =	vand.u32 $0xFFFFFFF0, v42  }
0x2d: {  	v3 =	vor.u32 v3, v4  }
0x2e: {  	v3 =	vperm.xlane v3, v0;
	_ =	sdelay $0x1  }
0x2f: {  	v3 =	vadd.s32 v1, v3;
	_ =	sdelay $0x4  }
0x30: {  	[tilespmem:s19], [sflag:$0x1] =	stream.indirect_vreg.gather [hbm4b:s2+s3], $0x80, v3, vm0, $0xb8;
	[tilespmem:$0x5400] =	vst v63  }
0x31: {  	v3 =	vld [tilespmem:$0x80];
	_ =	sdelay $0x4  }
0x32: {  	v43 =	vshll.u32 v3, $0x1  }
0x33: {  	v3 =	vand.u32 $0x7, v3;
	v4 =	vand.u32 $0xFFFFFFF0, v43  }
0x34: {  	v3 =	vor.u32 v3, v4  }
0x35: {  	v4 =	vperm.xlane v3, v0;
	_ =	sdelay $0x1  }
0x36: {  	v3 =	vperm.xlane v3, v2;
	v4 =	vadd.s32 v1, v4;
	_ =	sdelay $0x1  }
0x37: {  	v3 =	vadd.s32 v1, v3;
	_ =	sdelay $0x2  }
0x38: {  	[tilespmem:s20], [sflag:$0x2] =	stream.indirect_vreg.gather [hbm4b:s2+s3], $0x80, v4, vm0, $0xb8;
	[tilespmem:$0x5400] =	vst v63  }
0x39: {  	_ = 	snop  }
0x3a: {  	[tilespmem:s21], [sflag:$0x2] =	stream.indirect_vreg.gather [hbm4b:s2+s3], $0x80, v3, vm0, $0xb8;
	[tilespmem:$0x5400] =	vst v63  }
0x3b: {  	v3 =	vld [tilespmem:$0x90];
	_ =	sdelay $0x4  }
0x3c: {  	v44 =	vshll.u32 v3, $0x1  }
0x3d: {  	v3 =	vand.u32 $0x7, v3;
	v4 =	vand.u32 $0xFFFFFFF0, v44  }
0x3e: {  	v3 =	vor.u32 v3, v4  }
0x3f: {  	v4 =	vperm.xlane v3, v0;
	_ =	sdelay $0x1  }
0x40: {  	v3 =	vperm.xlane v3, v2;
	v4 =	vadd.s32 v1, v4;
	_ =	sdelay $0x1  }
0x41: {  	v3 =	vadd.s32 v1, v3;
	_ =	sdelay $0x2  }
0x42: {  	[tilespmem:s22], [sflag:$0x2] =	stream.indirect_vreg.gather [hbm4b:s2+s3], $0x80, v4, vm0, $0xb8;
	[tilespmem:$0x5400] =	vst v63  }
0x43: {  	_ = 	snop  }
0x44: {  	[tilespmem:s23], [sflag:$0x2] =	stream.indirect_vreg.gather [hbm4b:s2+s3], $0x80, v3, vm0, $0xb8;
	[tilespmem:$0x5400] =	vst v63  }
0x45: {  	v3 =	vld.msk [tilespmem:$0xA0], $0xff;
	_ =	sdelay $0x4  }
0x46: {  	v45 =	vshll.u32 v3, $0x1  }
0x47: {  	v3 =	vand.u32 $0x7, v3;
	v4 =	vand.u32 $0xFFFFFFF0, v45  }
0x48: {  	v3 =	vor.u32 v3, v4  }
0x49: {  	v3 =	vperm.xlane v3, v0;
	_ =	sdelay $0x1  }
0x4a: {  	v3 =	vadd.s32 v1, v3;
	_ =	sdelay $0x4  }
0x4b: {  	[tilespmem:s24], [sflag:$0x2] =	stream.indirect_vreg.gather [hbm4b:s2+s3], $0x80, v3, vm0, $0xb8;
	[tilespmem:$0x5400] =	vst v63  }
0x4c: {  	_ =	swait.ge [sflag:s25], $0x2800  }
0x4d: {  	[sflag:s25] =	ssyncset.done $0x0  }
0x4e: {  	[sflag:s25] =	ssyncadd.s32 $0xFFFFD800  }
0x4f: {  	[hbm4b:s4+s3] =	stream.linear.scatter [tilespmem:s15], [sflag:$0x3], $0x2800, $0x38;
	[tilespmem:$0x5400] =	vst v63  }
0x50: {  	_ =	swait.ge [sflag:s26], $0x2800  }
0x51: {  	[sflag:s26] =	ssyncset.done $0x0  }
0x52: {  	[sflag:s26] =	ssyncadd.s32 $0xFFFFD800  }
0x53: {  	v3 =	vld [tilespmem:$0x100];
	_ =	sdelay $0x4  }
0x54: {  	v46 =	vshll.u32 v3, $0x1  }
0x55: {  	v3 =	vand.u32 $0x7, v3;
	v4 =	vand.u32 $0xFFFFFFF0, v46  }
0x56: {  	v3 =	vor.u32 v3, v4  }
0x57: {  	v4 =	vperm.xlane v3, v0;
	_ =	sdelay $0x1  }
0x58: {  	v3 =	vperm.xlane v3, v2;
	v4 =	vadd.s32 v1, v4;
	_ =	sdelay $0x1  }
0x59: {  	v3 =	vadd.s32 v1, v3;
	_ =	sdelay $0x2  }
0x5a: {  	[tilespmem:s15], [sflag:$0x1] =	stream.indirect_vreg.gather [hbm4b:s2+s3], $0x80, v4, vm0, $0xb8;
	[tilespmem:$0x5400] =	vst v63  }
0x5b: {  	_ = 	snop  }
0x5c: {  	[tilespmem:s16], [sflag:$0x1] =	stream.indirect_vreg.gather [hbm4b:s2+s3], $0x80, v3, vm0, $0xb8;
	[tilespmem:$0x5400] =	vst v63  }
0x5d: {  	v3 =	vld [tilespmem:$0x110];
	_ =	sdelay $0x4  }
0x5e: {  	v47 =	vshll.u32 v3, $0x1  }
0x5f: {  	v3 =	vand.u32 $0x7, v3;
	v4 =	vand.u32 $0xFFFFFFF0, v47  }
0x60: {  	v3 =	vor.u32 v3, v4  }
0x61: {  	v4 =	vperm.xlane v3, v0;
	_ =	sdelay $0x1  }
0x62: {  	v3 =	vperm.xlane v3, v2;
	v4 =	vadd.s32 v1, v4;
	_ =	sdelay $0x1  }
0x63: {  	v3 =	vadd.s32 v1, v3;
	_ =	sdelay $0x2  }
0x64: {  	[tilespmem:s17], [sflag:$0x1] =	stream.indirect_vreg.gather [hbm4b:s2+s3], $0x80, v4, vm0, $0xb8;
	[tilespmem:$0x5400] =	vst v63  }
0x65: {  	_ = 	snop  }
0x66: {  	[tilespmem:s18], [sflag:$0x1] =	stream.indirect_vreg.gather [hbm4b:s2+s3], $0x80, v3, vm0, $0xb8;
	[tilespmem:$0x5400] =	vst v63  }
0x67: {  	v3 =	vld.msk [tilespmem:$0x120], $0xff;
	_ =	sdelay $0x4  }
0x68: {  	v48 =	vshll.u32 v3, $0x1  }
0x69: {  	v3 =	vand.u32 $0x7, v3;
	v4 =	vand.u32 $0xFFFFFFF0, v48  }
0x6a: {  	v3 =	vor.u32 v3, v4  }
0x6b: {  	v3 =	vperm.xlane v3, v0;
	_ =	sdelay $0x1  }
0x6c: {  	v3 =	vadd.s32 v1, v3;
	_ =	sdelay $0x4  }
0x6d: {  	[tilespmem:s19], [sflag:$0x1] =	stream.indirect_vreg.gather [hbm4b:s2+s3], $0x80, v3, vm0, $0xb8;
	[tilespmem:$0x5400] =	vst v63  }
0x6e: {  	_ =	swait.ge [sflag:s28], $0x2800  }
0x6f: {  	[sflag:s28] =	ssyncset.done $0x0  }
0x70: {  	[sflag:s28] =	ssyncadd.s32 $0xFFFFD800  }
0x71: {  	[hbm4b:s6+s3] =	stream.linear.scatter [tilespmem:s20], [sflag:$0x4], $0x2800, $0x38;
	[tilespmem:$0x5400] =	vst v63  }
0x72: {  	_ =	swait.ge [sflag:s29], $0x2800  }
0x73: {  	[sflag:s29] =	ssyncset.done $0x0  }
0x74: {  	[sflag:s29] =	ssyncadd.s32 $0xFFFFD800  }
0x75: {  	v3 =	vld [tilespmem:$0x180];
	_ =	sdelay $0x4  }
0x76: {  	v49 =	vshll.u32 v3, $0x1  }
0x77: {  	v3 =	vand.u32 $0x7, v3;
	v4 =	vand.u32 $0xFFFFFFF0, v49  }
0x78: {  	v3 =	vor.u32 v3, v4  }
0x79: {  	v4 =	vperm.xlane v3, v0;
	_ =	sdelay $0x1  }
0x7a: {  	v3 =	vperm.xlane v3, v2;
	v4 =	vadd.s32 v1, v4;
	_ =	sdelay $0x1  }
0x7b: {  	v3 =	vadd.s32 v1, v3;
	_ =	sdelay $0x2  }
0x7c: {  	[tilespmem:s20], [sflag:$0x2] =	stream.indirect_vreg.gather [hbm4b:s2+s3], $0x80, v4, vm0, $0xb8;
	[tilespmem:$0x5400] =	vst v63  }
0x7d: {  	_ = 	snop  }
0x7e: {  	[tilespmem:s21], [sflag:$0x2] =	stream.indirect_vreg.gather [hbm4b:s2+s3], $0x80, v3, vm0, $0xb8;
	[tilespmem:$0x5400] =	vst v63  }
0x7f: {  	v3 =	vld [tilespmem:$0x190];
	_ =	sdelay $0x4  }
0x80: {  	v50 =	vshll.u32 v3, $0x1  }
0x81: {  	v3 =	vand.u32 $0x7, v3;
	v4 =	vand.u32 $0xFFFFFFF0, v50  }
0x82: {  	v3 =	vor.u32 v3, v4  }
0x83: {  	v4 =	vperm.xlane v3, v0;
	_ =	sdelay $0x1  }
0x84: {  	v3 =	vperm.xlane v3, v2;
	v4 =	vadd.s32 v1, v4;
	_ =	sdelay $0x1  }
0x85: {  	v3 =	vadd.s32 v1, v3;
	_ =	sdelay $0x2  }
0x86: {  	[tilespmem:s22], [sflag:$0x2] =	stream.indirect_vreg.gather [hbm4b:s2+s3], $0x80, v4, vm0, $0xb8;
	[tilespmem:$0x5400] =	vst v63  }
0x87: {  	_ = 	snop  }
0x88: {  	[tilespmem:s23], [sflag:$0x2] =	stream.indirect_vreg.gather [hbm4b:s2+s3], $0x80, v3, vm0, $0xb8;
	[tilespmem:$0x5400] =	vst v63  }
0x89: {  	v3 =	vld.msk [tilespmem:$0x1A0], $0xff;
	_ =	sdelay $0x4  }
0x8a: {  	v51 =	vshll.u32 v3, $0x1  }
0x8b: {  	v3 =	vand.u32 $0x7, v3;
	v4 =	vand.u32 $0xFFFFFFF0, v51  }
0x8c: {  	v3 =	vor.u32 v3, v4  }
0x8d: {  	v3 =	vperm.xlane v3, v0;
	_ =	sdelay $0x1  }
0x8e: {  	v3 =	vadd.s32 v1, v3;
	_ =	sdelay $0x4  }
0x8f: {  	[tilespmem:s24], [sflag:$0x2] =	stream.indirect_vreg.gather [hbm4b:s2+s3], $0x80, v3, vm0, $0xb8;
	[tilespmem:$0x5400] =	vst v63  }
0x90: {  	_ =	swait.ge [sflag:s25], $0x2800  }
0x91: {  	[sflag:s25] =	ssyncset.done $0x0  }
0x92: {  	[sflag:s25] =	ssyncadd.s32 $0xFFFFD800  }
0x93: {  	[hbm4b:s7+s3] =	stream.linear.scatter [tilespmem:s15], [sflag:$0x3], $0x2800, $0x38;
	[tilespmem:$0x5400] =	vst v63  }
0x94: {  	_ =	swait.ge [sflag:s26], $0x2800  }
0x95: {  	[sflag:s26] =	ssyncset.done $0x0  }
0x96: {  	[sflag:s26] =	ssyncadd.s32 $0xFFFFD800  }
0x97: {  	v3 =	vld [tilespmem:$0x200];
	_ =	sdelay $0x4  }
0x98: {  	v52 =	vshll.u32 v3, $0x1  }
0x99: {  	v3 =	vand.u32 $0x7, v3;
	v4 =	vand.u32 $0xFFFFFFF0, v52  }
0x9a: {  	v3 =	vor.u32 v3, v4  }
0x9b: {  	v4 =	vperm.xlane v3, v0;
	_ =	sdelay $0x1  }
0x9c: {  	v3 =	vperm.xlane v3, v2;
	v4 =	vadd.s32 v1, v4;
	_ =	sdelay $0x1  }
0x9d: {  	v3 =	vadd.s32 v1, v3;
	_ =	sdelay $0x2  }
0x9e: {  	[tilespmem:s15], [sflag:$0x1] =	stream.indirect_vreg.gather [hbm4b:s2+s3], $0x80, v4, vm0, $0xb8;
	[tilespmem:$0x5400] =	vst v63  }
0x9f: {  	_ = 	snop  }
0xa0: {  	[tilespmem:s16], [sflag:$0x1] =	stream.indirect_vreg.gather [hbm4b:s2+s3], $0x80, v3, vm0, $0xb8;
	[tilespmem:$0x5400] =	vst v63  }
0xa1: {  	v3 =	vld [tilespmem:$0x210];
	_ =	sdelay $0x4  }
0xa2: {  	v53 =	vshll.u32 v3, $0x1  }
0xa3: {  	v3 =	vand.u32 $0x7, v3;
	v4 =	vand.u32 $0xFFFFFFF0, v53  }
0xa4: {  	v3 =	vor.u32 v3, v4  }
0xa5: {  	v4 =	vperm.xlane v3, v0;
	_ =	sdelay $0x1  }
0xa6: {  	v3 =	vperm.xlane v3, v2;
	v4 =	vadd.s32 v1, v4;
	_ =	sdelay $0x1  }
0xa7: {  	v3 =	vadd.s32 v1, v3;
	_ =	sdelay $0x2  }
0xa8: {  	[tilespmem:s17], [sflag:$0x1] =	stream.indirect_vreg.gather [hbm4b:s2+s3], $0x80, v4, vm0, $0xb8;
	[tilespmem:$0x5400] =	vst v63  }
0xa9: {  	_ = 	snop  }
0xaa: {  	[tilespmem:s18], [sflag:$0x1] =	stream.indirect_vreg.gather [hbm4b:s2+s3], $0x80, v3, vm0, $0xb8;
	[tilespmem:$0x5400] =	vst v63  }
0xab: {  	v3 =	vld.msk [tilespmem:$0x220], $0xff;
	_ =	sdelay $0x4  }
0xac: {  	v54 =	vshll.u32 v3, $0x1  }
0xad: {  	v3 =	vand.u32 $0x7, v3;
	v4 =	vand.u32 $0xFFFFFFF0, v54  }
0xae: {  	v3 =	vor.u32 v3, v4  }
0xaf: {  	v3 =	vperm.xlane v3, v0;
	_ =	sdelay $0x1  }
0xb0: {  	v3 =	vadd.s32 v1, v3;
	_ =	sdelay $0x4  }
0xb1: {  	[tilespmem:s19], [sflag:$0x1] =	stream.indirect_vreg.gather [hbm4b:s2+s3], $0x80, v3, vm0, $0xb8;
	[tilespmem:$0x5400] =	vst v63  }
0xb2: {  	_ =	swait.ge [sflag:s28], $0x2800  }
0xb3: {  	[sflag:s28] =	ssyncset.done $0x0  }
0xb4: {  	[sflag:s28] =	ssyncadd.s32 $0xFFFFD800  }
0xb5: {  	[hbm4b:s8+s3] =	stream.linear.scatter [tilespmem:s20], [sflag:$0x4], $0x2800, $0x38;
	[tilespmem:$0x5400] =	vst v63  }
0xb6: {  	_ =	swait.ge [sflag:s29], $0x2800  }
0xb7: {  	[sflag:s29] =	ssyncset.done $0x0  }
0xb8: {  	[sflag:s29] =	ssyncadd.s32 $0xFFFFD800  }
0xb9: {  	v3 =	vld [tilespmem:$0x280];
	_ =	sdelay $0x4  }
0xba: {  	v55 =	vshll.u32 v3, $0x1  }
0xbb: {  	v3 =	vand.u32 $0x7, v3;
	v4 =	vand.u32 $0xFFFFFFF0, v55  }
0xbc: {  	v3 =	vor.u32 v3, v4  }
0xbd: {  	v4 =	vperm.xlane v3, v0;
	_ =	sdelay $0x1  }
0xbe: {  	v3 =	vperm.xlane v3, v2;
	v4 =	vadd.s32 v1, v4;
	_ =	sdelay $0x1  }
0xbf: {  	v3 =	vadd.s32 v1, v3;
	_ =	sdelay $0x2  }
0xc0: {  	[tilespmem:s20], [sflag:$0x2] =	stream.indirect_vreg.gather [hbm4b:s2+s3], $0x80, v4, vm0, $0xb8;
	[tilespmem:$0x5400] =	vst v63  }
0xc1: {  	_ = 	snop  }
0xc2: {  	[tilespmem:s21], [sflag:$0x2] =	stream.indirect_vreg.gather [hbm4b:s2+s3], $0x80, v3, vm0, $0xb8;
	[tilespmem:$0x5400] =	vst v63  }
0xc3: {  	v3 =	vld [tilespmem:$0x290];
	_ =	sdelay $0x4  }
0xc4: {  	v56 =	vshll.u32 v3, $0x1  }
0xc5: {  	v3 =	vand.u32 $0x7, v3;
	v4 =	vand.u32 $0xFFFFFFF0, v56  }
0xc6: {  	v3 =	vor.u32 v3, v4  }
0xc7: {  	v4 =	vperm.xlane v3, v0;
	_ =	sdelay $0x1  }
0xc8: {  	v3 =	vperm.xlane v3, v2;
	v4 =	vadd.s32 v1, v4;
	_ =	sdelay $0x1  }
0xc9: {  	v3 =	vadd.s32 v1, v3;
	_ =	sdelay $0x2  }
0xca: {  	[tilespmem:s22], [sflag:$0x2] =	stream.indirect_vreg.gather [hbm4b:s2+s3], $0x80, v4, vm0, $0xb8;
	[tilespmem:$0x5400] =	vst v63  }
0xcb: {  	_ = 	snop  }
0xcc: {  	[tilespmem:s23], [sflag:$0x2] =	stream.indirect_vreg.gather [hbm4b:s2+s3], $0x80, v3, vm0, $0xb8;
	[tilespmem:$0x5400] =	vst v63  }
0xcd: {  	v3 =	vld.msk [tilespmem:$0x2A0], $0xff;
	_ =	sdelay $0x4  }
0xce: {  	v57 =	vshll.u32 v3, $0x1  }
0xcf: {  	v3 =	vand.u32 $0x7, v3;
	v4 =	vand.u32 $0xFFFFFFF0, v57  }
0xd0: {  	v3 =	vor.u32 v3, v4  }
0xd1: {  	v3 =	vperm.xlane v3, v0;
	_ =	sdelay $0x1  }
0xd2: {  	v3 =	vadd.s32 v1, v3;
	_ =	sdelay $0x4  }
0xd3: {  	[tilespmem:s24], [sflag:$0x2] =	stream.indirect_vreg.gather [hbm4b:s2+s3], $0x80, v3, vm0, $0xb8;
	[tilespmem:$0x5400] =	vst v63  }
0xd4: {  	_ =	swait.ge [sflag:s25], $0x2800  }
0xd5: {  	[sflag:s25] =	ssyncset.done $0x0  }
0xd6: {  	[sflag:s25] =	ssyncadd.s32 $0xFFFFD800  }
0xd7: {  	[hbm4b:s9+s3] =	stream.linear.scatter [tilespmem:s15], [sflag:$0x3], $0x2800, $0x38;
	[tilespmem:$0x5400] =	vst v63  }
0xd8: {  	_ =	swait.ge [sflag:s26], $0x2800  }
0xd9: {  	[sflag:s26] =	ssyncset.done $0x0  }
0xda: {  	[sflag:s26] =	ssyncadd.s32 $0xFFFFD800  }
0xdb: {  	v3 =	vld [tilespmem:$0x300];
	_ =	sdelay $0x4  }
0xdc: {  	v58 =	vshll.u32 v3, $0x1  }
0xdd: {  	v3 =	vand.u32 $0x7, v3;
	v4 =	vand.u32 $0xFFFFFFF0, v58  }
0xde: {  	v3 =	vor.u32 v3, v4  }
0xdf: {  	v4 =	vperm.xlane v3, v0;
	_ =	sdelay $0x1  }
0xe0: {  	v3 =	vperm.xlane v3, v2;
	v4 =	vadd.s32 v1, v4;
	_ =	sdelay $0x1  }
0xe1: {  	v3 =	vadd.s32 v1, v3;
	_ =	sdelay $0x2  }
0xe2: {  	[tilespmem:s15], [sflag:$0x1] =	stream.indirect_vreg.gather [hbm4b:s2+s3], $0x80, v4, vm0, $0xb8;
	[tilespmem:$0x5400] =	vst v63  }
0xe3: {  	_ = 	snop  }
0xe4: {  	[tilespmem:s16], [sflag:$0x1] =	stream.indirect_vreg.gather [hbm4b:s2+s3], $0x80, v3, vm0, $0xb8;
	[tilespmem:$0x5400] =	vst v63  }
0xe5: {  	v3 =	vld [tilespmem:$0x310];
	_ =	sdelay $0x4  }
0xe6: {  	v59 =	vshll.u32 v3, $0x1  }
0xe7: {  	v3 =	vand.u32 $0x7, v3;
	v4 =	vand.u32 $0xFFFFFFF0, v59  }
0xe8: {  	v3 =	vor.u32 v3, v4  }
0xe9: {  	v4 =	vperm.xlane v3, v0;
	_ =	sdelay $0x1  }
0xea: {  	v3 =	vperm.xlane v3, v2;
	v4 =	vadd.s32 v1, v4;
	_ =	sdelay $0x1  }
0xeb: {  	v3 =	vadd.s32 v1, v3;
	_ =	sdelay $0x2  }
0xec: {  	[tilespmem:s17], [sflag:$0x1] =	stream.indirect_vreg.gather [hbm4b:s2+s3], $0x80, v4, vm0, $0xb8;
	[tilespmem:$0x5400] =	vst v63  }
0xed: {  	_ = 	snop  }
0xee: {  	[tilespmem:s18], [sflag:$0x1] =	stream.indirect_vreg.gather [hbm4b:s2+s3], $0x80, v3, vm0, $0xb8;
	[tilespmem:$0x5400] =	vst v63  }
0xef: {  	v3 =	vld.msk [tilespmem:$0x320], $0xff;
	_ =	sdelay $0x4  }
0xf0: {  	v60 =	vshll.u32 v3, $0x1  }
0xf1: {  	v3 =	vand.u32 $0x7, v3;
	v4 =	vand.u32 $0xFFFFFFF0, v60  }
0xf2: {  	v3 =	vor.u32 v3, v4  }
0xf3: {  	v3 =	vperm.xlane v3, v0;
	_ =	sdelay $0x1  }
0xf4: {  	v3 =	vadd.s32 v1, v3;
	_ =	sdelay $0x4  }
0xf5: {  	[tilespmem:s19], [sflag:$0x1] =	stream.indirect_vreg.gather [hbm4b:s2+s3], $0x80, v3, vm0, $0xb8;
	[tilespmem:$0x5400] =	vst v63  }
0xf6: {  	_ =	swait.ge [sflag:s28], $0x2800  }
0xf7: {  	[sflag:s28] =	ssyncset.done $0x0  }
0xf8: {  	[sflag:s28] =	ssyncadd.s32 $0xFFFFD800  }
0xf9: {  	[hbm4b:s10+s3] =	stream.linear.scatter [tilespmem:s20], [sflag:$0x4], $0x2800, $0x38;
	[tilespmem:$0x5400] =	vst v63  }
0xfa: {  	_ =	swait.ge [sflag:s29], $0x2800  }
0xfb: {  	[sflag:s29] =	ssyncset.done $0x0  }
0xfc: {  	[sflag:s29] =	ssyncadd.s32 $0xFFFFD800  }
0xfd: {  	v3 =	vld [tilespmem:$0x380];
	_ =	sdelay $0x4  }
0xfe: {  	v61 =	vshll.u32 v3, $0x1  }
0xff: {  	v3 =	vand.u32 $0x7, v3;
	v4 =	vand.u32 $0xFFFFFFF0, v61  }
0x100: {  	v3 =	vor.u32 v3, v4  }
0x101: {  	v4 =	vperm.xlane v3, v0;
	_ =	sdelay $0x1  }
0x102: {  	v3 =	vperm.xlane v3, v2;
	v4 =	vadd.s32 v1, v4;
	_ =	sdelay $0x1  }
0x103: {  	v3 =	vadd.s32 v1, v3;
	_ =	sdelay $0x2  }
0x104: {  	[tilespmem:s20], [sflag:$0x2] =	stream.indirect_vreg.gather [hbm4b:s2+s3], $0x80, v4, vm0, $0xb8;
	[tilespmem:$0x5400] =	vst v63  }
0x105: {  	_ = 	snop  }
0x106: {  	[tilespmem:s21], [sflag:$0x2] =	stream.indirect_vreg.gather [hbm4b:s2+s3], $0x80, v3, vm0, $0xb8;
	[tilespmem:$0x5400] =	vst v63  }
0x107: {  	v3 =	vld [tilespmem:$0x390];
	_ =	sdelay $0x4  }
0x108: {  	v62 =	vshll.u32 v3, $0x1  }
0x109: {  	v3 =	vand.u32 $0x7, v3;
	v4 =	vand.u32 $0xFFFFFFF0, v62  }
0x10a: {  	v3 =	vor.u32 v3, v4  }
0x10b: {  	v4 =	vperm.xlane v3, v0;
	_ =	sdelay $0x1  }
0x10c: {  	v3 =	vperm.xlane v3, v2;
	v4 =	vadd.s32 v1, v4;
	_ =	sdelay $0x1  }
0x10d: {  	v3 =	vadd.s32 v1, v3;
	_ =	sdelay $0x2  }
0x10e: {  	[tilespmem:s22], [sflag:$0x2] =	stream.indirect_vreg.gather [hbm4b:s2+s3], $0x80, v4, vm0, $0xb8;
	[tilespmem:$0x5400] =	vst v63  }
0x10f: {  	_ = 	snop  }
0x110: {  	[tilespmem:s23], [sflag:$0x2] =	stream.indirect_vreg.gather [hbm4b:s2+s3], $0x80, v3, vm0, $0xb8;
	[tilespmem:$0x5400] =	vst v63  }
0x111: {  	v3 =	vld.msk [tilespmem:$0x3A0], $0xff;
	_ =	sdelay $0x4  }
0x112: {  	v63 =	vshll.u32 v3, $0x1  }
0x113: {  	v3 =	vand.u32 $0x7, v3;
	v4 =	vand.u32 $0xFFFFFFF0, v63  }
0x114: {  	v3 =	vor.u32 v3, v4  }
0x115: {  	v3 =	vperm.xlane v3, v0;
	_ =	sdelay $0x1  }
0x116: {  	v3 =	vadd.s32 v1, v3;
	_ =	sdelay $0x4  }
0x117: {  	[tilespmem:s24], [sflag:$0x2] =	stream.indirect_vreg.gather [hbm4b:s2+s3], $0x80, v3, vm0, $0xb8;
	[tilespmem:$0x5400] =	vst v63  }
0x118: {  	_ =	swait.ge [sflag:s25], $0x2800  }
0x119: {  	[sflag:s25] =	ssyncset.done $0x0  }
0x11a: {  	[sflag:s25] =	ssyncadd.s32 $0xFFFFD800  }
0x11b: {  	[hbm4b:s11+s3] =	stream.linear.scatter [tilespmem:s15], [sflag:$0x3], $0x2800, $0x38;
	[tilespmem:$0x5400] =	vst v63  }
0x11c: {  	_ =	swait.ge [sflag:s28], $0x2800  }
0x11d: {  	[sflag:s28] =	ssyncset.done $0x0  }
0x11e: {  	[sflag:s28] =	ssyncadd.s32 $0xFFFFD800  }
0x11f: {  	[hbm4b:s12+s3] =	stream.linear.scatter [tilespmem:s20], [sflag:$0x4], $0x2800, $0x38;
	[tilespmem:$0x5400] =	vst v63  }
0x120: {  	p0 =	sne.s32 s13, $0x1;
	_ =	swait.ge [sflag:s26], $0x2800  }
.Ltmp0:
0x121: {  	[sflag:s26] =	ssyncset.done $0x0;
	(pc) =	sbr.rel @p0 .LBB2_1-.Ltmp0, $4  }
0x122: {  	[sflag:s26] =	ssyncadd.s32 $0xFFFFD800  }
0x123: {  	_ =	swait.ge [sflag:s29], $0x2800  }
0x124: {  	[sflag:s29] =	ssyncset.done $0x0  }
0x125: {  	s13 =	sadd.s32 $0xFFFFFFFF, s13;
	[sflag:s29] =	ssyncadd.s32 $0xFFFFD800  }
0x126: {  	_ =	sfence.sel $0x180000  }
0x127: {  	[bflag:$0x0] =	sbarrier.arrive $0xFFFF  }
0x128: {  	p0 =	sne.s32 s1, $0x0;
	_ =	strace $0x9000004A  }
0x129: {  	s0 =	sadd.s32 @!p0 $0x100000, s0;
	[bflag:$0x2] =	sbarrier.arrive $0xFFFF  }
0x12a: {  	[sflag:s0] =	ssyncadd.tile.s32 @!p0 $0x1;
	_ =	shalt  }
.Lfunc_end2:
_tile_overlayer_lowered:
.L_overlay_start_2:
0x12b: {  	(tag) =	ssettag $0x2  }
0x12c: {  	s0 =	rddreg [dreg:$0x0];
	s2 =	stileid.u32  }
0x12d: {  	s1 =	rddreg [dreg:$0x1];
	p0 =	sne.s32 s2, $0x0  }
0x12e: {  	s3 =	rddreg [dreg:$0x2];
	[bflag:$0x3] =	sbarrier.arrive $0xFFFF;
	s2 =	simm.s32 @!p0 $0x1C05  }
0x12f: {  	[timem:s3], [sflag:s2] =	dma.local @!p0 [hbm:s0], s1  }
0x130: {  	s0 =	simm.s32 @!p0 $0x5  }
0x131: {  	_ =	swait.ge @!p0 [sflag:s0], s1  }
0x132: {  	s1 =	ssub.s32 @!p0 $0x0, s1;
	[sflag:s0] =	ssyncset.done @!p0 $0x0  }
0x133: {  	[sflag:s0] =	ssyncadd.s32 @!p0 s1  }
0x134: {  	[bflag:$0x3] =	sbarrier.arrive $0xFFFF  }
0x135: {  	_ =	shalt  }

</sc_bundles>
